<compile_context>
chip_gen: v7x
topology: tpu7x:2x2x1
jax: 0.10.2.dev20260603
libtpu: 0.0.44.dev20260713+nightly
codegen_flags: <defaults>
</compile_context>

<pallas_src>
import functools

import jax
import jax.numpy as jnp
from jax import lax
from jax.experimental import pallas as pl
from jax.experimental.pallas import tpu as pltpu
from jax.experimental.pallas import tpu_sc as plsc

_B, _N, _C, _K = 4, 4096, 3, 16
_DIM_OUT = 64
_NC, _NS = 2, 16
_NW = _NC * _NS
_RPW = (_B * _N) // _NW
_WPB = _N // _RPW
_NCHUNK = _N // 16
_NK = _N * _K
_GR = 4
_TE = 16384
_M = _B * _N * _K



def _sc_knn_body(xyzT_hbm, xbT_hbm, sq_hbm, planes_hbm, idx_hbm,
                 xv, yv, zv, xbv, ybv, zbv, sqv, sb0, sb1, sb2, sb3,
                 cbs, cbi, opx, opy, opz, onx, ony, onz, od2, oidx):
    cid = lax.axis_index("c")
    sid = lax.axis_index("s")
    wid = sid * _NC + cid
    b = wid // _WPB
    row0 = (wid % _WPB) * _RPW

    pltpu.sync_copy(xyzT_hbm.at[b, 0], xv)
    pltpu.sync_copy(xyzT_hbm.at[b, 1], yv)
    pltpu.sync_copy(xyzT_hbm.at[b, 2], zv)
    pltpu.sync_copy(xbT_hbm.at[b, 0], xbv)
    pltpu.sync_copy(xbT_hbm.at[b, 1], ybv)
    pltpu.sync_copy(xbT_hbm.at[b, 2], zbv)
    pltpu.sync_copy(sq_hbm.at[b], sqv)

    iota16 = lax.iota(jnp.int32, 16)
    inf = jnp.float32(jnp.inf)

    sbufs = (sb0, sb1, sb2, sb3)

    def group_body(g, carry_unused):
        r0 = g * _GR
        qsplat = []
        for t in range(_GR):
            qvec = jnp.full((16,), row0 + r0 + t, jnp.int32)
            qsplat.append((
                plsc.load_gather(xv, [qvec]),
                plsc.load_gather(yv, [qvec]),
                plsc.load_gather(zv, [qvec]),
                plsc.load_gather(xbv, [qvec]),
                plsc.load_gather(ybv, [qvec]),
                plsc.load_gather(zbv, [qvec]),
                plsc.load_gather(sqv, [qvec]),
            ))

        def p1_body(j, ms):
            c0 = j * 16
            cx = xbv[pl.ds(c0, 16)]
            cy = ybv[pl.ds(c0, 16)]
            cz = zbv[pl.ds(c0, 16)]
            cs = sqv[pl.ds(c0, 16)]
            out = []
            for t in range(_GR):
                _, _, _, qxb, qyb, qzb, sqi = qsplat[t]
                dot = ((qxb * cx) + (qyb * cy)) + (qzb * cz)
                score = (sqi + cs) - 2.0 * dot
                sbufs[t][pl.ds(c0, 16)] = score
                out.append(jnp.minimum(ms[t], score))
            return tuple(out)

        inf16 = jnp.full((16,), inf, jnp.float32)
        ms = lax.fori_loop(0, _NCHUNK, p1_body, (inf16,) * _GR, unroll=4)

        for t in range(_GR):
            qx, qy, qz = qsplat[t][0], qsplat[t][1], qsplat[t][2]
            sbuf = sbufs[t]
            tau = jnp.max(ms[t])

            def p2_body(j, off):
                c0 = j * 16
                sc = sbuf[pl.ds(c0, 16)]
                msk = sc <= tau
                plsc.store_compressed(cbs.at[pl.ds(off, 16)], sc, mask=msk)
                plsc.store_compressed(cbi.at[pl.ds(off, 16)], c0 + iota16,
                                      mask=msk)
                return off + plsc.all_reduce_population_count(msk)[0]

            cnt = lax.fori_loop(0, _NCHUNK, p2_body, jnp.int32(0), unroll=8)
            cbs[pl.ds(cnt, 16)] = inf16
            cbi[pl.ds(cnt, 16)] = jnp.zeros((16,), jnp.int32)

            def p3_body(u, carry):
                T, Tv = carry
                c0 = u * 16
                sk, si = plsc.sort_key_val(cbs[pl.ds(c0, 16)],
                                           cbi[pl.ds(c0, 16)],
                                           descending=True)
                take = sk < T
                lk = jnp.where(take, sk, T)
                lv = jnp.where(take, si, Tv)
                t2, tv2 = plsc.sort_key_val(lk, lv)
                return (t2, tv2)

            tv0 = jnp.zeros((16,), jnp.int32)
            T, Tv = lax.fori_loop(0, (cnt + 15) // 16, p3_body,
                                  (inf16, tv0))

            nx = plsc.load_gather(xv, [Tv])
            ny = plsc.load_gather(yv, [Tv])
            nz = plsc.load_gather(zv, [Tv])
            dx = qx - nx
            dy = qy - ny
            dz = qz - nz
            d2 = (dx * dx + dy * dy) + dz * dz

            r = r0 + t
            opx[r] = qx
            opy[r] = qy
            opz[r] = qz
            onx[r] = nx
            ony[r] = ny
            onz[r] = nz
            od2[r] = d2
            oidx[r] = Tv
        return 0

    lax.fori_loop(0, _RPW // _GR, group_body, 0)

    pltpu.sync_copy(opx, planes_hbm.at[b, 0, pl.ds(row0, _RPW)])
    pltpu.sync_copy(opy, planes_hbm.at[b, 1, pl.ds(row0, _RPW)])
    pltpu.sync_copy(opz, planes_hbm.at[b, 2, pl.ds(row0, _RPW)])
    pltpu.sync_copy(onx, planes_hbm.at[b, 3, pl.ds(row0, _RPW)])
    pltpu.sync_copy(ony, planes_hbm.at[b, 4, pl.ds(row0, _RPW)])
    pltpu.sync_copy(onz, planes_hbm.at[b, 5, pl.ds(row0, _RPW)])
    pltpu.sync_copy(od2, planes_hbm.at[b, 6, pl.ds(row0, _RPW)])
    pltpu.sync_copy(oidx, idx_hbm.at[b, pl.ds(row0, _RPW)])


@functools.cache
def _get_sc_knn():
    return functools.partial(
        pl.kernel,
        out_type=(jax.ShapeDtypeStruct((_B, 7, _N, _K), jnp.float32),
                  jax.ShapeDtypeStruct((_B, _N, _K), jnp.int32)),
        mesh=plsc.VectorSubcoreMesh(core_axis_name="c", subcore_axis_name="s",
                                    num_cores=_NC, num_subcores=_NS),
        scratch_types=(
            [pltpu.VMEM((_N,), jnp.float32)] * 7
            + [pltpu.VMEM((_N,), jnp.float32)] * _GR
            + [pltpu.VMEM((_N + 16,), jnp.float32),
               pltpu.VMEM((_N + 16,), jnp.int32)]
            + [pltpu.VMEM((_RPW, _K), jnp.float32)] * 7
            + [pltpu.VMEM((_RPW, _K), jnp.int32)]
        ),
        compiler_params=pltpu.CompilerParams(use_tc_tiling_on_sc=False,
                                             needs_layout_passes=False),
    )(_sc_knn_body)



def _y1(pl_ref, a1w, b1w, w1d, b1):
    p3 = pl_ref[0, 0:3, :]
    n3 = pl_ref[0, 3:6, :]
    dist = jnp.sqrt(pl_ref[0, 6:7, :])
    y = lax.dot_general(a1w, p3, (((1,), (0,)), ((), ())),
                        precision=lax.Precision.HIGHEST)
    y = y + lax.dot_general(b1w, n3, (((1,), (0,)), ((), ())),
                            precision=lax.Precision.HIGHEST)
    return y + w1d * dist + b1


def _lrelu(x):
    return jnp.where(x >= 0, x, 0.01 * x)


def _accum(s_ref, q_ref, y):
    @pl.when((pl.program_id(0) == 0) & (pl.program_id(1) == 0))
    def _():
        s_ref[...] = jnp.zeros_like(s_ref)
        q_ref[...] = jnp.zeros_like(q_ref)

    s_ref[...] += jnp.sum(y, axis=1, keepdims=True)
    q_ref[...] += jnp.sum(y * y, axis=1, keepdims=True)


def _stats1_body(a1w_ref, b1w_ref, w1d_ref, b1_ref, pl_ref, s_ref, q_ref):
    y1 = _y1(pl_ref, a1w_ref[...], b1w_ref[...], w1d_ref[...], b1_ref[...])
    _accum(s_ref, q_ref, y1)


def _stats2_body(a1w_ref, b1w_ref, w1d_ref, b1_ref, a1_ref, c1_ref,
                 w2_ref, b2_ref, pl_ref, s_ref, q_ref):
    y1 = _y1(pl_ref, a1w_ref[...], b1w_ref[...], w1d_ref[...], b1_ref[...])
    h1 = _lrelu(a1_ref[...] * y1 + c1_ref[...])
    y2 = lax.dot_general(w2_ref[...], h1, (((1,), (0,)), ((), ())),
                         precision=lax.Precision.DEFAULT) + b2_ref[...]
    _accum(s_ref, q_ref, y2)


def _final_body(a1w_ref, b1w_ref, w1d_ref, b1_ref, a1_ref, c1_ref,
                w2_ref, b2_ref, a2_ref, c2_ref, w3_ref, b3_ref,
                pl_ref, out_ref):
    y1 = _y1(pl_ref, a1w_ref[...], b1w_ref[...], w1d_ref[...], b1_ref[...])
    h1 = _lrelu(a1_ref[...] * y1 + c1_ref[...])
    y2 = lax.dot_general(w2_ref[...], h1, (((1,), (0,)), ((), ())),
                         precision=lax.Precision.DEFAULT) + b2_ref[...]
    h2 = _lrelu(a2_ref[...] * y2 + c2_ref[...])
    f = lax.dot_general(w3_ref[...], h2, (((1,), (0,)), ((), ())),
                        precision=lax.Precision.DEFAULT) + b3_ref[...]
    out_ref[0] = f


def _small(shape):
    return pl.BlockSpec(shape, lambda b, e: (0,) * len(shape))


_PLANES_SPEC = pl.BlockSpec((1, 7, _TE), lambda b, e: (b, 0, e))
_GRID = (_B, _NK // _TE)
_STAT_OUT = [jax.ShapeDtypeStruct((64, 1), jnp.float32)] * 2
_STAT_OUT_SPEC = [pl.BlockSpec((64, 1), lambda b, e: (0, 0))] * 2
_W64 = _small((64, 3))
_V64 = _small((64, 1))


@functools.cache
def _get_tc_kernels():
    stats1 = pl.pallas_call(
        _stats1_body,
        grid=_GRID,
        in_specs=[_W64, _W64, _V64, _V64, _PLANES_SPEC],
        out_specs=_STAT_OUT_SPEC,
        out_shape=_STAT_OUT,
    )
    stats2 = pl.pallas_call(
        _stats2_body,
        grid=_GRID,
        in_specs=[_W64, _W64, _V64, _V64, _V64, _V64, _small((64, 64)), _V64,
                  _PLANES_SPEC],
        out_specs=_STAT_OUT_SPEC,
        out_shape=_STAT_OUT,
    )
    final = pl.pallas_call(
        _final_body,
        grid=_GRID,
        in_specs=[_W64, _W64, _V64, _V64, _V64, _V64, _small((64, 64)), _V64,
                  _V64, _V64, _small((64, 64)), _V64, _PLANES_SPEC],
        out_specs=pl.BlockSpec((1, 64, _TE), lambda b, e: (b, 0, e)),
        out_shape=jax.ShapeDtypeStruct((_B, 64, _NK), jnp.float32),
    )
    return stats1, stats2, final


def _bn_fold(s, q, g, be):
    m = s / _M
    v = q / _M - m * m
    a = g / jnp.sqrt(v + 1e-5)
    c = be - m * a
    return a, c


def kernel(xyz, W1, b1, g1, be1, W2, b2, g2, be2, W3, b3):
    xyzT = jnp.transpose(xyz, (0, 2, 1))
    sq = jnp.sum(xyz * xyz, axis=-1)
    xb = xyz.astype(jnp.bfloat16).astype(jnp.float32)
    xbT = jnp.transpose(xb, (0, 2, 1))
    planes, idxp = _get_sc_knn()(xyzT, xbT, sq)
    planes = planes.reshape(_B, 7, _NK)
    _stats1, _stats2, _final = _get_tc_kernels()

    a1w = W1[:, 0:3] + W1[:, 6:9]
    b1w = W1[:, 3:6] - W1[:, 6:9]
    w1d = W1[:, 9:10]
    b1r = b1.reshape(64, 1)
    b2r = b2.reshape(64, 1)
    b3r = b3.reshape(64, 1)

    s1, q1 = _stats1(a1w, b1w, w1d, b1r, planes)
    a1, c1 = _bn_fold(s1, q1, g1.reshape(64, 1), be1.reshape(64, 1))
    s2, q2 = _stats2(a1w, b1w, w1d, b1r, a1, c1, W2, b2r, planes)
    a2, c2 = _bn_fold(s2, q2, g2.reshape(64, 1), be2.reshape(64, 1))
    f = _final(a1w, b1w, w1d, b1r, a1, c1, W2, b2r, a2, c2, W3, b3r, planes)

    return (f.reshape(_B, _DIM_OUT, _N, _K), idxp.reshape(_B, _NK))

# --- scband reference (transcript-rebuilt; emitter-appended) ---
"""Pipeline reference for scband-distance-encoder-60241211293812 (READ-ONLY COPY).

The authoritative reference and input builder live on the scoring server;
editing this copy changes nothing except your own understanding.
"""

import jax, jax.numpy as jnp
import numpy as np

B, N, C, K = 4, 4096, 3, 16
DIM_OUT = 64
CIN = 3 * C + 1


def setup_inputs(seed: int = 0) -> dict:
    key = jax.random.key(seed)
    ks = jax.random.split(key, 8)
    xyz = jax.random.normal(ks[0], (B, N, C), dtype=jnp.float32)
    W1 = jax.random.normal(ks[1], (64, CIN), dtype=jnp.float32) * (1.0 / np.sqrt(CIN))
    b1 = jnp.zeros((64,), jnp.float32)
    g1 = jnp.ones((64,), jnp.float32)
    be1 = jnp.zeros((64,), jnp.float32)
    W2 = jax.random.normal(ks[2], (64, 64), dtype=jnp.float32) * (1.0 / 8.0)
    b2 = jnp.zeros((64,), jnp.float32)
    g2 = jnp.ones((64,), jnp.float32)
    be2 = jnp.zeros((64,), jnp.float32)
    W3 = jax.random.normal(ks[3], (DIM_OUT, 64), dtype=jnp.float32) * (1.0 / 8.0)
    b3 = jnp.zeros((DIM_OUT,), jnp.float32)
    return {"xyz": xyz, "W1": W1, "b1": b1, "g1": g1, "be1": be1,
            "W2": W2, "b2": b2, "g2": g2, "be2": be2, "W3": W3, "b3": b3}


def _knn_idx(xyz, k):
    sq = jnp.sum(xyz * xyz, axis=-1)
    d2 = sq[:, :, None] + sq[:, None, :] - 2.0 * jnp.einsum('bnc,bmc->bnm', xyz, xyz)
    _, idx = jax.lax.top_k(-d2, k)
    return idx  # [B, N, K]


def _conv1x1(x, W, b):
    # x: [B, Cin, N, K], W: [Cout, Cin]
    return jnp.einsum('oc,bcnk->bonk', W, x) + b[None, :, None, None]


def _bn(x, g, b):
    # BatchNorm2d in training mode (fresh module): batch statistics over (B, N, K)
    m = jnp.mean(x, axis=(0, 2, 3), keepdims=True)
    v = jnp.var(x, axis=(0, 2, 3), keepdims=True)
    xh = (x - m) / jnp.sqrt(v + 1e-5)
    return xh * g[None, :, None, None] + b[None, :, None, None]


def _lrelu(x):
    return jnp.where(x >= 0, x, 0.01 * x)


def reference(xyz, W1, b1, g1, be1, W2, b2, g2, be2, W3, b3):
    idx = _knn_idx(xyz, K)                      # [B, N, K]
    idx_flat = idx.reshape(B, N * K)            # [B, N*K]
    gather_idx = jnp.broadcast_to(idx_flat[:, :, None], (B, N * K, C))
    neighbors = jnp.take_along_axis(xyz, gather_idx, axis=1).reshape(B, N, K, C)
    pt_raw = jnp.broadcast_to(xyz[:, :, None, :], (B, N, K, C))
    neighbor_vector = pt_raw - neighbors
    distance = jnp.sqrt(jnp.sum(neighbor_vector ** 2, axis=-1, keepdims=True))
    f_distance = jnp.concatenate([pt_raw, neighbors, neighbor_vector, distance], axis=-1)
    f_distance = jnp.transpose(f_distance, (0, 3, 1, 2))  # [B, CIN, N, K]
    h = _lrelu(_bn(_conv1x1(f_distance, W1, b1), g1, be1))
    h = _lrelu(_bn(_conv1x1(h, W2, b2), g2, be2))
    f = _conv1x1(h, W3, b3)                     # [B, DIM_OUT, N, K]
    return (f, idx_flat)

if __name__ == "__main__":
    import jax
    _d = setup_inputs()
    print(jax.jit(kernel)(*tuple(_d.values())))

</pallas_src>

<mosaic_0001>
#map = affine_map<(d0, d1) -> (0, 0, 0)>
#map1 = affine_map<(d0, d1) -> (0, 0)>
#map2 = affine_map<(d0, d1) -> (0, 0, 0, 0)>
module attributes {stable_mosaic.version = 14 : i64} {
  func.func @_sc_knn_body(%arg0: i32, %arg1: i32, %arg2: memref<4x3x4096xf32, #tpu.memory_space<hbm>>, %arg3: memref<4x3x4096xf32, #tpu.memory_space<hbm>>, %arg4: memref<4x4096xf32, #tpu.memory_space<hbm>>, %arg5: memref<4x7x4096x16xf32, #tpu.memory_space<hbm>>, %arg6: memref<4x4096x16xi32, #tpu.memory_space<hbm>>, %arg7: memref<4096xf32, #tpu.memory_space<vmem>>, %arg8: memref<4096xf32, #tpu.memory_space<vmem>>, %arg9: memref<4096xf32, #tpu.memory_space<vmem>>, %arg10: memref<4096xf32, #tpu.memory_space<vmem>>, %arg11: memref<4096xf32, #tpu.memory_space<vmem>>, %arg12: memref<4096xf32, #tpu.memory_space<vmem>>, %arg13: memref<4096xf32, #tpu.memory_space<vmem>>, %arg14: memref<4096xf32, #tpu.memory_space<vmem>>, %arg15: memref<4096xf32, #tpu.memory_space<vmem>>, %arg16: memref<4096xf32, #tpu.memory_space<vmem>>, %arg17: memref<4096xf32, #tpu.memory_space<vmem>>, %arg18: memref<4112xf32, #tpu.memory_space<vmem>>, %arg19: memref<4112xi32, #tpu.memory_space<vmem>>, %arg20: memref<512x16xf32, #tpu.memory_space<vmem>>, %arg21: memref<512x16xf32, #tpu.memory_space<vmem>>, %arg22: memref<512x16xf32, #tpu.memory_space<vmem>>, %arg23: memref<512x16xf32, #tpu.memory_space<vmem>>, %arg24: memref<512x16xf32, #tpu.memory_space<vmem>>, %arg25: memref<512x16xf32, #tpu.memory_space<vmem>>, %arg26: memref<512x16xf32, #tpu.memory_space<vmem>>, %arg27: memref<512x16xi32, #tpu.memory_space<vmem>>) attributes {dimension_semantics = [#tpu.dimension_semantics<core_parallel>, #tpu.dimension_semantics<subcore_parallel>], iteration_bounds = array<i64: 2, 16>, scalar_prefetch = 0 : i64, scratch_operands = 21 : i64, tpu.core_type = #tpu.core_type<sc_vector_subcore>, window_params = [{transform_indices = #map}, {transform_indices = #map}, {transform_indices = #map1}, {transform_indices = #map2}, {transform_indices = #map}]} {
    %mul3A = arith.constant 2 : i32
    %mul3A_0 = arith.muli %arg1, %mul3A : i32
    %add3A = arith.addi %mul3A_0, %arg0 : i32
    %jit3A = arith.constant 8 : i32
    %div3A = arith.divsi %add3A, %jit3A : i32
    %sign3A = arith.constant 0 : i32
    %sign3A_1 = arith.cmpi sgt, %add3A, %sign3A : i32
    %sign3A_2 = arith.extui %sign3A_1 : i1 to i32
    %sign3A_3 = arith.constant 0 : i32
    %sign3A_4 = arith.cmpi slt, %add3A, %sign3A_3 : i32
    %sign3A_5 = arith.extui %sign3A_4 : i1 to i32
    %sign3A_6 = arith.subi %sign3A_2, %sign3A_5 : i32
    %sign3A_7 = arith.constant 0 : i32
    %sign3A_8 = arith.cmpi sgt, %jit3A, %sign3A_7 : i32
    %sign3A_9 = arith.extui %sign3A_8 : i1 to i32
    %sign3A_10 = arith.constant 0 : i32
    %sign3A_11 = arith.cmpi slt, %jit3A, %sign3A_10 : i32
    %sign3A_12 = arith.extui %sign3A_11 : i1 to i32
    %sign3A_13 = arith.subi %sign3A_9, %sign3A_12 : i32
    %ne3A = arith.cmpi ne, %sign3A_6, %sign3A_13 : i32
    %rem3A = arith.remsi %add3A, %jit3A : i32
    %ne3A_14 = arith.constant 0 : i32
    %ne3A_15 = arith.cmpi ne, %rem3A, %ne3A_14 : i32
    %and3A = arith.andi %ne3A, %ne3A_15 : i1
    %sub3A = arith.constant 1 : i32
    %sub3A_16 = arith.subi %div3A, %sub3A : i32
    %select_n3A = arith.select %and3A, %sub3A_16, %div3A : i32
    %jit3A_17 = arith.constant 8 : i32
    %eq3A = arith.constant 0 : i32
    %eq3A_18 = arith.cmpi eq, %jit3A_17, %eq3A : i32
    %jit3A_19 = arith.constant 1 : i32
    %select_n3A_20 = arith.select %eq3A_18, %jit3A_19, %jit3A_17 : i32
    %rem3A_21 = arith.remsi %add3A, %select_n3A_20 : i32
    %ne3A_22 = arith.constant 0 : i32
    %ne3A_23 = arith.cmpi ne, %rem3A_21, %ne3A_22 : i32
    %lt3A = arith.constant 0 : i32
    %lt3A_24 = arith.cmpi slt, %rem3A_21, %lt3A : i32
    %lt3A_25 = arith.constant 0 : i32
    %lt3A_26 = arith.cmpi slt, %select_n3A_20, %lt3A_25 : i32
    %ne3A_27 = arith.xori %lt3A_24, %lt3A_26 : i1
    %and3A_28 = arith.andi %ne3A_27, %ne3A_23 : i1
    %add3A_29 = arith.addi %rem3A_21, %select_n3A_20 : i32
    %select_n3A_30 = arith.select %and3A_28, %add3A_29, %rem3A_21 : i32
    %mul3A_31 = arith.constant 512 : i32
    %mul3A_32 = arith.muli %select_n3A_30, %mul3A_31 : i32
    %run_scoped3A = arith.constant 0 : i32
    "tpu.region"() ({
      %run_scoped3A_52 = tpu.sem_alloc : memref<!tpu.dma_semaphore, #tpu.memory_space<semaphore_mem>>
      %dma_start3A = arith.constant 0 : i32
      %dma_start3A_53 = tpu.memref_slice %arg2[%select_n3A, %run_scoped3A, %dma_start3A] : memref<4x3x4096xf32, #tpu.memory_space<hbm>> -> memref<1x1x4096xf32, #tpu.memory_space<hbm>>
      %dma_start3A_54 = tpu.memref_squeeze %dma_start3A_53 : memref<1x1x4096xf32, #tpu.memory_space<hbm>> -> memref<4096xf32, #tpu.memory_space<hbm>>
      %dma_start3A_55 = arith.constant 0 : i32
      %dma_start3A_56 = tpu.memref_slice %arg2[%select_n3A, %run_scoped3A, %dma_start3A_55] : memref<4x3x4096xf32, #tpu.memory_space<hbm>> -> memref<1x1x4096xf32, #tpu.memory_space<hbm>>
      %dma_start3A_57 = tpu.memref_squeeze %dma_start3A_56 : memref<1x1x4096xf32, #tpu.memory_space<hbm>> -> memref<4096xf32, #tpu.memory_space<hbm>>
      tpu.enqueue_dma source(%dma_start3A_57 : memref<4096xf32, #tpu.memory_space<hbm>>) target(%arg7 : memref<4096xf32, #tpu.memory_space<vmem>>) target_semaphore(%run_scoped3A_52 : memref<!tpu.dma_semaphore, #tpu.memory_space<semaphore_mem>>)
      %dma_wait3A = arith.constant 0 : i32
      %dma_wait3A_58 = tpu.memref_slice %arg2[%select_n3A, %run_scoped3A, %dma_wait3A] : memref<4x3x4096xf32, #tpu.memory_space<hbm>> -> memref<1x1x4096xf32, #tpu.memory_space<hbm>>
      %dma_wait3A_59 = tpu.memref_squeeze %dma_wait3A_58 : memref<1x1x4096xf32, #tpu.memory_space<hbm>> -> memref<4096xf32, #tpu.memory_space<hbm>>
      %dma_wait3A_60 = arith.constant 0 : i32
      %dma_wait3A_61 = tpu.memref_slice %arg2[%select_n3A, %run_scoped3A, %dma_wait3A_60] : memref<4x3x4096xf32, #tpu.memory_space<hbm>> -> memref<1x1x4096xf32, #tpu.memory_space<hbm>>
      %dma_wait3A_62 = tpu.memref_squeeze %dma_wait3A_61 : memref<1x1x4096xf32, #tpu.memory_space<hbm>> -> memref<4096xf32, #tpu.memory_space<hbm>>
      tpu.wait_dma2 semaphore(%run_scoped3A_52 : memref<!tpu.dma_semaphore, #tpu.memory_space<semaphore_mem>>) src(%dma_wait3A_62 : memref<4096xf32, #tpu.memory_space<hbm>>) dst(%arg7 : memref<4096xf32, #tpu.memory_space<vmem>>)
      tpu.yield
    }) : () -> ()
    %run_scoped3A_33 = arith.constant 1 : i32
    "tpu.region"() ({
      %run_scoped3A_52 = tpu.sem_alloc : memref<!tpu.dma_semaphore, #tpu.memory_space<semaphore_mem>>
      %dma_start3A = arith.constant 0 : i32
      %dma_start3A_53 = tpu.memref_slice %arg2[%select_n3A, %run_scoped3A_33, %dma_start3A] : memref<4x3x4096xf32, #tpu.memory_space<hbm>> -> memref<1x1x4096xf32, #tpu.memory_space<hbm>>
      %dma_start3A_54 = tpu.memref_squeeze %dma_start3A_53 : memref<1x1x4096xf32, #tpu.memory_space<hbm>> -> memref<4096xf32, #tpu.memory_space<hbm>>
      %dma_start3A_55 = arith.constant 0 : i32
      %dma_start3A_56 = tpu.memref_slice %arg2[%select_n3A, %run_scoped3A_33, %dma_start3A_55] : memref<4x3x4096xf32, #tpu.memory_space<hbm>> -> memref<1x1x4096xf32, #tpu.memory_space<hbm>>
      %dma_start3A_57 = tpu.memref_squeeze %dma_start3A_56 : memref<1x1x4096xf32, #tpu.memory_space<hbm>> -> memref<4096xf32, #tpu.memory_space<hbm>>
      tpu.enqueue_dma source(%dma_start3A_57 : memref<4096xf32, #tpu.memory_space<hbm>>) target(%arg8 : memref<4096xf32, #tpu.memory_space<vmem>>) target_semaphore(%run_scoped3A_52 : memref<!tpu.dma_semaphore, #tpu.memory_space<semaphore_mem>>)
      %dma_wait3A = arith.constant 0 : i32
      %dma_wait3A_58 = tpu.memref_slice %arg2[%select_n3A, %run_scoped3A_33, %dma_wait3A] : memref<4x3x4096xf32, #tpu.memory_space<hbm>> -> memref<1x1x4096xf32, #tpu.memory_space<hbm>>
      %dma_wait3A_59 = tpu.memref_squeeze %dma_wait3A_58 : memref<1x1x4096xf32, #tpu.memory_space<hbm>> -> memref<4096xf32, #tpu.memory_space<hbm>>
      %dma_wait3A_60 = arith.constant 0 : i32
      %dma_wait3A_61 = tpu.memref_slice %arg2[%select_n3A, %run_scoped3A_33, %dma_wait3A_60] : memref<4x3x4096xf32, #tpu.memory_space<hbm>> -> memref<1x1x4096xf32, #tpu.memory_space<hbm>>
      %dma_wait3A_62 = tpu.memref_squeeze %dma_wait3A_61 : memref<1x1x4096xf32, #tpu.memory_space<hbm>> -> memref<4096xf32, #tpu.memory_space<hbm>>
      tpu.wait_dma2 semaphore(%run_scoped3A_52 : memref<!tpu.dma_semaphore, #tpu.memory_space<semaphore_mem>>) src(%dma_wait3A_62 : memref<4096xf32, #tpu.memory_space<hbm>>) dst(%arg8 : memref<4096xf32, #tpu.memory_space<vmem>>)
      tpu.yield
    }) : () -> ()
    %run_scoped3A_34 = arith.constant 2 : i32
    "tpu.region"() ({
      %run_scoped3A_52 = tpu.sem_alloc : memref<!tpu.dma_semaphore, #tpu.memory_space<semaphore_mem>>
      %dma_start3A = arith.constant 0 : i32
      %dma_start3A_53 = tpu.memref_slice %arg2[%select_n3A, %run_scoped3A_34, %dma_start3A] : memref<4x3x4096xf32, #tpu.memory_space<hbm>> -> memref<1x1x4096xf32, #tpu.memory_space<hbm>>
      %dma_start3A_54 = tpu.memref_squeeze %dma_start3A_53 : memref<1x1x4096xf32, #tpu.memory_space<hbm>> -> memref<4096xf32, #tpu.memory_space<hbm>>
      %dma_start3A_55 = arith.constant 0 : i32
      %dma_start3A_56 = tpu.memref_slice %arg2[%select_n3A, %run_scoped3A_34, %dma_start3A_55] : memref<4x3x4096xf32, #tpu.memory_space<hbm>> -> memref<1x1x4096xf32, #tpu.memory_space<hbm>>
      %dma_start3A_57 = tpu.memref_squeeze %dma_start3A_56 : memref<1x1x4096xf32, #tpu.memory_space<hbm>> -> memref<4096xf32, #tpu.memory_space<hbm>>
      tpu.enqueue_dma source(%dma_start3A_57 : memref<4096xf32, #tpu.memory_space<hbm>>) target(%arg9 : memref<4096xf32, #tpu.memory_space<vmem>>) target_semaphore(%run_scoped3A_52 : memref<!tpu.dma_semaphore, #tpu.memory_space<semaphore_mem>>)
      %dma_wait3A = arith.constant 0 : i32
      %dma_wait3A_58 = tpu.memref_slice %arg2[%select_n3A, %run_scoped3A_34, %dma_wait3A] : memref<4x3x4096xf32, #tpu.memory_space<hbm>> -> memref<1x1x4096xf32, #tpu.memory_space<hbm>>
      %dma_wait3A_59 = tpu.memref_squeeze %dma_wait3A_58 : memref<1x1x4096xf32, #tpu.memory_space<hbm>> -> memref<4096xf32, #tpu.memory_space<hbm>>
      %dma_wait3A_60 = arith.constant 0 : i32
      %dma_wait3A_61 = tpu.memref_slice %arg2[%select_n3A, %run_scoped3A_34, %dma_wait3A_60] : memref<4x3x4096xf32, #tpu.memory_space<hbm>> -> memref<1x1x4096xf32, #tpu.memory_space<hbm>>
      %dma_wait3A_62 = tpu.memref_squeeze %dma_wait3A_61 : memref<1x1x4096xf32, #tpu.memory_space<hbm>> -> memref<4096xf32, #tpu.memory_space<hbm>>
      tpu.wait_dma2 semaphore(%run_scoped3A_52 : memref<!tpu.dma_semaphore, #tpu.memory_space<semaphore_mem>>) src(%dma_wait3A_62 : memref<4096xf32, #tpu.memory_space<hbm>>) dst(%arg9 : memref<4096xf32, #tpu.memory_space<vmem>>)
      tpu.yield
    }) : () -> ()
    %run_scoped3A_35 = arith.constant 0 : i32
    "tpu.region"() ({
      %run_scoped3A_52 = tpu.sem_alloc : memref<!tpu.dma_semaphore, #tpu.memory_space<semaphore_mem>>
      %dma_start3A = arith.constant 0 : i32
      %dma_start3A_53 = tpu.memref_slice %arg3[%select_n3A, %run_scoped3A_35, %dma_start3A] : memref<4x3x4096xf32, #tpu.memory_space<hbm>> -> memref<1x1x4096xf32, #tpu.memory_space<hbm>>
      %dma_start3A_54 = tpu.memref_squeeze %dma_start3A_53 : memref<1x1x4096xf32, #tpu.memory_space<hbm>> -> memref<4096xf32, #tpu.memory_space<hbm>>
      %dma_start3A_55 = arith.constant 0 : i32
      %dma_start3A_56 = tpu.memref_slice %arg3[%select_n3A, %run_scoped3A_35, %dma_start3A_55] : memref<4x3x4096xf32, #tpu.memory_space<hbm>> -> memref<1x1x4096xf32, #tpu.memory_space<hbm>>
      %dma_start3A_57 = tpu.memref_squeeze %dma_start3A_56 : memref<1x1x4096xf32, #tpu.memory_space<hbm>> -> memref<4096xf32, #tpu.memory_space<hbm>>
      tpu.enqueue_dma source(%dma_start3A_57 : memref<4096xf32, #tpu.memory_space<hbm>>) target(%arg10 : memref<4096xf32, #tpu.memory_space<vmem>>) target_semaphore(%run_scoped3A_52 : memref<!tpu.dma_semaphore, #tpu.memory_space<semaphore_mem>>)
      %dma_wait3A = arith.constant 0 : i32
      %dma_wait3A_58 = tpu.memref_slice %arg3[%select_n3A, %run_scoped3A_35, %dma_wait3A] : memref<4x3x4096xf32, #tpu.memory_space<hbm>> -> memref<1x1x4096xf32, #tpu.memory_space<hbm>>
      %dma_wait3A_59 = tpu.memref_squeeze %dma_wait3A_58 : memref<1x1x4096xf32, #tpu.memory_space<hbm>> -> memref<4096xf32, #tpu.memory_space<hbm>>
      %dma_wait3A_60 = arith.constant 0 : i32
      %dma_wait3A_61 = tpu.memref_slice %arg3[%select_n3A, %run_scoped3A_35, %dma_wait3A_60] : memref<4x3x4096xf32, #tpu.memory_space<hbm>> -> memref<1x1x4096xf32, #tpu.memory_space<hbm>>
      %dma_wait3A_62 = tpu.memref_squeeze %dma_wait3A_61 : memref<1x1x4096xf32, #tpu.memory_space<hbm>> -> memref<4096xf32, #tpu.memory_space<hbm>>
      tpu.wait_dma2 semaphore(%run_scoped3A_52 : memref<!tpu.dma_semaphore, #tpu.memory_space<semaphore_mem>>) src(%dma_wait3A_62 : memref<4096xf32, #tpu.memory_space<hbm>>) dst(%arg10 : memref<4096xf32, #tpu.memory_space<vmem>>)
      tpu.yield
    }) : () -> ()
    %run_scoped3A_36 = arith.constant 1 : i32
    "tpu.region"() ({
      %run_scoped3A_52 = tpu.sem_alloc : memref<!tpu.dma_semaphore, #tpu.memory_space<semaphore_mem>>
      %dma_start3A = arith.constant 0 : i32
      %dma_start3A_53 = tpu.memref_slice %arg3[%select_n3A, %run_scoped3A_36, %dma_start3A] : memref<4x3x4096xf32, #tpu.memory_space<hbm>> -> memref<1x1x4096xf32, #tpu.memory_space<hbm>>
      %dma_start3A_54 = tpu.memref_squeeze %dma_start3A_53 : memref<1x1x4096xf32, #tpu.memory_space<hbm>> -> memref<4096xf32, #tpu.memory_space<hbm>>
      %dma_start3A_55 = arith.constant 0 : i32
      %dma_start3A_56 = tpu.memref_slice %arg3[%select_n3A, %run_scoped3A_36, %dma_start3A_55] : memref<4x3x4096xf32, #tpu.memory_space<hbm>> -> memref<1x1x4096xf32, #tpu.memory_space<hbm>>
      %dma_start3A_57 = tpu.memref_squeeze %dma_start3A_56 : memref<1x1x4096xf32, #tpu.memory_space<hbm>> -> memref<4096xf32, #tpu.memory_space<hbm>>
      tpu.enqueue_dma source(%dma_start3A_57 : memref<4096xf32, #tpu.memory_space<hbm>>) target(%arg11 : memref<4096xf32, #tpu.memory_space<vmem>>) target_semaphore(%run_scoped3A_52 : memref<!tpu.dma_semaphore, #tpu.memory_space<semaphore_mem>>)
      %dma_wait3A = arith.constant 0 : i32
      %dma_wait3A_58 = tpu.memref_slice %arg3[%select_n3A, %run_scoped3A_36, %dma_wait3A] : memref<4x3x4096xf32, #tpu.memory_space<hbm>> -> memref<1x1x4096xf32, #tpu.memory_space<hbm>>
      %dma_wait3A_59 = tpu.memref_squeeze %dma_wait3A_58 : memref<1x1x4096xf32, #tpu.memory_space<hbm>> -> memref<4096xf32, #tpu.memory_space<hbm>>
      %dma_wait3A_60 = arith.constant 0 : i32
      %dma_wait3A_61 = tpu.memref_slice %arg3[%select_n3A, %run_scoped3A_36, %dma_wait3A_60] : memref<4x3x4096xf32, #tpu.memory_space<hbm>> -> memref<1x1x4096xf32, #tpu.memory_space<hbm>>
      %dma_wait3A_62 = tpu.memref_squeeze %dma_wait3A_61 : memref<1x1x4096xf32, #tpu.memory_space<hbm>> -> memref<4096xf32, #tpu.memory_space<hbm>>
      tpu.wait_dma2 semaphore(%run_scoped3A_52 : memref<!tpu.dma_semaphore, #tpu.memory_space<semaphore_mem>>) src(%dma_wait3A_62 : memref<4096xf32, #tpu.memory_space<hbm>>) dst(%arg11 : memref<4096xf32, #tpu.memory_space<vmem>>)
      tpu.yield
    }) : () -> ()
    %run_scoped3A_37 = arith.constant 2 : i32
    "tpu.region"() ({
      %run_scoped3A_52 = tpu.sem_alloc : memref<!tpu.dma_semaphore, #tpu.memory_space<semaphore_mem>>
      %dma_start3A = arith.constant 0 : i32
      %dma_start3A_53 = tpu.memref_slice %arg3[%select_n3A, %run_scoped3A_37, %dma_start3A] : memref<4x3x4096xf32, #tpu.memory_space<hbm>> -> memref<1x1x4096xf32, #tpu.memory_space<hbm>>
      %dma_start3A_54 = tpu.memref_squeeze %dma_start3A_53 : memref<1x1x4096xf32, #tpu.memory_space<hbm>> -> memref<4096xf32, #tpu.memory_space<hbm>>
      %dma_start3A_55 = arith.constant 0 : i32
      %dma_start3A_56 = tpu.memref_slice %arg3[%select_n3A, %run_scoped3A_37, %dma_start3A_55] : memref<4x3x4096xf32, #tpu.memory_space<hbm>> -> memref<1x1x4096xf32, #tpu.memory_space<hbm>>
      %dma_start3A_57 = tpu.memref_squeeze %dma_start3A_56 : memref<1x1x4096xf32, #tpu.memory_space<hbm>> -> memref<4096xf32, #tpu.memory_space<hbm>>
      tpu.enqueue_dma source(%dma_start3A_57 : memref<4096xf32, #tpu.memory_space<hbm>>) target(%arg12 : memref<4096xf32, #tpu.memory_space<vmem>>) target_semaphore(%run_scoped3A_52 : memref<!tpu.dma_semaphore, #tpu.memory_space<semaphore_mem>>)
      %dma_wait3A = arith.constant 0 : i32
      %dma_wait3A_58 = tpu.memref_slice %arg3[%select_n3A, %run_scoped3A_37, %dma_wait3A] : memref<4x3x4096xf32, #tpu.memory_space<hbm>> -> memref<1x1x4096xf32, #tpu.memory_space<hbm>>
      %dma_wait3A_59 = tpu.memref_squeeze %dma_wait3A_58 : memref<1x1x4096xf32, #tpu.memory_space<hbm>> -> memref<4096xf32, #tpu.memory_space<hbm>>
      %dma_wait3A_60 = arith.constant 0 : i32
      %dma_wait3A_61 = tpu.memref_slice %arg3[%select_n3A, %run_scoped3A_37, %dma_wait3A_60] : memref<4x3x4096xf32, #tpu.memory_space<hbm>> -> memref<1x1x4096xf32, #tpu.memory_space<hbm>>
      %dma_wait3A_62 = tpu.memref_squeeze %dma_wait3A_61 : memref<1x1x4096xf32, #tpu.memory_space<hbm>> -> memref<4096xf32, #tpu.memory_space<hbm>>
      tpu.wait_dma2 semaphore(%run_scoped3A_52 : memref<!tpu.dma_semaphore, #tpu.memory_space<semaphore_mem>>) src(%dma_wait3A_62 : memref<4096xf32, #tpu.memory_space<hbm>>) dst(%arg12 : memref<4096xf32, #tpu.memory_space<vmem>>)
      tpu.yield
    }) : () -> ()
    "tpu.region"() ({
      %run_scoped3A_52 = tpu.sem_alloc : memref<!tpu.dma_semaphore, #tpu.memory_space<semaphore_mem>>
      %dma_start3A = arith.constant 0 : i32
      %dma_start3A_53 = tpu.memref_slice %arg4[%select_n3A, %dma_start3A] : memref<4x4096xf32, #tpu.memory_space<hbm>> -> memref<1x4096xf32, #tpu.memory_space<hbm>>
      %dma_start3A_54 = tpu.memref_squeeze %dma_start3A_53 : memref<1x4096xf32, #tpu.memory_space<hbm>> -> memref<4096xf32, #tpu.memory_space<hbm>>
      %dma_start3A_55 = arith.constant 0 : i32
      %dma_start3A_56 = tpu.memref_slice %arg4[%select_n3A, %dma_start3A_55] : memref<4x4096xf32, #tpu.memory_space<hbm>> -> memref<1x4096xf32, #tpu.memory_space<hbm>>
      %dma_start3A_57 = tpu.memref_squeeze %dma_start3A_56 : memref<1x4096xf32, #tpu.memory_space<hbm>> -> memref<4096xf32, #tpu.memory_space<hbm>>
      tpu.enqueue_dma source(%dma_start3A_57 : memref<4096xf32, #tpu.memory_space<hbm>>) target(%arg13 : memref<4096xf32, #tpu.memory_space<vmem>>) target_semaphore(%run_scoped3A_52 : memref<!tpu.dma_semaphore, #tpu.memory_space<semaphore_mem>>)
      %dma_wait3A = arith.constant 0 : i32
      %dma_wait3A_58 = tpu.memref_slice %arg4[%select_n3A, %dma_wait3A] : memref<4x4096xf32, #tpu.memory_space<hbm>> -> memref<1x4096xf32, #tpu.memory_space<hbm>>
      %dma_wait3A_59 = tpu.memref_squeeze %dma_wait3A_58 : memref<1x4096xf32, #tpu.memory_space<hbm>> -> memref<4096xf32, #tpu.memory_space<hbm>>
      %dma_wait3A_60 = arith.constant 0 : i32
      %dma_wait3A_61 = tpu.memref_slice %arg4[%select_n3A, %dma_wait3A_60] : memref<4x4096xf32, #tpu.memory_space<hbm>> -> memref<1x4096xf32, #tpu.memory_space<hbm>>
      %dma_wait3A_62 = tpu.memref_squeeze %dma_wait3A_61 : memref<1x4096xf32, #tpu.memory_space<hbm>> -> memref<4096xf32, #tpu.memory_space<hbm>>
      tpu.wait_dma2 semaphore(%run_scoped3A_52 : memref<!tpu.dma_semaphore, #tpu.memory_space<semaphore_mem>>) src(%dma_wait3A_62 : memref<4096xf32, #tpu.memory_space<hbm>>) dst(%arg13 : memref<4096xf32, #tpu.memory_space<vmem>>)
      tpu.yield
    }) : () -> ()
    %iota3A = tpu.iota {dimensions = array<i32: 0>} : vector<16xi32>
    %scan3A = arith.constant 0x7F800000 : f32
    %scan3A_38 = arith.constant 0 : i32
    %scan3A_39 = arith.constant 0 : i32
    %scan3A_40 = arith.constant 128 : i32
    %scan3A_41 = arith.addi %scan3A_39, %scan3A_40 : i32
    %scan3A_42 = arith.constant 1 : i32
    %scan3A_43 = scf.for %scan3A_52 = %scan3A_39 to %scan3A_41 step %scan3A_42 iter_args(%scan3A_53 = %scan3A_38) -> (i32)  : i32 {
      %mul3A_54 = arith.constant 4 : i32
      %mul3A_55 = arith.muli %scan3A_52, %mul3A_54 : i32
      %add3A_56 = arith.addi %mul3A_32, %mul3A_55 : i32
      %add3A_57 = arith.constant 0 : i32
      %add3A_58 = arith.addi %add3A_56, %add3A_57 : i32
      %broadcast_in_dim3A = vector.broadcast %add3A_58 : i32 to vector<16xi32>
      %gather3A = tpu.vector_load_idx %arg7[%broadcast_in_dim3A] : memref<4096xf32, #tpu.memory_space<vmem>>[vector<16xi32>], vector<16xf32>,
      %gather3A_59 = tpu.vector_load_idx %arg8[%broadcast_in_dim3A] : memref<4096xf32, #tpu.memory_space<vmem>>[vector<16xi32>], vector<16xf32>,
      %gather3A_60 = tpu.vector_load_idx %arg9[%broadcast_in_dim3A] : memref<4096xf32, #tpu.memory_space<vmem>>[vector<16xi32>], vector<16xf32>,
      %gather3A_61 = tpu.vector_load_idx %arg10[%broadcast_in_dim3A] : memref<4096xf32, #tpu.memory_space<vmem>>[vector<16xi32>], vector<16xf32>,
      %gather3A_62 = tpu.vector_load_idx %arg11[%broadcast_in_dim3A] : memref<4096xf32, #tpu.memory_space<vmem>>[vector<16xi32>], vector<16xf32>,
      %gather3A_63 = tpu.vector_load_idx %arg12[%broadcast_in_dim3A] : memref<4096xf32, #tpu.memory_space<vmem>>[vector<16xi32>], vector<16xf32>,
      %gather3A_64 = tpu.vector_load_idx %arg13[%broadcast_in_dim3A] : memref<4096xf32, #tpu.memory_space<vmem>>[vector<16xi32>], vector<16xf32>,
      %add3A_65 = arith.addi %mul3A_32, %mul3A_55 : i32
      %add3A_66 = arith.constant 1 : i32
      %add3A_67 = arith.addi %add3A_65, %add3A_66 : i32
      %broadcast_in_dim3A_68 = vector.broadcast %add3A_67 : i32 to vector<16xi32>
      %gather3A_69 = tpu.vector_load_idx %arg7[%broadcast_in_dim3A_68] : memref<4096xf32, #tpu.memory_space<vmem>>[vector<16xi32>], vector<16xf32>,
      %gather3A_70 = tpu.vector_load_idx %arg8[%broadcast_in_dim3A_68] : memref<4096xf32, #tpu.memory_space<vmem>>[vector<16xi32>], vector<16xf32>,
      %gather3A_71 = tpu.vector_load_idx %arg9[%broadcast_in_dim3A_68] : memref<4096xf32, #tpu.memory_space<vmem>>[vector<16xi32>], vector<16xf32>,
      %gather3A_72 = tpu.vector_load_idx %arg10[%broadcast_in_dim3A_68] : memref<4096xf32, #tpu.memory_space<vmem>>[vector<16xi32>], vector<16xf32>,
      %gather3A_73 = tpu.vector_load_idx %arg11[%broadcast_in_dim3A_68] : memref<4096xf32, #tpu.memory_space<vmem>>[vector<16xi32>], vector<16xf32>,
      %gather3A_74 = tpu.vector_load_idx %arg12[%broadcast_in_dim3A_68] : memref<4096xf32, #tpu.memory_space<vmem>>[vector<16xi32>], vector<16xf32>,
      %gather3A_75 = tpu.vector_load_idx %arg13[%broadcast_in_dim3A_68] : memref<4096xf32, #tpu.memory_space<vmem>>[vector<16xi32>], vector<16xf32>,
      %add3A_76 = arith.addi %mul3A_32, %mul3A_55 : i32
      %add3A_77 = arith.constant 2 : i32
      %add3A_78 = arith.addi %add3A_76, %add3A_77 : i32
      %broadcast_in_dim3A_79 = vector.broadcast %add3A_78 : i32 to vector<16xi32>
      %gather3A_80 = tpu.vector_load_idx %arg7[%broadcast_in_dim3A_79] : memref<4096xf32, #tpu.memory_space<vmem>>[vector<16xi32>], vector<16xf32>,
      %gather3A_81 = tpu.vector_load_idx %arg8[%broadcast_in_dim3A_79] : memref<4096xf32, #tpu.memory_space<vmem>>[vector<16xi32>], vector<16xf32>,
      %gather3A_82 = tpu.vector_load_idx %arg9[%broadcast_in_dim3A_79] : memref<4096xf32, #tpu.memory_space<vmem>>[vector<16xi32>], vector<16xf32>,
      %gather3A_83 = tpu.vector_load_idx %arg10[%broadcast_in_dim3A_79] : memref<4096xf32, #tpu.memory_space<vmem>>[vector<16xi32>], vector<16xf32>,
      %gather3A_84 = tpu.vector_load_idx %arg11[%broadcast_in_dim3A_79] : memref<4096xf32, #tpu.memory_space<vmem>>[vector<16xi32>], vector<16xf32>,
      %gather3A_85 = tpu.vector_load_idx %arg12[%broadcast_in_dim3A_79] : memref<4096xf32, #tpu.memory_space<vmem>>[vector<16xi32>], vector<16xf32>,
      %gather3A_86 = tpu.vector_load_idx %arg13[%broadcast_in_dim3A_79] : memref<4096xf32, #tpu.memory_space<vmem>>[vector<16xi32>], vector<16xf32>,
      %add3A_87 = arith.addi %mul3A_32, %mul3A_55 : i32
      %add3A_88 = arith.constant 3 : i32
      %add3A_89 = arith.addi %add3A_87, %add3A_88 : i32
      %broadcast_in_dim3A_90 = vector.broadcast %add3A_89 : i32 to vector<16xi32>
      %gather3A_91 = tpu.vector_load_idx %arg7[%broadcast_in_dim3A_90] : memref<4096xf32, #tpu.memory_space<vmem>>[vector<16xi32>], vector<16xf32>,
      %gather3A_92 = tpu.vector_load_idx %arg8[%broadcast_in_dim3A_90] : memref<4096xf32, #tpu.memory_space<vmem>>[vector<16xi32>], vector<16xf32>,
      %gather3A_93 = tpu.vector_load_idx %arg9[%broadcast_in_dim3A_90] : memref<4096xf32, #tpu.memory_space<vmem>>[vector<16xi32>], vector<16xf32>,
      %gather3A_94 = tpu.vector_load_idx %arg10[%broadcast_in_dim3A_90] : memref<4096xf32, #tpu.memory_space<vmem>>[vector<16xi32>], vector<16xf32>,
      %gather3A_95 = tpu.vector_load_idx %arg11[%broadcast_in_dim3A_90] : memref<4096xf32, #tpu.memory_space<vmem>>[vector<16xi32>], vector<16xf32>,
      %gather3A_96 = tpu.vector_load_idx %arg12[%broadcast_in_dim3A_90] : memref<4096xf32, #tpu.memory_space<vmem>>[vector<16xi32>], vector<16xf32>,
      %gather3A_97 = tpu.vector_load_idx %arg13[%broadcast_in_dim3A_90] : memref<4096xf32, #tpu.memory_space<vmem>>[vector<16xi32>], vector<16xf32>,
      %broadcast_in_dim3A_98 = vector.broadcast %scan3A : f32 to vector<16xf32>
      %scan3A_99 = arith.constant 0 : i32
      %scan3A_100 = arith.constant 256 : i32
      %scan3A_101 = arith.addi %scan3A_99, %scan3A_100 : i32
      %scan3A_102 = arith.constant 4 : i32
      %scan3A_103:4 = scf.for %scan3A_475 = %scan3A_99 to %scan3A_101 step %scan3A_102 iter_args(%scan3A_476 = %broadcast_in_dim3A_98, %scan3A_477 = %broadcast_in_dim3A_98, %scan3A_478 = %broadcast_in_dim3A_98, %scan3A_479 = %broadcast_in_dim3A_98) -> (vector<16xf32>, vector<16xf32>, vector<16xf32>, vector<16xf32>)  : i32 {
        %mul3A_480 = arith.constant 16 : i32
        %mul3A_481 = arith.muli %scan3A_475, %mul3A_480 : i32
        %get3A = arith.index_cast %mul3A_481 : i32 to index
        %get3A_482 = tpu.vector_load %arg10[%get3A] {strides = array<i32>} : memref<4096xf32, #tpu.memory_space<vmem>>, vector<16xf32>,
        %get3A_483 = arith.index_cast %mul3A_481 : i32 to index
        %get3A_484 = tpu.vector_load %arg11[%get3A_483] {strides = array<i32>} : memref<4096xf32, #tpu.memory_space<vmem>>, vector<16xf32>,
        %get3A_485 = arith.index_cast %mul3A_481 : i32 to index
        %get3A_486 = tpu.vector_load %arg12[%get3A_485] {strides = array<i32>} : memref<4096xf32, #tpu.memory_space<vmem>>, vector<16xf32>,
        %get3A_487 = arith.index_cast %mul3A_481 : i32 to index
        %get3A_488 = tpu.vector_load %arg13[%get3A_487] {strides = array<i32>} : memref<4096xf32, #tpu.memory_space<vmem>>, vector<16xf32>,
        %mul3A_489 = arith.mulf %gather3A_61, %get3A_482 : vector<16xf32>
        %mul3A_490 = arith.mulf %gather3A_62, %get3A_484 : vector<16xf32>
        %add3A_491 = arith.addf %mul3A_489, %mul3A_490 : vector<16xf32>
        %mul3A_492 = arith.mulf %gather3A_63, %get3A_486 : vector<16xf32>
        %add3A_493 = arith.addf %add3A_491, %mul3A_492 : vector<16xf32>
        %add3A_494 = arith.addf %gather3A_64, %get3A_488 : vector<16xf32>
        %mul3A_495 = arith.constant 2.000000e+00 : f32
        %mul3A_496 = vector.broadcast %mul3A_495 : f32 to vector<16xf32>
        %mul3A_497 = arith.mulf %mul3A_496, %add3A_493 : vector<16xf32>
        %sub3A_498 = arith.subf %add3A_494, %mul3A_497 : vector<16xf32>
        %swap3A_499 = arith.index_cast %mul3A_481 : i32 to index
        %swap3A_500 = tpu.vector_load %arg14[%swap3A_499] {strides = array<i32>} : memref<4096xf32, #tpu.memory_space<vmem>>, vector<16xf32>,
        tpu.vector_store %arg14[%swap3A_499], %sub3A_498 {strides = array<i32>} : memref<4096xf32, #tpu.memory_space<vmem>>, vector<16xf32>,
        %min3A = arith.minimumf %scan3A_476, %sub3A_498 : vector<16xf32>
        %mul3A_501 = arith.mulf %gather3A_72, %get3A_482 : vector<16xf32>
        %mul3A_502 = arith.mulf %gather3A_73, %get3A_484 : vector<16xf32>
        %add3A_503 = arith.addf %mul3A_501, %mul3A_502 : vector<16xf32>
        %mul3A_504 = arith.mulf %gather3A_74, %get3A_486 : vector<16xf32>
        %add3A_505 = arith.addf %add3A_503, %mul3A_504 : vector<16xf32>
        %add3A_506 = arith.addf %gather3A_75, %get3A_488 : vector<16xf32>
        %mul3A_507 = arith.constant 2.000000e+00 : f32
        %mul3A_508 = vector.broadcast %mul3A_507 : f32 to vector<16xf32>
        %mul3A_509 = arith.mulf %mul3A_508, %add3A_505 : vector<16xf32>
        %sub3A_510 = arith.subf %add3A_506, %mul3A_509 : vector<16xf32>
        %swap3A_511 = arith.index_cast %mul3A_481 : i32 to index
        %swap3A_512 = tpu.vector_load %arg15[%swap3A_511] {strides = array<i32>} : memref<4096xf32, #tpu.memory_space<vmem>>, vector<16xf32>,
        tpu.vector_store %arg15[%swap3A_511], %sub3A_510 {strides = array<i32>} : memref<4096xf32, #tpu.memory_space<vmem>>, vector<16xf32>,
        %min3A_513 = arith.minimumf %scan3A_477, %sub3A_510 : vector<16xf32>
        %mul3A_514 = arith.mulf %gather3A_83, %get3A_482 : vector<16xf32>
        %mul3A_515 = arith.mulf %gather3A_84, %get3A_484 : vector<16xf32>
        %add3A_516 = arith.addf %mul3A_514, %mul3A_515 : vector<16xf32>
        %mul3A_517 = arith.mulf %gather3A_85, %get3A_486 : vector<16xf32>
        %add3A_518 = arith.addf %add3A_516, %mul3A_517 : vector<16xf32>
        %add3A_519 = arith.addf %gather3A_86, %get3A_488 : vector<16xf32>
        %mul3A_520 = arith.constant 2.000000e+00 : f32
        %mul3A_521 = vector.broadcast %mul3A_520 : f32 to vector<16xf32>
        %mul3A_522 = arith.mulf %mul3A_521, %add3A_518 : vector<16xf32>
        %sub3A_523 = arith.subf %add3A_519, %mul3A_522 : vector<16xf32>
        %swap3A_524 = arith.index_cast %mul3A_481 : i32 to index
        %swap3A_525 = tpu.vector_load %arg16[%swap3A_524] {strides = array<i32>} : memref<4096xf32, #tpu.memory_space<vmem>>, vector<16xf32>,
        tpu.vector_store %arg16[%swap3A_524], %sub3A_523 {strides = array<i32>} : memref<4096xf32, #tpu.memory_space<vmem>>, vector<16xf32>,
        %min3A_526 = arith.minimumf %scan3A_478, %sub3A_523 : vector<16xf32>
        %mul3A_527 = arith.mulf %gather3A_94, %get3A_482 : vector<16xf32>
        %mul3A_528 = arith.mulf %gather3A_95, %get3A_484 : vector<16xf32>
        %add3A_529 = arith.addf %mul3A_527, %mul3A_528 : vector<16xf32>
        %mul3A_530 = arith.mulf %gather3A_96, %get3A_486 : vector<16xf32>
        %add3A_531 = arith.addf %add3A_529, %mul3A_530 : vector<16xf32>
        %add3A_532 = arith.addf %gather3A_97, %get3A_488 : vector<16xf32>
        %mul3A_533 = arith.constant 2.000000e+00 : f32
        %mul3A_534 = vector.broadcast %mul3A_533 : f32 to vector<16xf32>
        %mul3A_535 = arith.mulf %mul3A_534, %add3A_531 : vector<16xf32>
        %sub3A_536 = arith.subf %add3A_532, %mul3A_535 : vector<16xf32>
        %swap3A_537 = arith.index_cast %mul3A_481 : i32 to index
        %swap3A_538 = tpu.vector_load %arg17[%swap3A_537] {strides = array<i32>} : memref<4096xf32, #tpu.memory_space<vmem>>, vector<16xf32>,
        tpu.vector_store %arg17[%swap3A_537], %sub3A_536 {strides = array<i32>} : memref<4096xf32, #tpu.memory_space<vmem>>, vector<16xf32>,
        %min3A_539 = arith.minimumf %scan3A_479, %sub3A_536 : vector<16xf32>
        %scan3A_540 = arith.constant 1 : i32
        %scan3A_541 = arith.addi %scan3A_475, %scan3A_540 : i32
        %mul3A_542 = arith.constant 16 : i32
        %mul3A_543 = arith.muli %scan3A_541, %mul3A_542 : i32
        %get3A_544 = arith.index_cast %mul3A_543 : i32 to index
        %get3A_545 = tpu.vector_load %arg10[%get3A_544] {strides = array<i32>} : memref<4096xf32, #tpu.memory_space<vmem>>, vector<16xf32>,
        %get3A_546 = arith.index_cast %mul3A_543 : i32 to index
        %get3A_547 = tpu.vector_load %arg11[%get3A_546] {strides = array<i32>} : memref<4096xf32, #tpu.memory_space<vmem>>, vector<16xf32>,
        %get3A_548 = arith.index_cast %mul3A_543 : i32 to index
        %get3A_549 = tpu.vector_load %arg12[%get3A_548] {strides = array<i32>} : memref<4096xf32, #tpu.memory_space<vmem>>, vector<16xf32>,
        %get3A_550 = arith.index_cast %mul3A_543 : i32 to index
        %get3A_551 = tpu.vector_load %arg13[%get3A_550] {strides = array<i32>} : memref<4096xf32, #tpu.memory_space<vmem>>, vector<16xf32>,
        %mul3A_552 = arith.mulf %gather3A_61, %get3A_545 : vector<16xf32>
        %mul3A_553 = arith.mulf %gather3A_62, %get3A_547 : vector<16xf32>
        %add3A_554 = arith.addf %mul3A_552, %mul3A_553 : vector<16xf32>
        %mul3A_555 = arith.mulf %gather3A_63, %get3A_549 : vector<16xf32>
        %add3A_556 = arith.addf %add3A_554, %mul3A_555 : vector<16xf32>
        %add3A_557 = arith.addf %gather3A_64, %get3A_551 : vector<16xf32>
        %mul3A_558 = arith.constant 2.000000e+00 : f32
        %mul3A_559 = vector.broadcast %mul3A_558 : f32 to vector<16xf32>
        %mul3A_560 = arith.mulf %mul3A_559, %add3A_556 : vector<16xf32>
        %sub3A_561 = arith.subf %add3A_557, %mul3A_560 : vector<16xf32>
        %swap3A_562 = arith.index_cast %mul3A_543 : i32 to index
        %swap3A_563 = tpu.vector_load %arg14[%swap3A_562] {strides = array<i32>} : memref<4096xf32, #tpu.memory_space<vmem>>, vector<16xf32>,
        tpu.vector_store %arg14[%swap3A_562], %sub3A_561 {strides = array<i32>} : memref<4096xf32, #tpu.memory_space<vmem>>, vector<16xf32>,
        %min3A_564 = arith.minimumf %min3A, %sub3A_561 : vector<16xf32>
        %mul3A_565 = arith.mulf %gather3A_72, %get3A_545 : vector<16xf32>
        %mul3A_566 = arith.mulf %gather3A_73, %get3A_547 : vector<16xf32>
        %add3A_567 = arith.addf %mul3A_565, %mul3A_566 : vector<16xf32>
        %mul3A_568 = arith.mulf %gather3A_74, %get3A_549 : vector<16xf32>
        %add3A_569 = arith.addf %add3A_567, %mul3A_568 : vector<16xf32>
        %add3A_570 = arith.addf %gather3A_75, %get3A_551 : vector<16xf32>
        %mul3A_571 = arith.constant 2.000000e+00 : f32
        %mul3A_572 = vector.broadcast %mul3A_571 : f32 to vector<16xf32>
        %mul3A_573 = arith.mulf %mul3A_572, %add3A_569 : vector<16xf32>
        %sub3A_574 = arith.subf %add3A_570, %mul3A_573 : vector<16xf32>
        %swap3A_575 = arith.index_cast %mul3A_543 : i32 to index
        %swap3A_576 = tpu.vector_load %arg15[%swap3A_575] {strides = array<i32>} : memref<4096xf32, #tpu.memory_space<vmem>>, vector<16xf32>,
        tpu.vector_store %arg15[%swap3A_575], %sub3A_574 {strides = array<i32>} : memref<4096xf32, #tpu.memory_space<vmem>>, vector<16xf32>,
        %min3A_577 = arith.minimumf %min3A_513, %sub3A_574 : vector<16xf32>
        %mul3A_578 = arith.mulf %gather3A_83, %get3A_545 : vector<16xf32>
        %mul3A_579 = arith.mulf %gather3A_84, %get3A_547 : vector<16xf32>
        %add3A_580 = arith.addf %mul3A_578, %mul3A_579 : vector<16xf32>
        %mul3A_581 = arith.mulf %gather3A_85, %get3A_549 : vector<16xf32>
        %add3A_582 = arith.addf %add3A_580, %mul3A_581 : vector<16xf32>
        %add3A_583 = arith.addf %gather3A_86, %get3A_551 : vector<16xf32>
        %mul3A_584 = arith.constant 2.000000e+00 : f32
        %mul3A_585 = vector.broadcast %mul3A_584 : f32 to vector<16xf32>
        %mul3A_586 = arith.mulf %mul3A_585, %add3A_582 : vector<16xf32>
        %sub3A_587 = arith.subf %add3A_583, %mul3A_586 : vector<16xf32>
        %swap3A_588 = arith.index_cast %mul3A_543 : i32 to index
        %swap3A_589 = tpu.vector_load %arg16[%swap3A_588] {strides = array<i32>} : memref<4096xf32, #tpu.memory_space<vmem>>, vector<16xf32>,
        tpu.vector_store %arg16[%swap3A_588], %sub3A_587 {strides = array<i32>} : memref<4096xf32, #tpu.memory_space<vmem>>, vector<16xf32>,
        %min3A_590 = arith.minimumf %min3A_526, %sub3A_587 : vector<16xf32>
        %mul3A_591 = arith.mulf %gather3A_94, %get3A_545 : vector<16xf32>
        %mul3A_592 = arith.mulf %gather3A_95, %get3A_547 : vector<16xf32>
        %add3A_593 = arith.addf %mul3A_591, %mul3A_592 : vector<16xf32>
        %mul3A_594 = arith.mulf %gather3A_96, %get3A_549 : vector<16xf32>
        %add3A_595 = arith.addf %add3A_593, %mul3A_594 : vector<16xf32>
        %add3A_596 = arith.addf %gather3A_97, %get3A_551 : vector<16xf32>
        %mul3A_597 = arith.constant 2.000000e+00 : f32
        %mul3A_598 = vector.broadcast %mul3A_597 : f32 to vector<16xf32>
        %mul3A_599 = arith.mulf %mul3A_598, %add3A_595 : vector<16xf32>
        %sub3A_600 = arith.subf %add3A_596, %mul3A_599 : vector<16xf32>
        %swap3A_601 = arith.index_cast %mul3A_543 : i32 to index
        %swap3A_602 = tpu.vector_load %arg17[%swap3A_601] {strides = array<i32>} : memref<4096xf32, #tpu.memory_space<vmem>>, vector<16xf32>,
        tpu.vector_store %arg17[%swap3A_601], %sub3A_600 {strides = array<i32>} : memref<4096xf32, #tpu.memory_space<vmem>>, vector<16xf32>,
        %min3A_603 = arith.minimumf %min3A_539, %sub3A_600 : vector<16xf32>
        %scan3A_604 = arith.constant 2 : i32
        %scan3A_605 = arith.addi %scan3A_475, %scan3A_604 : i32
        %mul3A_606 = arith.constant 16 : i32
        %mul3A_607 = arith.muli %scan3A_605, %mul3A_606 : i32
        %get3A_608 = arith.index_cast %mul3A_607 : i32 to index
        %get3A_609 = tpu.vector_load %arg10[%get3A_608] {strides = array<i32>} : memref<4096xf32, #tpu.memory_space<vmem>>, vector<16xf32>,
        %get3A_610 = arith.index_cast %mul3A_607 : i32 to index
        %get3A_611 = tpu.vector_load %arg11[%get3A_610] {strides = array<i32>} : memref<4096xf32, #tpu.memory_space<vmem>>, vector<16xf32>,
        %get3A_612 = arith.index_cast %mul3A_607 : i32 to index
        %get3A_613 = tpu.vector_load %arg12[%get3A_612] {strides = array<i32>} : memref<4096xf32, #tpu.memory_space<vmem>>, vector<16xf32>,
        %get3A_614 = arith.index_cast %mul3A_607 : i32 to index
        %get3A_615 = tpu.vector_load %arg13[%get3A_614] {strides = array<i32>} : memref<4096xf32, #tpu.memory_space<vmem>>, vector<16xf32>,
        %mul3A_616 = arith.mulf %gather3A_61, %get3A_609 : vector<16xf32>
        %mul3A_617 = arith.mulf %gather3A_62, %get3A_611 : vector<16xf32>
        %add3A_618 = arith.addf %mul3A_616, %mul3A_617 : vector<16xf32>
        %mul3A_619 = arith.mulf %gather3A_63, %get3A_613 : vector<16xf32>
        %add3A_620 = arith.addf %add3A_618, %mul3A_619 : vector<16xf32>
        %add3A_621 = arith.addf %gather3A_64, %get3A_615 : vector<16xf32>
        %mul3A_622 = arith.constant 2.000000e+00 : f32
        %mul3A_623 = vector.broadcast %mul3A_622 : f32 to vector<16xf32>
        %mul3A_624 = arith.mulf %mul3A_623, %add3A_620 : vector<16xf32>
        %sub3A_625 = arith.subf %add3A_621, %mul3A_624 : vector<16xf32>
        %swap3A_626 = arith.index_cast %mul3A_607 : i32 to index
        %swap3A_627 = tpu.vector_load %arg14[%swap3A_626] {strides = array<i32>} : memref<4096xf32, #tpu.memory_space<vmem>>, vector<16xf32>,
        tpu.vector_store %arg14[%swap3A_626], %sub3A_625 {strides = array<i32>} : memref<4096xf32, #tpu.memory_space<vmem>>, vector<16xf32>,
        %min3A_628 = arith.minimumf %min3A_564, %sub3A_625 : vector<16xf32>
        %mul3A_629 = arith.mulf %gather3A_72, %get3A_609 : vector<16xf32>
        %mul3A_630 = arith.mulf %gather3A_73, %get3A_611 : vector<16xf32>
        %add3A_631 = arith.addf %mul3A_629, %mul3A_630 : vector<16xf32>
        %mul3A_632 = arith.mulf %gather3A_74, %get3A_613 : vector<16xf32>
        %add3A_633 = arith.addf %add3A_631, %mul3A_632 : vector<16xf32>
        %add3A_634 = arith.addf %gather3A_75, %get3A_615 : vector<16xf32>
        %mul3A_635 = arith.constant 2.000000e+00 : f32
        %mul3A_636 = vector.broadcast %mul3A_635 : f32 to vector<16xf32>
        %mul3A_637 = arith.mulf %mul3A_636, %add3A_633 : vector<16xf32>
        %sub3A_638 = arith.subf %add3A_634, %mul3A_637 : vector<16xf32>
        %swap3A_639 = arith.index_cast %mul3A_607 : i32 to index
        %swap3A_640 = tpu.vector_load %arg15[%swap3A_639] {strides = array<i32>} : memref<4096xf32, #tpu.memory_space<vmem>>, vector<16xf32>,
        tpu.vector_store %arg15[%swap3A_639], %sub3A_638 {strides = array<i32>} : memref<4096xf32, #tpu.memory_space<vmem>>, vector<16xf32>,
        %min3A_641 = arith.minimumf %min3A_577, %sub3A_638 : vector<16xf32>
        %mul3A_642 = arith.mulf %gather3A_83, %get3A_609 : vector<16xf32>
        %mul3A_643 = arith.mulf %gather3A_84, %get3A_611 : vector<16xf32>
        %add3A_644 = arith.addf %mul3A_642, %mul3A_643 : vector<16xf32>
        %mul3A_645 = arith.mulf %gather3A_85, %get3A_613 : vector<16xf32>
        %add3A_646 = arith.addf %add3A_644, %mul3A_645 : vector<16xf32>
        %add3A_647 = arith.addf %gather3A_86, %get3A_615 : vector<16xf32>
        %mul3A_648 = arith.constant 2.000000e+00 : f32
        %mul3A_649 = vector.broadcast %mul3A_648 : f32 to vector<16xf32>
        %mul3A_650 = arith.mulf %mul3A_649, %add3A_646 : vector<16xf32>
        %sub3A_651 = arith.subf %add3A_647, %mul3A_650 : vector<16xf32>
        %swap3A_652 = arith.index_cast %mul3A_607 : i32 to index
        %swap3A_653 = tpu.vector_load %arg16[%swap3A_652] {strides = array<i32>} : memref<4096xf32, #tpu.memory_space<vmem>>, vector<16xf32>,
        tpu.vector_store %arg16[%swap3A_652], %sub3A_651 {strides = array<i32>} : memref<4096xf32, #tpu.memory_space<vmem>>, vector<16xf32>,
        %min3A_654 = arith.minimumf %min3A_590, %sub3A_651 : vector<16xf32>
        %mul3A_655 = arith.mulf %gather3A_94, %get3A_609 : vector<16xf32>
        %mul3A_656 = arith.mulf %gather3A_95, %get3A_611 : vector<16xf32>
        %add3A_657 = arith.addf %mul3A_655, %mul3A_656 : vector<16xf32>
        %mul3A_658 = arith.mulf %gather3A_96, %get3A_613 : vector<16xf32>
        %add3A_659 = arith.addf %add3A_657, %mul3A_658 : vector<16xf32>
        %add3A_660 = arith.addf %gather3A_97, %get3A_615 : vector<16xf32>
        %mul3A_661 = arith.constant 2.000000e+00 : f32
        %mul3A_662 = vector.broadcast %mul3A_661 : f32 to vector<16xf32>
        %mul3A_663 = arith.mulf %mul3A_662, %add3A_659 : vector<16xf32>
        %sub3A_664 = arith.subf %add3A_660, %mul3A_663 : vector<16xf32>
        %swap3A_665 = arith.index_cast %mul3A_607 : i32 to index
        %swap3A_666 = tpu.vector_load %arg17[%swap3A_665] {strides = array<i32>} : memref<4096xf32, #tpu.memory_space<vmem>>, vector<16xf32>,
        tpu.vector_store %arg17[%swap3A_665], %sub3A_664 {strides = array<i32>} : memref<4096xf32, #tpu.memory_space<vmem>>, vector<16xf32>,
        %min3A_667 = arith.minimumf %min3A_603, %sub3A_664 : vector<16xf32>
        %scan3A_668 = arith.constant 3 : i32
        %scan3A_669 = arith.addi %scan3A_475, %scan3A_668 : i32
        %mul3A_670 = arith.constant 16 : i32
        %mul3A_671 = arith.muli %scan3A_669, %mul3A_670 : i32
        %get3A_672 = arith.index_cast %mul3A_671 : i32 to index
        %get3A_673 = tpu.vector_load %arg10[%get3A_672] {strides = array<i32>} : memref<4096xf32, #tpu.memory_space<vmem>>, vector<16xf32>,
        %get3A_674 = arith.index_cast %mul3A_671 : i32 to index
        %get3A_675 = tpu.vector_load %arg11[%get3A_674] {strides = array<i32>} : memref<4096xf32, #tpu.memory_space<vmem>>, vector<16xf32>,
        %get3A_676 = arith.index_cast %mul3A_671 : i32 to index
        %get3A_677 = tpu.vector_load %arg12[%get3A_676] {strides = array<i32>} : memref<4096xf32, #tpu.memory_space<vmem>>, vector<16xf32>,
        %get3A_678 = arith.index_cast %mul3A_671 : i32 to index
        %get3A_679 = tpu.vector_load %arg13[%get3A_678] {strides = array<i32>} : memref<4096xf32, #tpu.memory_space<vmem>>, vector<16xf32>,
        %mul3A_680 = arith.mulf %gather3A_61, %get3A_673 : vector<16xf32>
        %mul3A_681 = arith.mulf %gather3A_62, %get3A_675 : vector<16xf32>
        %add3A_682 = arith.addf %mul3A_680, %mul3A_681 : vector<16xf32>
        %mul3A_683 = arith.mulf %gather3A_63, %get3A_677 : vector<16xf32>
        %add3A_684 = arith.addf %add3A_682, %mul3A_683 : vector<16xf32>
        %add3A_685 = arith.addf %gather3A_64, %get3A_679 : vector<16xf32>
        %mul3A_686 = arith.constant 2.000000e+00 : f32
        %mul3A_687 = vector.broadcast %mul3A_686 : f32 to vector<16xf32>
        %mul3A_688 = arith.mulf %mul3A_687, %add3A_684 : vector<16xf32>
        %sub3A_689 = arith.subf %add3A_685, %mul3A_688 : vector<16xf32>
        %swap3A_690 = arith.index_cast %mul3A_671 : i32 to index
        %swap3A_691 = tpu.vector_load %arg14[%swap3A_690] {strides = array<i32>} : memref<4096xf32, #tpu.memory_space<vmem>>, vector<16xf32>,
        tpu.vector_store %arg14[%swap3A_690], %sub3A_689 {strides = array<i32>} : memref<4096xf32, #tpu.memory_space<vmem>>, vector<16xf32>,
        %min3A_692 = arith.minimumf %min3A_628, %sub3A_689 : vector<16xf32>
        %mul3A_693 = arith.mulf %gather3A_72, %get3A_673 : vector<16xf32>
        %mul3A_694 = arith.mulf %gather3A_73, %get3A_675 : vector<16xf32>
        %add3A_695 = arith.addf %mul3A_693, %mul3A_694 : vector<16xf32>
        %mul3A_696 = arith.mulf %gather3A_74, %get3A_677 : vector<16xf32>
        %add3A_697 = arith.addf %add3A_695, %mul3A_696 : vector<16xf32>
        %add3A_698 = arith.addf %gather3A_75, %get3A_679 : vector<16xf32>
        %mul3A_699 = arith.constant 2.000000e+00 : f32
        %mul3A_700 = vector.broadcast %mul3A_699 : f32 to vector<16xf32>
        %mul3A_701 = arith.mulf %mul3A_700, %add3A_697 : vector<16xf32>
        %sub3A_702 = arith.subf %add3A_698, %mul3A_701 : vector<16xf32>
        %swap3A_703 = arith.index_cast %mul3A_671 : i32 to index
        %swap3A_704 = tpu.vector_load %arg15[%swap3A_703] {strides = array<i32>} : memref<4096xf32, #tpu.memory_space<vmem>>, vector<16xf32>,
        tpu.vector_store %arg15[%swap3A_703], %sub3A_702 {strides = array<i32>} : memref<4096xf32, #tpu.memory_space<vmem>>, vector<16xf32>,
        %min3A_705 = arith.minimumf %min3A_641, %sub3A_702 : vector<16xf32>
        %mul3A_706 = arith.mulf %gather3A_83, %get3A_673 : vector<16xf32>
        %mul3A_707 = arith.mulf %gather3A_84, %get3A_675 : vector<16xf32>
        %add3A_708 = arith.addf %mul3A_706, %mul3A_707 : vector<16xf32>
        %mul3A_709 = arith.mulf %gather3A_85, %get3A_677 : vector<16xf32>
        %add3A_710 = arith.addf %add3A_708, %mul3A_709 : vector<16xf32>
        %add3A_711 = arith.addf %gather3A_86, %get3A_679 : vector<16xf32>
        %mul3A_712 = arith.constant 2.000000e+00 : f32
        %mul3A_713 = vector.broadcast %mul3A_712 : f32 to vector<16xf32>
        %mul3A_714 = arith.mulf %mul3A_713, %add3A_710 : vector<16xf32>
        %sub3A_715 = arith.subf %add3A_711, %mul3A_714 : vector<16xf32>
        %swap3A_716 = arith.index_cast %mul3A_671 : i32 to index
        %swap3A_717 = tpu.vector_load %arg16[%swap3A_716] {strides = array<i32>} : memref<4096xf32, #tpu.memory_space<vmem>>, vector<16xf32>,
        tpu.vector_store %arg16[%swap3A_716], %sub3A_715 {strides = array<i32>} : memref<4096xf32, #tpu.memory_space<vmem>>, vector<16xf32>,
        %min3A_718 = arith.minimumf %min3A_654, %sub3A_715 : vector<16xf32>
        %mul3A_719 = arith.mulf %gather3A_94, %get3A_673 : vector<16xf32>
        %mul3A_720 = arith.mulf %gather3A_95, %get3A_675 : vector<16xf32>
        %add3A_721 = arith.addf %mul3A_719, %mul3A_720 : vector<16xf32>
        %mul3A_722 = arith.mulf %gather3A_96, %get3A_677 : vector<16xf32>
        %add3A_723 = arith.addf %add3A_721, %mul3A_722 : vector<16xf32>
        %add3A_724 = arith.addf %gather3A_97, %get3A_679 : vector<16xf32>
        %mul3A_725 = arith.constant 2.000000e+00 : f32
        %mul3A_726 = vector.broadcast %mul3A_725 : f32 to vector<16xf32>
        %mul3A_727 = arith.mulf %mul3A_726, %add3A_723 : vector<16xf32>
        %sub3A_728 = arith.subf %add3A_724, %mul3A_727 : vector<16xf32>
        %swap3A_729 = arith.index_cast %mul3A_671 : i32 to index
        %swap3A_730 = tpu.vector_load %arg17[%swap3A_729] {strides = array<i32>} : memref<4096xf32, #tpu.memory_space<vmem>>, vector<16xf32>,
        tpu.vector_store %arg17[%swap3A_729], %sub3A_728 {strides = array<i32>} : memref<4096xf32, #tpu.memory_space<vmem>>, vector<16xf32>,
        %min3A_731 = arith.minimumf %min3A_667, %sub3A_728 : vector<16xf32>
        scf.yield %min3A_692, %min3A_705, %min3A_718, %min3A_731 : vector<16xf32>, vector<16xf32>, vector<16xf32>, vector<16xf32>
      }
      %scan3A_104 = arith.constant 256 : i32
      %reduce_max3A = arith.constant true
      %reduce_max3A_105 = vector.broadcast %reduce_max3A : i1 to vector<16xi1>
      %reduce_max3A_106 = tpu.scan <max>, %scan3A_103#0 masked %reduce_max3A_105 : vector<16xf32>, vector<16xi1> -> vector<16xf32>
      %reduce_max3A_107 = vector.extract %reduce_max3A_106[15] : f32 from vector<16xf32>
      %scan3A_108 = arith.constant 0 : i32
      %scan3A_109 = arith.constant 0 : i32
      %scan3A_110 = arith.constant 256 : i32
      %scan3A_111 = arith.addi %scan3A_109, %scan3A_110 : i32
      %scan3A_112 = arith.constant 8 : i32
      %scan3A_113 = scf.for %scan3A_475 = %scan3A_109 to %scan3A_111 step %scan3A_112 iter_args(%scan3A_476 = %scan3A_108) -> (i32)  : i32 {
        %mul3A_477 = arith.constant 16 : i32
        %mul3A_478 = arith.muli %scan3A_475, %mul3A_477 : i32
        %get3A = arith.index_cast %mul3A_478 : i32 to index
        %get3A_479 = tpu.vector_load %arg14[%get3A] {strides = array<i32>} : memref<4096xf32, #tpu.memory_space<vmem>>, vector<16xf32>,
        %le3A = vector.broadcast %reduce_max3A_107 : f32 to vector<16xf32>
        %le3A_480 = arith.cmpf ole, %get3A_479, %le3A : vector<16xf32>
        %swap3A_481 = arith.index_cast %scan3A_476 : i32 to index
        %swap3A_482 = tpu.vector_load %arg18[%swap3A_481] masked %le3A_480 {strides = array<i32>} : memref<4112xf32, #tpu.memory_space<vmem>>, vector<16xf32>, vector<16xi1>
        tpu.vector_store %arg18[%swap3A_481], %get3A_479 masked %le3A_480 {strides = array<i32>} : memref<4112xf32, #tpu.memory_space<vmem>>, vector<16xf32>, vector<16xi1>
        %add3A_483 = vector.broadcast %mul3A_478 : i32 to vector<16xi32>
        %add3A_484 = arith.addi %add3A_483, %iota3A : vector<16xi32>
        %swap3A_485 = arith.index_cast %scan3A_476 : i32 to index
        %swap3A_486 = tpu.vector_load %arg19[%swap3A_485] masked %le3A_480 {strides = array<i32>} : memref<4112xi32, #tpu.memory_space<vmem>>, vector<16xi32>, vector<16xi1>
        tpu.vector_store %arg19[%swap3A_485], %add3A_484 masked %le3A_480 {strides = array<i32>} : memref<4112xi32, #tpu.memory_space<vmem>>, vector<16xi32>, vector<16xi1>
        %all_reduce_population_count3A = tpu.all_reduce %le3A_480 {dim = 0 : i64, kind = #tpu.reduction_kind<sum>} : vector<16xi1> -> vector<16xi32>
        %slice3A = vector.extract_strided_slice %all_reduce_population_count3A {offsets = [0], sizes = [1], strides = [1]} : vector<16xi32> to vector<1xi32>
        %squeeze3A = vector.extract %slice3A[0] : i32 from vector<1xi32>
        %add3A_487 = arith.addi %scan3A_476, %squeeze3A : i32
        %scan3A_488 = arith.constant 1 : i32
        %scan3A_489 = arith.addi %scan3A_475, %scan3A_488 : i32
        %mul3A_490 = arith.constant 16 : i32
        %mul3A_491 = arith.muli %scan3A_489, %mul3A_490 : i32
        %get3A_492 = arith.index_cast %mul3A_491 : i32 to index
        %get3A_493 = tpu.vector_load %arg14[%get3A_492] {strides = array<i32>} : memref<4096xf32, #tpu.memory_space<vmem>>, vector<16xf32>,
        %le3A_494 = vector.broadcast %reduce_max3A_107 : f32 to vector<16xf32>
        %le3A_495 = arith.cmpf ole, %get3A_493, %le3A_494 : vector<16xf32>
        %swap3A_496 = arith.index_cast %add3A_487 : i32 to index
        %swap3A_497 = tpu.vector_load %arg18[%swap3A_496] masked %le3A_495 {strides = array<i32>} : memref<4112xf32, #tpu.memory_space<vmem>>, vector<16xf32>, vector<16xi1>
        tpu.vector_store %arg18[%swap3A_496], %get3A_493 masked %le3A_495 {strides = array<i32>} : memref<4112xf32, #tpu.memory_space<vmem>>, vector<16xf32>, vector<16xi1>
        %add3A_498 = vector.broadcast %mul3A_491 : i32 to vector<16xi32>
        %add3A_499 = arith.addi %add3A_498, %iota3A : vector<16xi32>
        %swap3A_500 = arith.index_cast %add3A_487 : i32 to index
        %swap3A_501 = tpu.vector_load %arg19[%swap3A_500] masked %le3A_495 {strides = array<i32>} : memref<4112xi32, #tpu.memory_space<vmem>>, vector<16xi32>, vector<16xi1>
        tpu.vector_store %arg19[%swap3A_500], %add3A_499 masked %le3A_495 {strides = array<i32>} : memref<4112xi32, #tpu.memory_space<vmem>>, vector<16xi32>, vector<16xi1>
        %all_reduce_population_count3A_502 = tpu.all_reduce %le3A_495 {dim = 0 : i64, kind = #tpu.reduction_kind<sum>} : vector<16xi1> -> vector<16xi32>
        %slice3A_503 = vector.extract_strided_slice %all_reduce_population_count3A_502 {offsets = [0], sizes = [1], strides = [1]} : vector<16xi32> to vector<1xi32>
        %squeeze3A_504 = vector.extract %slice3A_503[0] : i32 from vector<1xi32>
        %add3A_505 = arith.addi %add3A_487, %squeeze3A_504 : i32
        %scan3A_506 = arith.constant 2 : i32
        %scan3A_507 = arith.addi %scan3A_475, %scan3A_506 : i32
        %mul3A_508 = arith.constant 16 : i32
        %mul3A_509 = arith.muli %scan3A_507, %mul3A_508 : i32
        %get3A_510 = arith.index_cast %mul3A_509 : i32 to index
        %get3A_511 = tpu.vector_load %arg14[%get3A_510] {strides = array<i32>} : memref<4096xf32, #tpu.memory_space<vmem>>, vector<16xf32>,
        %le3A_512 = vector.broadcast %reduce_max3A_107 : f32 to vector<16xf32>
        %le3A_513 = arith.cmpf ole, %get3A_511, %le3A_512 : vector<16xf32>
        %swap3A_514 = arith.index_cast %add3A_505 : i32 to index
        %swap3A_515 = tpu.vector_load %arg18[%swap3A_514] masked %le3A_513 {strides = array<i32>} : memref<4112xf32, #tpu.memory_space<vmem>>, vector<16xf32>, vector<16xi1>
        tpu.vector_store %arg18[%swap3A_514], %get3A_511 masked %le3A_513 {strides = array<i32>} : memref<4112xf32, #tpu.memory_space<vmem>>, vector<16xf32>, vector<16xi1>
        %add3A_516 = vector.broadcast %mul3A_509 : i32 to vector<16xi32>
        %add3A_517 = arith.addi %add3A_516, %iota3A : vector<16xi32>
        %swap3A_518 = arith.index_cast %add3A_505 : i32 to index
        %swap3A_519 = tpu.vector_load %arg19[%swap3A_518] masked %le3A_513 {strides = array<i32>} : memref<4112xi32, #tpu.memory_space<vmem>>, vector<16xi32>, vector<16xi1>
        tpu.vector_store %arg19[%swap3A_518], %add3A_517 masked %le3A_513 {strides = array<i32>} : memref<4112xi32, #tpu.memory_space<vmem>>, vector<16xi32>, vector<16xi1>
        %all_reduce_population_count3A_520 = tpu.all_reduce %le3A_513 {dim = 0 : i64, kind = #tpu.reduction_kind<sum>} : vector<16xi1> -> vector<16xi32>
        %slice3A_521 = vector.extract_strided_slice %all_reduce_population_count3A_520 {offsets = [0], sizes = [1], strides = [1]} : vector<16xi32> to vector<1xi32>
        %squeeze3A_522 = vector.extract %slice3A_521[0] : i32 from vector<1xi32>
        %add3A_523 = arith.addi %add3A_505, %squeeze3A_522 : i32
        %scan3A_524 = arith.constant 3 : i32
        %scan3A_525 = arith.addi %scan3A_475, %scan3A_524 : i32
        %mul3A_526 = arith.constant 16 : i32
        %mul3A_527 = arith.muli %scan3A_525, %mul3A_526 : i32
        %get3A_528 = arith.index_cast %mul3A_527 : i32 to index
        %get3A_529 = tpu.vector_load %arg14[%get3A_528] {strides = array<i32>} : memref<4096xf32, #tpu.memory_space<vmem>>, vector<16xf32>,
        %le3A_530 = vector.broadcast %reduce_max3A_107 : f32 to vector<16xf32>
        %le3A_531 = arith.cmpf ole, %get3A_529, %le3A_530 : vector<16xf32>
        %swap3A_532 = arith.index_cast %add3A_523 : i32 to index
        %swap3A_533 = tpu.vector_load %arg18[%swap3A_532] masked %le3A_531 {strides = array<i32>} : memref<4112xf32, #tpu.memory_space<vmem>>, vector<16xf32>, vector<16xi1>
        tpu.vector_store %arg18[%swap3A_532], %get3A_529 masked %le3A_531 {strides = array<i32>} : memref<4112xf32, #tpu.memory_space<vmem>>, vector<16xf32>, vector<16xi1>
        %add3A_534 = vector.broadcast %mul3A_527 : i32 to vector<16xi32>
        %add3A_535 = arith.addi %add3A_534, %iota3A : vector<16xi32>
        %swap3A_536 = arith.index_cast %add3A_523 : i32 to index
        %swap3A_537 = tpu.vector_load %arg19[%swap3A_536] masked %le3A_531 {strides = array<i32>} : memref<4112xi32, #tpu.memory_space<vmem>>, vector<16xi32>, vector<16xi1>
        tpu.vector_store %arg19[%swap3A_536], %add3A_535 masked %le3A_531 {strides = array<i32>} : memref<4112xi32, #tpu.memory_space<vmem>>, vector<16xi32>, vector<16xi1>
        %all_reduce_population_count3A_538 = tpu.all_reduce %le3A_531 {dim = 0 : i64, kind = #tpu.reduction_kind<sum>} : vector<16xi1> -> vector<16xi32>
        %slice3A_539 = vector.extract_strided_slice %all_reduce_population_count3A_538 {offsets = [0], sizes = [1], strides = [1]} : vector<16xi32> to vector<1xi32>
        %squeeze3A_540 = vector.extract %slice3A_539[0] : i32 from vector<1xi32>
        %add3A_541 = arith.addi %add3A_523, %squeeze3A_540 : i32
        %scan3A_542 = arith.constant 4 : i32
        %scan3A_543 = arith.addi %scan3A_475, %scan3A_542 : i32
        %mul3A_544 = arith.constant 16 : i32
        %mul3A_545 = arith.muli %scan3A_543, %mul3A_544 : i32
        %get3A_546 = arith.index_cast %mul3A_545 : i32 to index
        %get3A_547 = tpu.vector_load %arg14[%get3A_546] {strides = array<i32>} : memref<4096xf32, #tpu.memory_space<vmem>>, vector<16xf32>,
        %le3A_548 = vector.broadcast %reduce_max3A_107 : f32 to vector<16xf32>
        %le3A_549 = arith.cmpf ole, %get3A_547, %le3A_548 : vector<16xf32>
        %swap3A_550 = arith.index_cast %add3A_541 : i32 to index
        %swap3A_551 = tpu.vector_load %arg18[%swap3A_550] masked %le3A_549 {strides = array<i32>} : memref<4112xf32, #tpu.memory_space<vmem>>, vector<16xf32>, vector<16xi1>
        tpu.vector_store %arg18[%swap3A_550], %get3A_547 masked %le3A_549 {strides = array<i32>} : memref<4112xf32, #tpu.memory_space<vmem>>, vector<16xf32>, vector<16xi1>
        %add3A_552 = vector.broadcast %mul3A_545 : i32 to vector<16xi32>
        %add3A_553 = arith.addi %add3A_552, %iota3A : vector<16xi32>
        %swap3A_554 = arith.index_cast %add3A_541 : i32 to index
        %swap3A_555 = tpu.vector_load %arg19[%swap3A_554] masked %le3A_549 {strides = array<i32>} : memref<4112xi32, #tpu.memory_space<vmem>>, vector<16xi32>, vector<16xi1>
        tpu.vector_store %arg19[%swap3A_554], %add3A_553 masked %le3A_549 {strides = array<i32>} : memref<4112xi32, #tpu.memory_space<vmem>>, vector<16xi32>, vector<16xi1>
        %all_reduce_population_count3A_556 = tpu.all_reduce %le3A_549 {dim = 0 : i64, kind = #tpu.reduction_kind<sum>} : vector<16xi1> -> vector<16xi32>
        %slice3A_557 = vector.extract_strided_slice %all_reduce_population_count3A_556 {offsets = [0], sizes = [1], strides = [1]} : vector<16xi32> to vector<1xi32>
        %squeeze3A_558 = vector.extract %slice3A_557[0] : i32 from vector<1xi32>
        %add3A_559 = arith.addi %add3A_541, %squeeze3A_558 : i32
        %scan3A_560 = arith.constant 5 : i32
        %scan3A_561 = arith.addi %scan3A_475, %scan3A_560 : i32
        %mul3A_562 = arith.constant 16 : i32
        %mul3A_563 = arith.muli %scan3A_561, %mul3A_562 : i32
        %get3A_564 = arith.index_cast %mul3A_563 : i32 to index
        %get3A_565 = tpu.vector_load %arg14[%get3A_564] {strides = array<i32>} : memref<4096xf32, #tpu.memory_space<vmem>>, vector<16xf32>,
        %le3A_566 = vector.broadcast %reduce_max3A_107 : f32 to vector<16xf32>
        %le3A_567 = arith.cmpf ole, %get3A_565, %le3A_566 : vector<16xf32>
        %swap3A_568 = arith.index_cast %add3A_559 : i32 to index
        %swap3A_569 = tpu.vector_load %arg18[%swap3A_568] masked %le3A_567 {strides = array<i32>} : memref<4112xf32, #tpu.memory_space<vmem>>, vector<16xf32>, vector<16xi1>
        tpu.vector_store %arg18[%swap3A_568], %get3A_565 masked %le3A_567 {strides = array<i32>} : memref<4112xf32, #tpu.memory_space<vmem>>, vector<16xf32>, vector<16xi1>
        %add3A_570 = vector.broadcast %mul3A_563 : i32 to vector<16xi32>
        %add3A_571 = arith.addi %add3A_570, %iota3A : vector<16xi32>
        %swap3A_572 = arith.index_cast %add3A_559 : i32 to index
        %swap3A_573 = tpu.vector_load %arg19[%swap3A_572] masked %le3A_567 {strides = array<i32>} : memref<4112xi32, #tpu.memory_space<vmem>>, vector<16xi32>, vector<16xi1>
        tpu.vector_store %arg19[%swap3A_572], %add3A_571 masked %le3A_567 {strides = array<i32>} : memref<4112xi32, #tpu.memory_space<vmem>>, vector<16xi32>, vector<16xi1>
        %all_reduce_population_count3A_574 = tpu.all_reduce %le3A_567 {dim = 0 : i64, kind = #tpu.reduction_kind<sum>} : vector<16xi1> -> vector<16xi32>
        %slice3A_575 = vector.extract_strided_slice %all_reduce_population_count3A_574 {offsets = [0], sizes = [1], strides = [1]} : vector<16xi32> to vector<1xi32>
        %squeeze3A_576 = vector.extract %slice3A_575[0] : i32 from vector<1xi32>
        %add3A_577 = arith.addi %add3A_559, %squeeze3A_576 : i32
        %scan3A_578 = arith.constant 6 : i32
        %scan3A_579 = arith.addi %scan3A_475, %scan3A_578 : i32
        %mul3A_580 = arith.constant 16 : i32
        %mul3A_581 = arith.muli %scan3A_579, %mul3A_580 : i32
        %get3A_582 = arith.index_cast %mul3A_581 : i32 to index
        %get3A_583 = tpu.vector_load %arg14[%get3A_582] {strides = array<i32>} : memref<4096xf32, #tpu.memory_space<vmem>>, vector<16xf32>,
        %le3A_584 = vector.broadcast %reduce_max3A_107 : f32 to vector<16xf32>
        %le3A_585 = arith.cmpf ole, %get3A_583, %le3A_584 : vector<16xf32>
        %swap3A_586 = arith.index_cast %add3A_577 : i32 to index
        %swap3A_587 = tpu.vector_load %arg18[%swap3A_586] masked %le3A_585 {strides = array<i32>} : memref<4112xf32, #tpu.memory_space<vmem>>, vector<16xf32>, vector<16xi1>
        tpu.vector_store %arg18[%swap3A_586], %get3A_583 masked %le3A_585 {strides = array<i32>} : memref<4112xf32, #tpu.memory_space<vmem>>, vector<16xf32>, vector<16xi1>
        %add3A_588 = vector.broadcast %mul3A_581 : i32 to vector<16xi32>
        %add3A_589 = arith.addi %add3A_588, %iota3A : vector<16xi32>
        %swap3A_590 = arith.index_cast %add3A_577 : i32 to index
        %swap3A_591 = tpu.vector_load %arg19[%swap3A_590] masked %le3A_585 {strides = array<i32>} : memref<4112xi32, #tpu.memory_space<vmem>>, vector<16xi32>, vector<16xi1>
        tpu.vector_store %arg19[%swap3A_590], %add3A_589 masked %le3A_585 {strides = array<i32>} : memref<4112xi32, #tpu.memory_space<vmem>>, vector<16xi32>, vector<16xi1>
        %all_reduce_population_count3A_592 = tpu.all_reduce %le3A_585 {dim = 0 : i64, kind = #tpu.reduction_kind<sum>} : vector<16xi1> -> vector<16xi32>
        %slice3A_593 = vector.extract_strided_slice %all_reduce_population_count3A_592 {offsets = [0], sizes = [1], strides = [1]} : vector<16xi32> to vector<1xi32>
        %squeeze3A_594 = vector.extract %slice3A_593[0] : i32 from vector<1xi32>
        %add3A_595 = arith.addi %add3A_577, %squeeze3A_594 : i32
        %scan3A_596 = arith.constant 7 : i32
        %scan3A_597 = arith.addi %scan3A_475, %scan3A_596 : i32
        %mul3A_598 = arith.constant 16 : i32
        %mul3A_599 = arith.muli %scan3A_597, %mul3A_598 : i32
        %get3A_600 = arith.index_cast %mul3A_599 : i32 to index
        %get3A_601 = tpu.vector_load %arg14[%get3A_600] {strides = array<i32>} : memref<4096xf32, #tpu.memory_space<vmem>>, vector<16xf32>,
        %le3A_602 = vector.broadcast %reduce_max3A_107 : f32 to vector<16xf32>
        %le3A_603 = arith.cmpf ole, %get3A_601, %le3A_602 : vector<16xf32>
        %swap3A_604 = arith.index_cast %add3A_595 : i32 to index
        %swap3A_605 = tpu.vector_load %arg18[%swap3A_604] masked %le3A_603 {strides = array<i32>} : memref<4112xf32, #tpu.memory_space<vmem>>, vector<16xf32>, vector<16xi1>
        tpu.vector_store %arg18[%swap3A_604], %get3A_601 masked %le3A_603 {strides = array<i32>} : memref<4112xf32, #tpu.memory_space<vmem>>, vector<16xf32>, vector<16xi1>
        %add3A_606 = vector.broadcast %mul3A_599 : i32 to vector<16xi32>
        %add3A_607 = arith.addi %add3A_606, %iota3A : vector<16xi32>
        %swap3A_608 = arith.index_cast %add3A_595 : i32 to index
        %swap3A_609 = tpu.vector_load %arg19[%swap3A_608] masked %le3A_603 {strides = array<i32>} : memref<4112xi32, #tpu.memory_space<vmem>>, vector<16xi32>, vector<16xi1>
        tpu.vector_store %arg19[%swap3A_608], %add3A_607 masked %le3A_603 {strides = array<i32>} : memref<4112xi32, #tpu.memory_space<vmem>>, vector<16xi32>, vector<16xi1>
        %all_reduce_population_count3A_610 = tpu.all_reduce %le3A_603 {dim = 0 : i64, kind = #tpu.reduction_kind<sum>} : vector<16xi1> -> vector<16xi32>
        %slice3A_611 = vector.extract_strided_slice %all_reduce_population_count3A_610 {offsets = [0], sizes = [1], strides = [1]} : vector<16xi32> to vector<1xi32>
        %squeeze3A_612 = vector.extract %slice3A_611[0] : i32 from vector<1xi32>
        %add3A_613 = arith.addi %add3A_595, %squeeze3A_612 : i32
        scf.yield %add3A_613 : i32
      }
      %scan3A_114 = arith.constant 256 : i32
      %swap3A = arith.index_cast %scan3A_113 : i32 to index
      %swap3A_115 = tpu.vector_load %arg18[%swap3A] {strides = array<i32>} : memref<4112xf32, #tpu.memory_space<vmem>>, vector<16xf32>,
      tpu.vector_store %arg18[%swap3A], %broadcast_in_dim3A_98 {strides = array<i32>} : memref<4112xf32, #tpu.memory_space<vmem>>, vector<16xf32>,
      %broadcast_in_dim3A_116 = arith.constant 0 : i32
      %broadcast_in_dim3A_117 = vector.broadcast %broadcast_in_dim3A_116 : i32 to vector<16xi32>
      %swap3A_118 = arith.index_cast %scan3A_113 : i32 to index
      %swap3A_119 = tpu.vector_load %arg19[%swap3A_118] {strides = array<i32>} : memref<4112xi32, #tpu.memory_space<vmem>>, vector<16xi32>,
      tpu.vector_store %arg19[%swap3A_118], %broadcast_in_dim3A_117 {strides = array<i32>} : memref<4112xi32, #tpu.memory_space<vmem>>, vector<16xi32>,
      %broadcast_in_dim3A_120 = arith.constant 0 : i32
      %broadcast_in_dim3A_121 = vector.broadcast %broadcast_in_dim3A_120 : i32 to vector<16xi32>
      %add3A_122 = arith.constant 15 : i32
      %add3A_123 = arith.addi %scan3A_113, %add3A_122 : i32
      %jit3A_124 = arith.constant 16 : i32
      %div3A_125 = arith.divsi %add3A_123, %jit3A_124 : i32
      %sign3A_126 = arith.constant 0 : i32
      %sign3A_127 = arith.cmpi sgt, %add3A_123, %sign3A_126 : i32
      %sign3A_128 = arith.extui %sign3A_127 : i1 to i32
      %sign3A_129 = arith.constant 0 : i32
      %sign3A_130 = arith.cmpi slt, %add3A_123, %sign3A_129 : i32
      %sign3A_131 = arith.extui %sign3A_130 : i1 to i32
      %sign3A_132 = arith.subi %sign3A_128, %sign3A_131 : i32
      %sign3A_133 = arith.constant 0 : i32
      %sign3A_134 = arith.cmpi sgt, %jit3A_124, %sign3A_133 : i32
      %sign3A_135 = arith.extui %sign3A_134 : i1 to i32
      %sign3A_136 = arith.constant 0 : i32
      %sign3A_137 = arith.cmpi slt, %jit3A_124, %sign3A_136 : i32
      %sign3A_138 = arith.extui %sign3A_137 : i1 to i32
      %sign3A_139 = arith.subi %sign3A_135, %sign3A_138 : i32
      %ne3A_140 = arith.cmpi ne, %sign3A_132, %sign3A_139 : i32
      %rem3A_141 = arith.remsi %add3A_123, %jit3A_124 : i32
      %ne3A_142 = arith.constant 0 : i32
      %ne3A_143 = arith.cmpi ne, %rem3A_141, %ne3A_142 : i32
      %and3A_144 = arith.andi %ne3A_140, %ne3A_143 : i1
      %sub3A_145 = arith.constant 1 : i32
      %sub3A_146 = arith.subi %div3A_125, %sub3A_145 : i32
      %select_n3A_147 = arith.select %and3A_144, %sub3A_146, %div3A_125 : i32
      %while3A = arith.constant 0 : i32
      %while3A_148 = arith.subi %select_n3A_147, %while3A : i32
      %while3A_149 = arith.addi %while3A, %while3A_148 : i32
      %while3A_150 = arith.constant 1 : i32
      %while3A_151 = arith.divsi %while3A_148, %while3A_150 : i32
      %while3A_152 = arith.muli %while3A_151, %while3A_150 : i32
      %while3A_153 = arith.addi %while3A, %while3A_152 : i32
      %while3A_154 = arith.constant 1 : i32
      %while3A_155:2 = scf.for %while3A_475 = %while3A to %while3A_153 step %while3A_154 iter_args(%while3A_476 = %broadcast_in_dim3A_98, %while3A_477 = %broadcast_in_dim3A_121) -> (vector<16xf32>, vector<16xi32>)  : i32 {
        %mul3A_478 = arith.constant 16 : i32
        %mul3A_479 = arith.muli %while3A_475, %mul3A_478 : i32
        %get3A = arith.index_cast %mul3A_479 : i32 to index
        %get3A_480 = tpu.vector_load %arg18[%get3A] {strides = array<i32>} : memref<4112xf32, #tpu.memory_space<vmem>>, vector<16xf32>,
        %get3A_481 = arith.index_cast %mul3A_479 : i32 to index
        %get3A_482 = tpu.vector_load %arg19[%get3A_481] {strides = array<i32>} : memref<4112xi32, #tpu.memory_space<vmem>>, vector<16xi32>,
        %masked_sort3A = arith.constant dense<true> : vector<16xi1>
        %masked_sort3A_483, %masked_sort3A_484, %masked_sort3A_485 = tpu.sort %get3A_480, %get3A_482 masked %masked_sort3A {descending = true} : (vector<16xf32>, vector<16xi32>, vector<16xi1>) -> (vector<16xi1>, vector<16xf32>, vector<16xi32>)
        %lt3A_486 = arith.cmpf olt, %masked_sort3A_484, %while3A_476 : vector<16xf32>
        %select_n3A_487 = arith.select %lt3A_486, %masked_sort3A_484, %while3A_476 : vector<16xi1>, vector<16xf32>
        %select_n3A_488 = arith.select %lt3A_486, %masked_sort3A_485, %while3A_477 : vector<16xi1>, vector<16xi32>
        %masked_sort3A_489 = arith.constant dense<true> : vector<16xi1>
        %masked_sort3A_490, %masked_sort3A_491, %masked_sort3A_492 = tpu.sort %select_n3A_487, %select_n3A_488 masked %masked_sort3A_489 : (vector<16xf32>, vector<16xi32>, vector<16xi1>) -> (vector<16xi1>, vector<16xf32>, vector<16xi32>)
        scf.yield %masked_sort3A_491, %masked_sort3A_492 : vector<16xf32>, vector<16xi32>
      }
      %while3A_156 = arith.constant 1 : i32
      %while3A_157:2 = scf.for %while3A_475 = %while3A_153 to %while3A_149 step %while3A_156 iter_args(%while3A_476 = %while3A_155#0, %while3A_477 = %while3A_155#1) -> (vector<16xf32>, vector<16xi32>)  : i32 {
        %mul3A_478 = arith.constant 16 : i32
        %mul3A_479 = arith.muli %while3A_475, %mul3A_478 : i32
        %get3A = arith.index_cast %mul3A_479 : i32 to index
        %get3A_480 = tpu.vector_load %arg18[%get3A] {strides = array<i32>} : memref<4112xf32, #tpu.memory_space<vmem>>, vector<16xf32>,
        %get3A_481 = arith.index_cast %mul3A_479 : i32 to index
        %get3A_482 = tpu.vector_load %arg19[%get3A_481] {strides = array<i32>} : memref<4112xi32, #tpu.memory_space<vmem>>, vector<16xi32>,
        %masked_sort3A = arith.constant dense<true> : vector<16xi1>
        %masked_sort3A_483, %masked_sort3A_484, %masked_sort3A_485 = tpu.sort %get3A_480, %get3A_482 masked %masked_sort3A {descending = true} : (vector<16xf32>, vector<16xi32>, vector<16xi1>) -> (vector<16xi1>, vector<16xf32>, vector<16xi32>)
        %lt3A_486 = arith.cmpf olt, %masked_sort3A_484, %while3A_476 : vector<16xf32>
        %select_n3A_487 = arith.select %lt3A_486, %masked_sort3A_484, %while3A_476 : vector<16xi1>, vector<16xf32>
        %select_n3A_488 = arith.select %lt3A_486, %masked_sort3A_485, %while3A_477 : vector<16xi1>, vector<16xi32>
        %masked_sort3A_489 = arith.constant dense<true> : vector<16xi1>
        %masked_sort3A_490, %masked_sort3A_491, %masked_sort3A_492 = tpu.sort %select_n3A_487, %select_n3A_488 masked %masked_sort3A_489 : (vector<16xf32>, vector<16xi32>, vector<16xi1>) -> (vector<16xi1>, vector<16xf32>, vector<16xi32>)
        scf.yield %masked_sort3A_491, %masked_sort3A_492 : vector<16xf32>, vector<16xi32>
      }
      %gather3A_158 = tpu.vector_load_idx %arg7[%while3A_157#1] : memref<4096xf32, #tpu.memory_space<vmem>>[vector<16xi32>], vector<16xf32>,
      %gather3A_159 = tpu.vector_load_idx %arg8[%while3A_157#1] : memref<4096xf32, #tpu.memory_space<vmem>>[vector<16xi32>], vector<16xf32>,
      %gather3A_160 = tpu.vector_load_idx %arg9[%while3A_157#1] : memref<4096xf32, #tpu.memory_space<vmem>>[vector<16xi32>], vector<16xf32>,
      %sub3A_161 = arith.subf %gather3A, %gather3A_158 : vector<16xf32>
      %sub3A_162 = arith.subf %gather3A_59, %gather3A_159 : vector<16xf32>
      %sub3A_163 = arith.subf %gather3A_60, %gather3A_160 : vector<16xf32>
      %mul3A_164 = arith.mulf %sub3A_161, %sub3A_161 : vector<16xf32>
      %mul3A_165 = arith.mulf %sub3A_162, %sub3A_162 : vector<16xf32>
      %add3A_166 = arith.addf %mul3A_164, %mul3A_165 : vector<16xf32>
      %mul3A_167 = arith.mulf %sub3A_163, %sub3A_163 : vector<16xf32>
      %add3A_168 = arith.addf %add3A_166, %mul3A_167 : vector<16xf32>
      %add3A_169 = arith.constant 0 : i32
      %add3A_170 = arith.addi %mul3A_55, %add3A_169 : i32
      %swap3A_171 = arith.index_cast %add3A_170 : i32 to index
      %swap3A_172 = arith.constant 0 : index
      %swap3A_173 = tpu.vector_load %arg20[%swap3A_171, %swap3A_172] {strides = array<i32>} : memref<512x16xf32, #tpu.memory_space<vmem>>, vector<16xf32>,
      tpu.vector_store %arg20[%swap3A_171, %swap3A_172], %gather3A {strides = array<i32>} : memref<512x16xf32, #tpu.memory_space<vmem>>, vector<16xf32>,
      %swap3A_174 = arith.index_cast %add3A_170 : i32 to index
      %swap3A_175 = arith.constant 0 : index
      %swap3A_176 = tpu.vector_load %arg21[%swap3A_174, %swap3A_175] {strides = array<i32>} : memref<512x16xf32, #tpu.memory_space<vmem>>, vector<16xf32>,
      tpu.vector_store %arg21[%swap3A_174, %swap3A_175], %gather3A_59 {strides = array<i32>} : memref<512x16xf32, #tpu.memory_space<vmem>>, vector<16xf32>,
      %swap3A_177 = arith.index_cast %add3A_170 : i32 to index
      %swap3A_178 = arith.constant 0 : index
      %swap3A_179 = tpu.vector_load %arg22[%swap3A_177, %swap3A_178] {strides = array<i32>} : memref<512x16xf32, #tpu.memory_space<vmem>>, vector<16xf32>,
      tpu.vector_store %arg22[%swap3A_177, %swap3A_178], %gather3A_60 {strides = array<i32>} : memref<512x16xf32, #tpu.memory_space<vmem>>, vector<16xf32>,
      %swap3A_180 = arith.index_cast %add3A_170 : i32 to index
      %swap3A_181 = arith.constant 0 : index
      %swap3A_182 = tpu.vector_load %arg23[%swap3A_180, %swap3A_181] {strides = array<i32>} : memref<512x16xf32, #tpu.memory_space<vmem>>, vector<16xf32>,
      tpu.vector_store %arg23[%swap3A_180, %swap3A_181], %gather3A_158 {strides = array<i32>} : memref<512x16xf32, #tpu.memory_space<vmem>>, vector<16xf32>,
      %swap3A_183 = arith.index_cast %add3A_170 : i32 to index
      %swap3A_184 = arith.constant 0 : index
      %swap3A_185 = tpu.vector_load %arg24[%swap3A_183, %swap3A_184] {strides = array<i32>} : memref<512x16xf32, #tpu.memory_space<vmem>>, vector<16xf32>,
      tpu.vector_store %arg24[%swap3A_183, %swap3A_184], %gather3A_159 {strides = array<i32>} : memref<512x16xf32, #tpu.memory_space<vmem>>, vector<16xf32>,
      %swap3A_186 = arith.index_cast %add3A_170 : i32 to index
      %swap3A_187 = arith.constant 0 : index
      %swap3A_188 = tpu.vector_load %arg25[%swap3A_186, %swap3A_187] {strides = array<i32>} : memref<512x16xf32, #tpu.memory_space<vmem>>, vector<16xf32>,
      tpu.vector_store %arg25[%swap3A_186, %swap3A_187], %gather3A_160 {strides = array<i32>} : memref<512x16xf32, #tpu.memory_space<vmem>>, vector<16xf32>,
      %swap3A_189 = arith.index_cast %add3A_170 : i32 to index
      %swap3A_190 = arith.constant 0 : index
      %swap3A_191 = tpu.vector_load %arg26[%swap3A_189, %swap3A_190] {strides = array<i32>} : memref<512x16xf32, #tpu.memory_space<vmem>>, vector<16xf32>,
      tpu.vector_store %arg26[%swap3A_189, %swap3A_190], %add3A_168 {strides = array<i32>} : memref<512x16xf32, #tpu.memory_space<vmem>>, vector<16xf32>,
      %swap3A_192 = arith.index_cast %add3A_170 : i32 to index
      %swap3A_193 = arith.constant 0 : index
      %swap3A_194 = tpu.vector_load %arg27[%swap3A_192, %swap3A_193] {strides = array<i32>} : memref<512x16xi32, #tpu.memory_space<vmem>>, vector<16xi32>,
      tpu.vector_store %arg27[%swap3A_192, %swap3A_193], %while3A_157#1 {strides = array<i32>} : memref<512x16xi32, #tpu.memory_space<vmem>>, vector<16xi32>,
      %reduce_max3A_195 = arith.constant true
      %reduce_max3A_196 = vector.broadcast %reduce_max3A_195 : i1 to vector<16xi1>
      %reduce_max3A_197 = tpu.scan <max>, %scan3A_103#1 masked %reduce_max3A_196 : vector<16xf32>, vector<16xi1> -> vector<16xf32>
      %reduce_max3A_198 = vector.extract %reduce_max3A_197[15] : f32 from vector<16xf32>
      %scan3A_199 = arith.constant 0 : i32
      %scan3A_200 = arith.constant 0 : i32
      %scan3A_201 = arith.constant 256 : i32
      %scan3A_202 = arith.addi %scan3A_200, %scan3A_201 : i32
      %scan3A_203 = arith.constant 8 : i32
      %scan3A_204 = scf.for %scan3A_475 = %scan3A_200 to %scan3A_202 step %scan3A_203 iter_args(%scan3A_476 = %scan3A_199) -> (i32)  : i32 {
        %mul3A_477 = arith.constant 16 : i32
        %mul3A_478 = arith.muli %scan3A_475, %mul3A_477 : i32
        %get3A = arith.index_cast %mul3A_478 : i32 to index
        %get3A_479 = tpu.vector_load %arg15[%get3A] {strides = array<i32>} : memref<4096xf32, #tpu.memory_space<vmem>>, vector<16xf32>,
        %le3A = vector.broadcast %reduce_max3A_198 : f32 to vector<16xf32>
        %le3A_480 = arith.cmpf ole, %get3A_479, %le3A : vector<16xf32>
        %swap3A_481 = arith.index_cast %scan3A_476 : i32 to index
        %swap3A_482 = tpu.vector_load %arg18[%swap3A_481] masked %le3A_480 {strides = array<i32>} : memref<4112xf32, #tpu.memory_space<vmem>>, vector<16xf32>, vector<16xi1>
        tpu.vector_store %arg18[%swap3A_481], %get3A_479 masked %le3A_480 {strides = array<i32>} : memref<4112xf32, #tpu.memory_space<vmem>>, vector<16xf32>, vector<16xi1>
        %add3A_483 = vector.broadcast %mul3A_478 : i32 to vector<16xi32>
        %add3A_484 = arith.addi %add3A_483, %iota3A : vector<16xi32>
        %swap3A_485 = arith.index_cast %scan3A_476 : i32 to index
        %swap3A_486 = tpu.vector_load %arg19[%swap3A_485] masked %le3A_480 {strides = array<i32>} : memref<4112xi32, #tpu.memory_space<vmem>>, vector<16xi32>, vector<16xi1>
        tpu.vector_store %arg19[%swap3A_485], %add3A_484 masked %le3A_480 {strides = array<i32>} : memref<4112xi32, #tpu.memory_space<vmem>>, vector<16xi32>, vector<16xi1>
        %all_reduce_population_count3A = tpu.all_reduce %le3A_480 {dim = 0 : i64, kind = #tpu.reduction_kind<sum>} : vector<16xi1> -> vector<16xi32>
        %slice3A = vector.extract_strided_slice %all_reduce_population_count3A {offsets = [0], sizes = [1], strides = [1]} : vector<16xi32> to vector<1xi32>
        %squeeze3A = vector.extract %slice3A[0] : i32 from vector<1xi32>
        %add3A_487 = arith.addi %scan3A_476, %squeeze3A : i32
        %scan3A_488 = arith.constant 1 : i32
        %scan3A_489 = arith.addi %scan3A_475, %scan3A_488 : i32
        %mul3A_490 = arith.constant 16 : i32
        %mul3A_491 = arith.muli %scan3A_489, %mul3A_490 : i32
        %get3A_492 = arith.index_cast %mul3A_491 : i32 to index
        %get3A_493 = tpu.vector_load %arg15[%get3A_492] {strides = array<i32>} : memref<4096xf32, #tpu.memory_space<vmem>>, vector<16xf32>,
        %le3A_494 = vector.broadcast %reduce_max3A_198 : f32 to vector<16xf32>
        %le3A_495 = arith.cmpf ole, %get3A_493, %le3A_494 : vector<16xf32>
        %swap3A_496 = arith.index_cast %add3A_487 : i32 to index
        %swap3A_497 = tpu.vector_load %arg18[%swap3A_496] masked %le3A_495 {strides = array<i32>} : memref<4112xf32, #tpu.memory_space<vmem>>, vector<16xf32>, vector<16xi1>
        tpu.vector_store %arg18[%swap3A_496], %get3A_493 masked %le3A_495 {strides = array<i32>} : memref<4112xf32, #tpu.memory_space<vmem>>, vector<16xf32>, vector<16xi1>
        %add3A_498 = vector.broadcast %mul3A_491 : i32 to vector<16xi32>
        %add3A_499 = arith.addi %add3A_498, %iota3A : vector<16xi32>
        %swap3A_500 = arith.index_cast %add3A_487 : i32 to index
        %swap3A_501 = tpu.vector_load %arg19[%swap3A_500] masked %le3A_495 {strides = array<i32>} : memref<4112xi32, #tpu.memory_space<vmem>>, vector<16xi32>, vector<16xi1>
        tpu.vector_store %arg19[%swap3A_500], %add3A_499 masked %le3A_495 {strides = array<i32>} : memref<4112xi32, #tpu.memory_space<vmem>>, vector<16xi32>, vector<16xi1>
        %all_reduce_population_count3A_502 = tpu.all_reduce %le3A_495 {dim = 0 : i64, kind = #tpu.reduction_kind<sum>} : vector<16xi1> -> vector<16xi32>
        %slice3A_503 = vector.extract_strided_slice %all_reduce_population_count3A_502 {offsets = [0], sizes = [1], strides = [1]} : vector<16xi32> to vector<1xi32>
        %squeeze3A_504 = vector.extract %slice3A_503[0] : i32 from vector<1xi32>
        %add3A_505 = arith.addi %add3A_487, %squeeze3A_504 : i32
        %scan3A_506 = arith.constant 2 : i32
        %scan3A_507 = arith.addi %scan3A_475, %scan3A_506 : i32
        %mul3A_508 = arith.constant 16 : i32
        %mul3A_509 = arith.muli %scan3A_507, %mul3A_508 : i32
        %get3A_510 = arith.index_cast %mul3A_509 : i32 to index
        %get3A_511 = tpu.vector_load %arg15[%get3A_510] {strides = array<i32>} : memref<4096xf32, #tpu.memory_space<vmem>>, vector<16xf32>,
        %le3A_512 = vector.broadcast %reduce_max3A_198 : f32 to vector<16xf32>
        %le3A_513 = arith.cmpf ole, %get3A_511, %le3A_512 : vector<16xf32>
        %swap3A_514 = arith.index_cast %add3A_505 : i32 to index
        %swap3A_515 = tpu.vector_load %arg18[%swap3A_514] masked %le3A_513 {strides = array<i32>} : memref<4112xf32, #tpu.memory_space<vmem>>, vector<16xf32>, vector<16xi1>
        tpu.vector_store %arg18[%swap3A_514], %get3A_511 masked %le3A_513 {strides = array<i32>} : memref<4112xf32, #tpu.memory_space<vmem>>, vector<16xf32>, vector<16xi1>
        %add3A_516 = vector.broadcast %mul3A_509 : i32 to vector<16xi32>
        %add3A_517 = arith.addi %add3A_516, %iota3A : vector<16xi32>
        %swap3A_518 = arith.index_cast %add3A_505 : i32 to index
        %swap3A_519 = tpu.vector_load %arg19[%swap3A_518] masked %le3A_513 {strides = array<i32>} : memref<4112xi32, #tpu.memory_space<vmem>>, vector<16xi32>, vector<16xi1>
        tpu.vector_store %arg19[%swap3A_518], %add3A_517 masked %le3A_513 {strides = array<i32>} : memref<4112xi32, #tpu.memory_space<vmem>>, vector<16xi32>, vector<16xi1>
        %all_reduce_population_count3A_520 = tpu.all_reduce %le3A_513 {dim = 0 : i64, kind = #tpu.reduction_kind<sum>} : vector<16xi1> -> vector<16xi32>
        %slice3A_521 = vector.extract_strided_slice %all_reduce_population_count3A_520 {offsets = [0], sizes = [1], strides = [1]} : vector<16xi32> to vector<1xi32>
        %squeeze3A_522 = vector.extract %slice3A_521[0] : i32 from vector<1xi32>
        %add3A_523 = arith.addi %add3A_505, %squeeze3A_522 : i32
        %scan3A_524 = arith.constant 3 : i32
        %scan3A_525 = arith.addi %scan3A_475, %scan3A_524 : i32
        %mul3A_526 = arith.constant 16 : i32
        %mul3A_527 = arith.muli %scan3A_525, %mul3A_526 : i32
        %get3A_528 = arith.index_cast %mul3A_527 : i32 to index
        %get3A_529 = tpu.vector_load %arg15[%get3A_528] {strides = array<i32>} : memref<4096xf32, #tpu.memory_space<vmem>>, vector<16xf32>,
        %le3A_530 = vector.broadcast %reduce_max3A_198 : f32 to vector<16xf32>
        %le3A_531 = arith.cmpf ole, %get3A_529, %le3A_530 : vector<16xf32>
        %swap3A_532 = arith.index_cast %add3A_523 : i32 to index
        %swap3A_533 = tpu.vector_load %arg18[%swap3A_532] masked %le3A_531 {strides = array<i32>} : memref<4112xf32, #tpu.memory_space<vmem>>, vector<16xf32>, vector<16xi1>
        tpu.vector_store %arg18[%swap3A_532], %get3A_529 masked %le3A_531 {strides = array<i32>} : memref<4112xf32, #tpu.memory_space<vmem>>, vector<16xf32>, vector<16xi1>
        %add3A_534 = vector.broadcast %mul3A_527 : i32 to vector<16xi32>
        %add3A_535 = arith.addi %add3A_534, %iota3A : vector<16xi32>
        %swap3A_536 = arith.index_cast %add3A_523 : i32 to index
        %swap3A_537 = tpu.vector_load %arg19[%swap3A_536] masked %le3A_531 {strides = array<i32>} : memref<4112xi32, #tpu.memory_space<vmem>>, vector<16xi32>, vector<16xi1>
        tpu.vector_store %arg19[%swap3A_536], %add3A_535 masked %le3A_531 {strides = array<i32>} : memref<4112xi32, #tpu.memory_space<vmem>>, vector<16xi32>, vector<16xi1>
        %all_reduce_population_count3A_538 = tpu.all_reduce %le3A_531 {dim = 0 : i64, kind = #tpu.reduction_kind<sum>} : vector<16xi1> -> vector<16xi32>
        %slice3A_539 = vector.extract_strided_slice %all_reduce_population_count3A_538 {offsets = [0], sizes = [1], strides = [1]} : vector<16xi32> to vector<1xi32>
        %squeeze3A_540 = vector.extract %slice3A_539[0] : i32 from vector<1xi32>
        %add3A_541 = arith.addi %add3A_523, %squeeze3A_540 : i32
        %scan3A_542 = arith.constant 4 : i32
        %scan3A_543 = arith.addi %scan3A_475, %scan3A_542 : i32
        %mul3A_544 = arith.constant 16 : i32
        %mul3A_545 = arith.muli %scan3A_543, %mul3A_544 : i32
        %get3A_546 = arith.index_cast %mul3A_545 : i32 to index
        %get3A_547 = tpu.vector_load %arg15[%get3A_546] {strides = array<i32>} : memref<4096xf32, #tpu.memory_space<vmem>>, vector<16xf32>,
        %le3A_548 = vector.broadcast %reduce_max3A_198 : f32 to vector<16xf32>
        %le3A_549 = arith.cmpf ole, %get3A_547, %le3A_548 : vector<16xf32>
        %swap3A_550 = arith.index_cast %add3A_541 : i32 to index
        %swap3A_551 = tpu.vector_load %arg18[%swap3A_550] masked %le3A_549 {strides = array<i32>} : memref<4112xf32, #tpu.memory_space<vmem>>, vector<16xf32>, vector<16xi1>
        tpu.vector_store %arg18[%swap3A_550], %get3A_547 masked %le3A_549 {strides = array<i32>} : memref<4112xf32, #tpu.memory_space<vmem>>, vector<16xf32>, vector<16xi1>
        %add3A_552 = vector.broadcast %mul3A_545 : i32 to vector<16xi32>
        %add3A_553 = arith.addi %add3A_552, %iota3A : vector<16xi32>
        %swap3A_554 = arith.index_cast %add3A_541 : i32 to index
        %swap3A_555 = tpu.vector_load %arg19[%swap3A_554] masked %le3A_549 {strides = array<i32>} : memref<4112xi32, #tpu.memory_space<vmem>>, vector<16xi32>, vector<16xi1>
        tpu.vector_store %arg19[%swap3A_554], %add3A_553 masked %le3A_549 {strides = array<i32>} : memref<4112xi32, #tpu.memory_space<vmem>>, vector<16xi32>, vector<16xi1>
        %all_reduce_population_count3A_556 = tpu.all_reduce %le3A_549 {dim = 0 : i64, kind = #tpu.reduction_kind<sum>} : vector<16xi1> -> vector<16xi32>
        %slice3A_557 = vector.extract_strided_slice %all_reduce_population_count3A_556 {offsets = [0], sizes = [1], strides = [1]} : vector<16xi32> to vector<1xi32>
        %squeeze3A_558 = vector.extract %slice3A_557[0] : i32 from vector<1xi32>
        %add3A_559 = arith.addi %add3A_541, %squeeze3A_558 : i32
        %scan3A_560 = arith.constant 5 : i32
        %scan3A_561 = arith.addi %scan3A_475, %scan3A_560 : i32
        %mul3A_562 = arith.constant 16 : i32
        %mul3A_563 = arith.muli %scan3A_561, %mul3A_562 : i32
        %get3A_564 = arith.index_cast %mul3A_563 : i32 to index
        %get3A_565 = tpu.vector_load %arg15[%get3A_564] {strides = array<i32>} : memref<4096xf32, #tpu.memory_space<vmem>>, vector<16xf32>,
        %le3A_566 = vector.broadcast %reduce_max3A_198 : f32 to vector<16xf32>
        %le3A_567 = arith.cmpf ole, %get3A_565, %le3A_566 : vector<16xf32>
        %swap3A_568 = arith.index_cast %add3A_559 : i32 to index
        %swap3A_569 = tpu.vector_load %arg18[%swap3A_568] masked %le3A_567 {strides = array<i32>} : memref<4112xf32, #tpu.memory_space<vmem>>, vector<16xf32>, vector<16xi1>
        tpu.vector_store %arg18[%swap3A_568], %get3A_565 masked %le3A_567 {strides = array<i32>} : memref<4112xf32, #tpu.memory_space<vmem>>, vector<16xf32>, vector<16xi1>
        %add3A_570 = vector.broadcast %mul3A_563 : i32 to vector<16xi32>
        %add3A_571 = arith.addi %add3A_570, %iota3A : vector<16xi32>
        %swap3A_572 = arith.index_cast %add3A_559 : i32 to index
        %swap3A_573 = tpu.vector_load %arg19[%swap3A_572] masked %le3A_567 {strides = array<i32>} : memref<4112xi32, #tpu.memory_space<vmem>>, vector<16xi32>, vector<16xi1>
        tpu.vector_store %arg19[%swap3A_572], %add3A_571 masked %le3A_567 {strides = array<i32>} : memref<4112xi32, #tpu.memory_space<vmem>>, vector<16xi32>, vector<16xi1>
        %all_reduce_population_count3A_574 = tpu.all_reduce %le3A_567 {dim = 0 : i64, kind = #tpu.reduction_kind<sum>} : vector<16xi1> -> vector<16xi32>
        %slice3A_575 = vector.extract_strided_slice %all_reduce_population_count3A_574 {offsets = [0], sizes = [1], strides = [1]} : vector<16xi32> to vector<1xi32>
        %squeeze3A_576 = vector.extract %slice3A_575[0] : i32 from vector<1xi32>
        %add3A_577 = arith.addi %add3A_559, %squeeze3A_576 : i32
        %scan3A_578 = arith.constant 6 : i32
        %scan3A_579 = arith.addi %scan3A_475, %scan3A_578 : i32
        %mul3A_580 = arith.constant 16 : i32
        %mul3A_581 = arith.muli %scan3A_579, %mul3A_580 : i32
        %get3A_582 = arith.index_cast %mul3A_581 : i32 to index
        %get3A_583 = tpu.vector_load %arg15[%get3A_582] {strides = array<i32>} : memref<4096xf32, #tpu.memory_space<vmem>>, vector<16xf32>,
        %le3A_584 = vector.broadcast %reduce_max3A_198 : f32 to vector<16xf32>
        %le3A_585 = arith.cmpf ole, %get3A_583, %le3A_584 : vector<16xf32>
        %swap3A_586 = arith.index_cast %add3A_577 : i32 to index
        %swap3A_587 = tpu.vector_load %arg18[%swap3A_586] masked %le3A_585 {strides = array<i32>} : memref<4112xf32, #tpu.memory_space<vmem>>, vector<16xf32>, vector<16xi1>
        tpu.vector_store %arg18[%swap3A_586], %get3A_583 masked %le3A_585 {strides = array<i32>} : memref<4112xf32, #tpu.memory_space<vmem>>, vector<16xf32>, vector<16xi1>
        %add3A_588 = vector.broadcast %mul3A_581 : i32 to vector<16xi32>
        %add3A_589 = arith.addi %add3A_588, %iota3A : vector<16xi32>
        %swap3A_590 = arith.index_cast %add3A_577 : i32 to index
        %swap3A_591 = tpu.vector_load %arg19[%swap3A_590] masked %le3A_585 {strides = array<i32>} : memref<4112xi32, #tpu.memory_space<vmem>>, vector<16xi32>, vector<16xi1>
        tpu.vector_store %arg19[%swap3A_590], %add3A_589 masked %le3A_585 {strides = array<i32>} : memref<4112xi32, #tpu.memory_space<vmem>>, vector<16xi32>, vector<16xi1>
        %all_reduce_population_count3A_592 = tpu.all_reduce %le3A_585 {dim = 0 : i64, kind = #tpu.reduction_kind<sum>} : vector<16xi1> -> vector<16xi32>
        %slice3A_593 = vector.extract_strided_slice %all_reduce_population_count3A_592 {offsets = [0], sizes = [1], strides = [1]} : vector<16xi32> to vector<1xi32>
        %squeeze3A_594 = vector.extract %slice3A_593[0] : i32 from vector<1xi32>
        %add3A_595 = arith.addi %add3A_577, %squeeze3A_594 : i32
        %scan3A_596 = arith.constant 7 : i32
        %scan3A_597 = arith.addi %scan3A_475, %scan3A_596 : i32
        %mul3A_598 = arith.constant 16 : i32
        %mul3A_599 = arith.muli %scan3A_597, %mul3A_598 : i32
        %get3A_600 = arith.index_cast %mul3A_599 : i32 to index
        %get3A_601 = tpu.vector_load %arg15[%get3A_600] {strides = array<i32>} : memref<4096xf32, #tpu.memory_space<vmem>>, vector<16xf32>,
        %le3A_602 = vector.broadcast %reduce_max3A_198 : f32 to vector<16xf32>
        %le3A_603 = arith.cmpf ole, %get3A_601, %le3A_602 : vector<16xf32>
        %swap3A_604 = arith.index_cast %add3A_595 : i32 to index
        %swap3A_605 = tpu.vector_load %arg18[%swap3A_604] masked %le3A_603 {strides = array<i32>} : memref<4112xf32, #tpu.memory_space<vmem>>, vector<16xf32>, vector<16xi1>
        tpu.vector_store %arg18[%swap3A_604], %get3A_601 masked %le3A_603 {strides = array<i32>} : memref<4112xf32, #tpu.memory_space<vmem>>, vector<16xf32>, vector<16xi1>
        %add3A_606 = vector.broadcast %mul3A_599 : i32 to vector<16xi32>
        %add3A_607 = arith.addi %add3A_606, %iota3A : vector<16xi32>
        %swap3A_608 = arith.index_cast %add3A_595 : i32 to index
        %swap3A_609 = tpu.vector_load %arg19[%swap3A_608] masked %le3A_603 {strides = array<i32>} : memref<4112xi32, #tpu.memory_space<vmem>>, vector<16xi32>, vector<16xi1>
        tpu.vector_store %arg19[%swap3A_608], %add3A_607 masked %le3A_603 {strides = array<i32>} : memref<4112xi32, #tpu.memory_space<vmem>>, vector<16xi32>, vector<16xi1>
        %all_reduce_population_count3A_610 = tpu.all_reduce %le3A_603 {dim = 0 : i64, kind = #tpu.reduction_kind<sum>} : vector<16xi1> -> vector<16xi32>
        %slice3A_611 = vector.extract_strided_slice %all_reduce_population_count3A_610 {offsets = [0], sizes = [1], strides = [1]} : vector<16xi32> to vector<1xi32>
        %squeeze3A_612 = vector.extract %slice3A_611[0] : i32 from vector<1xi32>
        %add3A_613 = arith.addi %add3A_595, %squeeze3A_612 : i32
        scf.yield %add3A_613 : i32
      }
      %scan3A_205 = arith.constant 256 : i32
      %swap3A_206 = arith.index_cast %scan3A_204 : i32 to index
      %swap3A_207 = tpu.vector_load %arg18[%swap3A_206] {strides = array<i32>} : memref<4112xf32, #tpu.memory_space<vmem>>, vector<16xf32>,
      tpu.vector_store %arg18[%swap3A_206], %broadcast_in_dim3A_98 {strides = array<i32>} : memref<4112xf32, #tpu.memory_space<vmem>>, vector<16xf32>,
      %broadcast_in_dim3A_208 = arith.constant 0 : i32
      %broadcast_in_dim3A_209 = vector.broadcast %broadcast_in_dim3A_208 : i32 to vector<16xi32>
      %swap3A_210 = arith.index_cast %scan3A_204 : i32 to index
      %swap3A_211 = tpu.vector_load %arg19[%swap3A_210] {strides = array<i32>} : memref<4112xi32, #tpu.memory_space<vmem>>, vector<16xi32>,
      tpu.vector_store %arg19[%swap3A_210], %broadcast_in_dim3A_209 {strides = array<i32>} : memref<4112xi32, #tpu.memory_space<vmem>>, vector<16xi32>,
      %broadcast_in_dim3A_212 = arith.constant 0 : i32
      %broadcast_in_dim3A_213 = vector.broadcast %broadcast_in_dim3A_212 : i32 to vector<16xi32>
      %add3A_214 = arith.constant 15 : i32
      %add3A_215 = arith.addi %scan3A_204, %add3A_214 : i32
      %jit3A_216 = arith.constant 16 : i32
      %div3A_217 = arith.divsi %add3A_215, %jit3A_216 : i32
      %sign3A_218 = arith.constant 0 : i32
      %sign3A_219 = arith.cmpi sgt, %add3A_215, %sign3A_218 : i32
      %sign3A_220 = arith.extui %sign3A_219 : i1 to i32
      %sign3A_221 = arith.constant 0 : i32
      %sign3A_222 = arith.cmpi slt, %add3A_215, %sign3A_221 : i32
      %sign3A_223 = arith.extui %sign3A_222 : i1 to i32
      %sign3A_224 = arith.subi %sign3A_220, %sign3A_223 : i32
      %sign3A_225 = arith.constant 0 : i32
      %sign3A_226 = arith.cmpi sgt, %jit3A_216, %sign3A_225 : i32
      %sign3A_227 = arith.extui %sign3A_226 : i1 to i32
      %sign3A_228 = arith.constant 0 : i32
      %sign3A_229 = arith.cmpi slt, %jit3A_216, %sign3A_228 : i32
      %sign3A_230 = arith.extui %sign3A_229 : i1 to i32
      %sign3A_231 = arith.subi %sign3A_227, %sign3A_230 : i32
      %ne3A_232 = arith.cmpi ne, %sign3A_224, %sign3A_231 : i32
      %rem3A_233 = arith.remsi %add3A_215, %jit3A_216 : i32
      %ne3A_234 = arith.constant 0 : i32
      %ne3A_235 = arith.cmpi ne, %rem3A_233, %ne3A_234 : i32
      %and3A_236 = arith.andi %ne3A_232, %ne3A_235 : i1
      %sub3A_237 = arith.constant 1 : i32
      %sub3A_238 = arith.subi %div3A_217, %sub3A_237 : i32
      %select_n3A_239 = arith.select %and3A_236, %sub3A_238, %div3A_217 : i32
      %while3A_240 = arith.constant 0 : i32
      %while3A_241 = arith.subi %select_n3A_239, %while3A_240 : i32
      %while3A_242 = arith.addi %while3A_240, %while3A_241 : i32
      %while3A_243 = arith.constant 1 : i32
      %while3A_244 = arith.divsi %while3A_241, %while3A_243 : i32
      %while3A_245 = arith.muli %while3A_244, %while3A_243 : i32
      %while3A_246 = arith.addi %while3A_240, %while3A_245 : i32
      %while3A_247 = arith.constant 1 : i32
      %while3A_248:2 = scf.for %while3A_475 = %while3A_240 to %while3A_246 step %while3A_247 iter_args(%while3A_476 = %broadcast_in_dim3A_98, %while3A_477 = %broadcast_in_dim3A_213) -> (vector<16xf32>, vector<16xi32>)  : i32 {
        %mul3A_478 = arith.constant 16 : i32
        %mul3A_479 = arith.muli %while3A_475, %mul3A_478 : i32
        %get3A = arith.index_cast %mul3A_479 : i32 to index
        %get3A_480 = tpu.vector_load %arg18[%get3A] {strides = array<i32>} : memref<4112xf32, #tpu.memory_space<vmem>>, vector<16xf32>,
        %get3A_481 = arith.index_cast %mul3A_479 : i32 to index
        %get3A_482 = tpu.vector_load %arg19[%get3A_481] {strides = array<i32>} : memref<4112xi32, #tpu.memory_space<vmem>>, vector<16xi32>,
        %masked_sort3A = arith.constant dense<true> : vector<16xi1>
        %masked_sort3A_483, %masked_sort3A_484, %masked_sort3A_485 = tpu.sort %get3A_480, %get3A_482 masked %masked_sort3A {descending = true} : (vector<16xf32>, vector<16xi32>, vector<16xi1>) -> (vector<16xi1>, vector<16xf32>, vector<16xi32>)
        %lt3A_486 = arith.cmpf olt, %masked_sort3A_484, %while3A_476 : vector<16xf32>
        %select_n3A_487 = arith.select %lt3A_486, %masked_sort3A_484, %while3A_476 : vector<16xi1>, vector<16xf32>
        %select_n3A_488 = arith.select %lt3A_486, %masked_sort3A_485, %while3A_477 : vector<16xi1>, vector<16xi32>
        %masked_sort3A_489 = arith.constant dense<true> : vector<16xi1>
        %masked_sort3A_490, %masked_sort3A_491, %masked_sort3A_492 = tpu.sort %select_n3A_487, %select_n3A_488 masked %masked_sort3A_489 : (vector<16xf32>, vector<16xi32>, vector<16xi1>) -> (vector<16xi1>, vector<16xf32>, vector<16xi32>)
        scf.yield %masked_sort3A_491, %masked_sort3A_492 : vector<16xf32>, vector<16xi32>
      }
      %while3A_249 = arith.constant 1 : i32
      %while3A_250:2 = scf.for %while3A_475 = %while3A_246 to %while3A_242 step %while3A_249 iter_args(%while3A_476 = %while3A_248#0, %while3A_477 = %while3A_248#1) -> (vector<16xf32>, vector<16xi32>)  : i32 {
        %mul3A_478 = arith.constant 16 : i32
        %mul3A_479 = arith.muli %while3A_475, %mul3A_478 : i32
        %get3A = arith.index_cast %mul3A_479 : i32 to index
        %get3A_480 = tpu.vector_load %arg18[%get3A] {strides = array<i32>} : memref<4112xf32, #tpu.memory_space<vmem>>, vector<16xf32>,
        %get3A_481 = arith.index_cast %mul3A_479 : i32 to index
        %get3A_482 = tpu.vector_load %arg19[%get3A_481] {strides = array<i32>} : memref<4112xi32, #tpu.memory_space<vmem>>, vector<16xi32>,
        %masked_sort3A = arith.constant dense<true> : vector<16xi1>
        %masked_sort3A_483, %masked_sort3A_484, %masked_sort3A_485 = tpu.sort %get3A_480, %get3A_482 masked %masked_sort3A {descending = true} : (vector<16xf32>, vector<16xi32>, vector<16xi1>) -> (vector<16xi1>, vector<16xf32>, vector<16xi32>)
        %lt3A_486 = arith.cmpf olt, %masked_sort3A_484, %while3A_476 : vector<16xf32>
        %select_n3A_487 = arith.select %lt3A_486, %masked_sort3A_484, %while3A_476 : vector<16xi1>, vector<16xf32>
        %select_n3A_488 = arith.select %lt3A_486, %masked_sort3A_485, %while3A_477 : vector<16xi1>, vector<16xi32>
        %masked_sort3A_489 = arith.constant dense<true> : vector<16xi1>
        %masked_sort3A_490, %masked_sort3A_491, %masked_sort3A_492 = tpu.sort %select_n3A_487, %select_n3A_488 masked %masked_sort3A_489 : (vector<16xf32>, vector<16xi32>, vector<16xi1>) -> (vector<16xi1>, vector<16xf32>, vector<16xi32>)
        scf.yield %masked_sort3A_491, %masked_sort3A_492 : vector<16xf32>, vector<16xi32>
      }
      %gather3A_251 = tpu.vector_load_idx %arg7[%while3A_250#1] : memref<4096xf32, #tpu.memory_space<vmem>>[vector<16xi32>], vector<16xf32>,
      %gather3A_252 = tpu.vector_load_idx %arg8[%while3A_250#1] : memref<4096xf32, #tpu.memory_space<vmem>>[vector<16xi32>], vector<16xf32>,
      %gather3A_253 = tpu.vector_load_idx %arg9[%while3A_250#1] : memref<4096xf32, #tpu.memory_space<vmem>>[vector<16xi32>], vector<16xf32>,
      %sub3A_254 = arith.subf %gather3A_69, %gather3A_251 : vector<16xf32>
      %sub3A_255 = arith.subf %gather3A_70, %gather3A_252 : vector<16xf32>
      %sub3A_256 = arith.subf %gather3A_71, %gather3A_253 : vector<16xf32>
      %mul3A_257 = arith.mulf %sub3A_254, %sub3A_254 : vector<16xf32>
      %mul3A_258 = arith.mulf %sub3A_255, %sub3A_255 : vector<16xf32>
      %add3A_259 = arith.addf %mul3A_257, %mul3A_258 : vector<16xf32>
      %mul3A_260 = arith.mulf %sub3A_256, %sub3A_256 : vector<16xf32>
      %add3A_261 = arith.addf %add3A_259, %mul3A_260 : vector<16xf32>
      %add3A_262 = arith.constant 1 : i32
      %add3A_263 = arith.addi %mul3A_55, %add3A_262 : i32
      %swap3A_264 = arith.index_cast %add3A_263 : i32 to index
      %swap3A_265 = arith.constant 0 : index
      %swap3A_266 = tpu.vector_load %arg20[%swap3A_264, %swap3A_265] {strides = array<i32>} : memref<512x16xf32, #tpu.memory_space<vmem>>, vector<16xf32>,
      tpu.vector_store %arg20[%swap3A_264, %swap3A_265], %gather3A_69 {strides = array<i32>} : memref<512x16xf32, #tpu.memory_space<vmem>>, vector<16xf32>,
      %swap3A_267 = arith.index_cast %add3A_263 : i32 to index
      %swap3A_268 = arith.constant 0 : index
      %swap3A_269 = tpu.vector_load %arg21[%swap3A_267, %swap3A_268] {strides = array<i32>} : memref<512x16xf32, #tpu.memory_space<vmem>>, vector<16xf32>,
      tpu.vector_store %arg21[%swap3A_267, %swap3A_268], %gather3A_70 {strides = array<i32>} : memref<512x16xf32, #tpu.memory_space<vmem>>, vector<16xf32>,
      %swap3A_270 = arith.index_cast %add3A_263 : i32 to index
      %swap3A_271 = arith.constant 0 : index
      %swap3A_272 = tpu.vector_load %arg22[%swap3A_270, %swap3A_271] {strides = array<i32>} : memref<512x16xf32, #tpu.memory_space<vmem>>, vector<16xf32>,
      tpu.vector_store %arg22[%swap3A_270, %swap3A_271], %gather3A_71 {strides = array<i32>} : memref<512x16xf32, #tpu.memory_space<vmem>>, vector<16xf32>,
      %swap3A_273 = arith.index_cast %add3A_263 : i32 to index
      %swap3A_274 = arith.constant 0 : index
      %swap3A_275 = tpu.vector_load %arg23[%swap3A_273, %swap3A_274] {strides = array<i32>} : memref<512x16xf32, #tpu.memory_space<vmem>>, vector<16xf32>,
      tpu.vector_store %arg23[%swap3A_273, %swap3A_274], %gather3A_251 {strides = array<i32>} : memref<512x16xf32, #tpu.memory_space<vmem>>, vector<16xf32>,
      %swap3A_276 = arith.index_cast %add3A_263 : i32 to index
      %swap3A_277 = arith.constant 0 : index
      %swap3A_278 = tpu.vector_load %arg24[%swap3A_276, %swap3A_277] {strides = array<i32>} : memref<512x16xf32, #tpu.memory_space<vmem>>, vector<16xf32>,
      tpu.vector_store %arg24[%swap3A_276, %swap3A_277], %gather3A_252 {strides = array<i32>} : memref<512x16xf32, #tpu.memory_space<vmem>>, vector<16xf32>,
      %swap3A_279 = arith.index_cast %add3A_263 : i32 to index
      %swap3A_280 = arith.constant 0 : index
      %swap3A_281 = tpu.vector_load %arg25[%swap3A_279, %swap3A_280] {strides = array<i32>} : memref<512x16xf32, #tpu.memory_space<vmem>>, vector<16xf32>,
      tpu.vector_store %arg25[%swap3A_279, %swap3A_280], %gather3A_253 {strides = array<i32>} : memref<512x16xf32, #tpu.memory_space<vmem>>, vector<16xf32>,
      %swap3A_282 = arith.index_cast %add3A_263 : i32 to index
      %swap3A_283 = arith.constant 0 : index
      %swap3A_284 = tpu.vector_load %arg26[%swap3A_282, %swap3A_283] {strides = array<i32>} : memref<512x16xf32, #tpu.memory_space<vmem>>, vector<16xf32>,
      tpu.vector_store %arg26[%swap3A_282, %swap3A_283], %add3A_261 {strides = array<i32>} : memref<512x16xf32, #tpu.memory_space<vmem>>, vector<16xf32>,
      %swap3A_285 = arith.index_cast %add3A_263 : i32 to index
      %swap3A_286 = arith.constant 0 : index
      %swap3A_287 = tpu.vector_load %arg27[%swap3A_285, %swap3A_286] {strides = array<i32>} : memref<512x16xi32, #tpu.memory_space<vmem>>, vector<16xi32>,
      tpu.vector_store %arg27[%swap3A_285, %swap3A_286], %while3A_250#1 {strides = array<i32>} : memref<512x16xi32, #tpu.memory_space<vmem>>, vector<16xi32>,
      %reduce_max3A_288 = arith.constant true
      %reduce_max3A_289 = vector.broadcast %reduce_max3A_288 : i1 to vector<16xi1>
      %reduce_max3A_290 = tpu.scan <max>, %scan3A_103#2 masked %reduce_max3A_289 : vector<16xf32>, vector<16xi1> -> vector<16xf32>
      %reduce_max3A_291 = vector.extract %reduce_max3A_290[15] : f32 from vector<16xf32>
      %scan3A_292 = arith.constant 0 : i32
      %scan3A_293 = arith.constant 0 : i32
      %scan3A_294 = arith.constant 256 : i32
      %scan3A_295 = arith.addi %scan3A_293, %scan3A_294 : i32
      %scan3A_296 = arith.constant 8 : i32
      %scan3A_297 = scf.for %scan3A_475 = %scan3A_293 to %scan3A_295 step %scan3A_296 iter_args(%scan3A_476 = %scan3A_292) -> (i32)  : i32 {
        %mul3A_477 = arith.constant 16 : i32
        %mul3A_478 = arith.muli %scan3A_475, %mul3A_477 : i32
        %get3A = arith.index_cast %mul3A_478 : i32 to index
        %get3A_479 = tpu.vector_load %arg16[%get3A] {strides = array<i32>} : memref<4096xf32, #tpu.memory_space<vmem>>, vector<16xf32>,
        %le3A = vector.broadcast %reduce_max3A_291 : f32 to vector<16xf32>
        %le3A_480 = arith.cmpf ole, %get3A_479, %le3A : vector<16xf32>
        %swap3A_481 = arith.index_cast %scan3A_476 : i32 to index
        %swap3A_482 = tpu.vector_load %arg18[%swap3A_481] masked %le3A_480 {strides = array<i32>} : memref<4112xf32, #tpu.memory_space<vmem>>, vector<16xf32>, vector<16xi1>
        tpu.vector_store %arg18[%swap3A_481], %get3A_479 masked %le3A_480 {strides = array<i32>} : memref<4112xf32, #tpu.memory_space<vmem>>, vector<16xf32>, vector<16xi1>
        %add3A_483 = vector.broadcast %mul3A_478 : i32 to vector<16xi32>
        %add3A_484 = arith.addi %add3A_483, %iota3A : vector<16xi32>
        %swap3A_485 = arith.index_cast %scan3A_476 : i32 to index
        %swap3A_486 = tpu.vector_load %arg19[%swap3A_485] masked %le3A_480 {strides = array<i32>} : memref<4112xi32, #tpu.memory_space<vmem>>, vector<16xi32>, vector<16xi1>
        tpu.vector_store %arg19[%swap3A_485], %add3A_484 masked %le3A_480 {strides = array<i32>} : memref<4112xi32, #tpu.memory_space<vmem>>, vector<16xi32>, vector<16xi1>
        %all_reduce_population_count3A = tpu.all_reduce %le3A_480 {dim = 0 : i64, kind = #tpu.reduction_kind<sum>} : vector<16xi1> -> vector<16xi32>
        %slice3A = vector.extract_strided_slice %all_reduce_population_count3A {offsets = [0], sizes = [1], strides = [1]} : vector<16xi32> to vector<1xi32>
        %squeeze3A = vector.extract %slice3A[0] : i32 from vector<1xi32>
        %add3A_487 = arith.addi %scan3A_476, %squeeze3A : i32
        %scan3A_488 = arith.constant 1 : i32
        %scan3A_489 = arith.addi %scan3A_475, %scan3A_488 : i32
        %mul3A_490 = arith.constant 16 : i32
        %mul3A_491 = arith.muli %scan3A_489, %mul3A_490 : i32
        %get3A_492 = arith.index_cast %mul3A_491 : i32 to index
        %get3A_493 = tpu.vector_load %arg16[%get3A_492] {strides = array<i32>} : memref<4096xf32, #tpu.memory_space<vmem>>, vector<16xf32>,
        %le3A_494 = vector.broadcast %reduce_max3A_291 : f32 to vector<16xf32>
        %le3A_495 = arith.cmpf ole, %get3A_493, %le3A_494 : vector<16xf32>
        %swap3A_496 = arith.index_cast %add3A_487 : i32 to index
        %swap3A_497 = tpu.vector_load %arg18[%swap3A_496] masked %le3A_495 {strides = array<i32>} : memref<4112xf32, #tpu.memory_space<vmem>>, vector<16xf32>, vector<16xi1>
        tpu.vector_store %arg18[%swap3A_496], %get3A_493 masked %le3A_495 {strides = array<i32>} : memref<4112xf32, #tpu.memory_space<vmem>>, vector<16xf32>, vector<16xi1>
        %add3A_498 = vector.broadcast %mul3A_491 : i32 to vector<16xi32>
        %add3A_499 = arith.addi %add3A_498, %iota3A : vector<16xi32>
        %swap3A_500 = arith.index_cast %add3A_487 : i32 to index
        %swap3A_501 = tpu.vector_load %arg19[%swap3A_500] masked %le3A_495 {strides = array<i32>} : memref<4112xi32, #tpu.memory_space<vmem>>, vector<16xi32>, vector<16xi1>
        tpu.vector_store %arg19[%swap3A_500], %add3A_499 masked %le3A_495 {strides = array<i32>} : memref<4112xi32, #tpu.memory_space<vmem>>, vector<16xi32>, vector<16xi1>
        %all_reduce_population_count3A_502 = tpu.all_reduce %le3A_495 {dim = 0 : i64, kind = #tpu.reduction_kind<sum>} : vector<16xi1> -> vector<16xi32>
        %slice3A_503 = vector.extract_strided_slice %all_reduce_population_count3A_502 {offsets = [0], sizes = [1], strides = [1]} : vector<16xi32> to vector<1xi32>
        %squeeze3A_504 = vector.extract %slice3A_503[0] : i32 from vector<1xi32>
        %add3A_505 = arith.addi %add3A_487, %squeeze3A_504 : i32
        %scan3A_506 = arith.constant 2 : i32
        %scan3A_507 = arith.addi %scan3A_475, %scan3A_506 : i32
        %mul3A_508 = arith.constant 16 : i32
        %mul3A_509 = arith.muli %scan3A_507, %mul3A_508 : i32
        %get3A_510 = arith.index_cast %mul3A_509 : i32 to index
        %get3A_511 = tpu.vector_load %arg16[%get3A_510] {strides = array<i32>} : memref<4096xf32, #tpu.memory_space<vmem>>, vector<16xf32>,
        %le3A_512 = vector.broadcast %reduce_max3A_291 : f32 to vector<16xf32>
        %le3A_513 = arith.cmpf ole, %get3A_511, %le3A_512 : vector<16xf32>
        %swap3A_514 = arith.index_cast %add3A_505 : i32 to index
        %swap3A_515 = tpu.vector_load %arg18[%swap3A_514] masked %le3A_513 {strides = array<i32>} : memref<4112xf32, #tpu.memory_space<vmem>>, vector<16xf32>, vector<16xi1>
        tpu.vector_store %arg18[%swap3A_514], %get3A_511 masked %le3A_513 {strides = array<i32>} : memref<4112xf32, #tpu.memory_space<vmem>>, vector<16xf32>, vector<16xi1>
        %add3A_516 = vector.broadcast %mul3A_509 : i32 to vector<16xi32>
        %add3A_517 = arith.addi %add3A_516, %iota3A : vector<16xi32>
        %swap3A_518 = arith.index_cast %add3A_505 : i32 to index
        %swap3A_519 = tpu.vector_load %arg19[%swap3A_518] masked %le3A_513 {strides = array<i32>} : memref<4112xi32, #tpu.memory_space<vmem>>, vector<16xi32>, vector<16xi1>
        tpu.vector_store %arg19[%swap3A_518], %add3A_517 masked %le3A_513 {strides = array<i32>} : memref<4112xi32, #tpu.memory_space<vmem>>, vector<16xi32>, vector<16xi1>
        %all_reduce_population_count3A_520 = tpu.all_reduce %le3A_513 {dim = 0 : i64, kind = #tpu.reduction_kind<sum>} : vector<16xi1> -> vector<16xi32>
        %slice3A_521 = vector.extract_strided_slice %all_reduce_population_count3A_520 {offsets = [0], sizes = [1], strides = [1]} : vector<16xi32> to vector<1xi32>
        %squeeze3A_522 = vector.extract %slice3A_521[0] : i32 from vector<1xi32>
        %add3A_523 = arith.addi %add3A_505, %squeeze3A_522 : i32
        %scan3A_524 = arith.constant 3 : i32
        %scan3A_525 = arith.addi %scan3A_475, %scan3A_524 : i32
        %mul3A_526 = arith.constant 16 : i32
        %mul3A_527 = arith.muli %scan3A_525, %mul3A_526 : i32
        %get3A_528 = arith.index_cast %mul3A_527 : i32 to index
        %get3A_529 = tpu.vector_load %arg16[%get3A_528] {strides = array<i32>} : memref<4096xf32, #tpu.memory_space<vmem>>, vector<16xf32>,
        %le3A_530 = vector.broadcast %reduce_max3A_291 : f32 to vector<16xf32>
        %le3A_531 = arith.cmpf ole, %get3A_529, %le3A_530 : vector<16xf32>
        %swap3A_532 = arith.index_cast %add3A_523 : i32 to index
        %swap3A_533 = tpu.vector_load %arg18[%swap3A_532] masked %le3A_531 {strides = array<i32>} : memref<4112xf32, #tpu.memory_space<vmem>>, vector<16xf32>, vector<16xi1>
        tpu.vector_store %arg18[%swap3A_532], %get3A_529 masked %le3A_531 {strides = array<i32>} : memref<4112xf32, #tpu.memory_space<vmem>>, vector<16xf32>, vector<16xi1>
        %add3A_534 = vector.broadcast %mul3A_527 : i32 to vector<16xi32>
        %add3A_535 = arith.addi %add3A_534, %iota3A : vector<16xi32>
        %swap3A_536 = arith.index_cast %add3A_523 : i32 to index
        %swap3A_537 = tpu.vector_load %arg19[%swap3A_536] masked %le3A_531 {strides = array<i32>} : memref<4112xi32, #tpu.memory_space<vmem>>, vector<16xi32>, vector<16xi1>
        tpu.vector_store %arg19[%swap3A_536], %add3A_535 masked %le3A_531 {strides = array<i32>} : memref<4112xi32, #tpu.memory_space<vmem>>, vector<16xi32>, vector<16xi1>
        %all_reduce_population_count3A_538 = tpu.all_reduce %le3A_531 {dim = 0 : i64, kind = #tpu.reduction_kind<sum>} : vector<16xi1> -> vector<16xi32>
        %slice3A_539 = vector.extract_strided_slice %all_reduce_population_count3A_538 {offsets = [0], sizes = [1], strides = [1]} : vector<16xi32> to vector<1xi32>
        %squeeze3A_540 = vector.extract %slice3A_539[0] : i32 from vector<1xi32>
        %add3A_541 = arith.addi %add3A_523, %squeeze3A_540 : i32
        %scan3A_542 = arith.constant 4 : i32
        %scan3A_543 = arith.addi %scan3A_475, %scan3A_542 : i32
        %mul3A_544 = arith.constant 16 : i32
        %mul3A_545 = arith.muli %scan3A_543, %mul3A_544 : i32
        %get3A_546 = arith.index_cast %mul3A_545 : i32 to index
        %get3A_547 = tpu.vector_load %arg16[%get3A_546] {strides = array<i32>} : memref<4096xf32, #tpu.memory_space<vmem>>, vector<16xf32>,
        %le3A_548 = vector.broadcast %reduce_max3A_291 : f32 to vector<16xf32>
        %le3A_549 = arith.cmpf ole, %get3A_547, %le3A_548 : vector<16xf32>
        %swap3A_550 = arith.index_cast %add3A_541 : i32 to index
        %swap3A_551 = tpu.vector_load %arg18[%swap3A_550] masked %le3A_549 {strides = array<i32>} : memref<4112xf32, #tpu.memory_space<vmem>>, vector<16xf32>, vector<16xi1>
        tpu.vector_store %arg18[%swap3A_550], %get3A_547 masked %le3A_549 {strides = array<i32>} : memref<4112xf32, #tpu.memory_space<vmem>>, vector<16xf32>, vector<16xi1>
        %add3A_552 = vector.broadcast %mul3A_545 : i32 to vector<16xi32>
        %add3A_553 = arith.addi %add3A_552, %iota3A : vector<16xi32>
        %swap3A_554 = arith.index_cast %add3A_541 : i32 to index
        %swap3A_555 = tpu.vector_load %arg19[%swap3A_554] masked %le3A_549 {strides = array<i32>} : memref<4112xi32, #tpu.memory_space<vmem>>, vector<16xi32>, vector<16xi1>
        tpu.vector_store %arg19[%swap3A_554], %add3A_553 masked %le3A_549 {strides = array<i32>} : memref<4112xi32, #tpu.memory_space<vmem>>, vector<16xi32>, vector<16xi1>
        %all_reduce_population_count3A_556 = tpu.all_reduce %le3A_549 {dim = 0 : i64, kind = #tpu.reduction_kind<sum>} : vector<16xi1> -> vector<16xi32>
        %slice3A_557 = vector.extract_strided_slice %all_reduce_population_count3A_556 {offsets = [0], sizes = [1], strides = [1]} : vector<16xi32> to vector<1xi32>
        %squeeze3A_558 = vector.extract %slice3A_557[0] : i32 from vector<1xi32>
        %add3A_559 = arith.addi %add3A_541, %squeeze3A_558 : i32
        %scan3A_560 = arith.constant 5 : i32
        %scan3A_561 = arith.addi %scan3A_475, %scan3A_560 : i32
        %mul3A_562 = arith.constant 16 : i32
        %mul3A_563 = arith.muli %scan3A_561, %mul3A_562 : i32
        %get3A_564 = arith.index_cast %mul3A_563 : i32 to index
        %get3A_565 = tpu.vector_load %arg16[%get3A_564] {strides = array<i32>} : memref<4096xf32, #tpu.memory_space<vmem>>, vector<16xf32>,
        %le3A_566 = vector.broadcast %reduce_max3A_291 : f32 to vector<16xf32>
        %le3A_567 = arith.cmpf ole, %get3A_565, %le3A_566 : vector<16xf32>
        %swap3A_568 = arith.index_cast %add3A_559 : i32 to index
        %swap3A_569 = tpu.vector_load %arg18[%swap3A_568] masked %le3A_567 {strides = array<i32>} : memref<4112xf32, #tpu.memory_space<vmem>>, vector<16xf32>, vector<16xi1>
        tpu.vector_store %arg18[%swap3A_568], %get3A_565 masked %le3A_567 {strides = array<i32>} : memref<4112xf32, #tpu.memory_space<vmem>>, vector<16xf32>, vector<16xi1>
        %add3A_570 = vector.broadcast %mul3A_563 : i32 to vector<16xi32>
        %add3A_571 = arith.addi %add3A_570, %iota3A : vector<16xi32>
        %swap3A_572 = arith.index_cast %add3A_559 : i32 to index
        %swap3A_573 = tpu.vector_load %arg19[%swap3A_572] masked %le3A_567 {strides = array<i32>} : memref<4112xi32, #tpu.memory_space<vmem>>, vector<16xi32>, vector<16xi1>
        tpu.vector_store %arg19[%swap3A_572], %add3A_571 masked %le3A_567 {strides = array<i32>} : memref<4112xi32, #tpu.memory_space<vmem>>, vector<16xi32>, vector<16xi1>
        %all_reduce_population_count3A_574 = tpu.all_reduce %le3A_567 {dim = 0 : i64, kind = #tpu.reduction_kind<sum>} : vector<16xi1> -> vector<16xi32>
        %slice3A_575 = vector.extract_strided_slice %all_reduce_population_count3A_574 {offsets = [0], sizes = [1], strides = [1]} : vector<16xi32> to vector<1xi32>
        %squeeze3A_576 = vector.extract %slice3A_575[0] : i32 from vector<1xi32>
        %add3A_577 = arith.addi %add3A_559, %squeeze3A_576 : i32
        %scan3A_578 = arith.constant 6 : i32
        %scan3A_579 = arith.addi %scan3A_475, %scan3A_578 : i32
        %mul3A_580 = arith.constant 16 : i32
        %mul3A_581 = arith.muli %scan3A_579, %mul3A_580 : i32
        %get3A_582 = arith.index_cast %mul3A_581 : i32 to index
        %get3A_583 = tpu.vector_load %arg16[%get3A_582] {strides = array<i32>} : memref<4096xf32, #tpu.memory_space<vmem>>, vector<16xf32>,
        %le3A_584 = vector.broadcast %reduce_max3A_291 : f32 to vector<16xf32>
        %le3A_585 = arith.cmpf ole, %get3A_583, %le3A_584 : vector<16xf32>
        %swap3A_586 = arith.index_cast %add3A_577 : i32 to index
        %swap3A_587 = tpu.vector_load %arg18[%swap3A_586] masked %le3A_585 {strides = array<i32>} : memref<4112xf32, #tpu.memory_space<vmem>>, vector<16xf32>, vector<16xi1>
        tpu.vector_store %arg18[%swap3A_586], %get3A_583 masked %le3A_585 {strides = array<i32>} : memref<4112xf32, #tpu.memory_space<vmem>>, vector<16xf32>, vector<16xi1>
        %add3A_588 = vector.broadcast %mul3A_581 : i32 to vector<16xi32>
        %add3A_589 = arith.addi %add3A_588, %iota3A : vector<16xi32>
        %swap3A_590 = arith.index_cast %add3A_577 : i32 to index
        %swap3A_591 = tpu.vector_load %arg19[%swap3A_590] masked %le3A_585 {strides = array<i32>} : memref<4112xi32, #tpu.memory_space<vmem>>, vector<16xi32>, vector<16xi1>
        tpu.vector_store %arg19[%swap3A_590], %add3A_589 masked %le3A_585 {strides = array<i32>} : memref<4112xi32, #tpu.memory_space<vmem>>, vector<16xi32>, vector<16xi1>
        %all_reduce_population_count3A_592 = tpu.all_reduce %le3A_585 {dim = 0 : i64, kind = #tpu.reduction_kind<sum>} : vector<16xi1> -> vector<16xi32>
        %slice3A_593 = vector.extract_strided_slice %all_reduce_population_count3A_592 {offsets = [0], sizes = [1], strides = [1]} : vector<16xi32> to vector<1xi32>
        %squeeze3A_594 = vector.extract %slice3A_593[0] : i32 from vector<1xi32>
        %add3A_595 = arith.addi %add3A_577, %squeeze3A_594 : i32
        %scan3A_596 = arith.constant 7 : i32
        %scan3A_597 = arith.addi %scan3A_475, %scan3A_596 : i32
        %mul3A_598 = arith.constant 16 : i32
        %mul3A_599 = arith.muli %scan3A_597, %mul3A_598 : i32
        %get3A_600 = arith.index_cast %mul3A_599 : i32 to index
        %get3A_601 = tpu.vector_load %arg16[%get3A_600] {strides = array<i32>} : memref<4096xf32, #tpu.memory_space<vmem>>, vector<16xf32>,
        %le3A_602 = vector.broadcast %reduce_max3A_291 : f32 to vector<16xf32>
        %le3A_603 = arith.cmpf ole, %get3A_601, %le3A_602 : vector<16xf32>
        %swap3A_604 = arith.index_cast %add3A_595 : i32 to index
        %swap3A_605 = tpu.vector_load %arg18[%swap3A_604] masked %le3A_603 {strides = array<i32>} : memref<4112xf32, #tpu.memory_space<vmem>>, vector<16xf32>, vector<16xi1>
        tpu.vector_store %arg18[%swap3A_604], %get3A_601 masked %le3A_603 {strides = array<i32>} : memref<4112xf32, #tpu.memory_space<vmem>>, vector<16xf32>, vector<16xi1>
        %add3A_606 = vector.broadcast %mul3A_599 : i32 to vector<16xi32>
        %add3A_607 = arith.addi %add3A_606, %iota3A : vector<16xi32>
        %swap3A_608 = arith.index_cast %add3A_595 : i32 to index
        %swap3A_609 = tpu.vector_load %arg19[%swap3A_608] masked %le3A_603 {strides = array<i32>} : memref<4112xi32, #tpu.memory_space<vmem>>, vector<16xi32>, vector<16xi1>
        tpu.vector_store %arg19[%swap3A_608], %add3A_607 masked %le3A_603 {strides = array<i32>} : memref<4112xi32, #tpu.memory_space<vmem>>, vector<16xi32>, vector<16xi1>
        %all_reduce_population_count3A_610 = tpu.all_reduce %le3A_603 {dim = 0 : i64, kind = #tpu.reduction_kind<sum>} : vector<16xi1> -> vector<16xi32>
        %slice3A_611 = vector.extract_strided_slice %all_reduce_population_count3A_610 {offsets = [0], sizes = [1], strides = [1]} : vector<16xi32> to vector<1xi32>
        %squeeze3A_612 = vector.extract %slice3A_611[0] : i32 from vector<1xi32>
        %add3A_613 = arith.addi %add3A_595, %squeeze3A_612 : i32
        scf.yield %add3A_613 : i32
      }
      %scan3A_298 = arith.constant 256 : i32
      %swap3A_299 = arith.index_cast %scan3A_297 : i32 to index
      %swap3A_300 = tpu.vector_load %arg18[%swap3A_299] {strides = array<i32>} : memref<4112xf32, #tpu.memory_space<vmem>>, vector<16xf32>,
      tpu.vector_store %arg18[%swap3A_299], %broadcast_in_dim3A_98 {strides = array<i32>} : memref<4112xf32, #tpu.memory_space<vmem>>, vector<16xf32>,
      %broadcast_in_dim3A_301 = arith.constant 0 : i32
      %broadcast_in_dim3A_302 = vector.broadcast %broadcast_in_dim3A_301 : i32 to vector<16xi32>
      %swap3A_303 = arith.index_cast %scan3A_297 : i32 to index
      %swap3A_304 = tpu.vector_load %arg19[%swap3A_303] {strides = array<i32>} : memref<4112xi32, #tpu.memory_space<vmem>>, vector<16xi32>,
      tpu.vector_store %arg19[%swap3A_303], %broadcast_in_dim3A_302 {strides = array<i32>} : memref<4112xi32, #tpu.memory_space<vmem>>, vector<16xi32>,
      %broadcast_in_dim3A_305 = arith.constant 0 : i32
      %broadcast_in_dim3A_306 = vector.broadcast %broadcast_in_dim3A_305 : i32 to vector<16xi32>
      %add3A_307 = arith.constant 15 : i32
      %add3A_308 = arith.addi %scan3A_297, %add3A_307 : i32
      %jit3A_309 = arith.constant 16 : i32
      %div3A_310 = arith.divsi %add3A_308, %jit3A_309 : i32
      %sign3A_311 = arith.constant 0 : i32
      %sign3A_312 = arith.cmpi sgt, %add3A_308, %sign3A_311 : i32
      %sign3A_313 = arith.extui %sign3A_312 : i1 to i32
      %sign3A_314 = arith.constant 0 : i32
      %sign3A_315 = arith.cmpi slt, %add3A_308, %sign3A_314 : i32
      %sign3A_316 = arith.extui %sign3A_315 : i1 to i32
      %sign3A_317 = arith.subi %sign3A_313, %sign3A_316 : i32
      %sign3A_318 = arith.constant 0 : i32
      %sign3A_319 = arith.cmpi sgt, %jit3A_309, %sign3A_318 : i32
      %sign3A_320 = arith.extui %sign3A_319 : i1 to i32
      %sign3A_321 = arith.constant 0 : i32
      %sign3A_322 = arith.cmpi slt, %jit3A_309, %sign3A_321 : i32
      %sign3A_323 = arith.extui %sign3A_322 : i1 to i32
      %sign3A_324 = arith.subi %sign3A_320, %sign3A_323 : i32
      %ne3A_325 = arith.cmpi ne, %sign3A_317, %sign3A_324 : i32
      %rem3A_326 = arith.remsi %add3A_308, %jit3A_309 : i32
      %ne3A_327 = arith.constant 0 : i32
      %ne3A_328 = arith.cmpi ne, %rem3A_326, %ne3A_327 : i32
      %and3A_329 = arith.andi %ne3A_325, %ne3A_328 : i1
      %sub3A_330 = arith.constant 1 : i32
      %sub3A_331 = arith.subi %div3A_310, %sub3A_330 : i32
      %select_n3A_332 = arith.select %and3A_329, %sub3A_331, %div3A_310 : i32
      %while3A_333 = arith.constant 0 : i32
      %while3A_334 = arith.subi %select_n3A_332, %while3A_333 : i32
      %while3A_335 = arith.addi %while3A_333, %while3A_334 : i32
      %while3A_336 = arith.constant 1 : i32
      %while3A_337 = arith.divsi %while3A_334, %while3A_336 : i32
      %while3A_338 = arith.muli %while3A_337, %while3A_336 : i32
      %while3A_339 = arith.addi %while3A_333, %while3A_338 : i32
      %while3A_340 = arith.constant 1 : i32
      %while3A_341:2 = scf.for %while3A_475 = %while3A_333 to %while3A_339 step %while3A_340 iter_args(%while3A_476 = %broadcast_in_dim3A_98, %while3A_477 = %broadcast_in_dim3A_306) -> (vector<16xf32>, vector<16xi32>)  : i32 {
        %mul3A_478 = arith.constant 16 : i32
        %mul3A_479 = arith.muli %while3A_475, %mul3A_478 : i32
        %get3A = arith.index_cast %mul3A_479 : i32 to index
        %get3A_480 = tpu.vector_load %arg18[%get3A] {strides = array<i32>} : memref<4112xf32, #tpu.memory_space<vmem>>, vector<16xf32>,
        %get3A_481 = arith.index_cast %mul3A_479 : i32 to index
        %get3A_482 = tpu.vector_load %arg19[%get3A_481] {strides = array<i32>} : memref<4112xi32, #tpu.memory_space<vmem>>, vector<16xi32>,
        %masked_sort3A = arith.constant dense<true> : vector<16xi1>
        %masked_sort3A_483, %masked_sort3A_484, %masked_sort3A_485 = tpu.sort %get3A_480, %get3A_482 masked %masked_sort3A {descending = true} : (vector<16xf32>, vector<16xi32>, vector<16xi1>) -> (vector<16xi1>, vector<16xf32>, vector<16xi32>)
        %lt3A_486 = arith.cmpf olt, %masked_sort3A_484, %while3A_476 : vector<16xf32>
        %select_n3A_487 = arith.select %lt3A_486, %masked_sort3A_484, %while3A_476 : vector<16xi1>, vector<16xf32>
        %select_n3A_488 = arith.select %lt3A_486, %masked_sort3A_485, %while3A_477 : vector<16xi1>, vector<16xi32>
        %masked_sort3A_489 = arith.constant dense<true> : vector<16xi1>
        %masked_sort3A_490, %masked_sort3A_491, %masked_sort3A_492 = tpu.sort %select_n3A_487, %select_n3A_488 masked %masked_sort3A_489 : (vector<16xf32>, vector<16xi32>, vector<16xi1>) -> (vector<16xi1>, vector<16xf32>, vector<16xi32>)
        scf.yield %masked_sort3A_491, %masked_sort3A_492 : vector<16xf32>, vector<16xi32>
      }
      %while3A_342 = arith.constant 1 : i32
      %while3A_343:2 = scf.for %while3A_475 = %while3A_339 to %while3A_335 step %while3A_342 iter_args(%while3A_476 = %while3A_341#0, %while3A_477 = %while3A_341#1) -> (vector<16xf32>, vector<16xi32>)  : i32 {
        %mul3A_478 = arith.constant 16 : i32
        %mul3A_479 = arith.muli %while3A_475, %mul3A_478 : i32
        %get3A = arith.index_cast %mul3A_479 : i32 to index
        %get3A_480 = tpu.vector_load %arg18[%get3A] {strides = array<i32>} : memref<4112xf32, #tpu.memory_space<vmem>>, vector<16xf32>,
        %get3A_481 = arith.index_cast %mul3A_479 : i32 to index
        %get3A_482 = tpu.vector_load %arg19[%get3A_481] {strides = array<i32>} : memref<4112xi32, #tpu.memory_space<vmem>>, vector<16xi32>,
        %masked_sort3A = arith.constant dense<true> : vector<16xi1>
        %masked_sort3A_483, %masked_sort3A_484, %masked_sort3A_485 = tpu.sort %get3A_480, %get3A_482 masked %masked_sort3A {descending = true} : (vector<16xf32>, vector<16xi32>, vector<16xi1>) -> (vector<16xi1>, vector<16xf32>, vector<16xi32>)
        %lt3A_486 = arith.cmpf olt, %masked_sort3A_484, %while3A_476 : vector<16xf32>
        %select_n3A_487 = arith.select %lt3A_486, %masked_sort3A_484, %while3A_476 : vector<16xi1>, vector<16xf32>
        %select_n3A_488 = arith.select %lt3A_486, %masked_sort3A_485, %while3A_477 : vector<16xi1>, vector<16xi32>
        %masked_sort3A_489 = arith.constant dense<true> : vector<16xi1>
        %masked_sort3A_490, %masked_sort3A_491, %masked_sort3A_492 = tpu.sort %select_n3A_487, %select_n3A_488 masked %masked_sort3A_489 : (vector<16xf32>, vector<16xi32>, vector<16xi1>) -> (vector<16xi1>, vector<16xf32>, vector<16xi32>)
        scf.yield %masked_sort3A_491, %masked_sort3A_492 : vector<16xf32>, vector<16xi32>
      }
      %gather3A_344 = tpu.vector_load_idx %arg7[%while3A_343#1] : memref<4096xf32, #tpu.memory_space<vmem>>[vector<16xi32>], vector<16xf32>,
      %gather3A_345 = tpu.vector_load_idx %arg8[%while3A_343#1] : memref<4096xf32, #tpu.memory_space<vmem>>[vector<16xi32>], vector<16xf32>,
      %gather3A_346 = tpu.vector_load_idx %arg9[%while3A_343#1] : memref<4096xf32, #tpu.memory_space<vmem>>[vector<16xi32>], vector<16xf32>,
      %sub3A_347 = arith.subf %gather3A_80, %gather3A_344 : vector<16xf32>
      %sub3A_348 = arith.subf %gather3A_81, %gather3A_345 : vector<16xf32>
      %sub3A_349 = arith.subf %gather3A_82, %gather3A_346 : vector<16xf32>
      %mul3A_350 = arith.mulf %sub3A_347, %sub3A_347 : vector<16xf32>
      %mul3A_351 = arith.mulf %sub3A_348, %sub3A_348 : vector<16xf32>
      %add3A_352 = arith.addf %mul3A_350, %mul3A_351 : vector<16xf32>
      %mul3A_353 = arith.mulf %sub3A_349, %sub3A_349 : vector<16xf32>
      %add3A_354 = arith.addf %add3A_352, %mul3A_353 : vector<16xf32>
      %add3A_355 = arith.constant 2 : i32
      %add3A_356 = arith.addi %mul3A_55, %add3A_355 : i32
      %swap3A_357 = arith.index_cast %add3A_356 : i32 to index
      %swap3A_358 = arith.constant 0 : index
      %swap3A_359 = tpu.vector_load %arg20[%swap3A_357, %swap3A_358] {strides = array<i32>} : memref<512x16xf32, #tpu.memory_space<vmem>>, vector<16xf32>,
      tpu.vector_store %arg20[%swap3A_357, %swap3A_358], %gather3A_80 {strides = array<i32>} : memref<512x16xf32, #tpu.memory_space<vmem>>, vector<16xf32>,
      %swap3A_360 = arith.index_cast %add3A_356 : i32 to index
      %swap3A_361 = arith.constant 0 : index
      %swap3A_362 = tpu.vector_load %arg21[%swap3A_360, %swap3A_361] {strides = array<i32>} : memref<512x16xf32, #tpu.memory_space<vmem>>, vector<16xf32>,
      tpu.vector_store %arg21[%swap3A_360, %swap3A_361], %gather3A_81 {strides = array<i32>} : memref<512x16xf32, #tpu.memory_space<vmem>>, vector<16xf32>,
      %swap3A_363 = arith.index_cast %add3A_356 : i32 to index
      %swap3A_364 = arith.constant 0 : index
      %swap3A_365 = tpu.vector_load %arg22[%swap3A_363, %swap3A_364] {strides = array<i32>} : memref<512x16xf32, #tpu.memory_space<vmem>>, vector<16xf32>,
      tpu.vector_store %arg22[%swap3A_363, %swap3A_364], %gather3A_82 {strides = array<i32>} : memref<512x16xf32, #tpu.memory_space<vmem>>, vector<16xf32>,
      %swap3A_366 = arith.index_cast %add3A_356 : i32 to index
      %swap3A_367 = arith.constant 0 : index
      %swap3A_368 = tpu.vector_load %arg23[%swap3A_366, %swap3A_367] {strides = array<i32>} : memref<512x16xf32, #tpu.memory_space<vmem>>, vector<16xf32>,
      tpu.vector_store %arg23[%swap3A_366, %swap3A_367], %gather3A_344 {strides = array<i32>} : memref<512x16xf32, #tpu.memory_space<vmem>>, vector<16xf32>,
      %swap3A_369 = arith.index_cast %add3A_356 : i32 to index
      %swap3A_370 = arith.constant 0 : index
      %swap3A_371 = tpu.vector_load %arg24[%swap3A_369, %swap3A_370] {strides = array<i32>} : memref<512x16xf32, #tpu.memory_space<vmem>>, vector<16xf32>,
      tpu.vector_store %arg24[%swap3A_369, %swap3A_370], %gather3A_345 {strides = array<i32>} : memref<512x16xf32, #tpu.memory_space<vmem>>, vector<16xf32>,
      %swap3A_372 = arith.index_cast %add3A_356 : i32 to index
      %swap3A_373 = arith.constant 0 : index
      %swap3A_374 = tpu.vector_load %arg25[%swap3A_372, %swap3A_373] {strides = array<i32>} : memref<512x16xf32, #tpu.memory_space<vmem>>, vector<16xf32>,
      tpu.vector_store %arg25[%swap3A_372, %swap3A_373], %gather3A_346 {strides = array<i32>} : memref<512x16xf32, #tpu.memory_space<vmem>>, vector<16xf32>,
      %swap3A_375 = arith.index_cast %add3A_356 : i32 to index
      %swap3A_376 = arith.constant 0 : index
      %swap3A_377 = tpu.vector_load %arg26[%swap3A_375, %swap3A_376] {strides = array<i32>} : memref<512x16xf32, #tpu.memory_space<vmem>>, vector<16xf32>,
      tpu.vector_store %arg26[%swap3A_375, %swap3A_376], %add3A_354 {strides = array<i32>} : memref<512x16xf32, #tpu.memory_space<vmem>>, vector<16xf32>,
      %swap3A_378 = arith.index_cast %add3A_356 : i32 to index
      %swap3A_379 = arith.constant 0 : index
      %swap3A_380 = tpu.vector_load %arg27[%swap3A_378, %swap3A_379] {strides = array<i32>} : memref<512x16xi32, #tpu.memory_space<vmem>>, vector<16xi32>,
      tpu.vector_store %arg27[%swap3A_378, %swap3A_379], %while3A_343#1 {strides = array<i32>} : memref<512x16xi32, #tpu.memory_space<vmem>>, vector<16xi32>,
      %reduce_max3A_381 = arith.constant true
      %reduce_max3A_382 = vector.broadcast %reduce_max3A_381 : i1 to vector<16xi1>
      %reduce_max3A_383 = tpu.scan <max>, %scan3A_103#3 masked %reduce_max3A_382 : vector<16xf32>, vector<16xi1> -> vector<16xf32>
      %reduce_max3A_384 = vector.extract %reduce_max3A_383[15] : f32 from vector<16xf32>
      %scan3A_385 = arith.constant 0 : i32
      %scan3A_386 = arith.constant 0 : i32
      %scan3A_387 = arith.constant 256 : i32
      %scan3A_388 = arith.addi %scan3A_386, %scan3A_387 : i32
      %scan3A_389 = arith.constant 8 : i32
      %scan3A_390 = scf.for %scan3A_475 = %scan3A_386 to %scan3A_388 step %scan3A_389 iter_args(%scan3A_476 = %scan3A_385) -> (i32)  : i32 {
        %mul3A_477 = arith.constant 16 : i32
        %mul3A_478 = arith.muli %scan3A_475, %mul3A_477 : i32
        %get3A = arith.index_cast %mul3A_478 : i32 to index
        %get3A_479 = tpu.vector_load %arg17[%get3A] {strides = array<i32>} : memref<4096xf32, #tpu.memory_space<vmem>>, vector<16xf32>,
        %le3A = vector.broadcast %reduce_max3A_384 : f32 to vector<16xf32>
        %le3A_480 = arith.cmpf ole, %get3A_479, %le3A : vector<16xf32>
        %swap3A_481 = arith.index_cast %scan3A_476 : i32 to index
        %swap3A_482 = tpu.vector_load %arg18[%swap3A_481] masked %le3A_480 {strides = array<i32>} : memref<4112xf32, #tpu.memory_space<vmem>>, vector<16xf32>, vector<16xi1>
        tpu.vector_store %arg18[%swap3A_481], %get3A_479 masked %le3A_480 {strides = array<i32>} : memref<4112xf32, #tpu.memory_space<vmem>>, vector<16xf32>, vector<16xi1>
        %add3A_483 = vector.broadcast %mul3A_478 : i32 to vector<16xi32>
        %add3A_484 = arith.addi %add3A_483, %iota3A : vector<16xi32>
        %swap3A_485 = arith.index_cast %scan3A_476 : i32 to index
        %swap3A_486 = tpu.vector_load %arg19[%swap3A_485] masked %le3A_480 {strides = array<i32>} : memref<4112xi32, #tpu.memory_space<vmem>>, vector<16xi32>, vector<16xi1>
        tpu.vector_store %arg19[%swap3A_485], %add3A_484 masked %le3A_480 {strides = array<i32>} : memref<4112xi32, #tpu.memory_space<vmem>>, vector<16xi32>, vector<16xi1>
        %all_reduce_population_count3A = tpu.all_reduce %le3A_480 {dim = 0 : i64, kind = #tpu.reduction_kind<sum>} : vector<16xi1> -> vector<16xi32>
        %slice3A = vector.extract_strided_slice %all_reduce_population_count3A {offsets = [0], sizes = [1], strides = [1]} : vector<16xi32> to vector<1xi32>
        %squeeze3A = vector.extract %slice3A[0] : i32 from vector<1xi32>
        %add3A_487 = arith.addi %scan3A_476, %squeeze3A : i32
        %scan3A_488 = arith.constant 1 : i32
        %scan3A_489 = arith.addi %scan3A_475, %scan3A_488 : i32
        %mul3A_490 = arith.constant 16 : i32
        %mul3A_491 = arith.muli %scan3A_489, %mul3A_490 : i32
        %get3A_492 = arith.index_cast %mul3A_491 : i32 to index
        %get3A_493 = tpu.vector_load %arg17[%get3A_492] {strides = array<i32>} : memref<4096xf32, #tpu.memory_space<vmem>>, vector<16xf32>,
        %le3A_494 = vector.broadcast %reduce_max3A_384 : f32 to vector<16xf32>
        %le3A_495 = arith.cmpf ole, %get3A_493, %le3A_494 : vector<16xf32>
        %swap3A_496 = arith.index_cast %add3A_487 : i32 to index
        %swap3A_497 = tpu.vector_load %arg18[%swap3A_496] masked %le3A_495 {strides = array<i32>} : memref<4112xf32, #tpu.memory_space<vmem>>, vector<16xf32>, vector<16xi1>
        tpu.vector_store %arg18[%swap3A_496], %get3A_493 masked %le3A_495 {strides = array<i32>} : memref<4112xf32, #tpu.memory_space<vmem>>, vector<16xf32>, vector<16xi1>
        %add3A_498 = vector.broadcast %mul3A_491 : i32 to vector<16xi32>
        %add3A_499 = arith.addi %add3A_498, %iota3A : vector<16xi32>
        %swap3A_500 = arith.index_cast %add3A_487 : i32 to index
        %swap3A_501 = tpu.vector_load %arg19[%swap3A_500] masked %le3A_495 {strides = array<i32>} : memref<4112xi32, #tpu.memory_space<vmem>>, vector<16xi32>, vector<16xi1>
        tpu.vector_store %arg19[%swap3A_500], %add3A_499 masked %le3A_495 {strides = array<i32>} : memref<4112xi32, #tpu.memory_space<vmem>>, vector<16xi32>, vector<16xi1>
        %all_reduce_population_count3A_502 = tpu.all_reduce %le3A_495 {dim = 0 : i64, kind = #tpu.reduction_kind<sum>} : vector<16xi1> -> vector<16xi32>
        %slice3A_503 = vector.extract_strided_slice %all_reduce_population_count3A_502 {offsets = [0], sizes = [1], strides = [1]} : vector<16xi32> to vector<1xi32>
        %squeeze3A_504 = vector.extract %slice3A_503[0] : i32 from vector<1xi32>
        %add3A_505 = arith.addi %add3A_487, %squeeze3A_504 : i32
        %scan3A_506 = arith.constant 2 : i32
        %scan3A_507 = arith.addi %scan3A_475, %scan3A_506 : i32
        %mul3A_508 = arith.constant 16 : i32
        %mul3A_509 = arith.muli %scan3A_507, %mul3A_508 : i32
        %get3A_510 = arith.index_cast %mul3A_509 : i32 to index
        %get3A_511 = tpu.vector_load %arg17[%get3A_510] {strides = array<i32>} : memref<4096xf32, #tpu.memory_space<vmem>>, vector<16xf32>,
        %le3A_512 = vector.broadcast %reduce_max3A_384 : f32 to vector<16xf32>
        %le3A_513 = arith.cmpf ole, %get3A_511, %le3A_512 : vector<16xf32>
        %swap3A_514 = arith.index_cast %add3A_505 : i32 to index
        %swap3A_515 = tpu.vector_load %arg18[%swap3A_514] masked %le3A_513 {strides = array<i32>} : memref<4112xf32, #tpu.memory_space<vmem>>, vector<16xf32>, vector<16xi1>
        tpu.vector_store %arg18[%swap3A_514], %get3A_511 masked %le3A_513 {strides = array<i32>} : memref<4112xf32, #tpu.memory_space<vmem>>, vector<16xf32>, vector<16xi1>
        %add3A_516 = vector.broadcast %mul3A_509 : i32 to vector<16xi32>
        %add3A_517 = arith.addi %add3A_516, %iota3A : vector<16xi32>
        %swap3A_518 = arith.index_cast %add3A_505 : i32 to index
        %swap3A_519 = tpu.vector_load %arg19[%swap3A_518] masked %le3A_513 {strides = array<i32>} : memref<4112xi32, #tpu.memory_space<vmem>>, vector<16xi32>, vector<16xi1>
        tpu.vector_store %arg19[%swap3A_518], %add3A_517 masked %le3A_513 {strides = array<i32>} : memref<4112xi32, #tpu.memory_space<vmem>>, vector<16xi32>, vector<16xi1>
        %all_reduce_population_count3A_520 = tpu.all_reduce %le3A_513 {dim = 0 : i64, kind = #tpu.reduction_kind<sum>} : vector<16xi1> -> vector<16xi32>
        %slice3A_521 = vector.extract_strided_slice %all_reduce_population_count3A_520 {offsets = [0], sizes = [1], strides = [1]} : vector<16xi32> to vector<1xi32>
        %squeeze3A_522 = vector.extract %slice3A_521[0] : i32 from vector<1xi32>
        %add3A_523 = arith.addi %add3A_505, %squeeze3A_522 : i32
        %scan3A_524 = arith.constant 3 : i32
        %scan3A_525 = arith.addi %scan3A_475, %scan3A_524 : i32
        %mul3A_526 = arith.constant 16 : i32
        %mul3A_527 = arith.muli %scan3A_525, %mul3A_526 : i32
        %get3A_528 = arith.index_cast %mul3A_527 : i32 to index
        %get3A_529 = tpu.vector_load %arg17[%get3A_528] {strides = array<i32>} : memref<4096xf32, #tpu.memory_space<vmem>>, vector<16xf32>,
        %le3A_530 = vector.broadcast %reduce_max3A_384 : f32 to vector<16xf32>
        %le3A_531 = arith.cmpf ole, %get3A_529, %le3A_530 : vector<16xf32>
        %swap3A_532 = arith.index_cast %add3A_523 : i32 to index
        %swap3A_533 = tpu.vector_load %arg18[%swap3A_532] masked %le3A_531 {strides = array<i32>} : memref<4112xf32, #tpu.memory_space<vmem>>, vector<16xf32>, vector<16xi1>
        tpu.vector_store %arg18[%swap3A_532], %get3A_529 masked %le3A_531 {strides = array<i32>} : memref<4112xf32, #tpu.memory_space<vmem>>, vector<16xf32>, vector<16xi1>
        %add3A_534 = vector.broadcast %mul3A_527 : i32 to vector<16xi32>
        %add3A_535 = arith.addi %add3A_534, %iota3A : vector<16xi32>
        %swap3A_536 = arith.index_cast %add3A_523 : i32 to index
        %swap3A_537 = tpu.vector_load %arg19[%swap3A_536] masked %le3A_531 {strides = array<i32>} : memref<4112xi32, #tpu.memory_space<vmem>>, vector<16xi32>, vector<16xi1>
        tpu.vector_store %arg19[%swap3A_536], %add3A_535 masked %le3A_531 {strides = array<i32>} : memref<4112xi32, #tpu.memory_space<vmem>>, vector<16xi32>, vector<16xi1>
        %all_reduce_population_count3A_538 = tpu.all_reduce %le3A_531 {dim = 0 : i64, kind = #tpu.reduction_kind<sum>} : vector<16xi1> -> vector<16xi32>
        %slice3A_539 = vector.extract_strided_slice %all_reduce_population_count3A_538 {offsets = [0], sizes = [1], strides = [1]} : vector<16xi32> to vector<1xi32>
        %squeeze3A_540 = vector.extract %slice3A_539[0] : i32 from vector<1xi32>
        %add3A_541 = arith.addi %add3A_523, %squeeze3A_540 : i32
        %scan3A_542 = arith.constant 4 : i32
        %scan3A_543 = arith.addi %scan3A_475, %scan3A_542 : i32
        %mul3A_544 = arith.constant 16 : i32
        %mul3A_545 = arith.muli %scan3A_543, %mul3A_544 : i32
        %get3A_546 = arith.index_cast %mul3A_545 : i32 to index
        %get3A_547 = tpu.vector_load %arg17[%get3A_546] {strides = array<i32>} : memref<4096xf32, #tpu.memory_space<vmem>>, vector<16xf32>,
        %le3A_548 = vector.broadcast %reduce_max3A_384 : f32 to vector<16xf32>
        %le3A_549 = arith.cmpf ole, %get3A_547, %le3A_548 : vector<16xf32>
        %swap3A_550 = arith.index_cast %add3A_541 : i32 to index
        %swap3A_551 = tpu.vector_load %arg18[%swap3A_550] masked %le3A_549 {strides = array<i32>} : memref<4112xf32, #tpu.memory_space<vmem>>, vector<16xf32>, vector<16xi1>
        tpu.vector_store %arg18[%swap3A_550], %get3A_547 masked %le3A_549 {strides = array<i32>} : memref<4112xf32, #tpu.memory_space<vmem>>, vector<16xf32>, vector<16xi1>
        %add3A_552 = vector.broadcast %mul3A_545 : i32 to vector<16xi32>
        %add3A_553 = arith.addi %add3A_552, %iota3A : vector<16xi32>
        %swap3A_554 = arith.index_cast %add3A_541 : i32 to index
        %swap3A_555 = tpu.vector_load %arg19[%swap3A_554] masked %le3A_549 {strides = array<i32>} : memref<4112xi32, #tpu.memory_space<vmem>>, vector<16xi32>, vector<16xi1>
        tpu.vector_store %arg19[%swap3A_554], %add3A_553 masked %le3A_549 {strides = array<i32>} : memref<4112xi32, #tpu.memory_space<vmem>>, vector<16xi32>, vector<16xi1>
        %all_reduce_population_count3A_556 = tpu.all_reduce %le3A_549 {dim = 0 : i64, kind = #tpu.reduction_kind<sum>} : vector<16xi1> -> vector<16xi32>
        %slice3A_557 = vector.extract_strided_slice %all_reduce_population_count3A_556 {offsets = [0], sizes = [1], strides = [1]} : vector<16xi32> to vector<1xi32>
        %squeeze3A_558 = vector.extract %slice3A_557[0] : i32 from vector<1xi32>
        %add3A_559 = arith.addi %add3A_541, %squeeze3A_558 : i32
        %scan3A_560 = arith.constant 5 : i32
        %scan3A_561 = arith.addi %scan3A_475, %scan3A_560 : i32
        %mul3A_562 = arith.constant 16 : i32
        %mul3A_563 = arith.muli %scan3A_561, %mul3A_562 : i32
        %get3A_564 = arith.index_cast %mul3A_563 : i32 to index
        %get3A_565 = tpu.vector_load %arg17[%get3A_564] {strides = array<i32>} : memref<4096xf32, #tpu.memory_space<vmem>>, vector<16xf32>,
        %le3A_566 = vector.broadcast %reduce_max3A_384 : f32 to vector<16xf32>
        %le3A_567 = arith.cmpf ole, %get3A_565, %le3A_566 : vector<16xf32>
        %swap3A_568 = arith.index_cast %add3A_559 : i32 to index
        %swap3A_569 = tpu.vector_load %arg18[%swap3A_568] masked %le3A_567 {strides = array<i32>} : memref<4112xf32, #tpu.memory_space<vmem>>, vector<16xf32>, vector<16xi1>
        tpu.vector_store %arg18[%swap3A_568], %get3A_565 masked %le3A_567 {strides = array<i32>} : memref<4112xf32, #tpu.memory_space<vmem>>, vector<16xf32>, vector<16xi1>
        %add3A_570 = vector.broadcast %mul3A_563 : i32 to vector<16xi32>
        %add3A_571 = arith.addi %add3A_570, %iota3A : vector<16xi32>
        %swap3A_572 = arith.index_cast %add3A_559 : i32 to index
        %swap3A_573 = tpu.vector_load %arg19[%swap3A_572] masked %le3A_567 {strides = array<i32>} : memref<4112xi32, #tpu.memory_space<vmem>>, vector<16xi32>, vector<16xi1>
        tpu.vector_store %arg19[%swap3A_572], %add3A_571 masked %le3A_567 {strides = array<i32>} : memref<4112xi32, #tpu.memory_space<vmem>>, vector<16xi32>, vector<16xi1>
        %all_reduce_population_count3A_574 = tpu.all_reduce %le3A_567 {dim = 0 : i64, kind = #tpu.reduction_kind<sum>} : vector<16xi1> -> vector<16xi32>
        %slice3A_575 = vector.extract_strided_slice %all_reduce_population_count3A_574 {offsets = [0], sizes = [1], strides = [1]} : vector<16xi32> to vector<1xi32>
        %squeeze3A_576 = vector.extract %slice3A_575[0] : i32 from vector<1xi32>
        %add3A_577 = arith.addi %add3A_559, %squeeze3A_576 : i32
        %scan3A_578 = arith.constant 6 : i32
        %scan3A_579 = arith.addi %scan3A_475, %scan3A_578 : i32
        %mul3A_580 = arith.constant 16 : i32
        %mul3A_581 = arith.muli %scan3A_579, %mul3A_580 : i32
        %get3A_582 = arith.index_cast %mul3A_581 : i32 to index
        %get3A_583 = tpu.vector_load %arg17[%get3A_582] {strides = array<i32>} : memref<4096xf32, #tpu.memory_space<vmem>>, vector<16xf32>,
        %le3A_584 = vector.broadcast %reduce_max3A_384 : f32 to vector<16xf32>
        %le3A_585 = arith.cmpf ole, %get3A_583, %le3A_584 : vector<16xf32>
        %swap3A_586 = arith.index_cast %add3A_577 : i32 to index
        %swap3A_587 = tpu.vector_load %arg18[%swap3A_586] masked %le3A_585 {strides = array<i32>} : memref<4112xf32, #tpu.memory_space<vmem>>, vector<16xf32>, vector<16xi1>
        tpu.vector_store %arg18[%swap3A_586], %get3A_583 masked %le3A_585 {strides = array<i32>} : memref<4112xf32, #tpu.memory_space<vmem>>, vector<16xf32>, vector<16xi1>
        %add3A_588 = vector.broadcast %mul3A_581 : i32 to vector<16xi32>
        %add3A_589 = arith.addi %add3A_588, %iota3A : vector<16xi32>
        %swap3A_590 = arith.index_cast %add3A_577 : i32 to index
        %swap3A_591 = tpu.vector_load %arg19[%swap3A_590] masked %le3A_585 {strides = array<i32>} : memref<4112xi32, #tpu.memory_space<vmem>>, vector<16xi32>, vector<16xi1>
        tpu.vector_store %arg19[%swap3A_590], %add3A_589 masked %le3A_585 {strides = array<i32>} : memref<4112xi32, #tpu.memory_space<vmem>>, vector<16xi32>, vector<16xi1>
        %all_reduce_population_count3A_592 = tpu.all_reduce %le3A_585 {dim = 0 : i64, kind = #tpu.reduction_kind<sum>} : vector<16xi1> -> vector<16xi32>
        %slice3A_593 = vector.extract_strided_slice %all_reduce_population_count3A_592 {offsets = [0], sizes = [1], strides = [1]} : vector<16xi32> to vector<1xi32>
        %squeeze3A_594 = vector.extract %slice3A_593[0] : i32 from vector<1xi32>
        %add3A_595 = arith.addi %add3A_577, %squeeze3A_594 : i32
        %scan3A_596 = arith.constant 7 : i32
        %scan3A_597 = arith.addi %scan3A_475, %scan3A_596 : i32
        %mul3A_598 = arith.constant 16 : i32
        %mul3A_599 = arith.muli %scan3A_597, %mul3A_598 : i32
        %get3A_600 = arith.index_cast %mul3A_599 : i32 to index
        %get3A_601 = tpu.vector_load %arg17[%get3A_600] {strides = array<i32>} : memref<4096xf32, #tpu.memory_space<vmem>>, vector<16xf32>,
        %le3A_602 = vector.broadcast %reduce_max3A_384 : f32 to vector<16xf32>
        %le3A_603 = arith.cmpf ole, %get3A_601, %le3A_602 : vector<16xf32>
        %swap3A_604 = arith.index_cast %add3A_595 : i32 to index
        %swap3A_605 = tpu.vector_load %arg18[%swap3A_604] masked %le3A_603 {strides = array<i32>} : memref<4112xf32, #tpu.memory_space<vmem>>, vector<16xf32>, vector<16xi1>
        tpu.vector_store %arg18[%swap3A_604], %get3A_601 masked %le3A_603 {strides = array<i32>} : memref<4112xf32, #tpu.memory_space<vmem>>, vector<16xf32>, vector<16xi1>
        %add3A_606 = vector.broadcast %mul3A_599 : i32 to vector<16xi32>
        %add3A_607 = arith.addi %add3A_606, %iota3A : vector<16xi32>
        %swap3A_608 = arith.index_cast %add3A_595 : i32 to index
        %swap3A_609 = tpu.vector_load %arg19[%swap3A_608] masked %le3A_603 {strides = array<i32>} : memref<4112xi32, #tpu.memory_space<vmem>>, vector<16xi32>, vector<16xi1>
        tpu.vector_store %arg19[%swap3A_608], %add3A_607 masked %le3A_603 {strides = array<i32>} : memref<4112xi32, #tpu.memory_space<vmem>>, vector<16xi32>, vector<16xi1>
        %all_reduce_population_count3A_610 = tpu.all_reduce %le3A_603 {dim = 0 : i64, kind = #tpu.reduction_kind<sum>} : vector<16xi1> -> vector<16xi32>
        %slice3A_611 = vector.extract_strided_slice %all_reduce_population_count3A_610 {offsets = [0], sizes = [1], strides = [1]} : vector<16xi32> to vector<1xi32>
        %squeeze3A_612 = vector.extract %slice3A_611[0] : i32 from vector<1xi32>
        %add3A_613 = arith.addi %add3A_595, %squeeze3A_612 : i32
        scf.yield %add3A_613 : i32
      }
      %scan3A_391 = arith.constant 256 : i32
      %swap3A_392 = arith.index_cast %scan3A_390 : i32 to index
      %swap3A_393 = tpu.vector_load %arg18[%swap3A_392] {strides = array<i32>} : memref<4112xf32, #tpu.memory_space<vmem>>, vector<16xf32>,
      tpu.vector_store %arg18[%swap3A_392], %broadcast_in_dim3A_98 {strides = array<i32>} : memref<4112xf32, #tpu.memory_space<vmem>>, vector<16xf32>,
      %broadcast_in_dim3A_394 = arith.constant 0 : i32
      %broadcast_in_dim3A_395 = vector.broadcast %broadcast_in_dim3A_394 : i32 to vector<16xi32>
      %swap3A_396 = arith.index_cast %scan3A_390 : i32 to index
      %swap3A_397 = tpu.vector_load %arg19[%swap3A_396] {strides = array<i32>} : memref<4112xi32, #tpu.memory_space<vmem>>, vector<16xi32>,
      tpu.vector_store %arg19[%swap3A_396], %broadcast_in_dim3A_395 {strides = array<i32>} : memref<4112xi32, #tpu.memory_space<vmem>>, vector<16xi32>,
      %broadcast_in_dim3A_398 = arith.constant 0 : i32
      %broadcast_in_dim3A_399 = vector.broadcast %broadcast_in_dim3A_398 : i32 to vector<16xi32>
      %add3A_400 = arith.constant 15 : i32
      %add3A_401 = arith.addi %scan3A_390, %add3A_400 : i32
      %jit3A_402 = arith.constant 16 : i32
      %div3A_403 = arith.divsi %add3A_401, %jit3A_402 : i32
      %sign3A_404 = arith.constant 0 : i32
      %sign3A_405 = arith.cmpi sgt, %add3A_401, %sign3A_404 : i32
      %sign3A_406 = arith.extui %sign3A_405 : i1 to i32
      %sign3A_407 = arith.constant 0 : i32
      %sign3A_408 = arith.cmpi slt, %add3A_401, %sign3A_407 : i32
      %sign3A_409 = arith.extui %sign3A_408 : i1 to i32
      %sign3A_410 = arith.subi %sign3A_406, %sign3A_409 : i32
      %sign3A_411 = arith.constant 0 : i32
      %sign3A_412 = arith.cmpi sgt, %jit3A_402, %sign3A_411 : i32
      %sign3A_413 = arith.extui %sign3A_412 : i1 to i32
      %sign3A_414 = arith.constant 0 : i32
      %sign3A_415 = arith.cmpi slt, %jit3A_402, %sign3A_414 : i32
      %sign3A_416 = arith.extui %sign3A_415 : i1 to i32
      %sign3A_417 = arith.subi %sign3A_413, %sign3A_416 : i32
      %ne3A_418 = arith.cmpi ne, %sign3A_410, %sign3A_417 : i32
      %rem3A_419 = arith.remsi %add3A_401, %jit3A_402 : i32
      %ne3A_420 = arith.constant 0 : i32
      %ne3A_421 = arith.cmpi ne, %rem3A_419, %ne3A_420 : i32
      %and3A_422 = arith.andi %ne3A_418, %ne3A_421 : i1
      %sub3A_423 = arith.constant 1 : i32
      %sub3A_424 = arith.subi %div3A_403, %sub3A_423 : i32
      %select_n3A_425 = arith.select %and3A_422, %sub3A_424, %div3A_403 : i32
      %while3A_426 = arith.constant 0 : i32
      %while3A_427 = arith.subi %select_n3A_425, %while3A_426 : i32
      %while3A_428 = arith.addi %while3A_426, %while3A_427 : i32
      %while3A_429 = arith.constant 1 : i32
      %while3A_430 = arith.divsi %while3A_427, %while3A_429 : i32
      %while3A_431 = arith.muli %while3A_430, %while3A_429 : i32
      %while3A_432 = arith.addi %while3A_426, %while3A_431 : i32
      %while3A_433 = arith.constant 1 : i32
      %while3A_434:2 = scf.for %while3A_475 = %while3A_426 to %while3A_432 step %while3A_433 iter_args(%while3A_476 = %broadcast_in_dim3A_98, %while3A_477 = %broadcast_in_dim3A_399) -> (vector<16xf32>, vector<16xi32>)  : i32 {
        %mul3A_478 = arith.constant 16 : i32
        %mul3A_479 = arith.muli %while3A_475, %mul3A_478 : i32
        %get3A = arith.index_cast %mul3A_479 : i32 to index
        %get3A_480 = tpu.vector_load %arg18[%get3A] {strides = array<i32>} : memref<4112xf32, #tpu.memory_space<vmem>>, vector<16xf32>,
        %get3A_481 = arith.index_cast %mul3A_479 : i32 to index
        %get3A_482 = tpu.vector_load %arg19[%get3A_481] {strides = array<i32>} : memref<4112xi32, #tpu.memory_space<vmem>>, vector<16xi32>,
        %masked_sort3A = arith.constant dense<true> : vector<16xi1>
        %masked_sort3A_483, %masked_sort3A_484, %masked_sort3A_485 = tpu.sort %get3A_480, %get3A_482 masked %masked_sort3A {descending = true} : (vector<16xf32>, vector<16xi32>, vector<16xi1>) -> (vector<16xi1>, vector<16xf32>, vector<16xi32>)
        %lt3A_486 = arith.cmpf olt, %masked_sort3A_484, %while3A_476 : vector<16xf32>
        %select_n3A_487 = arith.select %lt3A_486, %masked_sort3A_484, %while3A_476 : vector<16xi1>, vector<16xf32>
        %select_n3A_488 = arith.select %lt3A_486, %masked_sort3A_485, %while3A_477 : vector<16xi1>, vector<16xi32>
        %masked_sort3A_489 = arith.constant dense<true> : vector<16xi1>
        %masked_sort3A_490, %masked_sort3A_491, %masked_sort3A_492 = tpu.sort %select_n3A_487, %select_n3A_488 masked %masked_sort3A_489 : (vector<16xf32>, vector<16xi32>, vector<16xi1>) -> (vector<16xi1>, vector<16xf32>, vector<16xi32>)
        scf.yield %masked_sort3A_491, %masked_sort3A_492 : vector<16xf32>, vector<16xi32>
      }
      %while3A_435 = arith.constant 1 : i32
      %while3A_436:2 = scf.for %while3A_475 = %while3A_432 to %while3A_428 step %while3A_435 iter_args(%while3A_476 = %while3A_434#0, %while3A_477 = %while3A_434#1) -> (vector<16xf32>, vector<16xi32>)  : i32 {
        %mul3A_478 = arith.constant 16 : i32
        %mul3A_479 = arith.muli %while3A_475, %mul3A_478 : i32
        %get3A = arith.index_cast %mul3A_479 : i32 to index
        %get3A_480 = tpu.vector_load %arg18[%get3A] {strides = array<i32>} : memref<4112xf32, #tpu.memory_space<vmem>>, vector<16xf32>,
        %get3A_481 = arith.index_cast %mul3A_479 : i32 to index
        %get3A_482 = tpu.vector_load %arg19[%get3A_481] {strides = array<i32>} : memref<4112xi32, #tpu.memory_space<vmem>>, vector<16xi32>,
        %masked_sort3A = arith.constant dense<true> : vector<16xi1>
        %masked_sort3A_483, %masked_sort3A_484, %masked_sort3A_485 = tpu.sort %get3A_480, %get3A_482 masked %masked_sort3A {descending = true} : (vector<16xf32>, vector<16xi32>, vector<16xi1>) -> (vector<16xi1>, vector<16xf32>, vector<16xi32>)
        %lt3A_486 = arith.cmpf olt, %masked_sort3A_484, %while3A_476 : vector<16xf32>
        %select_n3A_487 = arith.select %lt3A_486, %masked_sort3A_484, %while3A_476 : vector<16xi1>, vector<16xf32>
        %select_n3A_488 = arith.select %lt3A_486, %masked_sort3A_485, %while3A_477 : vector<16xi1>, vector<16xi32>
        %masked_sort3A_489 = arith.constant dense<true> : vector<16xi1>
        %masked_sort3A_490, %masked_sort3A_491, %masked_sort3A_492 = tpu.sort %select_n3A_487, %select_n3A_488 masked %masked_sort3A_489 : (vector<16xf32>, vector<16xi32>, vector<16xi1>) -> (vector<16xi1>, vector<16xf32>, vector<16xi32>)
        scf.yield %masked_sort3A_491, %masked_sort3A_492 : vector<16xf32>, vector<16xi32>
      }
      %gather3A_437 = tpu.vector_load_idx %arg7[%while3A_436#1] : memref<4096xf32, #tpu.memory_space<vmem>>[vector<16xi32>], vector<16xf32>,
      %gather3A_438 = tpu.vector_load_idx %arg8[%while3A_436#1] : memref<4096xf32, #tpu.memory_space<vmem>>[vector<16xi32>], vector<16xf32>,
      %gather3A_439 = tpu.vector_load_idx %arg9[%while3A_436#1] : memref<4096xf32, #tpu.memory_space<vmem>>[vector<16xi32>], vector<16xf32>,
      %sub3A_440 = arith.subf %gather3A_91, %gather3A_437 : vector<16xf32>
      %sub3A_441 = arith.subf %gather3A_92, %gather3A_438 : vector<16xf32>
      %sub3A_442 = arith.subf %gather3A_93, %gather3A_439 : vector<16xf32>
      %mul3A_443 = arith.mulf %sub3A_440, %sub3A_440 : vector<16xf32>
      %mul3A_444 = arith.mulf %sub3A_441, %sub3A_441 : vector<16xf32>
      %add3A_445 = arith.addf %mul3A_443, %mul3A_444 : vector<16xf32>
      %mul3A_446 = arith.mulf %sub3A_442, %sub3A_442 : vector<16xf32>
      %add3A_447 = arith.addf %add3A_445, %mul3A_446 : vector<16xf32>
      %add3A_448 = arith.constant 3 : i32
      %add3A_449 = arith.addi %mul3A_55, %add3A_448 : i32
      %swap3A_450 = arith.index_cast %add3A_449 : i32 to index
      %swap3A_451 = arith.constant 0 : index
      %swap3A_452 = tpu.vector_load %arg20[%swap3A_450, %swap3A_451] {strides = array<i32>} : memref<512x16xf32, #tpu.memory_space<vmem>>, vector<16xf32>,
      tpu.vector_store %arg20[%swap3A_450, %swap3A_451], %gather3A_91 {strides = array<i32>} : memref<512x16xf32, #tpu.memory_space<vmem>>, vector<16xf32>,
      %swap3A_453 = arith.index_cast %add3A_449 : i32 to index
      %swap3A_454 = arith.constant 0 : index
      %swap3A_455 = tpu.vector_load %arg21[%swap3A_453, %swap3A_454] {strides = array<i32>} : memref<512x16xf32, #tpu.memory_space<vmem>>, vector<16xf32>,
      tpu.vector_store %arg21[%swap3A_453, %swap3A_454], %gather3A_92 {strides = array<i32>} : memref<512x16xf32, #tpu.memory_space<vmem>>, vector<16xf32>,
      %swap3A_456 = arith.index_cast %add3A_449 : i32 to index
      %swap3A_457 = arith.constant 0 : index
      %swap3A_458 = tpu.vector_load %arg22[%swap3A_456, %swap3A_457] {strides = array<i32>} : memref<512x16xf32, #tpu.memory_space<vmem>>, vector<16xf32>,
      tpu.vector_store %arg22[%swap3A_456, %swap3A_457], %gather3A_93 {strides = array<i32>} : memref<512x16xf32, #tpu.memory_space<vmem>>, vector<16xf32>,
      %swap3A_459 = arith.index_cast %add3A_449 : i32 to index
      %swap3A_460 = arith.constant 0 : index
      %swap3A_461 = tpu.vector_load %arg23[%swap3A_459, %swap3A_460] {strides = array<i32>} : memref<512x16xf32, #tpu.memory_space<vmem>>, vector<16xf32>,
      tpu.vector_store %arg23[%swap3A_459, %swap3A_460], %gather3A_437 {strides = array<i32>} : memref<512x16xf32, #tpu.memory_space<vmem>>, vector<16xf32>,
      %swap3A_462 = arith.index_cast %add3A_449 : i32 to index
      %swap3A_463 = arith.constant 0 : index
      %swap3A_464 = tpu.vector_load %arg24[%swap3A_462, %swap3A_463] {strides = array<i32>} : memref<512x16xf32, #tpu.memory_space<vmem>>, vector<16xf32>,
      tpu.vector_store %arg24[%swap3A_462, %swap3A_463], %gather3A_438 {strides = array<i32>} : memref<512x16xf32, #tpu.memory_space<vmem>>, vector<16xf32>,
      %swap3A_465 = arith.index_cast %add3A_449 : i32 to index
      %swap3A_466 = arith.constant 0 : index
      %swap3A_467 = tpu.vector_load %arg25[%swap3A_465, %swap3A_466] {strides = array<i32>} : memref<512x16xf32, #tpu.memory_space<vmem>>, vector<16xf32>,
      tpu.vector_store %arg25[%swap3A_465, %swap3A_466], %gather3A_439 {strides = array<i32>} : memref<512x16xf32, #tpu.memory_space<vmem>>, vector<16xf32>,
      %swap3A_468 = arith.index_cast %add3A_449 : i32 to index
      %swap3A_469 = arith.constant 0 : index
      %swap3A_470 = tpu.vector_load %arg26[%swap3A_468, %swap3A_469] {strides = array<i32>} : memref<512x16xf32, #tpu.memory_space<vmem>>, vector<16xf32>,
      tpu.vector_store %arg26[%swap3A_468, %swap3A_469], %add3A_447 {strides = array<i32>} : memref<512x16xf32, #tpu.memory_space<vmem>>, vector<16xf32>,
      %swap3A_471 = arith.index_cast %add3A_449 : i32 to index
      %swap3A_472 = arith.constant 0 : index
      %swap3A_473 = tpu.vector_load %arg27[%swap3A_471, %swap3A_472] {strides = array<i32>} : memref<512x16xi32, #tpu.memory_space<vmem>>, vector<16xi32>,
      tpu.vector_store %arg27[%swap3A_471, %swap3A_472], %while3A_436#1 {strides = array<i32>} : memref<512x16xi32, #tpu.memory_space<vmem>>, vector<16xi32>,
      %scan3A_474 = arith.constant 0 : i32
      scf.yield %scan3A_474 : i32
    }
    %scan3A_44 = arith.constant 128 : i32
    %run_scoped3A_45 = arith.constant 0 : i32
    "tpu.region"() ({
      %run_scoped3A_52 = tpu.sem_alloc : memref<!tpu.dma_semaphore, #tpu.memory_space<semaphore_mem>>
      %dma_start3A = arith.constant 0 : i32
      %dma_start3A_53 = tpu.memref_slice %arg5[%select_n3A, %run_scoped3A_45, %mul3A_32, %dma_start3A] : memref<4x7x4096x16xf32, #tpu.memory_space<hbm>> -> memref<1x1x512x16xf32, #tpu.memory_space<hbm>>
      %dma_start3A_54 = tpu.memref_squeeze %dma_start3A_53 : memref<1x1x512x16xf32, #tpu.memory_space<hbm>> -> memref<512x16xf32, #tpu.memory_space<hbm>>
      %dma_start3A_55 = arith.constant 0 : i32
      %dma_start3A_56 = tpu.memref_slice %arg5[%select_n3A, %run_scoped3A_45, %mul3A_32, %dma_start3A_55] : memref<4x7x4096x16xf32, #tpu.memory_space<hbm>> -> memref<1x1x512x16xf32, #tpu.memory_space<hbm>>
      %dma_start3A_57 = tpu.memref_squeeze %dma_start3A_56 : memref<1x1x512x16xf32, #tpu.memory_space<hbm>> -> memref<512x16xf32, #tpu.memory_space<hbm>>
      tpu.enqueue_dma source(%arg20 : memref<512x16xf32, #tpu.memory_space<vmem>>) target(%dma_start3A_57 : memref<512x16xf32, #tpu.memory_space<hbm>>) target_semaphore(%run_scoped3A_52 : memref<!tpu.dma_semaphore, #tpu.memory_space<semaphore_mem>>)
      %dma_wait3A = arith.constant 0 : i32
      %dma_wait3A_58 = tpu.memref_slice %arg5[%select_n3A, %run_scoped3A_45, %mul3A_32, %dma_wait3A] : memref<4x7x4096x16xf32, #tpu.memory_space<hbm>> -> memref<1x1x512x16xf32, #tpu.memory_space<hbm>>
      %dma_wait3A_59 = tpu.memref_squeeze %dma_wait3A_58 : memref<1x1x512x16xf32, #tpu.memory_space<hbm>> -> memref<512x16xf32, #tpu.memory_space<hbm>>
      %dma_wait3A_60 = arith.constant 0 : i32
      %dma_wait3A_61 = tpu.memref_slice %arg5[%select_n3A, %run_scoped3A_45, %mul3A_32, %dma_wait3A_60] : memref<4x7x4096x16xf32, #tpu.memory_space<hbm>> -> memref<1x1x512x16xf32, #tpu.memory_space<hbm>>
      %dma_wait3A_62 = tpu.memref_squeeze %dma_wait3A_61 : memref<1x1x512x16xf32, #tpu.memory_space<hbm>> -> memref<512x16xf32, #tpu.memory_space<hbm>>
      tpu.wait_dma2 semaphore(%run_scoped3A_52 : memref<!tpu.dma_semaphore, #tpu.memory_space<semaphore_mem>>) src(%arg20 : memref<512x16xf32, #tpu.memory_space<vmem>>) dst(%dma_wait3A_62 : memref<512x16xf32, #tpu.memory_space<hbm>>)
      tpu.yield
    }) : () -> ()
    %run_scoped3A_46 = arith.constant 1 : i32
    "tpu.region"() ({
      %run_scoped3A_52 = tpu.sem_alloc : memref<!tpu.dma_semaphore, #tpu.memory_space<semaphore_mem>>
      %dma_start3A = arith.constant 0 : i32
      %dma_start3A_53 = tpu.memref_slice %arg5[%select_n3A, %run_scoped3A_46, %mul3A_32, %dma_start3A] : memref<4x7x4096x16xf32, #tpu.memory_space<hbm>> -> memref<1x1x512x16xf32, #tpu.memory_space<hbm>>
      %dma_start3A_54 = tpu.memref_squeeze %dma_start3A_53 : memref<1x1x512x16xf32, #tpu.memory_space<hbm>> -> memref<512x16xf32, #tpu.memory_space<hbm>>
      %dma_start3A_55 = arith.constant 0 : i32
      %dma_start3A_56 = tpu.memref_slice %arg5[%select_n3A, %run_scoped3A_46, %mul3A_32, %dma_start3A_55] : memref<4x7x4096x16xf32, #tpu.memory_space<hbm>> -> memref<1x1x512x16xf32, #tpu.memory_space<hbm>>
      %dma_start3A_57 = tpu.memref_squeeze %dma_start3A_56 : memref<1x1x512x16xf32, #tpu.memory_space<hbm>> -> memref<512x16xf32, #tpu.memory_space<hbm>>
      tpu.enqueue_dma source(%arg21 : memref<512x16xf32, #tpu.memory_space<vmem>>) target(%dma_start3A_57 : memref<512x16xf32, #tpu.memory_space<hbm>>) target_semaphore(%run_scoped3A_52 : memref<!tpu.dma_semaphore, #tpu.memory_space<semaphore_mem>>)
      %dma_wait3A = arith.constant 0 : i32
      %dma_wait3A_58 = tpu.memref_slice %arg5[%select_n3A, %run_scoped3A_46, %mul3A_32, %dma_wait3A] : memref<4x7x4096x16xf32, #tpu.memory_space<hbm>> -> memref<1x1x512x16xf32, #tpu.memory_space<hbm>>
      %dma_wait3A_59 = tpu.memref_squeeze %dma_wait3A_58 : memref<1x1x512x16xf32, #tpu.memory_space<hbm>> -> memref<512x16xf32, #tpu.memory_space<hbm>>
      %dma_wait3A_60 = arith.constant 0 : i32
      %dma_wait3A_61 = tpu.memref_slice %arg5[%select_n3A, %run_scoped3A_46, %mul3A_32, %dma_wait3A_60] : memref<4x7x4096x16xf32, #tpu.memory_space<hbm>> -> memref<1x1x512x16xf32, #tpu.memory_space<hbm>>
      %dma_wait3A_62 = tpu.memref_squeeze %dma_wait3A_61 : memref<1x1x512x16xf32, #tpu.memory_space<hbm>> -> memref<512x16xf32, #tpu.memory_space<hbm>>
      tpu.wait_dma2 semaphore(%run_scoped3A_52 : memref<!tpu.dma_semaphore, #tpu.memory_space<semaphore_mem>>) src(%arg21 : memref<512x16xf32, #tpu.memory_space<vmem>>) dst(%dma_wait3A_62 : memref<512x16xf32, #tpu.memory_space<hbm>>)
      tpu.yield
    }) : () -> ()
    %run_scoped3A_47 = arith.constant 2 : i32
    "tpu.region"() ({
      %run_scoped3A_52 = tpu.sem_alloc : memref<!tpu.dma_semaphore, #tpu.memory_space<semaphore_mem>>
      %dma_start3A = arith.constant 0 : i32
      %dma_start3A_53 = tpu.memref_slice %arg5[%select_n3A, %run_scoped3A_47, %mul3A_32, %dma_start3A] : memref<4x7x4096x16xf32, #tpu.memory_space<hbm>> -> memref<1x1x512x16xf32, #tpu.memory_space<hbm>>
      %dma_start3A_54 = tpu.memref_squeeze %dma_start3A_53 : memref<1x1x512x16xf32, #tpu.memory_space<hbm>> -> memref<512x16xf32, #tpu.memory_space<hbm>>
      %dma_start3A_55 = arith.constant 0 : i32
      %dma_start3A_56 = tpu.memref_slice %arg5[%select_n3A, %run_scoped3A_47, %mul3A_32, %dma_start3A_55] : memref<4x7x4096x16xf32, #tpu.memory_space<hbm>> -> memref<1x1x512x16xf32, #tpu.memory_space<hbm>>
      %dma_start3A_57 = tpu.memref_squeeze %dma_start3A_56 : memref<1x1x512x16xf32, #tpu.memory_space<hbm>> -> memref<512x16xf32, #tpu.memory_space<hbm>>
      tpu.enqueue_dma source(%arg22 : memref<512x16xf32, #tpu.memory_space<vmem>>) target(%dma_start3A_57 : memref<512x16xf32, #tpu.memory_space<hbm>>) target_semaphore(%run_scoped3A_52 : memref<!tpu.dma_semaphore, #tpu.memory_space<semaphore_mem>>)
      %dma_wait3A = arith.constant 0 : i32
      %dma_wait3A_58 = tpu.memref_slice %arg5[%select_n3A, %run_scoped3A_47, %mul3A_32, %dma_wait3A] : memref<4x7x4096x16xf32, #tpu.memory_space<hbm>> -> memref<1x1x512x16xf32, #tpu.memory_space<hbm>>
      %dma_wait3A_59 = tpu.memref_squeeze %dma_wait3A_58 : memref<1x1x512x16xf32, #tpu.memory_space<hbm>> -> memref<512x16xf32, #tpu.memory_space<hbm>>
      %dma_wait3A_60 = arith.constant 0 : i32
      %dma_wait3A_61 = tpu.memref_slice %arg5[%select_n3A, %run_scoped3A_47, %mul3A_32, %dma_wait3A_60] : memref<4x7x4096x16xf32, #tpu.memory_space<hbm>> -> memref<1x1x512x16xf32, #tpu.memory_space<hbm>>
      %dma_wait3A_62 = tpu.memref_squeeze %dma_wait3A_61 : memref<1x1x512x16xf32, #tpu.memory_space<hbm>> -> memref<512x16xf32, #tpu.memory_space<hbm>>
      tpu.wait_dma2 semaphore(%run_scoped3A_52 : memref<!tpu.dma_semaphore, #tpu.memory_space<semaphore_mem>>) src(%arg22 : memref<512x16xf32, #tpu.memory_space<vmem>>) dst(%dma_wait3A_62 : memref<512x16xf32, #tpu.memory_space<hbm>>)
      tpu.yield
    }) : () -> ()
    %run_scoped3A_48 = arith.constant 3 : i32
    "tpu.region"() ({
      %run_scoped3A_52 = tpu.sem_alloc : memref<!tpu.dma_semaphore, #tpu.memory_space<semaphore_mem>>
      %dma_start3A = arith.constant 0 : i32
      %dma_start3A_53 = tpu.memref_slice %arg5[%select_n3A, %run_scoped3A_48, %mul3A_32, %dma_start3A] : memref<4x7x4096x16xf32, #tpu.memory_space<hbm>> -> memref<1x1x512x16xf32, #tpu.memory_space<hbm>>
      %dma_start3A_54 = tpu.memref_squeeze %dma_start3A_53 : memref<1x1x512x16xf32, #tpu.memory_space<hbm>> -> memref<512x16xf32, #tpu.memory_space<hbm>>
      %dma_start3A_55 = arith.constant 0 : i32
      %dma_start3A_56 = tpu.memref_slice %arg5[%select_n3A, %run_scoped3A_48, %mul3A_32, %dma_start3A_55] : memref<4x7x4096x16xf32, #tpu.memory_space<hbm>> -> memref<1x1x512x16xf32, #tpu.memory_space<hbm>>
      %dma_start3A_57 = tpu.memref_squeeze %dma_start3A_56 : memref<1x1x512x16xf32, #tpu.memory_space<hbm>> -> memref<512x16xf32, #tpu.memory_space<hbm>>
      tpu.enqueue_dma source(%arg23 : memref<512x16xf32, #tpu.memory_space<vmem>>) target(%dma_start3A_57 : memref<512x16xf32, #tpu.memory_space<hbm>>) target_semaphore(%run_scoped3A_52 : memref<!tpu.dma_semaphore, #tpu.memory_space<semaphore_mem>>)
      %dma_wait3A = arith.constant 0 : i32
      %dma_wait3A_58 = tpu.memref_slice %arg5[%select_n3A, %run_scoped3A_48, %mul3A_32, %dma_wait3A] : memref<4x7x4096x16xf32, #tpu.memory_space<hbm>> -> memref<1x1x512x16xf32, #tpu.memory_space<hbm>>
      %dma_wait3A_59 = tpu.memref_squeeze %dma_wait3A_58 : memref<1x1x512x16xf32, #tpu.memory_space<hbm>> -> memref<512x16xf32, #tpu.memory_space<hbm>>
      %dma_wait3A_60 = arith.constant 0 : i32
      %dma_wait3A_61 = tpu.memref_slice %arg5[%select_n3A, %run_scoped3A_48, %mul3A_32, %dma_wait3A_60] : memref<4x7x4096x16xf32, #tpu.memory_space<hbm>> -> memref<1x1x512x16xf32, #tpu.memory_space<hbm>>
      %dma_wait3A_62 = tpu.memref_squeeze %dma_wait3A_61 : memref<1x1x512x16xf32, #tpu.memory_space<hbm>> -> memref<512x16xf32, #tpu.memory_space<hbm>>
      tpu.wait_dma2 semaphore(%run_scoped3A_52 : memref<!tpu.dma_semaphore, #tpu.memory_space<semaphore_mem>>) src(%arg23 : memref<512x16xf32, #tpu.memory_space<vmem>>) dst(%dma_wait3A_62 : memref<512x16xf32, #tpu.memory_space<hbm>>)
      tpu.yield
    }) : () -> ()
    %run_scoped3A_49 = arith.constant 4 : i32
    "tpu.region"() ({
      %run_scoped3A_52 = tpu.sem_alloc : memref<!tpu.dma_semaphore, #tpu.memory_space<semaphore_mem>>
      %dma_start3A = arith.constant 0 : i32
      %dma_start3A_53 = tpu.memref_slice %arg5[%select_n3A, %run_scoped3A_49, %mul3A_32, %dma_start3A] : memref<4x7x4096x16xf32, #tpu.memory_space<hbm>> -> memref<1x1x512x16xf32, #tpu.memory_space<hbm>>
      %dma_start3A_54 = tpu.memref_squeeze %dma_start3A_53 : memref<1x1x512x16xf32, #tpu.memory_space<hbm>> -> memref<512x16xf32, #tpu.memory_space<hbm>>
      %dma_start3A_55 = arith.constant 0 : i32
      %dma_start3A_56 = tpu.memref_slice %arg5[%select_n3A, %run_scoped3A_49, %mul3A_32, %dma_start3A_55] : memref<4x7x4096x16xf32, #tpu.memory_space<hbm>> -> memref<1x1x512x16xf32, #tpu.memory_space<hbm>>
      %dma_start3A_57 = tpu.memref_squeeze %dma_start3A_56 : memref<1x1x512x16xf32, #tpu.memory_space<hbm>> -> memref<512x16xf32, #tpu.memory_space<hbm>>
      tpu.enqueue_dma source(%arg24 : memref<512x16xf32, #tpu.memory_space<vmem>>) target(%dma_start3A_57 : memref<512x16xf32, #tpu.memory_space<hbm>>) target_semaphore(%run_scoped3A_52 : memref<!tpu.dma_semaphore, #tpu.memory_space<semaphore_mem>>)
      %dma_wait3A = arith.constant 0 : i32
      %dma_wait3A_58 = tpu.memref_slice %arg5[%select_n3A, %run_scoped3A_49, %mul3A_32, %dma_wait3A] : memref<4x7x4096x16xf32, #tpu.memory_space<hbm>> -> memref<1x1x512x16xf32, #tpu.memory_space<hbm>>
      %dma_wait3A_59 = tpu.memref_squeeze %dma_wait3A_58 : memref<1x1x512x16xf32, #tpu.memory_space<hbm>> -> memref<512x16xf32, #tpu.memory_space<hbm>>
      %dma_wait3A_60 = arith.constant 0 : i32
      %dma_wait3A_61 = tpu.memref_slice %arg5[%select_n3A, %run_scoped3A_49, %mul3A_32, %dma_wait3A_60] : memref<4x7x4096x16xf32, #tpu.memory_space<hbm>> -> memref<1x1x512x16xf32, #tpu.memory_space<hbm>>
      %dma_wait3A_62 = tpu.memref_squeeze %dma_wait3A_61 : memref<1x1x512x16xf32, #tpu.memory_space<hbm>> -> memref<512x16xf32, #tpu.memory_space<hbm>>
      tpu.wait_dma2 semaphore(%run_scoped3A_52 : memref<!tpu.dma_semaphore, #tpu.memory_space<semaphore_mem>>) src(%arg24 : memref<512x16xf32, #tpu.memory_space<vmem>>) dst(%dma_wait3A_62 : memref<512x16xf32, #tpu.memory_space<hbm>>)
      tpu.yield
    }) : () -> ()
    %run_scoped3A_50 = arith.constant 5 : i32
    "tpu.region"() ({
      %run_scoped3A_52 = tpu.sem_alloc : memref<!tpu.dma_semaphore, #tpu.memory_space<semaphore_mem>>
      %dma_start3A = arith.constant 0 : i32
      %dma_start3A_53 = tpu.memref_slice %arg5[%select_n3A, %run_scoped3A_50, %mul3A_32, %dma_start3A] : memref<4x7x4096x16xf32, #tpu.memory_space<hbm>> -> memref<1x1x512x16xf32, #tpu.memory_space<hbm>>
      %dma_start3A_54 = tpu.memref_squeeze %dma_start3A_53 : memref<1x1x512x16xf32, #tpu.memory_space<hbm>> -> memref<512x16xf32, #tpu.memory_space<hbm>>
      %dma_start3A_55 = arith.constant 0 : i32
      %dma_start3A_56 = tpu.memref_slice %arg5[%select_n3A, %run_scoped3A_50, %mul3A_32, %dma_start3A_55] : memref<4x7x4096x16xf32, #tpu.memory_space<hbm>> -> memref<1x1x512x16xf32, #tpu.memory_space<hbm>>
      %dma_start3A_57 = tpu.memref_squeeze %dma_start3A_56 : memref<1x1x512x16xf32, #tpu.memory_space<hbm>> -> memref<512x16xf32, #tpu.memory_space<hbm>>
      tpu.enqueue_dma source(%arg25 : memref<512x16xf32, #tpu.memory_space<vmem>>) target(%dma_start3A_57 : memref<512x16xf32, #tpu.memory_space<hbm>>) target_semaphore(%run_scoped3A_52 : memref<!tpu.dma_semaphore, #tpu.memory_space<semaphore_mem>>)
      %dma_wait3A = arith.constant 0 : i32
      %dma_wait3A_58 = tpu.memref_slice %arg5[%select_n3A, %run_scoped3A_50, %mul3A_32, %dma_wait3A] : memref<4x7x4096x16xf32, #tpu.memory_space<hbm>> -> memref<1x1x512x16xf32, #tpu.memory_space<hbm>>
      %dma_wait3A_59 = tpu.memref_squeeze %dma_wait3A_58 : memref<1x1x512x16xf32, #tpu.memory_space<hbm>> -> memref<512x16xf32, #tpu.memory_space<hbm>>
      %dma_wait3A_60 = arith.constant 0 : i32
      %dma_wait3A_61 = tpu.memref_slice %arg5[%select_n3A, %run_scoped3A_50, %mul3A_32, %dma_wait3A_60] : memref<4x7x4096x16xf32, #tpu.memory_space<hbm>> -> memref<1x1x512x16xf32, #tpu.memory_space<hbm>>
      %dma_wait3A_62 = tpu.memref_squeeze %dma_wait3A_61 : memref<1x1x512x16xf32, #tpu.memory_space<hbm>> -> memref<512x16xf32, #tpu.memory_space<hbm>>
      tpu.wait_dma2 semaphore(%run_scoped3A_52 : memref<!tpu.dma_semaphore, #tpu.memory_space<semaphore_mem>>) src(%arg25 : memref<512x16xf32, #tpu.memory_space<vmem>>) dst(%dma_wait3A_62 : memref<512x16xf32, #tpu.memory_space<hbm>>)
      tpu.yield
    }) : () -> ()
    %run_scoped3A_51 = arith.constant 6 : i32
    "tpu.region"() ({
      %run_scoped3A_52 = tpu.sem_alloc : memref<!tpu.dma_semaphore, #tpu.memory_space<semaphore_mem>>
      %dma_start3A = arith.constant 0 : i32
      %dma_start3A_53 = tpu.memref_slice %arg5[%select_n3A, %run_scoped3A_51, %mul3A_32, %dma_start3A] : memref<4x7x4096x16xf32, #tpu.memory_space<hbm>> -> memref<1x1x512x16xf32, #tpu.memory_space<hbm>>
      %dma_start3A_54 = tpu.memref_squeeze %dma_start3A_53 : memref<1x1x512x16xf32, #tpu.memory_space<hbm>> -> memref<512x16xf32, #tpu.memory_space<hbm>>
      %dma_start3A_55 = arith.constant 0 : i32
      %dma_start3A_56 = tpu.memref_slice %arg5[%select_n3A, %run_scoped3A_51, %mul3A_32, %dma_start3A_55] : memref<4x7x4096x16xf32, #tpu.memory_space<hbm>> -> memref<1x1x512x16xf32, #tpu.memory_space<hbm>>
      %dma_start3A_57 = tpu.memref_squeeze %dma_start3A_56 : memref<1x1x512x16xf32, #tpu.memory_space<hbm>> -> memref<512x16xf32, #tpu.memory_space<hbm>>
      tpu.enqueue_dma source(%arg26 : memref<512x16xf32, #tpu.memory_space<vmem>>) target(%dma_start3A_57 : memref<512x16xf32, #tpu.memory_space<hbm>>) target_semaphore(%run_scoped3A_52 : memref<!tpu.dma_semaphore, #tpu.memory_space<semaphore_mem>>)
      %dma_wait3A = arith.constant 0 : i32
      %dma_wait3A_58 = tpu.memref_slice %arg5[%select_n3A, %run_scoped3A_51, %mul3A_32, %dma_wait3A] : memref<4x7x4096x16xf32, #tpu.memory_space<hbm>> -> memref<1x1x512x16xf32, #tpu.memory_space<hbm>>
      %dma_wait3A_59 = tpu.memref_squeeze %dma_wait3A_58 : memref<1x1x512x16xf32, #tpu.memory_space<hbm>> -> memref<512x16xf32, #tpu.memory_space<hbm>>
      %dma_wait3A_60 = arith.constant 0 : i32
      %dma_wait3A_61 = tpu.memref_slice %arg5[%select_n3A, %run_scoped3A_51, %mul3A_32, %dma_wait3A_60] : memref<4x7x4096x16xf32, #tpu.memory_space<hbm>> -> memref<1x1x512x16xf32, #tpu.memory_space<hbm>>
      %dma_wait3A_62 = tpu.memref_squeeze %dma_wait3A_61 : memref<1x1x512x16xf32, #tpu.memory_space<hbm>> -> memref<512x16xf32, #tpu.memory_space<hbm>>
      tpu.wait_dma2 semaphore(%run_scoped3A_52 : memref<!tpu.dma_semaphore, #tpu.memory_space<semaphore_mem>>) src(%arg26 : memref<512x16xf32, #tpu.memory_space<vmem>>) dst(%dma_wait3A_62 : memref<512x16xf32, #tpu.memory_space<hbm>>)
      tpu.yield
    }) : () -> ()
    "tpu.region"() ({
      %run_scoped3A_52 = tpu.sem_alloc : memref<!tpu.dma_semaphore, #tpu.memory_space<semaphore_mem>>
      %dma_start3A = arith.constant 0 : i32
      %dma_start3A_53 = tpu.memref_slice %arg6[%select_n3A, %mul3A_32, %dma_start3A] : memref<4x4096x16xi32, #tpu.memory_space<hbm>> -> memref<1x512x16xi32, #tpu.memory_space<hbm>>
      %dma_start3A_54 = tpu.memref_squeeze %dma_start3A_53 : memref<1x512x16xi32, #tpu.memory_space<hbm>> -> memref<512x16xi32, #tpu.memory_space<hbm>>
      %dma_start3A_55 = arith.constant 0 : i32
      %dma_start3A_56 = tpu.memref_slice %arg6[%select_n3A, %mul3A_32, %dma_start3A_55] : memref<4x4096x16xi32, #tpu.memory_space<hbm>> -> memref<1x512x16xi32, #tpu.memory_space<hbm>>
      %dma_start3A_57 = tpu.memref_squeeze %dma_start3A_56 : memref<1x512x16xi32, #tpu.memory_space<hbm>> -> memref<512x16xi32, #tpu.memory_space<hbm>>
      tpu.enqueue_dma source(%arg27 : memref<512x16xi32, #tpu.memory_space<vmem>>) target(%dma_start3A_57 : memref<512x16xi32, #tpu.memory_space<hbm>>) target_semaphore(%run_scoped3A_52 : memref<!tpu.dma_semaphore, #tpu.memory_space<semaphore_mem>>)
      %dma_wait3A = arith.constant 0 : i32
      %dma_wait3A_58 = tpu.memref_slice %arg6[%select_n3A, %mul3A_32, %dma_wait3A] : memref<4x4096x16xi32, #tpu.memory_space<hbm>> -> memref<1x512x16xi32, #tpu.memory_space<hbm>>
      %dma_wait3A_59 = tpu.memref_squeeze %dma_wait3A_58 : memref<1x512x16xi32, #tpu.memory_space<hbm>> -> memref<512x16xi32, #tpu.memory_space<hbm>>
      %dma_wait3A_60 = arith.constant 0 : i32
      %dma_wait3A_61 = tpu.memref_slice %arg6[%select_n3A, %mul3A_32, %dma_wait3A_60] : memref<4x4096x16xi32, #tpu.memory_space<hbm>> -> memref<1x512x16xi32, #tpu.memory_space<hbm>>
      %dma_wait3A_62 = tpu.memref_squeeze %dma_wait3A_61 : memref<1x512x16xi32, #tpu.memory_space<hbm>> -> memref<512x16xi32, #tpu.memory_space<hbm>>
      tpu.wait_dma2 semaphore(%run_scoped3A_52 : memref<!tpu.dma_semaphore, #tpu.memory_space<semaphore_mem>>) src(%arg27 : memref<512x16xi32, #tpu.memory_space<vmem>>) dst(%dma_wait3A_62 : memref<512x16xi32, #tpu.memory_space<hbm>>)
      tpu.yield
    }) : () -> ()
    return
  }
}

module attributes {stable_mosaic.version = 14 : i64} {
  func.func @_stats2_body(%arg0: i32, %arg1: i32, %arg2: memref<64x3xf32, #tpu.memory_space<vmem>>, %arg3: memref<64x3xf32, #tpu.memory_space<vmem>>, %arg4: memref<64x1xf32, #tpu.memory_space<vmem>>, %arg5: memref<64x1xf32, #tpu.memory_space<vmem>>, %arg6: memref<64x1xf32, #tpu.memory_space<vmem>>, %arg7: memref<64x1xf32, #tpu.memory_space<vmem>>, %arg8: memref<64x64xf32, #tpu.memory_space<vmem>>, %arg9: memref<64x1xf32, #tpu.memory_space<vmem>>, %arg10: memref<1x7x16384xf32, #tpu.memory_space<vmem>>, %arg11: memref<64x1xf32, #tpu.memory_space<vmem>>, %arg12: memref<64x1xf32, #tpu.memory_space<vmem>>) attributes {dimension_semantics = [#tpu.dimension_semantics<arbitrary>, #tpu.dimension_semantics<arbitrary>], iteration_bounds = array<i64: 4, 4>, scalar_prefetch = 0 : i64, scratch_operands = 0 : i64, tpu.core_type = #tpu.core_type<tc>, window_params = [{pipeline_mode = #tpu.pipeline_mode<synchronous>, transform_indices = @transform_0, window_bounds = array<i64: 64, 3>}, {pipeline_mode = #tpu.pipeline_mode<synchronous>, transform_indices = @transform_1, window_bounds = array<i64: 64, 3>}, {pipeline_mode = #tpu.pipeline_mode<synchronous>, transform_indices = @transform_2, window_bounds = array<i64: 64, 1>}, {pipeline_mode = #tpu.pipeline_mode<synchronous>, transform_indices = @transform_3, window_bounds = array<i64: 64, 1>}, {pipeline_mode = #tpu.pipeline_mode<synchronous>, transform_indices = @transform_4, window_bounds = array<i64: 64, 1>}, {pipeline_mode = #tpu.pipeline_mode<synchronous>, transform_indices = @transform_5, window_bounds = array<i64: 64, 1>}, {pipeline_mode = #tpu.pipeline_mode<synchronous>, transform_indices = @transform_6, window_bounds = array<i64: 64, 64>}, {pipeline_mode = #tpu.pipeline_mode<synchronous>, transform_indices = @transform_7, window_bounds = array<i64: 64, 1>}, {transform_indices = @transform_8, window_bounds = array<i64: 1, 7, 16384>}, {pipeline_mode = #tpu.pipeline_mode<synchronous>, transform_indices = @transform_9, window_bounds = array<i64: 64, 1>}, {pipeline_mode = #tpu.pipeline_mode<synchronous>, transform_indices = @transform_10, window_bounds = array<i64: 64, 1>}]} {
    %get3A = arith.constant 0 : index
    %get3A_0 = arith.constant 0 : index
    %get3A_1 = vector.load %arg2[%get3A, %get3A_0] : memref<64x3xf32, #tpu.memory_space<vmem>>, vector<64x3xf32>
    %get3A_2 = arith.constant 0 : index
    %get3A_3 = arith.constant 0 : index
    %get3A_4 = vector.load %arg3[%get3A_2, %get3A_3] : memref<64x3xf32, #tpu.memory_space<vmem>>, vector<64x3xf32>
    %get3A_5 = arith.constant 0 : index
    %get3A_6 = arith.constant 0 : index
    %get3A_7 = vector.load %arg4[%get3A_5, %get3A_6] : memref<64x1xf32, #tpu.memory_space<vmem>>, vector<64x1xf32>
    %get3A_8 = arith.constant 0 : index
    %get3A_9 = arith.constant 0 : index
    %get3A_10 = vector.load %arg5[%get3A_8, %get3A_9] : memref<64x1xf32, #tpu.memory_space<vmem>>, vector<64x1xf32>
    %get3A_11 = arith.constant 0 : index
    %get3A_12 = arith.constant 0 : index
    %get3A_13 = arith.constant 0 : index
    %get3A_14 = vector.load %arg10[%get3A_11, %get3A_12, %get3A_13] : memref<1x7x16384xf32, #tpu.memory_space<vmem>>, vector<1x3x16384xf32>
    %get3A_15 = vector.shape_cast %get3A_14 : vector<1x3x16384xf32> to vector<3x16384xf32>
    %get3A_16 = arith.constant 0 : index
    %get3A_17 = arith.constant 3 : index
    %get3A_18 = arith.constant 0 : index
    %get3A_19 = vector.load %arg10[%get3A_16, %get3A_17, %get3A_18] : memref<1x7x16384xf32, #tpu.memory_space<vmem>>, vector<1x3x16384xf32>
    %get3A_20 = vector.shape_cast %get3A_19 : vector<1x3x16384xf32> to vector<3x16384xf32>
    %get3A_21 = arith.constant 0 : index
    %get3A_22 = arith.constant 6 : index
    %get3A_23 = arith.constant 0 : index
    %get3A_24 = vector.load %arg10[%get3A_21, %get3A_22, %get3A_23] : memref<1x7x16384xf32, #tpu.memory_space<vmem>>, vector<1x1x16384xf32>
    %get3A_25 = vector.shape_cast %get3A_24 : vector<1x1x16384xf32> to vector<1x16384xf32>
    %sqrt3A = math.sqrt %get3A_25 : vector<1x16384xf32>
    %dot_general3A = arith.constant dense<0.000000e+00> : vector<64x16384xf32>
    %dot_general3A_26 = tpu.matmul %get3A_1, %get3A_15, %dot_general3A {dimension_numbers = #tpu.dot_dimension_numbers<[1], [0], [0], [1], [0, 0, 1, 1], [], []>, precision = #tpu.contract_precision<fp32>, transpose_lhs_hint = false} : vector<64x3xf32>, vector<3x16384xf32>, vector<64x16384xf32> -> vector<64x16384xf32>
    %dot_general3A_27 = arith.constant dense<0.000000e+00> : vector<64x16384xf32>
    %dot_general3A_28 = tpu.matmul %get3A_4, %get3A_20, %dot_general3A_27 {dimension_numbers = #tpu.dot_dimension_numbers<[1], [0], [0], [1], [0, 0, 1, 1], [], []>, precision = #tpu.contract_precision<fp32>, transpose_lhs_hint = false} : vector<64x3xf32>, vector<3x16384xf32>, vector<64x16384xf32> -> vector<64x16384xf32>
    %add3A = arith.addf %dot_general3A_26, %dot_general3A_28 : vector<64x16384xf32>
    %mul3A = vector.broadcast %get3A_7 : vector<64x1xf32> to vector<64x16384xf32>
    %mul3A_29 = vector.broadcast %sqrt3A : vector<1x16384xf32> to vector<64x16384xf32>
    %mul3A_30 = arith.mulf %mul3A, %mul3A_29 : vector<64x16384xf32>
    %add3A_31 = arith.addf %add3A, %mul3A_30 : vector<64x16384xf32>
    %add3A_32 = vector.broadcast %get3A_10 : vector<64x1xf32> to vector<64x16384xf32>
    %add3A_33 = arith.addf %add3A_31, %add3A_32 : vector<64x16384xf32>
    %get3A_34 = arith.constant 0 : index
    %get3A_35 = arith.constant 0 : index
    %get3A_36 = vector.load %arg6[%get3A_34, %get3A_35] : memref<64x1xf32, #tpu.memory_space<vmem>>, vector<64x1xf32>
    %mul3A_37 = vector.broadcast %get3A_36 : vector<64x1xf32> to vector<64x16384xf32>
    %mul3A_38 = arith.mulf %mul3A_37, %add3A_33 : vector<64x16384xf32>
    %get3A_39 = arith.constant 0 : index
    %get3A_40 = arith.constant 0 : index
    %get3A_41 = vector.load %arg7[%get3A_39, %get3A_40] : memref<64x1xf32, #tpu.memory_space<vmem>>, vector<64x1xf32>
    %add3A_42 = vector.broadcast %get3A_41 : vector<64x1xf32> to vector<64x16384xf32>
    %add3A_43 = arith.addf %mul3A_38, %add3A_42 : vector<64x16384xf32>
    %ge3A = arith.constant 0.000000e+00 : f32
    %ge3A_44 = vector.broadcast %ge3A : f32 to vector<64x16384xf32>
    %ge3A_45 = arith.cmpf oge, %add3A_43, %ge3A_44 : vector<64x16384xf32>
    %mul3A_46 = arith.constant 0.00999999977 : f32
    %mul3A_47 = vector.broadcast %mul3A_46 : f32 to vector<64x16384xf32>
    %mul3A_48 = arith.mulf %mul3A_47, %add3A_43 : vector<64x16384xf32>
    %select_n3A = arith.select %ge3A_45, %add3A_43, %mul3A_48 : vector<64x16384xi1>, vector<64x16384xf32>
    %get3A_49 = arith.constant 0 : index
    %get3A_50 = arith.constant 0 : index
    %get3A_51 = vector.load %arg8[%get3A_49, %get3A_50] : memref<64x64xf32, #tpu.memory_space<vmem>>, vector<64x64xf32>
    %dot_general3A_52 = arith.constant dense<0.000000e+00> : vector<64x16384xf32>
    %dot_general3A_53 = tpu.matmul %get3A_51, %select_n3A, %dot_general3A_52 {dimension_numbers = #tpu.dot_dimension_numbers<[1], [0], [0], [1], [0, 0, 1, 1], [], []>, transpose_lhs_hint = false} : vector<64x64xf32>, vector<64x16384xf32>, vector<64x16384xf32> -> vector<64x16384xf32>
    %get3A_54 = arith.constant 0 : index
    %get3A_55 = arith.constant 0 : index
    %get3A_56 = vector.load %arg9[%get3A_54, %get3A_55] : memref<64x1xf32, #tpu.memory_space<vmem>>, vector<64x1xf32>
    %add3A_57 = vector.broadcast %get3A_56 : vector<64x1xf32> to vector<64x16384xf32>
    %add3A_58 = arith.addf %dot_general3A_53, %add3A_57 : vector<64x16384xf32>
    %eq3A = arith.constant 0 : i32
    %eq3A_59 = arith.cmpi eq, %arg0, %eq3A : i32
    %eq3A_60 = arith.constant 0 : i32
    %eq3A_61 = arith.cmpi eq, %arg1, %eq3A_60 : i32
    %and3A = arith.andi %eq3A_59, %eq3A_61 : i1
    %convert_element_type3A = arith.extui %and3A : i1 to i32
    %cond3A = arith.constant 0 : i32
    %cond3A_62 = arith.cmpi ne, %convert_element_type3A, %cond3A : i32
    scf.if %cond3A_62 {
      %broadcast_in_dim3A_81 = arith.constant 0.000000e+00 : f32
      %broadcast_in_dim3A_82 = vector.broadcast %broadcast_in_dim3A_81 : f32 to vector<64x1xf32>
      %swap3A_83 = arith.constant 0 : index
      %swap3A_84 = arith.constant 0 : index
      %swap3A_85 = vector.load %arg11[%swap3A_83, %swap3A_84] : memref<64x1xf32, #tpu.memory_space<vmem>>, vector<64x1xf32>
      tpu.vector_store %arg11[%swap3A_83, %swap3A_84], %broadcast_in_dim3A_82 {strides = array<i32>} : memref<64x1xf32, #tpu.memory_space<vmem>>, vector<64x1xf32>,
      %broadcast_in_dim3A_86 = arith.constant 0.000000e+00 : f32
      %broadcast_in_dim3A_87 = vector.broadcast %broadcast_in_dim3A_86 : f32 to vector<64x1xf32>
      %swap3A_88 = arith.constant 0 : index
      %swap3A_89 = arith.constant 0 : index
      %swap3A_90 = vector.load %arg12[%swap3A_88, %swap3A_89] : memref<64x1xf32, #tpu.memory_space<vmem>>, vector<64x1xf32>
      tpu.vector_store %arg12[%swap3A_88, %swap3A_89], %broadcast_in_dim3A_87 {strides = array<i32>} : memref<64x1xf32, #tpu.memory_space<vmem>>, vector<64x1xf32>,
    } else {
    }
    %get3A_63 = arith.constant 0 : index
    %get3A_64 = arith.constant 0 : index
    %get3A_65 = vector.load %arg11[%get3A_63, %get3A_64] : memref<64x1xf32, #tpu.memory_space<vmem>>, vector<64x1xf32>
    %reduce_sum3A = arith.constant dense<0.000000e+00> : vector<64xf32>
    %reduce_sum3A_66 = vector.multi_reduction <add>, %add3A_58, %reduce_sum3A [1] : vector<64x16384xf32> to vector<64xf32>
    %broadcast_in_dim3A = vector.shape_cast %reduce_sum3A_66 : vector<64xf32> to vector<64x1xf32>
    %add3A_67 = arith.addf %get3A_65, %broadcast_in_dim3A : vector<64x1xf32>
    %swap3A = arith.constant 0 : index
    %swap3A_68 = arith.constant 0 : index
    %swap3A_69 = vector.load %arg11[%swap3A, %swap3A_68] : memref<64x1xf32, #tpu.memory_space<vmem>>, vector<64x1xf32>
    tpu.vector_store %arg11[%swap3A, %swap3A_68], %add3A_67 {strides = array<i32>} : memref<64x1xf32, #tpu.memory_space<vmem>>, vector<64x1xf32>,
    %get3A_70 = arith.constant 0 : index
    %get3A_71 = arith.constant 0 : index
    %get3A_72 = vector.load %arg12[%get3A_70, %get3A_71] : memref<64x1xf32, #tpu.memory_space<vmem>>, vector<64x1xf32>
    %mul3A_73 = arith.mulf %add3A_58, %add3A_58 : vector<64x16384xf32>
    %reduce_sum3A_74 = arith.constant dense<0.000000e+00> : vector<64xf32>
    %reduce_sum3A_75 = vector.multi_reduction <add>, %mul3A_73, %reduce_sum3A_74 [1] : vector<64x16384xf32> to vector<64xf32>
    %broadcast_in_dim3A_76 = vector.shape_cast %reduce_sum3A_75 : vector<64xf32> to vector<64x1xf32>
    %add3A_77 = arith.addf %get3A_72, %broadcast_in_dim3A_76 : vector<64x1xf32>
    %swap3A_78 = arith.constant 0 : index
    %swap3A_79 = arith.constant 0 : index
    %swap3A_80 = vector.load %arg12[%swap3A_78, %swap3A_79] : memref<64x1xf32, #tpu.memory_space<vmem>>, vector<64x1xf32>
    tpu.vector_store %arg12[%swap3A_78, %swap3A_79], %add3A_77 {strides = array<i32>} : memref<64x1xf32, #tpu.memory_space<vmem>>, vector<64x1xf32>,
    return
  }
  func.func @transform_0(%arg0: i32, %arg1: i32) -> (i32, i32) {
    %c0_i32 = arith.constant 0 : i32
    %c0_i32_0 = arith.constant 0 : i32
    %c0_i32_1 = arith.constant 0 : i32
    return %c0_i32, %c0_i32_0 : i32, i32
  }
  func.func @transform_1(%arg0: i32, %arg1: i32) -> (i32, i32) {
    %c0_i32 = arith.constant 0 : i32
    %c0_i32_0 = arith.constant 0 : i32
    %c0_i32_1 = arith.constant 0 : i32
    return %c0_i32, %c0_i32_0 : i32, i32
  }
  func.func @transform_2(%arg0: i32, %arg1: i32) -> (i32, i32) {
    %c0_i32 = arith.constant 0 : i32
    %c0_i32_0 = arith.constant 0 : i32
    %c0_i32_1 = arith.constant 0 : i32
    return %c0_i32, %c0_i32_0 : i32, i32
  }
  func.func @transform_3(%arg0: i32, %arg1: i32) -> (i32, i32) {
    %c0_i32 = arith.constant 0 : i32
    %c0_i32_0 = arith.constant 0 : i32
    %c0_i32_1 = arith.constant 0 : i32
    return %c0_i32, %c0_i32_0 : i32, i32
  }
  func.func @transform_4(%arg0: i32, %arg1: i32) -> (i32, i32) {
    %c0_i32 = arith.constant 0 : i32
    %c0_i32_0 = arith.constant 0 : i32
    %c0_i32_1 = arith.constant 0 : i32
    return %c0_i32, %c0_i32_0 : i32, i32
  }
  func.func @transform_5(%arg0: i32, %arg1: i32) -> (i32, i32) {
    %c0_i32 = arith.constant 0 : i32
    %c0_i32_0 = arith.constant 0 : i32
    %c0_i32_1 = arith.constant 0 : i32
    return %c0_i32, %c0_i32_0 : i32, i32
  }
  func.func @transform_6(%arg0: i32, %arg1: i32) -> (i32, i32) {
    %c0_i32 = arith.constant 0 : i32
    %c0_i32_0 = arith.constant 0 : i32
    %c0_i32_1 = arith.constant 0 : i32
    return %c0_i32, %c0_i32_0 : i32, i32
  }
  func.func @transform_7(%arg0: i32, %arg1: i32) -> (i32, i32) {
    %c0_i32 = arith.constant 0 : i32
    %c0_i32_0 = arith.constant 0 : i32
    %c0_i32_1 = arith.constant 0 : i32
    return %c0_i32, %c0_i32_0 : i32, i32
  }
  func.func @transform_8(%arg0: i32, %arg1: i32) -> (i32, i32, i32) {
    %c0_i32 = arith.constant 0 : i32
    %c0_i32_0 = arith.constant 0 : i32
    return %arg0, %c0_i32, %arg1 : i32, i32, i32
  }
  func.func @transform_9(%arg0: i32, %arg1: i32) -> (i32, i32) {
    %c0_i32 = arith.constant 0 : i32
    %c0_i32_0 = arith.constant 0 : i32
    %c0_i32_1 = arith.constant 0 : i32
    return %c0_i32, %c0_i32_0 : i32, i32
  }
  func.func @transform_10(%arg0: i32, %arg1: i32) -> (i32, i32) {
    %c0_i32 = arith.constant 0 : i32
    %c0_i32_0 = arith.constant 0 : i32
    %c0_i32_1 = arith.constant 0 : i32
    return %c0_i32, %c0_i32_0 : i32, i32
  }
}

module attributes {stable_mosaic.version = 14 : i64} {
  func.func @_stats1_body(%arg0: i32, %arg1: i32, %arg2: memref<64x3xf32, #tpu.memory_space<vmem>>, %arg3: memref<64x3xf32, #tpu.memory_space<vmem>>, %arg4: memref<64x1xf32, #tpu.memory_space<vmem>>, %arg5: memref<64x1xf32, #tpu.memory_space<vmem>>, %arg6: memref<1x7x16384xf32, #tpu.memory_space<vmem>>, %arg7: memref<64x1xf32, #tpu.memory_space<vmem>>, %arg8: memref<64x1xf32, #tpu.memory_space<vmem>>) attributes {dimension_semantics = [#tpu.dimension_semantics<arbitrary>, #tpu.dimension_semantics<arbitrary>], iteration_bounds = array<i64: 4, 4>, scalar_prefetch = 0 : i64, scratch_operands = 0 : i64, tpu.core_type = #tpu.core_type<tc>, window_params = [{pipeline_mode = #tpu.pipeline_mode<synchronous>, transform_indices = @transform_0, window_bounds = array<i64: 64, 3>}, {pipeline_mode = #tpu.pipeline_mode<synchronous>, transform_indices = @transform_1, window_bounds = array<i64: 64, 3>}, {pipeline_mode = #tpu.pipeline_mode<synchronous>, transform_indices = @transform_2, window_bounds = array<i64: 64, 1>}, {pipeline_mode = #tpu.pipeline_mode<synchronous>, transform_indices = @transform_3, window_bounds = array<i64: 64, 1>}, {transform_indices = @transform_4, window_bounds = array<i64: 1, 7, 16384>}, {pipeline_mode = #tpu.pipeline_mode<synchronous>, transform_indices = @transform_5, window_bounds = array<i64: 64, 1>}, {pipeline_mode = #tpu.pipeline_mode<synchronous>, transform_indices = @transform_6, window_bounds = array<i64: 64, 1>}]} {
    %get3A = arith.constant 0 : index
    %get3A_0 = arith.constant 0 : index
    %get3A_1 = vector.load %arg2[%get3A, %get3A_0] : memref<64x3xf32, #tpu.memory_space<vmem>>, vector<64x3xf32>
    %get3A_2 = arith.constant 0 : index
    %get3A_3 = arith.constant 0 : index
    %get3A_4 = vector.load %arg3[%get3A_2, %get3A_3] : memref<64x3xf32, #tpu.memory_space<vmem>>, vector<64x3xf32>
    %get3A_5 = arith.constant 0 : index
    %get3A_6 = arith.constant 0 : index
    %get3A_7 = vector.load %arg4[%get3A_5, %get3A_6] : memref<64x1xf32, #tpu.memory_space<vmem>>, vector<64x1xf32>
    %get3A_8 = arith.constant 0 : index
    %get3A_9 = arith.constant 0 : index
    %get3A_10 = vector.load %arg5[%get3A_8, %get3A_9] : memref<64x1xf32, #tpu.memory_space<vmem>>, vector<64x1xf32>
    %get3A_11 = arith.constant 0 : index
    %get3A_12 = arith.constant 0 : index
    %get3A_13 = arith.constant 0 : index
    %get3A_14 = vector.load %arg6[%get3A_11, %get3A_12, %get3A_13] : memref<1x7x16384xf32, #tpu.memory_space<vmem>>, vector<1x3x16384xf32>
    %get3A_15 = vector.shape_cast %get3A_14 : vector<1x3x16384xf32> to vector<3x16384xf32>
    %get3A_16 = arith.constant 0 : index
    %get3A_17 = arith.constant 3 : index
    %get3A_18 = arith.constant 0 : index
    %get3A_19 = vector.load %arg6[%get3A_16, %get3A_17, %get3A_18] : memref<1x7x16384xf32, #tpu.memory_space<vmem>>, vector<1x3x16384xf32>
    %get3A_20 = vector.shape_cast %get3A_19 : vector<1x3x16384xf32> to vector<3x16384xf32>
    %get3A_21 = arith.constant 0 : index
    %get3A_22 = arith.constant 6 : index
    %get3A_23 = arith.constant 0 : index
    %get3A_24 = vector.load %arg6[%get3A_21, %get3A_22, %get3A_23] : memref<1x7x16384xf32, #tpu.memory_space<vmem>>, vector<1x1x16384xf32>
    %get3A_25 = vector.shape_cast %get3A_24 : vector<1x1x16384xf32> to vector<1x16384xf32>
    %sqrt3A = math.sqrt %get3A_25 : vector<1x16384xf32>
    %dot_general3A = arith.constant dense<0.000000e+00> : vector<64x16384xf32>
    %dot_general3A_26 = tpu.matmul %get3A_1, %get3A_15, %dot_general3A {dimension_numbers = #tpu.dot_dimension_numbers<[1], [0], [0], [1], [0, 0, 1, 1], [], []>, precision = #tpu.contract_precision<fp32>, transpose_lhs_hint = false} : vector<64x3xf32>, vector<3x16384xf32>, vector<64x16384xf32> -> vector<64x16384xf32>
    %dot_general3A_27 = arith.constant dense<0.000000e+00> : vector<64x16384xf32>
    %dot_general3A_28 = tpu.matmul %get3A_4, %get3A_20, %dot_general3A_27 {dimension_numbers = #tpu.dot_dimension_numbers<[1], [0], [0], [1], [0, 0, 1, 1], [], []>, precision = #tpu.contract_precision<fp32>, transpose_lhs_hint = false} : vector<64x3xf32>, vector<3x16384xf32>, vector<64x16384xf32> -> vector<64x16384xf32>
    %add3A = arith.addf %dot_general3A_26, %dot_general3A_28 : vector<64x16384xf32>
    %mul3A = vector.broadcast %get3A_7 : vector<64x1xf32> to vector<64x16384xf32>
    %mul3A_29 = vector.broadcast %sqrt3A : vector<1x16384xf32> to vector<64x16384xf32>
    %mul3A_30 = arith.mulf %mul3A, %mul3A_29 : vector<64x16384xf32>
    %add3A_31 = arith.addf %add3A, %mul3A_30 : vector<64x16384xf32>
    %add3A_32 = vector.broadcast %get3A_10 : vector<64x1xf32> to vector<64x16384xf32>
    %add3A_33 = arith.addf %add3A_31, %add3A_32 : vector<64x16384xf32>
    %eq3A = arith.constant 0 : i32
    %eq3A_34 = arith.cmpi eq, %arg0, %eq3A : i32
    %eq3A_35 = arith.constant 0 : i32
    %eq3A_36 = arith.cmpi eq, %arg1, %eq3A_35 : i32
    %and3A = arith.andi %eq3A_34, %eq3A_36 : i1
    %convert_element_type3A = arith.extui %and3A : i1 to i32
    %cond3A = arith.constant 0 : i32
    %cond3A_37 = arith.cmpi ne, %convert_element_type3A, %cond3A : i32
    scf.if %cond3A_37 {
      %broadcast_in_dim3A_56 = arith.constant 0.000000e+00 : f32
      %broadcast_in_dim3A_57 = vector.broadcast %broadcast_in_dim3A_56 : f32 to vector<64x1xf32>
      %swap3A_58 = arith.constant 0 : index
      %swap3A_59 = arith.constant 0 : index
      %swap3A_60 = vector.load %arg7[%swap3A_58, %swap3A_59] : memref<64x1xf32, #tpu.memory_space<vmem>>, vector<64x1xf32>
      tpu.vector_store %arg7[%swap3A_58, %swap3A_59], %broadcast_in_dim3A_57 {strides = array<i32>} : memref<64x1xf32, #tpu.memory_space<vmem>>, vector<64x1xf32>,
      %broadcast_in_dim3A_61 = arith.constant 0.000000e+00 : f32
      %broadcast_in_dim3A_62 = vector.broadcast %broadcast_in_dim3A_61 : f32 to vector<64x1xf32>
      %swap3A_63 = arith.constant 0 : index
      %swap3A_64 = arith.constant 0 : index
      %swap3A_65 = vector.load %arg8[%swap3A_63, %swap3A_64] : memref<64x1xf32, #tpu.memory_space<vmem>>, vector<64x1xf32>
      tpu.vector_store %arg8[%swap3A_63, %swap3A_64], %broadcast_in_dim3A_62 {strides = array<i32>} : memref<64x1xf32, #tpu.memory_space<vmem>>, vector<64x1xf32>,
    } else {
    }
    %get3A_38 = arith.constant 0 : index
    %get3A_39 = arith.constant 0 : index
    %get3A_40 = vector.load %arg7[%get3A_38, %get3A_39] : memref<64x1xf32, #tpu.memory_space<vmem>>, vector<64x1xf32>
    %reduce_sum3A = arith.constant dense<0.000000e+00> : vector<64xf32>
    %reduce_sum3A_41 = vector.multi_reduction <add>, %add3A_33, %reduce_sum3A [1] : vector<64x16384xf32> to vector<64xf32>
    %broadcast_in_dim3A = vector.shape_cast %reduce_sum3A_41 : vector<64xf32> to vector<64x1xf32>
    %add3A_42 = arith.addf %get3A_40, %broadcast_in_dim3A : vector<64x1xf32>
    %swap3A = arith.constant 0 : index
    %swap3A_43 = arith.constant 0 : index
    %swap3A_44 = vector.load %arg7[%swap3A, %swap3A_43] : memref<64x1xf32, #tpu.memory_space<vmem>>, vector<64x1xf32>
    tpu.vector_store %arg7[%swap3A, %swap3A_43], %add3A_42 {strides = array<i32>} : memref<64x1xf32, #tpu.memory_space<vmem>>, vector<64x1xf32>,
    %get3A_45 = arith.constant 0 : index
    %get3A_46 = arith.constant 0 : index
    %get3A_47 = vector.load %arg8[%get3A_45, %get3A_46] : memref<64x1xf32, #tpu.memory_space<vmem>>, vector<64x1xf32>
    %mul3A_48 = arith.mulf %add3A_33, %add3A_33 : vector<64x16384xf32>
    %reduce_sum3A_49 = arith.constant dense<0.000000e+00> : vector<64xf32>
    %reduce_sum3A_50 = vector.multi_reduction <add>, %mul3A_48, %reduce_sum3A_49 [1] : vector<64x16384xf32> to vector<64xf32>
    %broadcast_in_dim3A_51 = vector.shape_cast %reduce_sum3A_50 : vector<64xf32> to vector<64x1xf32>
    %add3A_52 = arith.addf %get3A_47, %broadcast_in_dim3A_51 : vector<64x1xf32>
    %swap3A_53 = arith.constant 0 : index
    %swap3A_54 = arith.constant 0 : index
    %swap3A_55 = vector.load %arg8[%swap3A_53, %swap3A_54] : memref<64x1xf32, #tpu.memory_space<vmem>>, vector<64x1xf32>
    tpu.vector_store %arg8[%swap3A_53, %swap3A_54], %add3A_52 {strides = array<i32>} : memref<64x1xf32, #tpu.memory_space<vmem>>, vector<64x1xf32>,
    return
  }
  func.func @transform_0(%arg0: i32, %arg1: i32) -> (i32, i32) {
    %c0_i32 = arith.constant 0 : i32
    %c0_i32_0 = arith.constant 0 : i32
    %c0_i32_1 = arith.constant 0 : i32
    return %c0_i32, %c0_i32_0 : i32, i32
  }
  func.func @transform_1(%arg0: i32, %arg1: i32) -> (i32, i32) {
    %c0_i32 = arith.constant 0 : i32
    %c0_i32_0 = arith.constant 0 : i32
    %c0_i32_1 = arith.constant 0 : i32
    return %c0_i32, %c0_i32_0 : i32, i32
  }
  func.func @transform_2(%arg0: i32, %arg1: i32) -> (i32, i32) {
    %c0_i32 = arith.constant 0 : i32
    %c0_i32_0 = arith.constant 0 : i32
    %c0_i32_1 = arith.constant 0 : i32
    return %c0_i32, %c0_i32_0 : i32, i32
  }
  func.func @transform_3(%arg0: i32, %arg1: i32) -> (i32, i32) {
    %c0_i32 = arith.constant 0 : i32
    %c0_i32_0 = arith.constant 0 : i32
    %c0_i32_1 = arith.constant 0 : i32
    return %c0_i32, %c0_i32_0 : i32, i32
  }
  func.func @transform_4(%arg0: i32, %arg1: i32) -> (i32, i32, i32) {
    %c0_i32 = arith.constant 0 : i32
    %c0_i32_0 = arith.constant 0 : i32
    return %arg0, %c0_i32, %arg1 : i32, i32, i32
  }
  func.func @transform_5(%arg0: i32, %arg1: i32) -> (i32, i32) {
    %c0_i32 = arith.constant 0 : i32
    %c0_i32_0 = arith.constant 0 : i32
    %c0_i32_1 = arith.constant 0 : i32
    return %c0_i32, %c0_i32_0 : i32, i32
  }
  func.func @transform_6(%arg0: i32, %arg1: i32) -> (i32, i32) {
    %c0_i32 = arith.constant 0 : i32
    %c0_i32_0 = arith.constant 0 : i32
    %c0_i32_1 = arith.constant 0 : i32
    return %c0_i32, %c0_i32_0 : i32, i32
  }
}

module attributes {stable_mosaic.version = 14 : i64} {
  func.func @_final_body(%arg0: i32, %arg1: i32, %arg2: memref<64x3xf32, #tpu.memory_space<vmem>>, %arg3: memref<64x3xf32, #tpu.memory_space<vmem>>, %arg4: memref<64x1xf32, #tpu.memory_space<vmem>>, %arg5: memref<64x1xf32, #tpu.memory_space<vmem>>, %arg6: memref<64x1xf32, #tpu.memory_space<vmem>>, %arg7: memref<64x1xf32, #tpu.memory_space<vmem>>, %arg8: memref<64x64xf32, #tpu.memory_space<vmem>>, %arg9: memref<64x1xf32, #tpu.memory_space<vmem>>, %arg10: memref<64x1xf32, #tpu.memory_space<vmem>>, %arg11: memref<64x1xf32, #tpu.memory_space<vmem>>, %arg12: memref<64x64xf32, #tpu.memory_space<vmem>>, %arg13: memref<64x1xf32, #tpu.memory_space<vmem>>, %arg14: memref<1x7x16384xf32, #tpu.memory_space<vmem>>, %arg15: memref<1x64x16384xf32, #tpu.memory_space<vmem>>) attributes {dimension_semantics = [#tpu.dimension_semantics<arbitrary>, #tpu.dimension_semantics<arbitrary>], iteration_bounds = array<i64: 4, 4>, scalar_prefetch = 0 : i64, scratch_operands = 0 : i64, tpu.core_type = #tpu.core_type<tc>, window_params = [{pipeline_mode = #tpu.pipeline_mode<synchronous>, transform_indices = @transform_0, window_bounds = array<i64: 64, 3>}, {pipeline_mode = #tpu.pipeline_mode<synchronous>, transform_indices = @transform_1, window_bounds = array<i64: 64, 3>}, {pipeline_mode = #tpu.pipeline_mode<synchronous>, transform_indices = @transform_2, window_bounds = array<i64: 64, 1>}, {pipeline_mode = #tpu.pipeline_mode<synchronous>, transform_indices = @transform_3, window_bounds = array<i64: 64, 1>}, {pipeline_mode = #tpu.pipeline_mode<synchronous>, transform_indices = @transform_4, window_bounds = array<i64: 64, 1>}, {pipeline_mode = #tpu.pipeline_mode<synchronous>, transform_indices = @transform_5, window_bounds = array<i64: 64, 1>}, {pipeline_mode = #tpu.pipeline_mode<synchronous>, transform_indices = @transform_6, window_bounds = array<i64: 64, 64>}, {pipeline_mode = #tpu.pipeline_mode<synchronous>, transform_indices = @transform_7, window_bounds = array<i64: 64, 1>}, {pipeline_mode = #tpu.pipeline_mode<synchronous>, transform_indices = @transform_8, window_bounds = array<i64: 64, 1>}, {pipeline_mode = #tpu.pipeline_mode<synchronous>, transform_indices = @transform_9, window_bounds = array<i64: 64, 1>}, {pipeline_mode = #tpu.pipeline_mode<synchronous>, transform_indices = @transform_10, window_bounds = array<i64: 64, 64>}, {pipeline_mode = #tpu.pipeline_mode<synchronous>, transform_indices = @transform_11, window_bounds = array<i64: 64, 1>}, {transform_indices = @transform_12, window_bounds = array<i64: 1, 7, 16384>}, {transform_indices = @transform_13, window_bounds = array<i64: 1, 64, 16384>}]} {
    %get3A = arith.constant 0 : index
    %get3A_0 = arith.constant 0 : index
    %get3A_1 = vector.load %arg2[%get3A, %get3A_0] : memref<64x3xf32, #tpu.memory_space<vmem>>, vector<64x3xf32>
    %get3A_2 = arith.constant 0 : index
    %get3A_3 = arith.constant 0 : index
    %get3A_4 = vector.load %arg3[%get3A_2, %get3A_3] : memref<64x3xf32, #tpu.memory_space<vmem>>, vector<64x3xf32>
    %get3A_5 = arith.constant 0 : index
    %get3A_6 = arith.constant 0 : index
    %get3A_7 = vector.load %arg4[%get3A_5, %get3A_6] : memref<64x1xf32, #tpu.memory_space<vmem>>, vector<64x1xf32>
    %get3A_8 = arith.constant 0 : index
    %get3A_9 = arith.constant 0 : index
    %get3A_10 = vector.load %arg5[%get3A_8, %get3A_9] : memref<64x1xf32, #tpu.memory_space<vmem>>, vector<64x1xf32>
    %get3A_11 = arith.constant 0 : index
    %get3A_12 = arith.constant 0 : index
    %get3A_13 = arith.constant 0 : index
    %get3A_14 = vector.load %arg14[%get3A_11, %get3A_12, %get3A_13] : memref<1x7x16384xf32, #tpu.memory_space<vmem>>, vector<1x3x16384xf32>
    %get3A_15 = vector.shape_cast %get3A_14 : vector<1x3x16384xf32> to vector<3x16384xf32>
    %get3A_16 = arith.constant 0 : index
    %get3A_17 = arith.constant 3 : index
    %get3A_18 = arith.constant 0 : index
    %get3A_19 = vector.load %arg14[%get3A_16, %get3A_17, %get3A_18] : memref<1x7x16384xf32, #tpu.memory_space<vmem>>, vector<1x3x16384xf32>
    %get3A_20 = vector.shape_cast %get3A_19 : vector<1x3x16384xf32> to vector<3x16384xf32>
    %get3A_21 = arith.constant 0 : index
    %get3A_22 = arith.constant 6 : index
    %get3A_23 = arith.constant 0 : index
    %get3A_24 = vector.load %arg14[%get3A_21, %get3A_22, %get3A_23] : memref<1x7x16384xf32, #tpu.memory_space<vmem>>, vector<1x1x16384xf32>
    %get3A_25 = vector.shape_cast %get3A_24 : vector<1x1x16384xf32> to vector<1x16384xf32>
    %sqrt3A = math.sqrt %get3A_25 : vector<1x16384xf32>
    %dot_general3A = arith.constant dense<0.000000e+00> : vector<64x16384xf32>
    %dot_general3A_26 = tpu.matmul %get3A_1, %get3A_15, %dot_general3A {dimension_numbers = #tpu.dot_dimension_numbers<[1], [0], [0], [1], [0, 0, 1, 1], [], []>, precision = #tpu.contract_precision<fp32>, transpose_lhs_hint = false} : vector<64x3xf32>, vector<3x16384xf32>, vector<64x16384xf32> -> vector<64x16384xf32>
    %dot_general3A_27 = arith.constant dense<0.000000e+00> : vector<64x16384xf32>
    %dot_general3A_28 = tpu.matmul %get3A_4, %get3A_20, %dot_general3A_27 {dimension_numbers = #tpu.dot_dimension_numbers<[1], [0], [0], [1], [0, 0, 1, 1], [], []>, precision = #tpu.contract_precision<fp32>, transpose_lhs_hint = false} : vector<64x3xf32>, vector<3x16384xf32>, vector<64x16384xf32> -> vector<64x16384xf32>
    %add3A = arith.addf %dot_general3A_26, %dot_general3A_28 : vector<64x16384xf32>
    %mul3A = vector.broadcast %get3A_7 : vector<64x1xf32> to vector<64x16384xf32>
    %mul3A_29 = vector.broadcast %sqrt3A : vector<1x16384xf32> to vector<64x16384xf32>
    %mul3A_30 = arith.mulf %mul3A, %mul3A_29 : vector<64x16384xf32>
    %add3A_31 = arith.addf %add3A, %mul3A_30 : vector<64x16384xf32>
    %add3A_32 = vector.broadcast %get3A_10 : vector<64x1xf32> to vector<64x16384xf32>
    %add3A_33 = arith.addf %add3A_31, %add3A_32 : vector<64x16384xf32>
    %get3A_34 = arith.constant 0 : index
    %get3A_35 = arith.constant 0 : index
    %get3A_36 = vector.load %arg6[%get3A_34, %get3A_35] : memref<64x1xf32, #tpu.memory_space<vmem>>, vector<64x1xf32>
    %mul3A_37 = vector.broadcast %get3A_36 : vector<64x1xf32> to vector<64x16384xf32>
    %mul3A_38 = arith.mulf %mul3A_37, %add3A_33 : vector<64x16384xf32>
    %get3A_39 = arith.constant 0 : index
    %get3A_40 = arith.constant 0 : index
    %get3A_41 = vector.load %arg7[%get3A_39, %get3A_40] : memref<64x1xf32, #tpu.memory_space<vmem>>, vector<64x1xf32>
    %add3A_42 = vector.broadcast %get3A_41 : vector<64x1xf32> to vector<64x16384xf32>
    %add3A_43 = arith.addf %mul3A_38, %add3A_42 : vector<64x16384xf32>
    %ge3A = arith.constant 0.000000e+00 : f32
    %ge3A_44 = vector.broadcast %ge3A : f32 to vector<64x16384xf32>
    %ge3A_45 = arith.cmpf oge, %add3A_43, %ge3A_44 : vector<64x16384xf32>
    %mul3A_46 = arith.constant 0.00999999977 : f32
    %mul3A_47 = vector.broadcast %mul3A_46 : f32 to vector<64x16384xf32>
    %mul3A_48 = arith.mulf %mul3A_47, %add3A_43 : vector<64x16384xf32>
    %select_n3A = arith.select %ge3A_45, %add3A_43, %mul3A_48 : vector<64x16384xi1>, vector<64x16384xf32>
    %get3A_49 = arith.constant 0 : index
    %get3A_50 = arith.constant 0 : index
    %get3A_51 = vector.load %arg8[%get3A_49, %get3A_50] : memref<64x64xf32, #tpu.memory_space<vmem>>, vector<64x64xf32>
    %dot_general3A_52 = arith.constant dense<0.000000e+00> : vector<64x16384xf32>
    %dot_general3A_53 = tpu.matmul %get3A_51, %select_n3A, %dot_general3A_52 {dimension_numbers = #tpu.dot_dimension_numbers<[1], [0], [0], [1], [0, 0, 1, 1], [], []>, transpose_lhs_hint = false} : vector<64x64xf32>, vector<64x16384xf32>, vector<64x16384xf32> -> vector<64x16384xf32>
    %get3A_54 = arith.constant 0 : index
    %get3A_55 = arith.constant 0 : index
    %get3A_56 = vector.load %arg9[%get3A_54, %get3A_55] : memref<64x1xf32, #tpu.memory_space<vmem>>, vector<64x1xf32>
    %add3A_57 = vector.broadcast %get3A_56 : vector<64x1xf32> to vector<64x16384xf32>
    %add3A_58 = arith.addf %dot_general3A_53, %add3A_57 : vector<64x16384xf32>
    %get3A_59 = arith.constant 0 : index
    %get3A_60 = arith.constant 0 : index
    %get3A_61 = vector.load %arg10[%get3A_59, %get3A_60] : memref<64x1xf32, #tpu.memory_space<vmem>>, vector<64x1xf32>
    %mul3A_62 = vector.broadcast %get3A_61 : vector<64x1xf32> to vector<64x16384xf32>
    %mul3A_63 = arith.mulf %mul3A_62, %add3A_58 : vector<64x16384xf32>
    %get3A_64 = arith.constant 0 : index
    %get3A_65 = arith.constant 0 : index
    %get3A_66 = vector.load %arg11[%get3A_64, %get3A_65] : memref<64x1xf32, #tpu.memory_space<vmem>>, vector<64x1xf32>
    %add3A_67 = vector.broadcast %get3A_66 : vector<64x1xf32> to vector<64x16384xf32>
    %add3A_68 = arith.addf %mul3A_63, %add3A_67 : vector<64x16384xf32>
    %ge3A_69 = arith.constant 0.000000e+00 : f32
    %ge3A_70 = vector.broadcast %ge3A_69 : f32 to vector<64x16384xf32>
    %ge3A_71 = arith.cmpf oge, %add3A_68, %ge3A_70 : vector<64x16384xf32>
    %mul3A_72 = arith.constant 0.00999999977 : f32
    %mul3A_73 = vector.broadcast %mul3A_72 : f32 to vector<64x16384xf32>
    %mul3A_74 = arith.mulf %mul3A_73, %add3A_68 : vector<64x16384xf32>
    %select_n3A_75 = arith.select %ge3A_71, %add3A_68, %mul3A_74 : vector<64x16384xi1>, vector<64x16384xf32>
    %get3A_76 = arith.constant 0 : index
    %get3A_77 = arith.constant 0 : index
    %get3A_78 = vector.load %arg12[%get3A_76, %get3A_77] : memref<64x64xf32, #tpu.memory_space<vmem>>, vector<64x64xf32>
    %dot_general3A_79 = arith.constant dense<0.000000e+00> : vector<64x16384xf32>
    %dot_general3A_80 = tpu.matmul %get3A_78, %select_n3A_75, %dot_general3A_79 {dimension_numbers = #tpu.dot_dimension_numbers<[1], [0], [0], [1], [0, 0, 1, 1], [], []>, transpose_lhs_hint = false} : vector<64x64xf32>, vector<64x16384xf32>, vector<64x16384xf32> -> vector<64x16384xf32>
    %get3A_81 = arith.constant 0 : index
    %get3A_82 = arith.constant 0 : index
    %get3A_83 = vector.load %arg13[%get3A_81, %get3A_82] : memref<64x1xf32, #tpu.memory_space<vmem>>, vector<64x1xf32>
    %add3A_84 = vector.broadcast %get3A_83 : vector<64x1xf32> to vector<64x16384xf32>
    %add3A_85 = arith.addf %dot_general3A_80, %add3A_84 : vector<64x16384xf32>
    %swap3A = arith.constant 0 : index
    %swap3A_86 = arith.constant 0 : index
    %swap3A_87 = arith.constant 0 : index
    %swap3A_88 = vector.load %arg15[%swap3A, %swap3A_86, %swap3A_87] : memref<1x64x16384xf32, #tpu.memory_space<vmem>>, vector<1x64x16384xf32>
    %swap3A_89 = vector.shape_cast %swap3A_88 : vector<1x64x16384xf32> to vector<64x16384xf32>
    %swap3A_90 = vector.shape_cast %add3A_85 : vector<64x16384xf32> to vector<1x64x16384xf32>
    tpu.vector_store %arg15[%swap3A, %swap3A_86, %swap3A_87], %swap3A_90 {strides = array<i32>} : memref<1x64x16384xf32, #tpu.memory_space<vmem>>, vector<1x64x16384xf32>,
    return
  }
  func.func @transform_0(%arg0: i32, %arg1: i32) -> (i32, i32) {
    %c0_i32 = arith.constant 0 : i32
    %c0_i32_0 = arith.constant 0 : i32
    %c0_i32_1 = arith.constant 0 : i32
    return %c0_i32, %c0_i32_0 : i32, i32
  }
  func.func @transform_1(%arg0: i32, %arg1: i32) -> (i32, i32) {
    %c0_i32 = arith.constant 0 : i32
    %c0_i32_0 = arith.constant 0 : i32
    %c0_i32_1 = arith.constant 0 : i32
    return %c0_i32, %c0_i32_0 : i32, i32
  }
  func.func @transform_2(%arg0: i32, %arg1: i32) -> (i32, i32) {
    %c0_i32 = arith.constant 0 : i32
    %c0_i32_0 = arith.constant 0 : i32
    %c0_i32_1 = arith.constant 0 : i32
    return %c0_i32, %c0_i32_0 : i32, i32
  }
  func.func @transform_3(%arg0: i32, %arg1: i32) -> (i32, i32) {
    %c0_i32 = arith.constant 0 : i32
    %c0_i32_0 = arith.constant 0 : i32
    %c0_i32_1 = arith.constant 0 : i32
    return %c0_i32, %c0_i32_0 : i32, i32
  }
  func.func @transform_4(%arg0: i32, %arg1: i32) -> (i32, i32) {
    %c0_i32 = arith.constant 0 : i32
    %c0_i32_0 = arith.constant 0 : i32
    %c0_i32_1 = arith.constant 0 : i32
    return %c0_i32, %c0_i32_0 : i32, i32
  }
  func.func @transform_5(%arg0: i32, %arg1: i32) -> (i32, i32) {
    %c0_i32 = arith.constant 0 : i32
    %c0_i32_0 = arith.constant 0 : i32
    %c0_i32_1 = arith.constant 0 : i32
    return %c0_i32, %c0_i32_0 : i32, i32
  }
  func.func @transform_6(%arg0: i32, %arg1: i32) -> (i32, i32) {
    %c0_i32 = arith.constant 0 : i32
    %c0_i32_0 = arith.constant 0 : i32
    %c0_i32_1 = arith.constant 0 : i32
    return %c0_i32, %c0_i32_0 : i32, i32
  }
  func.func @transform_7(%arg0: i32, %arg1: i32) -> (i32, i32) {
    %c0_i32 = arith.constant 0 : i32
    %c0_i32_0 = arith.constant 0 : i32
    %c0_i32_1 = arith.constant 0 : i32
    return %c0_i32, %c0_i32_0 : i32, i32
  }
  func.func @transform_8(%arg0: i32, %arg1: i32) -> (i32, i32) {
    %c0_i32 = arith.constant 0 : i32
    %c0_i32_0 = arith.constant 0 : i32
    %c0_i32_1 = arith.constant 0 : i32
    return %c0_i32, %c0_i32_0 : i32, i32
  }
  func.func @transform_9(%arg0: i32, %arg1: i32) -> (i32, i32) {
    %c0_i32 = arith.constant 0 : i32
    %c0_i32_0 = arith.constant 0 : i32
    %c0_i32_1 = arith.constant 0 : i32
    return %c0_i32, %c0_i32_0 : i32, i32
  }
  func.func @transform_10(%arg0: i32, %arg1: i32) -> (i32, i32) {
    %c0_i32 = arith.constant 0 : i32
    %c0_i32_0 = arith.constant 0 : i32
    %c0_i32_1 = arith.constant 0 : i32
    return %c0_i32, %c0_i32_0 : i32, i32
  }
  func.func @transform_11(%arg0: i32, %arg1: i32) -> (i32, i32) {
    %c0_i32 = arith.constant 0 : i32
    %c0_i32_0 = arith.constant 0 : i32
    %c0_i32_1 = arith.constant 0 : i32
    return %c0_i32, %c0_i32_0 : i32, i32
  }
  func.func @transform_12(%arg0: i32, %arg1: i32) -> (i32, i32, i32) {
    %c0_i32 = arith.constant 0 : i32
    %c0_i32_0 = arith.constant 0 : i32
    return %arg0, %c0_i32, %arg1 : i32, i32, i32
  }
  func.func @transform_13(%arg0: i32, %arg1: i32) -> (i32, i32, i32) {
    %c0_i32 = arith.constant 0 : i32
    %c0_i32_0 = arith.constant 0 : i32
    return %arg0, %c0_i32, %arg1 : i32, i32, i32
  }
}

</mosaic_0001>

<sc_bundles>
// kernel: kernel.6.cloned.1.call-start
scs
__scs_entry_jumppad:
0x0: {  	(pc) =	sbr.rel $0x88, $3  }
0x1: {  	(tag) =	ssettag $0x0;
	lr =	simm.s32 $0x1  }
0x2: {  	[smem:$0x3F96] =	sst lr;
	_ =	strace $0xD0000000  }
0x3: {  	_ = 	snop  }
0x4: {  	_ = 	snop  }
0x5: {  	_ = 	snop  }
0x6: {  	_ = 	snop  }
0x7: {  	_ = 	snop  }
__scs_overlays_trampoline_lowered:
0x8: {  	[smem:$0x3FA5] =	sst s0  }
0x9: {  	[smem:$0x3FA6] =	sst s1  }
0xa: {  	[smem:$0x3FA7] =	sst s2  }
0xb: {  	[smem:$0x3FA8] =	sst s3  }
0xc: {  	[smem:$0x3FA9] =	sst s4  }
0xd: {  	[smem:$0x3FAA] =	sst s5  }
0xe: {  	[smem:$0x3FAB] =	sst s6  }
0xf: {  	[smem:$0x3FAC] =	sst s7  }
0x10: {  	[smem:$0x3FAD] =	sst s8  }
0x11: {  	[smem:$0x3FAE] =	sst s9;
	s0 =	simm.s32 @!p0 $0x0  }
0x12: {  	s1 =	sld [smem:$0x3F94];
	s0 =	simm.s32 @p0 $0x1  }
0x13: {  	[smem:$0x3FAF] =	sst s0;
	s0 =	simm.s32 @!p1 $0x0  }
0x14: {  	s2 =	sld [smem:$0x3F93];
	s0 =	simm.s32 @p1 $0x1  }
0x15: {  	[smem:$0x3FB0] =	sst s0;
	s0 =	simm.s32 @!p2 $0x0  }
0x16: {  	s3 =	sld [smem:$0x3FDB];
	s0 =	simm.s32 @p2 $0x1  }
0x17: {  	s4 =	simm.s32 $0x1BF5;
	[smem:$0x3FB2] =	sst s0  }
0x18: {  	s0 =	sld [smem:$0x3F95];
	_ =	swait.ge [sflag:s4], $0x0  }
0x19: {  	s7 =	sld [smem:$0x3F96]  }
0x1a: {  	s8 =	sadd.s32 $0xFFFFE003, lr  }
0x1b: {  	s9 =	sadd.s32 $0xFFFFFEF7, lr;
	s5 =	simm.s32 $0xFFFFFFFF;
	p2 =	slt.u32 s8, $0xFFFFF086  }
0x1c: {  	p1 =	slt.u32 s9, $0xF7A;
	s5 =	simm.s32 @!p2 $0x0  }
0x1d: {  	s5 =	simm.s32 @p1 $0x1;
	p0 =	seq.s32 s7, s2  }
0x1e: {  	s7 =	smul.u32 @!p0 $0xF7A, s2;
	p2 =	seq.s32 @!p0 s5, $0x0  }
0x1f: {  	s9 =	smul.u32 $0xF7A, s1;
	s8 =	simm.s32 @!p0 $0x1BF5;
	p2 =	por !p2, p0  }
0x20: {  	[sflag:s8] =	ssyncset.s32 @!p0 $0xFFFFF086;
	s6 =	sadd.s32 @!p0 s3, s7;
	s7 =	simm.s32 @!p0 $0x108  }
0x21: {  	s3 =	sadd.s32 s3, s9;
	s6 =	sadd.s32 @!p0 $0x88, s6;
	s7 =	simm.s32 @p2 $0x1082  }
0x22: {  	[simem:s7], [sflag:s8] =	dma.local @!p0 [hbm:s6], $0xF7A  }
0x23: {  	s9 =	sor.u32 $0xD0000000, s2;
	s6 =	simm.s32 $0x108;
	_ =	swait.ge @!p0 [sflag:s8], $0x0  }
0x24: {  	s3 =	sadd.s32 $0x88, s3;
	s6 =	simm.s32 @!p1 $0x1082;
	[sflag:s4] =	ssyncset.s32 $0xFFFFF086  }
0x25: {  	[simem:s6], [sflag:s4] =	dma.local [hbm:s3], $0xF7A  }
0x26: {  	[smem:$0x3F96] =	sst s1;
	(tag) =	ssettag s2;
	_ =	strace s9  }
0x27: {  	s1 =	sld [smem:$0x3FA6]  }
0x28: {  	s2 =	sld [smem:$0x3FA7]  }
0x29: {  	s4 =	sld [smem:$0x3FA9]  }
0x2a: {  	p0 =	seq.s32 s5, $0x0;
	s5 =	sld [smem:$0x3FAA]  }
0x2b: {  	s6 =	sld [smem:$0x3FAB]  }
0x2c: {  	s7 =	sld [smem:$0x3FAC]  }
0x2d: {  	s3 =	simm.s32 $0x108;
	s8 =	sld [smem:$0x3FAD]  }
0x2e: {  	s3 =	simm.s32 @!p0 $0x1082;
	s9 =	sld [smem:$0x3FAE]  }
0x2f: {  	lr =	sadd.s32 s0, s3;
	s0 =	sld [smem:$0x3FA5]  }
0x30: {  	s3 =	sld [smem:$0x3FA8]  }
0x31: {  	[smem:$0x3FB1] =	sst s10  }
0x32: {  	s10 =	sld [smem:$0x3FAF];
	_ =	sdelay $0x3  }
0x33: {  	p0 =	seq.s32 s10, $0x1;
	s10 =	sld [smem:$0x3FB1];
	_ =	sdelay $0x3  }
0x34: {  	[smem:$0x3FB1] =	sst s10  }
0x35: {  	s10 =	sld [smem:$0x3FB0];
	_ =	sdelay $0x3  }
0x36: {  	p1 =	seq.s32 s10, $0x1;
	s10 =	sld [smem:$0x3FB1];
	_ =	sdelay $0x3  }
0x37: {  	[smem:$0x3FB1] =	sst s10  }
0x38: {  	s10 =	sld [smem:$0x3FB2]  }
0x39: {  	_ = 	snop;
	(pc) =	sbr.ind lr, $3  }
0x3a: {  	_ = 	snop  }
0x3b: {  	_ = 	snop  }
0x3c: {  	p2 =	seq.s32 s10, $0x1;
	s10 =	sld [smem:$0x3FB1]  }
0x3d: {  	_ =	shalt  }
0x3e: {  	_ =	shalt  }
0x3f: {  	_ =	shalt  }
0x40: {  	_ =	shalt  }
0x41: {  	_ =	shalt  }
0x42: {  	_ =	shalt  }
0x43: {  	_ =	shalt  }
0x44: {  	_ =	shalt  }
0x45: {  	_ =	shalt  }
0x46: {  	_ =	shalt  }
0x47: {  	_ =	shalt  }
0x48: {  	_ =	shalt  }
0x49: {  	_ =	shalt  }
0x4a: {  	_ =	shalt  }
0x4b: {  	_ =	shalt  }
0x4c: {  	_ =	shalt  }
0x4d: {  	_ =	shalt  }
0x4e: {  	_ =	shalt  }
0x4f: {  	_ =	shalt  }
0x50: {  	_ =	shalt  }
0x51: {  	_ =	shalt  }
0x52: {  	_ =	shalt  }
0x53: {  	_ =	shalt  }
0x54: {  	_ =	shalt  }
0x55: {  	_ =	shalt  }
0x56: {  	_ =	shalt  }
0x57: {  	_ =	shalt  }
0x58: {  	_ =	shalt  }
0x59: {  	_ =	shalt  }
0x5a: {  	_ =	shalt  }
0x5b: {  	_ =	shalt  }
0x5c: {  	_ =	shalt  }
0x5d: {  	_ =	shalt  }
0x5e: {  	_ =	shalt  }
0x5f: {  	_ =	shalt  }
0x60: {  	_ =	shalt  }
0x61: {  	_ =	shalt  }
0x62: {  	_ =	shalt  }
0x63: {  	_ =	shalt  }
0x64: {  	_ =	shalt  }
0x65: {  	_ =	shalt  }
0x66: {  	_ =	shalt  }
0x67: {  	_ =	shalt  }
0x68: {  	_ =	shalt  }
0x69: {  	_ =	shalt  }
0x6a: {  	_ =	shalt  }
0x6b: {  	_ =	shalt  }
0x6c: {  	_ =	shalt  }
0x6d: {  	_ =	shalt  }
0x6e: {  	_ =	shalt  }
0x6f: {  	_ =	shalt  }
0x70: {  	_ =	shalt  }
0x71: {  	_ =	shalt  }
0x72: {  	_ =	shalt  }
0x73: {  	_ =	shalt  }
0x74: {  	_ =	shalt  }
0x75: {  	_ =	shalt  }
0x76: {  	_ =	shalt  }
0x77: {  	_ =	shalt  }
0x78: {  	_ =	shalt  }
0x79: {  	_ =	shalt  }
0x7a: {  	_ =	shalt  }
0x7b: {  	_ =	shalt  }
0x7c: {  	_ =	shalt  }
0x7d: {  	_ =	shalt  }
0x7e: {  	_ =	shalt  }
0x7f: {  	_ =	shalt  }
0x80: {  	_ =	shalt  }
0x81: {  	_ =	shalt  }
0x82: {  	_ =	shalt  }
0x83: {  	_ =	shalt  }
0x84: {  	_ =	shalt  }
0x85: {  	_ =	shalt  }
0x86: {  	_ =	shalt  }
0x87: {  	_ =	shalt  }
.Lfunc_end0:
.L_simem_size_0:
called_computation.1_lowered:
.L_overlay_start_0:
0x88: {  	s2 =	sld [smem:$0x3FD9]  }
0x89: {  	s3 =	sld [smem:$0x3FFE];
	_ =	sdelay $0x1  }
0x8a: {  	s1 =	srdreg.scid  }
0x8b: {  	s0 =	sand.u32 $0x1, s1  }
0x8c: {  	s14 =	sshll.u32 s0, $0xA;
	s2 =	sadd.s32 s3, s2  }
0x8d: {  	s2 =	sadd.s32 s2, s14  }
0x8e: {  	[smem:$0x3FBD] =	sst s2  }
0x8f: {  	_ = 	snop  }
0x90: {  	s2 =	sld [smem:$0x3FD0];
	_ =	sdelay $0x2  }
0x91: {  	s15 =	simm.s32 $0xA;
	s4 =	simm.s32 $0x10  }
0x92: {  	[smem:s4], [sflag:s15] =	dma.local [hbm:s2], $0x1  }
0x93: {  	_ =	swait.eq [sflag:s15], $0x1  }
0x94: {  	[sflag:s15] =	ssyncset.done $0x0  }
0x95: {  	s16 =	sld [smem:$0x10];
	[sflag:s15] =	ssyncadd.s32 $0xFFFFFFFF  }
0x96: {  	s17 =	sld [smem:$0x11];
	(tm) =	ssettm $0x1  }
0x97: {  	s18 =	sld [smem:$0x3FFB];
	_ =	sdelay $0x3  }
0x98: {  	_ =	strace s18  }
0x99: {  	s4 =	sld [smem:$0x3FFC];
	_ =	sdelay $0x3  }
0x9a: {  	_ =	strace s4  }
0x9b: {  	s4 =	sld [smem:$0x3FFD];
	_ =	sdelay $0x3  }
0x9c: {  	_ =	strace s4  }
0x9d: {  	_ =	strace $0x8FFFFFFF  }
0x9e: {  	s19 =	sld [smem:$0x3FDB];
	_ =	sdelay $0x1  }
0x9f: {  	s5 =	simm.s32 $_scs_section_size  }
0xa0: {  	s6 =	simm.s32 $_size__tile_overlayer_lowered;
	s7 =	simm.s32 $_tile_overlayer_lowered  }
0xa1: {  	s22 =	simm.s32 $0x1BFF;
	s21 =	sshll.u32 s7, $0x1;
	s4 =	sadd.s32 s5, s19  }
0xa2: {  	s8 =	simm.s32 $0x0;
	s20 =	sshll.u32 s6, $0x1;
	s6 =	sadd.s32 s21, s4  }
0xa3: {  	[timem:s8], [sflag:s22] =	dma.local [hbm:s6], s20  }
0xa4: {  	_ =	swait.ge [sflag:s22], s20  }
0xa5: {  	s5 =	ssub.s32 $0x0, s20;
	[sflag:s22] =	ssyncset.done $0x0  }
0xa6: {  	[sflag:s22] =	ssyncadd.s32 s5;
	_ =	sdelay $0x1  }
0xa7: {  	s23 =	simm.s32 $0x1B8B  }
0xa8: {  	_ =	swait.ge [sflag:s23], $0x1  }
0xa9: {  	[sflag:s23] =	ssyncset.done $0x0  }
0xaa: {  	s25 =	simm.s32 $0x1B8E;
	s24 =	sld [smem:$0x3FFE];
	[sflag:s23] =	ssyncadd.s32 $0xFFFFFFFF  }
0xab: {  	s26 =	simm.s32 $execute0_lowered;
	[smem:$0x3FD2] =	sst s25  }
0xac: {  	s6 =	sshll.u32 s26, $0x1;
	_ =	strace $0x80000046;
	[dreg:$0x1] =	wrdreg $0xFFFFFFFF  }
0xad: {  	s28 =	simm.s32 $_size_execute0_lowered;
	s4 =	sadd.s32 s4, s6;
	[dreg:$0x0] =	wrdreg $0x0  }
0xae: {  	s6 =	sshll.u32 s28, $0x1;
	[dreg:$0x2] =	wrdreg s4  }
0xaf: {  	[dreg:$0x3] =	wrdreg s6  }
0xb0: {  	[dreg:$0x4] =	wrdreg $0xC0  }
0xb1: {  	_ =	task [dreg:s8], $0x5FFFF  }
0xb2: {  	[dreg:$0x1] =	wrdreg $0xFFFFFFFF  }
0xb3: {  	[dreg:$0x0] =	wrdreg $0x60  }
0xb4: {  	[dreg:$0x2] =	wrdreg s24  }
0xb5: {  	[dreg:$0x3] =	wrdreg s16  }
0xb6: {  	[dreg:$0x4] =	wrdreg s17  }
0xb7: {  	[dreg:$0x5] =	wrdreg $0x9  }
0xb8: {  	_ =	task.clear_ibuf [dreg:s8], $0x6FFFF;
	_ =	strace $0x90000046  }
0xb9: {  	s29 =	simm.s32 $0x9;
	_ =	strace $0x80000048  }
0xba: {  	_ =	swait.ge [sflag:s29], $0x1  }
0xbb: {  	[sflag:s29] =	ssyncadd.s32 $0xFFFFFFFF  }
0xbc: {  	_ =	strace $0x90000048  }
0xbd: {  	_ =	sfence  }
0xbe: {  	s30 =	sld [smem:$0x0];
	_ =	sdelay $0x2  }
0xbf: {  	s31 =	sshll.u32 s1, $0xD;
	s1 =	sshrl.u32 s1, $0x2  }
0xc0: {  	s3 =	sand.u32 $0x4000, s31;
	s1 =	sadd.s32 s1, s30  }
0xc1: {  	s0 =	sor.u32 s3, s0;
	s1 =	sshll.u32 s1, $0x11  }
0xc2: {  	s0 =	sor.u32 s1, s0  }
0xc3: {  	s0 =	sadd.s32 $0x8F2B, s0  }
0xc4: {  	[sflag:s0] =	ssyncadd.remote.s32 $0x1  }
0xc5: {  	_ =	sfence.sel $0xFFFF  }
0xc6: {  	[dreg:$0x0] =	wrdreg $0xFFFFFFFF;
	(pc) =	sbr.abs _section_cstart, $3  }
0xc7: {  	[dreg:$0x1] =	wrdreg $0xFFFFFFFF  }
0xc8: {  	_ =	task.clear_ibuf [dreg:s8], $0x2FFFF;
	_ =	strace $0x9FFFFFFF  }
0xc9: {  	(tm) =	ssettm $0x7FFFFFFF  }
tec
execute0_lowered:
.L_overlay_start_1:
0x0: {  	(tag) =	ssettag $0x1  }
0x1: {  	s0 =	rddreg [dreg:$0x0]  }
0x2: {  	s1 =	rddreg [dreg:$0x1]  }
0x3: {  	s4 =	rddreg [dreg:$0x2]  }
0x4: {  	s2 =	simm.s32 $0x0;
	s10 =	stileid.u32;
	s3 =	srdreg.scid  }
0x5: {  	s20 =	simm.s32 $0x1;
	s30 =	simm.s32 $0x0;
	[smem:$0x7FF] =	sst s2  }
0x6: {  	s5 =	sadd.s32 $0x3C00, s0;
	s6 =	sshrl.u32 s10, $0x2;
	s7 =	sadd.s32 $0x2400, s0  }
0x7: {  	s3 =	sand.u32 $0x1, s3;
	s10 =	sshll.u32 s10, $0x1;
	_ =	strace $0x80000047  }
0x8: {  	s8 =	sshll.u32 s6, $0x9;
	s9 =	ssub.s32 $0x2, s3;
	s11 =	smul.u32 $0x3000, s6  }
0x9: {  	s10 =	sand.u32 $0x6, s10;
	s24 =	smul.u32 $0x70000, s6;
	s31 =	sshll.u32 s6, $0x10  }
0xa: {  	s0 =	sadd.s32 s8, s0;
	s21 =	sshrl.u32 s9, $0x1;
	s22 =	sor.u32 s3, s10  }
0xb: {  	s8 =	ssub.s32 s9, s21;
	s23 =	sshrl.u32 s11, $0x3;
	s3 =	sshll.u32 s22, $0x9  }
0xc: {  	s9 =	sshll.u32 s22, $0xD;
	s0 =	sadd.s32 $0x1C00, s0;
	s21 =	simm.s32 $0x1000  }
0xd: {  	s22 =	simm.s32 $0x2000;
	s11 =	sadd.s32 s5, s23;
	s12 =	sadd.s32 $0x200, s23  }
0xe: {  	s13 =	sadd.s32 $0x400, s23;
	s25 =	sor.u32 s24, s9;
	[dreg:$0xa] =	wrdreg s0  }
0xf: {  	s10 =	sadd.s32 s7, s23;
	s0 =	sor.u32 s31, s9;
	[dreg:$0x4] =	wrdreg s11  }
0x10: {  	s19 =	smax.u32 s8, $0x1;
	s14 =	sadd.s32 s5, s12;
	[dreg:$0x7] =	wrdreg s10  }
0x11: {  	s23 =	simm.s32 $0x3000;
	s5 =	sadd.s32 s5, s13;
	[dreg:$0x5] =	wrdreg s14  }
0x12: {  	s24 =	simm.s32 $0x4000;
	s26 =	sadd.s32 s7, s12;
	[dreg:$0x6] =	wrdreg s5  }
0x13: {  	s7 =	sadd.s32 s7, s13;
	s0 =	sshrl.u32 s0, $0x3;
	[dreg:$0x8] =	wrdreg s26  }
.Ltmp0:
0x14: {  	s5 =	sshrl.u32 s25, $0x3;
	[dreg:$0x9] =	wrdreg s7;
	(pc) =	sbr.rel .LBB2_1-.Ltmp0, $4  }
0x15: {  	s18 =	sadd.s32 s4, s0;
	s25 =	simm.s32 $0x5000;
	s11 =	sadd.s32 s1, s5  }
0x16: {  	s26 =	simm.s32 $0x6000;
	s28 =	sadd.s32 $0x2000, s11;
	s29 =	sadd.s32 $0x4000, s11  }
0x17: {  	s14 =	sadd.s32 $0x6000, s11;
	s15 =	sadd.s32 $0x8000, s11;
	[dreg:$0xb] =	wrdreg s28  }
0x18: {  	v0 =	vlaneseq.u32;
	s16 =	sadd.s32 $0xA000, s11;
	s17 =	sadd.s32 $0xC000, s11;
	[dreg:$0xc] =	wrdreg s29  }
.LBB2_45:
0x19: {  	s0 =	simm.s32 $0xD020  }
0x1a: {  	[hbm4b:s11+s2] =	stream.linear.scatter [tilespmem:s0], [sflag:$0x1], $0x2000, $0x38;
	[tilespmem:$0x1D020] =	vst v63  }
0x1b: {  	_ =	swait.ge [sflag:s20], $0x2000  }
0x1c: {  	[sflag:s20] =	ssyncset.done $0x0  }
0x1d: {  	s1 =	simm.s32 $0xF020;
	s8 =	rddreg [dreg:$0xb];
	[sflag:s20] =	ssyncadd.s32 $0xFFFFE000  }
0x1e: {  	[hbm4b:s8+s2] =	stream.linear.scatter [tilespmem:s1], [sflag:$0x1], $0x2000, $0x38;
	[tilespmem:$0x1D020] =	vst v63  }
0x1f: {  	_ =	swait.ge [sflag:s20], $0x2000  }
0x20: {  	[sflag:s20] =	ssyncset.done $0x0  }
0x21: {  	s10 =	simm.s32 $0x11020;
	s9 =	rddreg [dreg:$0xc];
	[sflag:s20] =	ssyncadd.s32 $0xFFFFE000  }
0x22: {  	[hbm4b:s9+s2] =	stream.linear.scatter [tilespmem:s10], [sflag:$0x1], $0x2000, $0x38;
	[tilespmem:$0x1D020] =	vst v63  }
0x23: {  	_ =	swait.ge [sflag:s20], $0x2000  }
0x24: {  	[sflag:s20] =	ssyncset.done $0x0  }
0x25: {  	s12 =	simm.s32 $0x13020;
	[sflag:s20] =	ssyncadd.s32 $0xFFFFE000  }
0x26: {  	[hbm4b:s14+s2] =	stream.linear.scatter [tilespmem:s12], [sflag:$0x1], $0x2000, $0x38;
	[tilespmem:$0x1D020] =	vst v63  }
0x27: {  	_ =	swait.ge [sflag:s20], $0x2000  }
0x28: {  	[sflag:s20] =	ssyncset.done $0x0  }
0x29: {  	s13 =	simm.s32 $0x15020;
	[sflag:s20] =	ssyncadd.s32 $0xFFFFE000  }
0x2a: {  	[hbm4b:s15+s2] =	stream.linear.scatter [tilespmem:s13], [sflag:$0x1], $0x2000, $0x38;
	[tilespmem:$0x1D020] =	vst v63  }
0x2b: {  	_ =	swait.ge [sflag:s20], $0x2000  }
0x2c: {  	[sflag:s20] =	ssyncset.done $0x0  }
0x2d: {  	s28 =	simm.s32 $0x17020;
	[sflag:s20] =	ssyncadd.s32 $0xFFFFE000  }
0x2e: {  	[hbm4b:s16+s2] =	stream.linear.scatter [tilespmem:s28], [sflag:$0x1], $0x2000, $0x38;
	[tilespmem:$0x1D020] =	vst v63  }
0x2f: {  	_ =	swait.ge [sflag:s20], $0x2000  }
0x30: {  	[sflag:s20] =	ssyncset.done $0x0  }
0x31: {  	s29 =	simm.s32 $0x19020;
	[sflag:s20] =	ssyncadd.s32 $0xFFFFE000  }
0x32: {  	[hbm4b:s17+s2] =	stream.linear.scatter [tilespmem:s29], [sflag:$0x1], $0x2000, $0x38;
	[tilespmem:$0x1D020] =	vst v63  }
0x33: {  	s30 =	sadd.s32 $0x1, s30;
	_ =	swait.ge [sflag:s20], $0x2000  }
0x34: {  	p0 =	sne.s32 s30, s19;
	[sflag:s20] =	ssyncset.done $0x0  }
.Ltmp1:
0x35: {  	s31 =	simm.s32 $0x1B020;
	[sflag:s20] =	ssyncadd.s32 $0xFFFFE000;
	(pc) =	sbr.rel @!p0 .LBB2_46-.Ltmp1, $4  }
0x36: {  	[hbm4b:s18+s2] =	stream.linear.scatter [tilespmem:s31], [sflag:$0x1], $0x2000, $0x38;
	[tilespmem:$0x1D020] =	vst v63  }
0x37: {  	_ =	swait.ge [sflag:s20], $0x2000  }
0x38: {  	[sflag:s20] =	ssyncset.done $0x0  }
0x39: {  	[sflag:s20] =	ssyncadd.s32 $0xFFFFE000  }
.LBB2_1:
0x3a: {  	s0 =	rddreg [dreg:$0x4]  }
0x3b: {  	[tilespmem:s2], [sflag:$0x1] =	stream.linear.gather [hbm4b:s0+s2], $0x1000, $0x38;
	[tilespmem:$0x1D020] =	vst v63  }
0x3c: {  	_ =	swait.ge [sflag:s20], $0x1000  }
0x3d: {  	[sflag:s20] =	ssyncset.done $0x0  }
0x3e: {  	s9 =	rddreg [dreg:$0x5];
	[sflag:s20] =	ssyncadd.s32 $0xFFFFF000  }
0x3f: {  	[tilespmem:s21], [sflag:$0x1] =	stream.linear.gather [hbm4b:s9+s2], $0x1000, $0x38;
	[tilespmem:$0x1D020] =	vst v63  }
0x40: {  	_ =	swait.ge [sflag:s20], $0x1000  }
0x41: {  	[sflag:s20] =	ssyncset.done $0x0  }
0x42: {  	s10 =	rddreg [dreg:$0x6];
	[sflag:s20] =	ssyncadd.s32 $0xFFFFF000  }
0x43: {  	[tilespmem:s22], [sflag:$0x1] =	stream.linear.gather [hbm4b:s10+s2], $0x1000, $0x38;
	[tilespmem:$0x1D020] =	vst v63  }
0x44: {  	_ =	swait.ge [sflag:s20], $0x1000  }
0x45: {  	[sflag:s20] =	ssyncset.done $0x0  }
0x46: {  	s12 =	rddreg [dreg:$0x7];
	[sflag:s20] =	ssyncadd.s32 $0xFFFFF000  }
0x47: {  	[tilespmem:s23], [sflag:$0x1] =	stream.linear.gather [hbm4b:s12+s2], $0x1000, $0x38;
	[tilespmem:$0x1D020] =	vst v63  }
0x48: {  	_ =	swait.ge [sflag:s20], $0x1000  }
0x49: {  	[sflag:s20] =	ssyncset.done $0x0  }
0x4a: {  	s13 =	rddreg [dreg:$0x8];
	[sflag:s20] =	ssyncadd.s32 $0xFFFFF000  }
0x4b: {  	[tilespmem:s24], [sflag:$0x1] =	stream.linear.gather [hbm4b:s13+s2], $0x1000, $0x38;
	[tilespmem:$0x1D020] =	vst v63  }
0x4c: {  	_ =	swait.ge [sflag:s20], $0x1000  }
0x4d: {  	[sflag:s20] =	ssyncset.done $0x0  }
0x4e: {  	s28 =	rddreg [dreg:$0x9];
	[sflag:s20] =	ssyncadd.s32 $0xFFFFF000  }
0x4f: {  	[tilespmem:s25], [sflag:$0x1] =	stream.linear.gather [hbm4b:s28+s2], $0x1000, $0x38;
	[tilespmem:$0x1D020] =	vst v63  }
0x50: {  	_ =	swait.ge [sflag:s20], $0x1000  }
0x51: {  	[sflag:s20] =	ssyncset.done $0x0  }
.Ltmp2:
0x52: {  	s29 =	rddreg [dreg:$0xa];
	[sflag:s20] =	ssyncadd.s32 $0xFFFFF000;
	(pc) =	sbr.rel .LBB2_2-.Ltmp2, $4  }
0x53: {  	[tilespmem:s26], [sflag:$0x1] =	stream.linear.gather [hbm4b:s29+s2], $0x1000, $0x38;
	[tilespmem:$0x1D020] =	vst v63  }
0x54: {  	_ =	swait.ge [sflag:s20], $0x1000  }
0x55: {  	[sflag:s20] =	ssyncset.done $0x0  }
0x56: {  	s31 =	simm.s32 $0x0;
	[sflag:s20] =	ssyncadd.s32 $0xFFFFF000  }
.LBB2_38:
0x57: {  	_ = 	snop  }
.LBB2_43:
0x58: {  	v8, v9, _ =	vpop @p0 (xrf1)  }
0x59: {  	v10, v11, _ =	vpop @p1 (xrf1)  }
0x5a: {  	v10 =	vpsel p1, v10, v5  }
0x5b: {  	v11 =	vpsel p1, v11, v4;
	vm0 =	vlt.f32 @p0 v8, v10  }
0x5c: {  	(xrf1) =	vsort.dscd.msk.f32 $0xffff, v6, v7;
	v6 =	vsel @p0 vm0, v8, v10;
	v7 =	vsel @p0 vm0, v9, v11  }
0x5d: {  	(xrf1) =	vsort.ascd.msk.f32 @p0 $0xffff, v6, v7;
	_ =	sdelay $0xc  }
0x5e: {  	v6, v7, _ =	vpop (xrf1)  }
0x5f: {  	v8, v9, _ =	vpop @p0 (xrf1)  }
0x60: {  	v5 =	vpsel p0, v8, v5  }
0x61: {  	v4 =	vpsel p0, v9, v4;
	vm15 =	vlt.f32 v6, v5  }
0x62: {  	v5 =	vsel vm15, v6, v5;
	v4 =	vsel vm15, v7, v4  }
0x63: {  	(xrf1) =	vsort.ascd.msk.f32 $0xffff, v5, v4;
	_ =	sdelay $0xd  }
0x64: {  	v5, v4, _ =	vpop (xrf1)  }
.LBB2_44:
0x65: {  	_ =	sdelay $0x3  }
0x66: {  	v5 =	vld.idx.msk [tilespmem:v4+s2+$0x0], $0xffff  }
0x67: {  	v6 =	vld.idx.msk [tilespmem:v4+s21+$0x0], $0xffff;
	_ =	sdelay $0x1  }
0x68: {  	v7 =	vld.idx.msk [tilespmem:v4+s22+$0x0], $0xffff;
	_ =	sdelay $0x2  }
0x69: {  	v8 =	vsub.f32 v1, v5;
	v9 =	vsub.f32 v2, v6  }
0x6a: {  	[tilespmem:s0+$0xD050] =	vst v1  }
0x6b: {  	[tilespmem:s0+$0xF050] =	vst v2;
	s31 =	sadd.s32 $0x1, s31;
	v10 =	vsub.f32 v3, v7;
	v8 =	vmul.f32 v8, v8;
	v9 =	vmul.f32 v9, v9  }
0x6c: {  	[tilespmem:s0+$0x11050] =	vst v3;
	p0 =	sne.s32 s31, $0x80  }
.Ltmp3:
0x6d: {  	[tilespmem:s0+$0x1B050] =	vst v4;
	v2 =	vmul.f32 v10, v10;
	v1 =	vadd.f32 v9, v8;
	(pc) =	sbr.rel @!p0 .LBB2_45-.Ltmp3, $4  }
0x6e: {  	[tilespmem:s0+$0x13050] =	vst v5  }
0x6f: {  	[tilespmem:s0+$0x15050] =	vst v6;
	v1 =	vadd.f32 v2, v1  }
0x70: {  	[tilespmem:s0+$0x17050] =	vst v7  }
0x71: {  	[tilespmem:s0+$0x19050] =	vst v1  }
.LBB2_2:
0x72: {  	s0 =	sshll.u32 s31, $0x2  }
0x73: {  	s0 =	sadd.s32 s3, s0  }
0x74: {  	v1 =	vmov s0;
	s1 =	sor.u32 $0x1, s0;
	s13 =	sor.u32 $0x2, s0;
	s0 =	sor.u32 $0x3, s0  }
0x75: {  	v29 =	vmov s0  }
0x76: {  	s7 =	simm.s32 $0x5020;
	v1 =	vand.u32 $0xFFFFFFFC, v1  }
0x77: {  	s10 =	simm.s32 $0x6020;
	v5 =	vld [tilespmem:s7+$0xFFFFFFE0];
	v1 =	vbroadcast v1, $0x0  }
0x78: {  	v31 =	vld [tilespmem:s10+$0xFFFFFFE0];
	v2 =	vmov s1;
	s1 =	simm.s32 $0x3020  }
0x79: {  	v4 =	vld [tilespmem:s1+$0xFFFFFFE0]  }
0x7a: {  	v25 =	vld.idx.msk [tilespmem:v29+s23+$0x0], $0xffff  }
0x7b: {  	v21 =	vld.idx.msk [tilespmem:v29+s24+$0x0], $0xffff  }
0x7c: {  	v18 =	vld.idx.msk [tilespmem:v29+s25+$0x0], $0xffff  }
0x7d: {  	v11 =	vld.idx.msk [tilespmem:v1+s2+$0x0], $0xffff  }
0x7e: {  	v2 =	vand.u32 $0xFFFFFFFD, v2;
	v12 =	vld.idx.msk [tilespmem:v1+s21+$0x0], $0xffff  }
0x7f: {  	v2 =	vbroadcast v2, $0x0;
	v13 =	vld.idx.msk [tilespmem:v1+s22+$0x0], $0xffff  }
0x80: {  	v3 =	vmov s13;
	v15 =	vld.idx.msk [tilespmem:v1+s23+$0x0], $0xffff  }
0x81: {  	v3 =	vand.u32 $0xFFFFFFFE, v3;
	v16 =	vld.idx.msk [tilespmem:v1+s24+$0x0], $0xffff  }
0x82: {  	v3 =	vbroadcast v3, $0x0;
	v14 =	vld.idx.msk [tilespmem:v1+s25+$0x0], $0xffff  }
0x83: {  	s0 =	simm.s32 $0x4020;
	v10 =	vld.idx.msk [tilespmem:v1+s26+$0x0], $0xffff  }
0x84: {  	v1 =	vld [tilespmem:s0+$0xFFFFFFE0]  }
0x85: {  	v19 =	vld.idx.msk [tilespmem:v2+s23+$0x0], $0xffff  }
0x86: {  	v20 =	vld.idx.msk [tilespmem:v2+s24+$0x0], $0xffff  }
0x87: {  	v17 =	vld.idx.msk [tilespmem:v2+s25+$0x0], $0xffff  }
0x88: {  	v24 =	vld.idx.msk [tilespmem:v3+s23+$0x0], $0xffff  }
0x89: {  	v22 =	vld.idx.msk [tilespmem:v3+s24+$0x0], $0xffff  }
0x8a: {  	v26 =	vld.idx.msk [tilespmem:v2+s26+$0x0], $0xffff  }
0x8b: {  	v28 =	vld.idx.msk [tilespmem:v3+s26+$0x0], $0xffff;
	v32 =	vmul.f32 v4, v25;
	v34 =	vmul.f32 v5, v18  }
0x8c: {  	v23 =	vld.idx.msk [tilespmem:v3+s25+$0x0], $0xffff;
	v6 =	vmul.f32 v1, v16;
	v9 =	vmul.f32 v4, v15  }
0x8d: {  	v30 =	vmul.f32 v1, v21;
	v35 =	vmul.f32 v5, v14  }
0x8e: {  	v7 =	vld.idx.msk [tilespmem:v2+s2+$0x0], $0xffff;
	v55 =	vadd.f32 v31, v10;
	v27 =	vmul.f32 v1, v20;
	v1 =	vmul.f32 v1, v22  }
0x8f: {  	v8 =	vld.idx.msk [tilespmem:v2+s21+$0x0], $0xffff;
	v33 =	vmul.f32 v4, v24;
	v4 =	vmul.f32 v4, v19;
	v36 =	vadd.f32 v31, v26  }
0x90: {  	v54 =	vmul.f32 v5, v17;
	v56 =	vadd.f32 v31, v28;
	v6 =	vadd.f32 v6, v9;
	v9 =	vld.idx.msk [tilespmem:v2+s22+$0x0], $0xffff  }
0x91: {  	v2 =	vmul.f32 v5, v23;
	v30 =	vadd.f32 v30, v32;
	v5 =	vld.idx.msk [tilespmem:v3+s21+$0x0], $0xffff;
	v53 =	vadd.f32 v27, v4  }
0x92: {  	v1 =	vadd.f32 v1, v33;
	v27 =	vld.idx.msk [tilespmem:v29+s26+$0x0], $0xffff;
	v35 =	vadd.f32 v35, v6  }
0x93: {  	v4 =	vld.idx.msk [tilespmem:v3+s2+$0x0], $0xffff;
	v30 =	vadd.f32 v34, v30;
	v32 =	vadd.f32 v54, v53  }
0x94: {  	v6 =	vld.idx.msk [tilespmem:v3+s22+$0x0], $0xffff;
	v2 =	vadd.f32 v2, v1;
	v3 =	vadd.f32 v35, v35  }
0x95: {  	v1 =	vld.idx.msk [tilespmem:v29+s2+$0x0], $0xffff;
	v30 =	vadd.f32 v30, v30;
	v32 =	vadd.f32 v32, v32  }
0x96: {  	v57 =	vadd.f32 v2, v2;
	v2 =	vld.idx.msk [tilespmem:v29+s21+$0x0], $0xffff;
	v39 =	vsub.f32 v55, v3  }
0x97: {  	s28 =	simm.s32 $0x7020;
	v3 =	vld.idx.msk [tilespmem:v29+s22+$0x0], $0xffff;
	v29 =	vadd.f32 v31, v27;
	v31 =	vsub.f32 v36, v32  }
0x98: {  	s29 =	simm.s32 $0x8020;
	v42 =	vsub.f32 v56, v57;
	[tilespmem:s28+$0xFFFFFFE0] =	vst v39  }
0x99: {  	s4 =	simm.s32 $0x9020;
	v29 =	vsub.f32 v29, v30;
	[tilespmem:s29+$0xFFFFFFE0] =	vst v31  }
0x9a: {  	s5 =	simm.s32 $0xA020;
	[tilespmem:s4+$0xFFFFFFE0] =	vst v42  }
0x9b: {  	[tilespmem:s5+$0xFFFFFFE0] =	vst v29  }
0x9c: {  	v30 =	vld [tilespmem:s1+$0xFFFFFFF0]  }
0x9d: {  	v58 =	vld [tilespmem:s0+$0xFFFFFFF0];
	_ =	sdelay $0x1  }
0x9e: {  	v59 =	vld [tilespmem:s7+$0xFFFFFFF0]  }
0x9f: {  	v60 =	vld [tilespmem:s10+$0xFFFFFFF0]  }
0xa0: {  	v61 =	vmul.f32 v30, v15  }
0xa1: {  	v62 =	vmul.f32 v30, v19;
	v37 =	vmul.f32 v58, v16  }
0xa2: {  	v38 =	vmul.f32 v58, v22;
	v40 =	vmul.f32 v30, v24  }
0xa3: {  	v41 =	vmul.f32 v59, v14;
	v63 =	vmul.f32 v58, v20  }
0xa4: {  	v43 =	vadd.f32 v60, v28;
	v30 =	vmul.f32 v30, v25;
	v45 =	vadd.f32 v60, v10  }
0xa5: {  	v32 =	vmul.f32 v58, v21;
	v49 =	vadd.f32 v60, v26;
	v35 =	vadd.f32 v37, v61  }
0xa6: {  	v46 =	vmul.f32 v59, v17;
	v50 =	vadd.f32 v60, v27;
	v36 =	vadd.f32 v63, v62  }
0xa7: {  	v44 =	vmul.f32 v59, v23;
	v38 =	vadd.f32 v38, v40;
	v35 =	vadd.f32 v41, v35  }
0xa8: {  	v33 =	vmul.f32 v59, v18;
	v30 =	vadd.f32 v32, v30;
	v47 =	vadd.f32 v46, v36  }
0xa9: {  	v38 =	vadd.f32 v44, v38;
	v35 =	vadd.f32 v35, v35  }
0xaa: {  	v30 =	vadd.f32 v33, v30;
	v32 =	vadd.f32 v47, v47  }
0xab: {  	v48 =	vadd.f32 v38, v38;
	v40 =	vsub.f32 v45, v35  }
0xac: {  	v30 =	vadd.f32 v30, v30;
	v35 =	vsub.f32 v49, v32  }
0xad: {  	v34 =	vsub.f32 v43, v48;
	[tilespmem:s28+$0xFFFFFFF0] =	vst v40  }
0xae: {  	v33 =	vsub.f32 v50, v30;
	[tilespmem:s29+$0xFFFFFFF0] =	vst v35  }
0xaf: {  	[tilespmem:s4+$0xFFFFFFF0] =	vst v34  }
0xb0: {  	[tilespmem:s5+$0xFFFFFFF0] =	vst v33  }
0xb1: {  	v30 =	vld [tilespmem:s0+$0x0]  }
0xb2: {  	v51 =	vld [tilespmem:s1+$0x0];
	_ =	sdelay $0x1  }
0xb3: {  	v52 =	vld [tilespmem:s7+$0x0]  }
0xb4: {  	v44 =	vld [tilespmem:s10+$0x0]  }
0xb5: {  	v53 =	vmul.f32 v30, v22;
	v54 =	vmul.f32 v30, v21  }
0xb6: {  	v55 =	vmul.f32 v51, v15;
	v56 =	vmul.f32 v30, v16  }
0xb7: {  	v45 =	vmul.f32 v51, v19;
	v46 =	vmul.f32 v51, v24  }
0xb8: {  	v57 =	vmul.f32 v52, v14;
	v32 =	vmul.f32 v51, v25  }
0xb9: {  	v30 =	vmul.f32 v30, v20;
	v60 =	vadd.f32 v44, v10;
	v62 =	vadd.f32 v44, v26  }
0xba: {  	v58 =	vmul.f32 v52, v23;
	v63 =	vadd.f32 v44, v28;
	v41 =	vadd.f32 v56, v55  }
0xbb: {  	v59 =	vmul.f32 v52, v17;
	v37 =	vadd.f32 v53, v46;
	v30 =	vadd.f32 v30, v45  }
0xbc: {  	v36 =	vmul.f32 v52, v18;
	v32 =	vadd.f32 v54, v32;
	v41 =	vadd.f32 v57, v41  }
0xbd: {  	v37 =	vadd.f32 v58, v37;
	v30 =	vadd.f32 v59, v30  }
0xbe: {  	v32 =	vadd.f32 v36, v32;
	v41 =	vadd.f32 v41, v41  }
0xbf: {  	v61 =	vadd.f32 v37, v37;
	v30 =	vadd.f32 v30, v30  }
0xc0: {  	v32 =	vadd.f32 v32, v32;
	v43 =	vsub.f32 v60, v41  }
0xc1: {  	v37 =	vsub.f32 v62, v30;
	v30 =	vadd.f32 v44, v27  }
0xc2: {  	v38 =	vsub.f32 v63, v61;
	[tilespmem:s28+$0x0] =	vst v43  }
0xc3: {  	v36 =	vsub.f32 v30, v32;
	[tilespmem:s29+$0x0] =	vst v37  }
0xc4: {  	[tilespmem:s4+$0x0] =	vst v38  }
0xc5: {  	[tilespmem:s5+$0x0] =	vst v36  }
0xc6: {  	v47 =	vld [tilespmem:s1+$0x10]  }
0xc7: {  	v46 =	vld [tilespmem:s0+$0x10]  }
0xc8: {  	s6 =	simm.s32 $0x0  }
0xc9: {  	s8 =	simm.s32 $0x9060;
	s9 =	simm.s32 $0xA060;
	s12 =	simm.s32 $0x6060;
	v32 =	vimm.f32 $+Inf;
	v44 =	vld [tilespmem:s10+$0x10]  }
0xca: {  	s13 =	simm.s32 $0x7060;
	v30 =	vimm.f32 $+Inf;
	v41 =	vmin.f32 v32, v39;
	v39 =	vmin.f32 v32, v42;
	v45 =	vld [tilespmem:s7+$0x10];
	s7 =	simm.s32 $0x8060;
	s10 =	simm.s32 $0x5060  }
.LBB2_3:
0xcb: {  	s6 =	sadd.s32 $0x4, s6;
	v31 =	vmin.f32 v32, v31;
	v32 =	vmul.f32 v47, v24;
	v42 =	vmul.f32 v47, v25;
	s1 =	sadd.s32 $0x40, s1;
	s0 =	sadd.s32 $0x40, s0  }
0xcc: {  	v40 =	vmin.f32 v41, v40;
	v41 =	vmul.f32 v47, v15;
	p0 =	slt.u32 s6, $0xFC;
	v48 =	vmul.f32 v46, v16  }
0xcd: {  	v31 =	vmin.f32 v31, v35;
	v35 =	vmul.f32 v47, v19;
	v47 =	vmul.f32 v46, v20  }
0xce: {  	v49 =	vmul.f32 v46, v22;
	v41 =	vadd.f32 v48, v41;
	v48 =	vadd.f32 v44, v26  }
0xcf: {  	v50 =	vmul.f32 v45, v23;
	v35 =	vadd.f32 v47, v35;
	v47 =	vmul.f32 v45, v17  }
0xd0: {  	v51 =	vmul.f32 v45, v14;
	v32 =	vadd.f32 v49, v32;
	v49 =	vadd.f32 v44, v28  }
0xd1: {  	v46 =	vmul.f32 v46, v21;
	v52 =	vadd.f32 v44, v10;
	v35 =	vadd.f32 v47, v35  }
0xd2: {  	v34 =	vmin.f32 v39, v34;
	v39 =	vadd.f32 v51, v41;
	v32 =	vadd.f32 v50, v32  }
0xd3: {  	v41 =	vadd.f32 v46, v42;
	v42 =	vmul.f32 v45, v18;
	v35 =	vadd.f32 v35, v35  }
0xd4: {  	v40 =	vmin.f32 v40, v43;
	v39 =	vadd.f32 v39, v39;
	v32 =	vadd.f32 v32, v32  }
0xd5: {  	v34 =	vmin.f32 v34, v38;
	v38 =	vadd.f32 v42, v41;
	v35 =	vsub.f32 v48, v35  }
0xd6: {  	v31 =	vmin.f32 v31, v37;
	v37 =	vsub.f32 v52, v39;
	v41 =	vsub.f32 v49, v32  }
0xd7: {  	v38 =	vadd.f32 v38, v38;
	v32 =	vmin.f32 v31, v35;
	v31 =	vadd.f32 v44, v27  }
0xd8: {  	v29 =	vmin.f32 v30, v29;
	v39 =	vmin.f32 v34, v41;
	[tilespmem:s28+$0x10] =	vst v37;
	v37 =	vmin.f32 v40, v37;
	s28 =	smov.u32 s13  }
0xd9: {  	v29 =	vmin.f32 v29, v33;
	v30 =	vsub.f32 v31, v38;
	[tilespmem:s29+$0x10] =	vst v35;
	s29 =	smov.u32 s7  }
0xda: {  	v29 =	vmin.f32 v29, v36;
	[tilespmem:s4+$0x10] =	vst v41;
	s4 =	smov.u32 s8  }
0xdb: {  	[tilespmem:s5+$0x10] =	vst v30;
	v30 =	vmin.f32 v29, v30;
	s5 =	smov.u32 s9  }
0xdc: {  	v29 =	vld [tilespmem:s0+$0xFFFFFFE0]  }
0xdd: {  	v31 =	vld [tilespmem:s1+$0xFFFFFFE0]  }
0xde: {  	v33 =	vld [tilespmem:s10+$0xFFFFFFE0];
	_ =	sdelay $0x2  }
0xdf: {  	v34 =	vmul.f32 v29, v16;
	v35 =	vmul.f32 v29, v20  }
0xe0: {  	v38 =	vmul.f32 v29, v21;
	v36 =	vmul.f32 v31, v15  }
0xe1: {  	v29 =	vmul.f32 v29, v22;
	v41 =	vmul.f32 v31, v25;
	v40 =	vld [tilespmem:s12+$0xFFFFFFE0]  }
0xe2: {  	v42 =	vmul.f32 v31, v24;
	v43 =	vmul.f32 v33, v18  }
0xe3: {  	v31 =	vmul.f32 v31, v19;
	v34 =	vadd.f32 v34, v36;
	v36 =	vmul.f32 v33, v17  }
0xe4: {  	v44 =	vmul.f32 v33, v14;
	v29 =	vadd.f32 v29, v42;
	v33 =	vmul.f32 v33, v23  }
0xe5: {  	v31 =	vadd.f32 v35, v31;
	v35 =	vadd.f32 v38, v41  }
0xe6: {  	v34 =	vadd.f32 v44, v34;
	v38 =	vadd.f32 v40, v26  }
0xe7: {  	v29 =	vadd.f32 v33, v29;
	v33 =	vadd.f32 v43, v35  }
0xe8: {  	v31 =	vadd.f32 v36, v31;
	v35 =	vadd.f32 v40, v10  }
0xe9: {  	v34 =	vadd.f32 v34, v34;
	v36 =	vadd.f32 v40, v28  }
0xea: {  	v29 =	vadd.f32 v29, v29;
	v33 =	vadd.f32 v33, v33  }
0xeb: {  	v31 =	vadd.f32 v31, v31;
	v40 =	vadd.f32 v40, v27  }
0xec: {  	v34 =	vsub.f32 v35, v34;
	v42 =	vsub.f32 v36, v29  }
0xed: {  	v31 =	vsub.f32 v38, v31;
	v29 =	vsub.f32 v40, v33  }
0xee: {  	v41 =	vmin.f32 v37, v34;
	[tilespmem:s13+$0xFFFFFFE0] =	vst v34  }
0xef: {  	[tilespmem:s7+$0xFFFFFFE0] =	vst v31  }
0xf0: {  	[tilespmem:s8+$0xFFFFFFE0] =	vst v42  }
0xf1: {  	[tilespmem:s9+$0xFFFFFFE0] =	vst v29  }
0xf2: {  	v33 =	vld [tilespmem:s1+$0xFFFFFFF0]  }
0xf3: {  	v34 =	vld [tilespmem:s0+$0xFFFFFFF0]  }
0xf4: {  	v35 =	vld [tilespmem:s10+$0xFFFFFFF0]  }
0xf5: {  	v36 =	vld [tilespmem:s12+$0xFFFFFFF0];
	_ =	sdelay $0x1  }
0xf6: {  	v37 =	vmul.f32 v33, v15;
	v38 =	vmul.f32 v33, v19  }
0xf7: {  	v40 =	vmul.f32 v34, v16;
	v43 =	vmul.f32 v34, v22  }
0xf8: {  	v45 =	vmul.f32 v33, v24;
	v44 =	vmul.f32 v35, v14  }
0xf9: {  	v37 =	vadd.f32 v40, v37;
	v40 =	vmul.f32 v34, v20;
	v46 =	vadd.f32 v36, v28  }
0xfa: {  	v33 =	vmul.f32 v33, v25;
	v43 =	vadd.f32 v43, v45;
	v45 =	vmul.f32 v35, v23  }
0xfb: {  	v34 =	vmul.f32 v34, v21;
	v37 =	vadd.f32 v44, v37;
	v38 =	vadd.f32 v40, v38  }
0xfc: {  	v40 =	vadd.f32 v36, v10;
	v44 =	vmul.f32 v35, v17;
	v43 =	vadd.f32 v45, v43  }
0xfd: {  	v33 =	vadd.f32 v34, v33;
	v37 =	vadd.f32 v37, v37  }
0xfe: {  	v35 =	vmul.f32 v35, v18;
	v34 =	vadd.f32 v44, v38;
	v38 =	vadd.f32 v43, v43  }
0xff: {  	v40 =	vsub.f32 v40, v37;
	v37 =	vadd.f32 v36, v26  }
0x100: {  	v33 =	vadd.f32 v35, v33;
	v43 =	vadd.f32 v34, v34  }
0x101: {  	v34 =	vsub.f32 v46, v38;
	v36 =	vadd.f32 v36, v27;
	[tilespmem:s13+$0xFFFFFFF0] =	vst v40  }
0x102: {  	v33 =	vadd.f32 v33, v33;
	v35 =	vsub.f32 v37, v43;
	_ =	sdelay $0x1  }
0x103: {  	v33 =	vsub.f32 v36, v33;
	[tilespmem:s7+$0xFFFFFFF0] =	vst v35  }
0x104: {  	[tilespmem:s8+$0xFFFFFFF0] =	vst v34  }
0x105: {  	[tilespmem:s9+$0xFFFFFFF0] =	vst v33  }
0x106: {  	v36 =	vld [tilespmem:s0+$0x0]  }
0x107: {  	v37 =	vld [tilespmem:s1+$0x0]  }
0x108: {  	v38 =	vld [tilespmem:s10+$0x0]  }
0x109: {  	v44 =	vld [tilespmem:s12+$0x0];
	_ =	sdelay $0x1  }
0x10a: {  	v43 =	vmul.f32 v36, v22;
	v45 =	vmul.f32 v36, v21  }
0x10b: {  	v47 =	vmul.f32 v36, v16;
	v46 =	vmul.f32 v37, v15  }
0x10c: {  	v48 =	vmul.f32 v37, v19;
	v49 =	vmul.f32 v37, v24  }
0x10d: {  	v37 =	vmul.f32 v37, v25;
	v46 =	vadd.f32 v47, v46;
	v47 =	vmul.f32 v38, v14  }
0x10e: {  	v43 =	vadd.f32 v43, v49;
	v49 =	vmul.f32 v38, v23  }
0x10f: {  	v36 =	vmul.f32 v36, v20;
	v37 =	vadd.f32 v45, v37;
	v46 =	vadd.f32 v47, v46  }
0x110: {  	v43 =	vadd.f32 v49, v43  }
0x111: {  	v45 =	vadd.f32 v44, v10;
	v47 =	vmul.f32 v38, v18;
	v46 =	vadd.f32 v46, v46  }
0x112: {  	v36 =	vadd.f32 v36, v48;
	v38 =	vmul.f32 v38, v17;
	v48 =	vadd.f32 v43, v43  }
0x113: {  	v43 =	vsub.f32 v45, v46;
	v45 =	vadd.f32 v44, v28  }
0x114: {  	v36 =	vadd.f32 v38, v36;
	v37 =	vadd.f32 v47, v37  }
0x115: {  	v46 =	vadd.f32 v44, v26;
	[tilespmem:s13+$0x0] =	vst v43;
	v38 =	vsub.f32 v45, v48  }
0x116: {  	v36 =	vadd.f32 v36, v36;
	v45 =	vadd.f32 v37, v37;
	_ =	sdelay $0x1  }
0x117: {  	v37 =	vsub.f32 v46, v36;
	v36 =	vadd.f32 v44, v27;
	_ =	sdelay $0x1  }
0x118: {  	v36 =	vsub.f32 v36, v45;
	[tilespmem:s7+$0x0] =	vst v37  }
0x119: {  	[tilespmem:s8+$0x0] =	vst v38  }
0x11a: {  	[tilespmem:s9+$0x0] =	vst v36  }
.Ltmp4:
0x11b: {  	v47 =	vld [tilespmem:s1+$0x10];
	(pc) =	sbr.rel @p0 .LBB2_3-.Ltmp4, $4  }
0x11c: {  	v46 =	vld [tilespmem:s0+$0x10]  }
0x11d: {  	v45 =	vld [tilespmem:s10+$0x10]  }
0x11e: {  	s7 =	sadd.s32 $0x40, s7;
	s8 =	sadd.s32 $0x40, s8;
	s9 =	sadd.s32 $0x40, s9;
	v44 =	vld [tilespmem:s12+$0x10]  }
0x11f: {  	v39 =	vmin.f32 v39, v42;
	s13 =	sadd.s32 $0x40, s13;
	s10 =	sadd.s32 $0x40, s10;
	s12 =	sadd.s32 $0x40, s12  }
0x120: {  	v24 =	vmul.f32 v47, v24  }
0x121: {  	v25 =	vmul.f32 v47, v25;
	v15 =	vmul.f32 v47, v15  }
0x122: {  	v19 =	vmul.f32 v47, v19;
	v16 =	vmul.f32 v46, v16  }
0x123: {  	v20 =	vmul.f32 v46, v20;
	v22 =	vmul.f32 v46, v22  }
0x124: {  	v14 =	vmul.f32 v45, v14;
	v15 =	vadd.f32 v16, v15;
	v16 =	vadd.f32 v44, v26  }
0x125: {  	v17 =	vmul.f32 v45, v17;
	v19 =	vadd.f32 v20, v19;
	v60 =	vadd.f32 v22, v24  }
0x126: {  	v21 =	vmul.f32 v46, v21;
	v61 =	vadd.f32 v44, v28;
	v14 =	vadd.f32 v14, v15  }
0x127: {  	v10 =	vadd.f32 v44, v10;
	v15 =	vmul.f32 v45, v23;
	v17 =	vadd.f32 v17, v19  }
0x128: {  	v18 =	vmul.f32 v45, v18;
	v19 =	vadd.f32 v21, v25;
	v14 =	vadd.f32 v14, v14  }
0x129: {  	v15 =	vadd.f32 v15, v60;
	v17 =	vadd.f32 v17, v17  }
0x12a: {  	v62 =	vmin.f32 v41, v40;
	v18 =	vadd.f32 v18, v19;
	v10 =	vsub.f32 v10, v14  }
0x12b: {  	v14 =	vmin.f32 v62, v43;
	v15 =	vadd.f32 v15, v15;
	v17 =	vsub.f32 v16, v17  }
0x12c: {  	v16 =	vadd.f32 v44, v27;
	v18 =	vadd.f32 v18, v18;
	v14 =	vmin.f32 v14, v10  }
0x12d: {  	v19 =	vsub.f32 v61, v15;
	[tilespmem:s28+$0x10] =	vst v10;
	(xrf0) =	vmax.scan.msk.f32 $0xffff, v14  }
0x12e: {  	v10 =	vsub.f32 v16, v18;
	[tilespmem:s29+$0x10] =	vst v17  }
0x12f: {  	[tilespmem:s4+$0x10] =	vst v19  }
0x130: {  	s1 =	simm.s32 $0x7040;
	[tilespmem:s5+$0x10] =	vst v10  }
0x131: {  	v14 =	vld [tilespmem:s1+$0xFFFFFFC0];
	_ =	sdelay $0x1  }
0x132: {  	v15, _, _ =	vpop (xrf0)  }
0x133: {  	v16 =	vbroadcast v15, $0xF;
	_ =	sdelay $0x1  }
0x134: {  	s0 =	simm.s32 $0x0;
	vm0 =	vle.f32 v14, v16  }
0x135: {  	[tilespmem:s0+$0xB000] =	vst.msk vm0, v14;
	v14 =	vor.u32 s0, v0;
	v15 =	vmpcnt.ones.xlane vm0  }
0x136: {  	[tilespmem:s0+$0xC010] =	vst.msk vm0, v14  }
0x137: {  	v14 =	vld [tilespmem:s1+$0xFFFFFFD0];
	(v2sf) =	vpush v15, $0x0;
	_ =	sdelay $0x4  }
0x138: {  	vm9 =	vle.f32 v14, v16  }
0x139: {  	v15 =	vmpcnt.ones.xlane vm9;
	_ =	sdelay $0x1  }
0x13a: {  	(v2sf) =	vpush v15, $0x0;
	_ =	sdelay $0x6  }
0x13b: {  	s10 =	spop (v2sf)  }
0x13c: {  	s12 =	simm.s32 $0x10;
	s4 =	sadd.s32 $0x0, s10  }
0x13d: {  	[tilespmem:s4+$0xB000] =	vst.msk vm9, v14;
	v14 =	vor.u32 s12, v0  }
0x13e: {  	[tilespmem:s4+$0xC010] =	vst.msk vm9, v14  }
0x13f: {  	v14 =	vld [tilespmem:s1+$0xFFFFFFE0];
	_ =	sdelay $0x3  }
0x140: {  	s13 =	spop (v2sf)  }
0x141: {  	s28 =	simm.s32 $0x20;
	s4 =	sadd.s32 s4, s13;
	vm10 =	vle.f32 v14, v16  }
0x142: {  	[tilespmem:s4+$0xB000] =	vst.msk vm10, v14;
	v14 =	vor.u32 s28, v0;
	v15 =	vmpcnt.ones.xlane vm10  }
0x143: {  	[tilespmem:s4+$0xC010] =	vst.msk vm10, v14  }
0x144: {  	v14 =	vld [tilespmem:s1+$0xFFFFFFF0];
	(v2sf) =	vpush v15, $0x0;
	_ =	sdelay $0x4  }
0x145: {  	vm11 =	vle.f32 v14, v16  }
0x146: {  	v15 =	vmpcnt.ones.xlane vm11;
	_ =	sdelay $0x1  }
0x147: {  	(v2sf) =	vpush v15, $0x0;
	_ =	sdelay $0x6  }
0x148: {  	s29 =	spop (v2sf)  }
0x149: {  	s6 =	simm.s32 $0x30;
	s4 =	sadd.s32 s4, s29  }
0x14a: {  	[tilespmem:s4+$0xB000] =	vst.msk vm11, v14;
	v14 =	vor.u32 s6, v0  }
0x14b: {  	[tilespmem:s4+$0xC010] =	vst.msk vm11, v14  }
0x14c: {  	v14 =	vld [tilespmem:s1+$0x0];
	_ =	sdelay $0x3  }
0x14d: {  	s7 =	spop (v2sf)  }
0x14e: {  	s8 =	simm.s32 $0x40;
	s4 =	sadd.s32 s4, s7;
	vm12 =	vle.f32 v14, v16  }
0x14f: {  	[tilespmem:s4+$0xB000] =	vst.msk vm12, v14;
	v14 =	vor.u32 s8, v0;
	v15 =	vmpcnt.ones.xlane vm12  }
0x150: {  	[tilespmem:s4+$0xC010] =	vst.msk vm12, v14  }
0x151: {  	v14 =	vld [tilespmem:s1+$0x10];
	(v2sf) =	vpush v15, $0x0;
	_ =	sdelay $0x4  }
0x152: {  	vm13 =	vle.f32 v14, v16  }
0x153: {  	v15 =	vmpcnt.ones.xlane vm13;
	_ =	sdelay $0x1  }
0x154: {  	(v2sf) =	vpush v15, $0x0;
	_ =	sdelay $0x6  }
0x155: {  	s9 =	spop (v2sf)  }
0x156: {  	s10 =	simm.s32 $0x50;
	s4 =	sadd.s32 s4, s9  }
0x157: {  	[tilespmem:s4+$0xB000] =	vst.msk vm13, v14;
	v14 =	vor.u32 s10, v0  }
0x158: {  	[tilespmem:s4+$0xC010] =	vst.msk vm13, v14  }
0x159: {  	v14 =	vld [tilespmem:s1+$0x20];
	_ =	sdelay $0x3  }
0x15a: {  	s12 =	spop (v2sf)  }
0x15b: {  	s13 =	simm.s32 $0x60;
	s4 =	sadd.s32 s4, s12;
	vm14 =	vle.f32 v14, v16  }
0x15c: {  	[tilespmem:s4+$0xB000] =	vst.msk vm14, v14;
	v14 =	vor.u32 s13, v0;
	v15 =	vmpcnt.ones.xlane vm14  }
0x15d: {  	[tilespmem:s4+$0xC010] =	vst.msk vm14, v14  }
0x15e: {  	v14 =	vld [tilespmem:s1+$0x30];
	(v2sf) =	vpush v15, $0x0;
	_ =	sdelay $0x4  }
0x15f: {  	vm15 =	vle.f32 v14, v16  }
0x160: {  	v15 =	vmpcnt.ones.xlane vm15;
	_ =	sdelay $0x1  }
0x161: {  	(v2sf) =	vpush v15, $0x0;
	_ =	sdelay $0x6  }
0x162: {  	s28 =	spop (v2sf)  }
0x163: {  	s29 =	simm.s32 $0x70;
	v15 =	vmin.f32 v32, v31;
	s5 =	sadd.s32 s4, s28  }
0x164: {  	v15 =	vmin.f32 v15, v35;
	[tilespmem:s5+$0xB000] =	vst.msk vm15, v14;
	v14 =	vor.u32 s29, v0  }
0x165: {  	s1 =	simm.s32 $0x70C0;
	v15 =	vmin.f32 v15, v37;
	[tilespmem:s5+$0xC010] =	vst.msk vm15, v14  }
0x166: {  	v15 =	vmin.f32 v15, v17;
	v17 =	vld [tilespmem:s1+$0xFFFFFFC0]  }
0x167: {  	v18 =	vmin.f32 v30, v29  }
0x168: {  	v63 =	vmin.f32 v39, v34;
	v18 =	vmin.f32 v18, v33  }
0x169: {  	v20 =	vmin.f32 v63, v38;
	v18 =	vmin.f32 v18, v36  }
0x16a: {  	v10 =	vmin.f32 v18, v10;
	s4 =	simm.s32 $0x8;
	v14 =	vmin.f32 v20, v19;
	s6 =	spop (v2sf)  }
.LBB2_5:
0x16b: {  	s4 =	sadd.s32 $0x8, s4;
	vm0 =	vle.f32 v17, v16;
	s5 =	sadd.s32 s5, s6;
	s0 =	sadd.s32 $0x80, s0  }
0x16c: {  	p0 =	slt.u32 s4, $0xF8;
	[tilespmem:s5+$0xB000] =	vst.msk vm0, v17;
	v17 =	vor.u32 s0, v0;
	v18 =	vmpcnt.ones.xlane vm0  }
0x16d: {  	[tilespmem:s5+$0xC010] =	vst.msk vm0, v17  }
0x16e: {  	v17 =	vld [tilespmem:s1+$0xFFFFFFD0];
	(v2sf) =	vpush v18, $0x0;
	_ =	sdelay $0x4  }
0x16f: {  	vm0 =	vle.f32 v17, v16  }
0x170: {  	v18 =	vmpcnt.ones.xlane vm0;
	_ =	sdelay $0x1  }
0x171: {  	(v2sf) =	vpush v18, $0x0;
	_ =	sdelay $0x6  }
0x172: {  	s6 =	spop (v2sf)  }
0x173: {  	s5 =	sadd.s32 s5, s6;
	s6 =	sadd.s32 $0x10, s0  }
0x174: {  	[tilespmem:s5+$0xB000] =	vst.msk vm0, v17;
	v17 =	vor.u32 s6, v0  }
0x175: {  	[tilespmem:s5+$0xC010] =	vst.msk vm0, v17  }
0x176: {  	v17 =	vld [tilespmem:s1+$0xFFFFFFE0];
	_ =	sdelay $0x3  }
0x177: {  	s6 =	spop (v2sf)  }
0x178: {  	s5 =	sadd.s32 s5, s6;
	s6 =	sadd.s32 $0x20, s0;
	vm0 =	vle.f32 v17, v16  }
0x179: {  	[tilespmem:s5+$0xB000] =	vst.msk vm0, v17;
	v17 =	vor.u32 s6, v0;
	v18 =	vmpcnt.ones.xlane vm0  }
0x17a: {  	[tilespmem:s5+$0xC010] =	vst.msk vm0, v17  }
0x17b: {  	v17 =	vld [tilespmem:s1+$0xFFFFFFF0];
	(v2sf) =	vpush v18, $0x0;
	_ =	sdelay $0x4  }
0x17c: {  	vm0 =	vle.f32 v17, v16  }
0x17d: {  	v18 =	vmpcnt.ones.xlane vm0;
	_ =	sdelay $0x1  }
0x17e: {  	(v2sf) =	vpush v18, $0x0;
	_ =	sdelay $0x6  }
0x17f: {  	s6 =	spop (v2sf)  }
0x180: {  	s5 =	sadd.s32 s5, s6;
	s6 =	sadd.s32 $0x30, s0  }
0x181: {  	[tilespmem:s5+$0xB000] =	vst.msk vm0, v17;
	v17 =	vor.u32 s6, v0  }
0x182: {  	[tilespmem:s5+$0xC010] =	vst.msk vm0, v17  }
0x183: {  	v17 =	vld [tilespmem:s1+$0x0];
	_ =	sdelay $0x3  }
0x184: {  	s6 =	spop (v2sf)  }
0x185: {  	s5 =	sadd.s32 s5, s6;
	s6 =	sadd.s32 $0x40, s0;
	vm0 =	vle.f32 v17, v16  }
0x186: {  	[tilespmem:s5+$0xB000] =	vst.msk vm0, v17;
	v17 =	vor.u32 s6, v0;
	v18 =	vmpcnt.ones.xlane vm0  }
0x187: {  	[tilespmem:s5+$0xC010] =	vst.msk vm0, v17  }
0x188: {  	v17 =	vld [tilespmem:s1+$0x10];
	(v2sf) =	vpush v18, $0x0;
	_ =	sdelay $0x4  }
0x189: {  	vm0 =	vle.f32 v17, v16  }
0x18a: {  	v18 =	vmpcnt.ones.xlane vm0;
	_ =	sdelay $0x1  }
0x18b: {  	(v2sf) =	vpush v18, $0x0;
	_ =	sdelay $0x6  }
0x18c: {  	s6 =	spop (v2sf)  }
0x18d: {  	s5 =	sadd.s32 s5, s6;
	s6 =	sadd.s32 $0x50, s0  }
0x18e: {  	[tilespmem:s5+$0xB000] =	vst.msk vm0, v17;
	v17 =	vor.u32 s6, v0  }
0x18f: {  	[tilespmem:s5+$0xC010] =	vst.msk vm0, v17  }
0x190: {  	v17 =	vld [tilespmem:s1+$0x20];
	_ =	sdelay $0x3  }
0x191: {  	s6 =	spop (v2sf)  }
0x192: {  	s5 =	sadd.s32 s5, s6;
	s6 =	sadd.s32 $0x60, s0;
	vm0 =	vle.f32 v17, v16  }
0x193: {  	[tilespmem:s5+$0xB000] =	vst.msk vm0, v17;
	v17 =	vor.u32 s6, v0;
	v18 =	vmpcnt.ones.xlane vm0  }
0x194: {  	[tilespmem:s5+$0xC010] =	vst.msk vm0, v17  }
0x195: {  	v17 =	vld [tilespmem:s1+$0x30];
	(v2sf) =	vpush v18, $0x0;
	_ =	sdelay $0x4  }
0x196: {  	vm0 =	vle.f32 v17, v16  }
0x197: {  	v18 =	vmpcnt.ones.xlane vm0;
	_ =	sdelay $0x1  }
0x198: {  	(v2sf) =	vpush v18, $0x0;
	_ =	sdelay $0x6  }
0x199: {  	s6 =	spop (v2sf)  }
0x19a: {  	s5 =	sadd.s32 s5, s6;
	s6 =	sadd.s32 $0x70, s0  }
0x19b: {  	[tilespmem:s5+$0xB000] =	vst.msk vm0, v17;
	v17 =	vor.u32 s6, v0  }
0x19c: {  	s1 =	sadd.s32 $0x80, s1;
	[tilespmem:s5+$0xC010] =	vst.msk vm0, v17  }
.Ltmp5:
0x19d: {  	v17 =	vld [tilespmem:s1+$0xFFFFFFC0];
	(pc) =	sbr.rel @p0 .LBB2_5-.Ltmp5, $2  }
0x19e: {  	_ =	sdelay $0x2  }
0x19f: {  	s6 =	spop (v2sf)  }
0x1a0: {  	vm0 =	vle.f32 v17, v16;
	s4 =	sadd.s32 s5, s6;
	s0 =	sadd.s32 $0x80, s0  }
0x1a1: {  	[tilespmem:s4+$0xB000] =	vst.msk vm0, v17;
	v17 =	vor.u32 s0, v0;
	v18 =	vmpcnt.ones.xlane vm0  }
0x1a2: {  	[tilespmem:s4+$0xC010] =	vst.msk vm0, v17  }
0x1a3: {  	v17 =	vld [tilespmem:s1+$0xFFFFFFD0];
	(v2sf) =	vpush v18, $0x0;
	_ =	sdelay $0x4  }
0x1a4: {  	vm9 =	vle.f32 v17, v16  }
0x1a5: {  	v18 =	vmpcnt.ones.xlane vm9;
	_ =	sdelay $0x1  }
0x1a6: {  	(v2sf) =	vpush v18, $0x0;
	_ =	sdelay $0x6  }
0x1a7: {  	s6 =	spop (v2sf)  }
0x1a8: {  	s7 =	sadd.s32 $0x10, s0;
	s4 =	sadd.s32 s4, s6  }
0x1a9: {  	[tilespmem:s4+$0xB000] =	vst.msk vm9, v17;
	v17 =	vor.u32 s7, v0  }
0x1aa: {  	[tilespmem:s4+$0xC010] =	vst.msk vm9, v17  }
0x1ab: {  	v17 =	vld [tilespmem:s1+$0xFFFFFFE0];
	_ =	sdelay $0x3  }
0x1ac: {  	s8 =	spop (v2sf)  }
0x1ad: {  	s9 =	sadd.s32 $0x20, s0;
	s4 =	sadd.s32 s4, s8;
	vm10 =	vle.f32 v17, v16  }
0x1ae: {  	[tilespmem:s4+$0xB000] =	vst.msk vm10, v17;
	v17 =	vor.u32 s9, v0;
	v18 =	vmpcnt.ones.xlane vm10  }
0x1af: {  	[tilespmem:s4+$0xC010] =	vst.msk vm10, v17  }
0x1b0: {  	v17 =	vld [tilespmem:s1+$0xFFFFFFF0];
	(v2sf) =	vpush v18, $0x0;
	_ =	sdelay $0x4  }
0x1b1: {  	vm11 =	vle.f32 v17, v16  }
0x1b2: {  	v18 =	vmpcnt.ones.xlane vm11;
	_ =	sdelay $0x1  }
0x1b3: {  	(v2sf) =	vpush v18, $0x0;
	_ =	sdelay $0x6  }
0x1b4: {  	s10 =	spop (v2sf)  }
0x1b5: {  	s12 =	sadd.s32 $0x30, s0;
	s4 =	sadd.s32 s4, s10  }
0x1b6: {  	[tilespmem:s4+$0xB000] =	vst.msk vm11, v17;
	v17 =	vor.u32 s12, v0  }
0x1b7: {  	[tilespmem:s4+$0xC010] =	vst.msk vm11, v17  }
0x1b8: {  	v17 =	vld [tilespmem:s1+$0x0];
	_ =	sdelay $0x3  }
0x1b9: {  	s13 =	spop (v2sf)  }
0x1ba: {  	s28 =	sadd.s32 $0x40, s0;
	s4 =	sadd.s32 s4, s13;
	vm12 =	vle.f32 v17, v16  }
0x1bb: {  	[tilespmem:s4+$0xB000] =	vst.msk vm12, v17;
	v17 =	vor.u32 s28, v0;
	v18 =	vmpcnt.ones.xlane vm12  }
0x1bc: {  	[tilespmem:s4+$0xC010] =	vst.msk vm12, v17  }
0x1bd: {  	v17 =	vld [tilespmem:s1+$0x10];
	(v2sf) =	vpush v18, $0x0;
	_ =	sdelay $0x4  }
0x1be: {  	vm13 =	vle.f32 v17, v16  }
0x1bf: {  	v18 =	vmpcnt.ones.xlane vm13;
	_ =	sdelay $0x1  }
0x1c0: {  	(v2sf) =	vpush v18, $0x0;
	_ =	sdelay $0x6  }
0x1c1: {  	s29 =	spop (v2sf)  }
0x1c2: {  	s6 =	sadd.s32 $0x50, s0;
	s4 =	sadd.s32 s4, s29  }
0x1c3: {  	[tilespmem:s4+$0xB000] =	vst.msk vm13, v17;
	v17 =	vor.u32 s6, v0  }
0x1c4: {  	[tilespmem:s4+$0xC010] =	vst.msk vm13, v17  }
0x1c5: {  	v17 =	vld [tilespmem:s1+$0x20];
	_ =	sdelay $0x3  }
0x1c6: {  	s7 =	spop (v2sf)  }
0x1c7: {  	s8 =	sadd.s32 $0x60, s0;
	s4 =	sadd.s32 s4, s7;
	vm14 =	vle.f32 v17, v16  }
0x1c8: {  	[tilespmem:s4+$0xB000] =	vst.msk vm14, v17;
	v17 =	vor.u32 s8, v0  }
0x1c9: {  	[tilespmem:s4+$0xC010] =	vst.msk vm14, v17  }
0x1ca: {  	v17 =	vld [tilespmem:s1+$0x30];
	_ =	sdelay $0x4  }
0x1cb: {  	v18 =	vmpcnt.ones.xlane vm14;
	vm15 =	vle.f32 v17, v16  }
0x1cc: {  	v16 =	vmpcnt.ones.xlane vm15  }
0x1cd: {  	(v2sf) =	vpush v18, $0x0  }
0x1ce: {  	(v2sf) =	vpush v16, $0x0;
	_ =	sdelay $0xd  }
0x1cf: {  	s9 =	spop (v2sf)  }
0x1d0: {  	s1 =	sadd.s32 s4, s9;
	s10 =	spop (v2sf)  }
0x1d1: {  	s4 =	sadd.s32 s1, s10  }
0x1d2: {  	s12 =	sadd.s32 $0xF, s4  }
0x1d3: {  	s13 =	sand.u32 $0xF, s12  }
0x1d4: {  	s28 =	sshra.s32 s12, $0x1F;
	p1 =	slt.s32 s12, $0x1;
	p0 =	sne.s32 s13, $0x0  }
0x1d5: {  	s6 =	sshrl.u32 s28, $0x1C;
	p0 =	por !p1, !p0  }
0x1d6: {  	s5 =	sadd.s32 s6, s12;
	s6 =	simm.s32 $0x1;
	p0 =	por !p0, !p0  }
0x1d7: {  	s0 =	sadd.s32 $0x70, s0;
	s29 =	sshra.s32 s5, $0x4;
	s6 =	simm.s32 @!p0 $0x0  }
0x1d8: {  	v16 =	vor.u32 s0, v0;
	s0 =	ssub.s32 s29, s6  }
0x1d9: {  	p0 =	slt.s32 s0, $0x1  }
.Ltmp6:
0x1da: {  	_ = 	snop;
	(pc) =	sbr.rel @p0 .LBB2_14-.Ltmp6, $4  }
0x1db: {  	[tilespmem:s1+$0xB000] =	vst.msk vm15, v17  }
0x1dc: {  	v17 =	vimm.f32 $+Inf;
	[tilespmem:s1+$0xC010] =	vst.msk vm15, v16  }
0x1dd: {  	v16 =	vimm.s32 $0x0;
	[tilespmem:s4+$0xB000] =	vst v17  }
0x1de: {  	[tilespmem:s4+$0xC010] =	vst v16  }
0x1df: {  	p2 =	sne.s32 s0, $0x1  }
.Ltmp7:
0x1e0: {  	_ = 	snop;
	(pc) =	sbr.rel @!p2 .LBB2_8-.Ltmp7, $4  }
0x1e1: {  	_ = 	snop  }
0x1e2: {  	s1 =	simm.s32 $0xB000  }
0x1e3: {  	s4 =	simm.s32 $0xC010;
	v18 =	vld [tilespmem:s1+$0x0]  }
0x1e4: {  	s0 =	sadd.s32 $0xFFFFFFFF, s0;
	p0 =	por $0x0, $0x0;
	p1 =	por $0x0, $0x0;
	v19 =	vld [tilespmem:s4+$0x0]  }
0x1e5: {  	p2 =	sne.s32 s0, $0x1  }
.Ltmp8:
0x1e6: {  	_ = 	snop;
	(pc) =	sbr.rel @!p2 .LBB2_10-.Ltmp8, $4  }
0x1e7: {  	_ = 	snop  }
0x1e8: {  	s1 =	simm.s32 $0xB010  }
0x1e9: {  	s29 =	simm.s32 $0xC020;
	(xrf1) =	vsort.dscd.msk.f32 $0xffff, v18, v19;
	v18 =	vld [tilespmem:s1+$0x0]  }
0x1ea: {  	s4 =	sadd.s32 $0xFFFFFFFF, s0;
	p0 =	por $0x1, $0x1;
	v19 =	vld [tilespmem:s29+$0x0]  }
0x1eb: {  	_ =	sdelay $0xb  }
0x1ec: {  	v20, v21, _ =	vpop (xrf1)  }
0x1ed: {  	vm0 =	vlt.f32 v20, v17  }
0x1ee: {  	(xrf1) =	vsort.dscd.msk.f32 $0xffff, v18, v19;
	v19 =	vsel vm0, v20, v17;
	v20 =	vsel vm0, v21, v16  }
0x1ef: {  	(xrf1) =	vsort.ascd.msk.f32 $0xffff, v19, v20;
	_ =	sdelay $0x6  }
0x1f0: {  	p2 =	sne.s32 s4, $0x1  }
.Ltmp9:
0x1f1: {  	_ = 	snop;
	(pc) =	sbr.rel @!p2 .LBB2_13-.Ltmp9, $4  }
0x1f2: {  	s0 =	simm.s32 $0xB020  }
0x1f3: {  	s1 =	simm.s32 $0xC030;
	v18 =	vld [tilespmem:s0+$0x0]  }
0x1f4: {  	v19 =	vld [tilespmem:s1+$0x0]  }
0x1f5: {  	s4 =	sadd.s32 $0xFFFFFFFF, s4;
	p1 =	por $0x1, $0x1  }
.LBB2_12:
0x1f6: {  	p2 =	sne.s32 s4, $0x1;
	v20, v21, _ =	vpop (xrf1)  }
0x1f7: {  	v22, v23, _ =	vpop (xrf1)  }
0x1f8: {  	vm0 =	vlt.f32 v20, v22  }
0x1f9: {  	(xrf1) =	vsort.dscd.msk.f32 $0xffff, v18, v19;
	v18 =	vsel vm0, v20, v22;
	v19 =	vsel vm0, v21, v23  }
0x1fa: {  	(xrf1) =	vsort.ascd.msk.f32 $0xffff, v18, v19;
	_ =	sdelay $0x7  }
.Ltmp10:
0x1fb: {  	(pc) =	sbr.rel @p2 .LBB2_12-.Ltmp10, $4  }
0x1fc: {  	s0 =	sadd.s32 $0x10, s0  }
0x1fd: {  	s1 =	sadd.s32 $0x10, s1;
	v18 =	vld [tilespmem:s0+$0x0]  }
0x1fe: {  	v19 =	vld [tilespmem:s1+$0x0]  }
0x1ff: {  	s4 =	sadd.s32 $0xFFFFFFFF, s4  }
.LBB2_13:
0x200: {  	v20, v21, _ =	vpop @p0 (xrf1)  }
0x201: {  	v22, v23, _ =	vpop @p1 (xrf1)  }
0x202: {  	v22 =	vpsel p1, v22, v17  }
0x203: {  	v23 =	vpsel p1, v23, v16;
	vm0 =	vlt.f32 @p0 v20, v22  }
0x204: {  	(xrf1) =	vsort.dscd.msk.f32 $0xffff, v18, v19;
	v18 =	vsel @p0 vm0, v20, v22;
	v19 =	vsel @p0 vm0, v21, v23  }
0x205: {  	(xrf1) =	vsort.ascd.msk.f32 @p0 $0xffff, v18, v19;
	_ =	sdelay $0xc  }
0x206: {  	v18, v19, _ =	vpop (xrf1)  }
0x207: {  	v20, v21, _ =	vpop @p0 (xrf1)  }
0x208: {  	v17 =	vpsel p0, v20, v17  }
0x209: {  	v16 =	vpsel p0, v21, v16;
	vm15 =	vlt.f32 v18, v17  }
0x20a: {  	v17 =	vsel vm15, v18, v17;
	v16 =	vsel vm15, v19, v16  }
0x20b: {  	(xrf1) =	vsort.ascd.msk.f32 $0xffff, v17, v16;
	_ =	sdelay $0xd  }
0x20c: {  	v17, v16, _ =	vpop (xrf1)  }
.LBB2_14:
0x20d: {  	_ =	sdelay $0x3  }
0x20e: {  	s1 =	simm.s32 $0x0;
	v18 =	vld.idx.msk [tilespmem:v16+s21+$0x0], $0xffff  }
0x20f: {  	v17 =	vld.idx.msk [tilespmem:v16+s1+$0x0], $0xffff;
	_ =	sdelay $0x1  }
0x210: {  	v19 =	vld.idx.msk [tilespmem:v16+s22+$0x0], $0xffff;
	_ =	sdelay $0x2  }
0x211: {  	s0 =	sshll.u32 s31, $0x6;
	v21 =	vsub.f32 v12, v18;
	v20 =	vsub.f32 v11, v17  }
0x212: {  	[tilespmem:s0+$0xD020] =	vst v11  }
0x213: {  	[tilespmem:s0+$0xF020] =	vst v12;
	v22 =	vsub.f32 v13, v19;
	v21 =	vmul.f32 v21, v21;
	v20 =	vmul.f32 v20, v20  }
0x214: {  	[tilespmem:s0+$0x11020] =	vst v13  }
0x215: {  	[tilespmem:s0+$0x1B020] =	vst v16;
	v12 =	vmul.f32 v22, v22;
	v11 =	vadd.f32 v21, v20  }
0x216: {  	(xrf0) =	vmax.scan.msk.f32 $0xffff, v15;
	[tilespmem:s0+$0x15020] =	vst v18  }
0x217: {  	[tilespmem:s0+$0x17020] =	vst v19;
	v11 =	vadd.f32 v12, v11  }
0x218: {  	[tilespmem:s0+$0x13020] =	vst v17  }
0x219: {  	s4 =	simm.s32 $0x8040;
	[tilespmem:s0+$0x19020] =	vst v11  }
0x21a: {  	v12 =	vld [tilespmem:s4+$0xFFFFFFC0];
	_ =	sdelay $0x1  }
0x21b: {  	v11, _, _ =	vpop (xrf0)  }
0x21c: {  	v11 =	vbroadcast v11, $0xF;
	_ =	sdelay $0x1  }
0x21d: {  	vm0 =	vle.f32 v12, v11  }
0x21e: {  	[tilespmem:s1+$0xB000] =	vst.msk vm0, v12;
	v12 =	vor.u32 s1, v0;
	v13 =	vmpcnt.ones.xlane vm0  }
0x21f: {  	[tilespmem:s1+$0xC010] =	vst.msk vm0, v12  }
0x220: {  	v12 =	vld [tilespmem:s4+$0xFFFFFFD0];
	(v2sf) =	vpush v13, $0x0;
	_ =	sdelay $0x4  }
0x221: {  	vm9 =	vle.f32 v12, v11  }
0x222: {  	v13 =	vmpcnt.ones.xlane vm9;
	_ =	sdelay $0x1  }
0x223: {  	(v2sf) =	vpush v13, $0x0;
	_ =	sdelay $0x6  }
0x224: {  	s5 =	spop (v2sf)  }
0x225: {  	s6 =	simm.s32 $0x10;
	s5 =	sadd.s32 $0x0, s5  }
0x226: {  	[tilespmem:s5+$0xB000] =	vst.msk vm9, v12;
	v12 =	vor.u32 s6, v0  }
0x227: {  	[tilespmem:s5+$0xC010] =	vst.msk vm9, v12  }
0x228: {  	v12 =	vld [tilespmem:s4+$0xFFFFFFE0];
	_ =	sdelay $0x3  }
0x229: {  	s12 =	spop (v2sf)  }
0x22a: {  	s13 =	simm.s32 $0x20;
	s5 =	sadd.s32 s5, s12;
	vm10 =	vle.f32 v12, v11  }
0x22b: {  	[tilespmem:s5+$0xB000] =	vst.msk vm10, v12;
	v12 =	vor.u32 s13, v0;
	v13 =	vmpcnt.ones.xlane vm10  }
0x22c: {  	[tilespmem:s5+$0xC010] =	vst.msk vm10, v12  }
0x22d: {  	v12 =	vld [tilespmem:s4+$0xFFFFFFF0];
	(v2sf) =	vpush v13, $0x0;
	_ =	sdelay $0x4  }
0x22e: {  	vm11 =	vle.f32 v12, v11  }
0x22f: {  	v13 =	vmpcnt.ones.xlane vm11;
	_ =	sdelay $0x1  }
0x230: {  	(v2sf) =	vpush v13, $0x0;
	_ =	sdelay $0x6  }
0x231: {  	s28 =	spop (v2sf)  }
0x232: {  	s29 =	simm.s32 $0x30;
	s5 =	sadd.s32 s5, s28  }
0x233: {  	[tilespmem:s5+$0xB000] =	vst.msk vm11, v12;
	v12 =	vor.u32 s29, v0  }
0x234: {  	[tilespmem:s5+$0xC010] =	vst.msk vm11, v12  }
0x235: {  	v12 =	vld [tilespmem:s4+$0x0];
	_ =	sdelay $0x3  }
0x236: {  	s7 =	spop (v2sf)  }
0x237: {  	s8 =	simm.s32 $0x40;
	s5 =	sadd.s32 s5, s7;
	vm12 =	vle.f32 v12, v11  }
0x238: {  	[tilespmem:s5+$0xB000] =	vst.msk vm12, v12;
	v12 =	vor.u32 s8, v0;
	v13 =	vmpcnt.ones.xlane vm12  }
0x239: {  	[tilespmem:s5+$0xC010] =	vst.msk vm12, v12  }
0x23a: {  	v12 =	vld [tilespmem:s4+$0x10];
	(v2sf) =	vpush v13, $0x0;
	_ =	sdelay $0x4  }
0x23b: {  	vm13 =	vle.f32 v12, v11  }
0x23c: {  	v13 =	vmpcnt.ones.xlane vm13;
	_ =	sdelay $0x1  }
0x23d: {  	(v2sf) =	vpush v13, $0x0;
	_ =	sdelay $0x6  }
0x23e: {  	s9 =	spop (v2sf)  }
0x23f: {  	s10 =	simm.s32 $0x50;
	s5 =	sadd.s32 s5, s9  }
0x240: {  	[tilespmem:s5+$0xB000] =	vst.msk vm13, v12;
	v12 =	vor.u32 s10, v0  }
0x241: {  	[tilespmem:s5+$0xC010] =	vst.msk vm13, v12  }
0x242: {  	v12 =	vld [tilespmem:s4+$0x20];
	_ =	sdelay $0x3  }
0x243: {  	s12 =	spop (v2sf)  }
0x244: {  	s13 =	simm.s32 $0x60;
	s5 =	sadd.s32 s5, s12;
	vm14 =	vle.f32 v12, v11  }
0x245: {  	[tilespmem:s5+$0xB000] =	vst.msk vm14, v12;
	v12 =	vor.u32 s13, v0;
	v13 =	vmpcnt.ones.xlane vm14  }
0x246: {  	[tilespmem:s5+$0xC010] =	vst.msk vm14, v12  }
0x247: {  	v12 =	vld [tilespmem:s4+$0x30];
	(v2sf) =	vpush v13, $0x0;
	_ =	sdelay $0x4  }
0x248: {  	vm15 =	vle.f32 v12, v11  }
0x249: {  	v13 =	vmpcnt.ones.xlane vm15;
	_ =	sdelay $0x1  }
0x24a: {  	(v2sf) =	vpush v13, $0x0;
	_ =	sdelay $0x6  }
0x24b: {  	s28 =	spop (v2sf)  }
0x24c: {  	s29 =	simm.s32 $0x70;
	s6 =	sadd.s32 s5, s28  }
0x24d: {  	[tilespmem:s6+$0xB000] =	vst.msk vm15, v12;
	v12 =	vor.u32 s29, v0  }
0x24e: {  	s4 =	simm.s32 $0x80C0;
	[tilespmem:s6+$0xC010] =	vst.msk vm15, v12  }
0x24f: {  	v12 =	vld [tilespmem:s4+$0xFFFFFFC0];
	_ =	sdelay $0x3  }
0x250: {  	s5 =	simm.s32 $0x8;
	s7 =	spop (v2sf)  }
.LBB2_15:
0x251: {  	s5 =	sadd.s32 $0x8, s5;
	vm0 =	vle.f32 v12, v11;
	s6 =	sadd.s32 s6, s7;
	s1 =	sadd.s32 $0x80, s1  }
0x252: {  	p0 =	slt.u32 s5, $0xF8;
	[tilespmem:s6+$0xB000] =	vst.msk vm0, v12;
	v12 =	vor.u32 s1, v0;
	v13 =	vmpcnt.ones.xlane vm0  }
0x253: {  	[tilespmem:s6+$0xC010] =	vst.msk vm0, v12  }
0x254: {  	v12 =	vld [tilespmem:s4+$0xFFFFFFD0];
	(v2sf) =	vpush v13, $0x0;
	_ =	sdelay $0x4  }
0x255: {  	vm0 =	vle.f32 v12, v11  }
0x256: {  	v13 =	vmpcnt.ones.xlane vm0;
	_ =	sdelay $0x1  }
0x257: {  	(v2sf) =	vpush v13, $0x0;
	_ =	sdelay $0x6  }
0x258: {  	s7 =	spop (v2sf)  }
0x259: {  	s6 =	sadd.s32 s6, s7;
	s7 =	sadd.s32 $0x10, s1  }
0x25a: {  	[tilespmem:s6+$0xB000] =	vst.msk vm0, v12;
	v12 =	vor.u32 s7, v0  }
0x25b: {  	[tilespmem:s6+$0xC010] =	vst.msk vm0, v12  }
0x25c: {  	v12 =	vld [tilespmem:s4+$0xFFFFFFE0];
	_ =	sdelay $0x3  }
0x25d: {  	s7 =	spop (v2sf)  }
0x25e: {  	s6 =	sadd.s32 s6, s7;
	s7 =	sadd.s32 $0x20, s1;
	vm0 =	vle.f32 v12, v11  }
0x25f: {  	[tilespmem:s6+$0xB000] =	vst.msk vm0, v12;
	v12 =	vor.u32 s7, v0;
	v13 =	vmpcnt.ones.xlane vm0  }
0x260: {  	[tilespmem:s6+$0xC010] =	vst.msk vm0, v12  }
0x261: {  	v12 =	vld [tilespmem:s4+$0xFFFFFFF0];
	(v2sf) =	vpush v13, $0x0;
	_ =	sdelay $0x4  }
0x262: {  	vm0 =	vle.f32 v12, v11  }
0x263: {  	v13 =	vmpcnt.ones.xlane vm0;
	_ =	sdelay $0x1  }
0x264: {  	(v2sf) =	vpush v13, $0x0;
	_ =	sdelay $0x6  }
0x265: {  	s7 =	spop (v2sf)  }
0x266: {  	s6 =	sadd.s32 s6, s7;
	s7 =	sadd.s32 $0x30, s1  }
0x267: {  	[tilespmem:s6+$0xB000] =	vst.msk vm0, v12;
	v12 =	vor.u32 s7, v0  }
0x268: {  	[tilespmem:s6+$0xC010] =	vst.msk vm0, v12  }
0x269: {  	v12 =	vld [tilespmem:s4+$0x0];
	_ =	sdelay $0x3  }
0x26a: {  	s7 =	spop (v2sf)  }
0x26b: {  	s6 =	sadd.s32 s6, s7;
	s7 =	sadd.s32 $0x40, s1;
	vm0 =	vle.f32 v12, v11  }
0x26c: {  	[tilespmem:s6+$0xB000] =	vst.msk vm0, v12;
	v12 =	vor.u32 s7, v0;
	v13 =	vmpcnt.ones.xlane vm0  }
0x26d: {  	[tilespmem:s6+$0xC010] =	vst.msk vm0, v12  }
0x26e: {  	v12 =	vld [tilespmem:s4+$0x10];
	(v2sf) =	vpush v13, $0x0;
	_ =	sdelay $0x4  }
0x26f: {  	vm0 =	vle.f32 v12, v11  }
0x270: {  	v13 =	vmpcnt.ones.xlane vm0;
	_ =	sdelay $0x1  }
0x271: {  	(v2sf) =	vpush v13, $0x0;
	_ =	sdelay $0x6  }
0x272: {  	s7 =	spop (v2sf)  }
0x273: {  	s6 =	sadd.s32 s6, s7;
	s7 =	sadd.s32 $0x50, s1  }
0x274: {  	[tilespmem:s6+$0xB000] =	vst.msk vm0, v12;
	v12 =	vor.u32 s7, v0  }
0x275: {  	[tilespmem:s6+$0xC010] =	vst.msk vm0, v12  }
0x276: {  	v12 =	vld [tilespmem:s4+$0x20];
	_ =	sdelay $0x3  }
0x277: {  	s7 =	spop (v2sf)  }
0x278: {  	s6 =	sadd.s32 s6, s7;
	s7 =	sadd.s32 $0x60, s1;
	vm0 =	vle.f32 v12, v11  }
0x279: {  	[tilespmem:s6+$0xB000] =	vst.msk vm0, v12;
	v12 =	vor.u32 s7, v0;
	v13 =	vmpcnt.ones.xlane vm0  }
0x27a: {  	[tilespmem:s6+$0xC010] =	vst.msk vm0, v12  }
0x27b: {  	v12 =	vld [tilespmem:s4+$0x30];
	(v2sf) =	vpush v13, $0x0;
	_ =	sdelay $0x4  }
0x27c: {  	vm0 =	vle.f32 v12, v11  }
0x27d: {  	v13 =	vmpcnt.ones.xlane vm0;
	_ =	sdelay $0x1  }
0x27e: {  	(v2sf) =	vpush v13, $0x0;
	_ =	sdelay $0x6  }
0x27f: {  	s7 =	spop (v2sf)  }
0x280: {  	s6 =	sadd.s32 s6, s7;
	s7 =	sadd.s32 $0x70, s1  }
0x281: {  	[tilespmem:s6+$0xB000] =	vst.msk vm0, v12;
	v12 =	vor.u32 s7, v0  }
0x282: {  	s4 =	sadd.s32 $0x80, s4;
	[tilespmem:s6+$0xC010] =	vst.msk vm0, v12  }
.Ltmp11:
0x283: {  	v12 =	vld [tilespmem:s4+$0xFFFFFFC0];
	(pc) =	sbr.rel @p0 .LBB2_15-.Ltmp11, $2  }
0x284: {  	_ =	sdelay $0x2  }
0x285: {  	s7 =	spop (v2sf)  }
0x286: {  	vm0 =	vle.f32 v12, v11;
	s5 =	sadd.s32 s6, s7;
	s1 =	sadd.s32 $0x80, s1  }
0x287: {  	[tilespmem:s5+$0xB000] =	vst.msk vm0, v12;
	v12 =	vor.u32 s1, v0;
	v13 =	vmpcnt.ones.xlane vm0  }
0x288: {  	[tilespmem:s5+$0xC010] =	vst.msk vm0, v12  }
0x289: {  	v12 =	vld [tilespmem:s4+$0xFFFFFFD0];
	(v2sf) =	vpush v13, $0x0;
	_ =	sdelay $0x4  }
0x28a: {  	vm9 =	vle.f32 v12, v11  }
0x28b: {  	v13 =	vmpcnt.ones.xlane vm9;
	_ =	sdelay $0x1  }
0x28c: {  	(v2sf) =	vpush v13, $0x0;
	_ =	sdelay $0x6  }
0x28d: {  	s28 =	spop (v2sf)  }
0x28e: {  	s29 =	sadd.s32 $0x10, s1;
	s5 =	sadd.s32 s5, s28  }
0x28f: {  	[tilespmem:s5+$0xB000] =	vst.msk vm9, v12;
	v12 =	vor.u32 s29, v0  }
0x290: {  	[tilespmem:s5+$0xC010] =	vst.msk vm9, v12  }
0x291: {  	v12 =	vld [tilespmem:s4+$0xFFFFFFE0];
	_ =	sdelay $0x3  }
0x292: {  	s7 =	spop (v2sf)  }
0x293: {  	s8 =	sadd.s32 $0x20, s1;
	s5 =	sadd.s32 s5, s7;
	vm10 =	vle.f32 v12, v11  }
0x294: {  	[tilespmem:s5+$0xB000] =	vst.msk vm10, v12;
	v12 =	vor.u32 s8, v0;
	v13 =	vmpcnt.ones.xlane vm10  }
0x295: {  	[tilespmem:s5+$0xC010] =	vst.msk vm10, v12  }
0x296: {  	v12 =	vld [tilespmem:s4+$0xFFFFFFF0];
	(v2sf) =	vpush v13, $0x0;
	_ =	sdelay $0x4  }
0x297: {  	vm11 =	vle.f32 v12, v11  }
0x298: {  	v13 =	vmpcnt.ones.xlane vm11;
	_ =	sdelay $0x1  }
0x299: {  	(v2sf) =	vpush v13, $0x0;
	_ =	sdelay $0x6  }
0x29a: {  	s9 =	spop (v2sf)  }
0x29b: {  	s10 =	sadd.s32 $0x30, s1;
	s5 =	sadd.s32 s5, s9  }
0x29c: {  	[tilespmem:s5+$0xB000] =	vst.msk vm11, v12;
	v12 =	vor.u32 s10, v0  }
0x29d: {  	[tilespmem:s5+$0xC010] =	vst.msk vm11, v12  }
0x29e: {  	v12 =	vld [tilespmem:s4+$0x0];
	_ =	sdelay $0x3  }
0x29f: {  	s12 =	spop (v2sf)  }
0x2a0: {  	s13 =	sadd.s32 $0x40, s1;
	s5 =	sadd.s32 s5, s12;
	vm12 =	vle.f32 v12, v11  }
0x2a1: {  	[tilespmem:s5+$0xB000] =	vst.msk vm12, v12;
	v12 =	vor.u32 s13, v0;
	v13 =	vmpcnt.ones.xlane vm12  }
0x2a2: {  	[tilespmem:s5+$0xC010] =	vst.msk vm12, v12  }
0x2a3: {  	v12 =	vld [tilespmem:s4+$0x10];
	(v2sf) =	vpush v13, $0x0;
	_ =	sdelay $0x4  }
0x2a4: {  	vm13 =	vle.f32 v12, v11  }
0x2a5: {  	v13 =	vmpcnt.ones.xlane vm13;
	_ =	sdelay $0x1  }
0x2a6: {  	(v2sf) =	vpush v13, $0x0;
	_ =	sdelay $0x6  }
0x2a7: {  	s28 =	spop (v2sf)  }
0x2a8: {  	s29 =	sadd.s32 $0x50, s1;
	s5 =	sadd.s32 s5, s28  }
0x2a9: {  	[tilespmem:s5+$0xB000] =	vst.msk vm13, v12;
	v12 =	vor.u32 s29, v0  }
0x2aa: {  	[tilespmem:s5+$0xC010] =	vst.msk vm13, v12  }
0x2ab: {  	v12 =	vld [tilespmem:s4+$0x20];
	_ =	sdelay $0x3  }
0x2ac: {  	s7 =	spop (v2sf)  }
0x2ad: {  	s8 =	sadd.s32 $0x60, s1;
	s5 =	sadd.s32 s5, s7;
	vm14 =	vle.f32 v12, v11  }
0x2ae: {  	[tilespmem:s5+$0xB000] =	vst.msk vm14, v12;
	v12 =	vor.u32 s8, v0  }
0x2af: {  	[tilespmem:s5+$0xC010] =	vst.msk vm14, v12  }
0x2b0: {  	v12 =	vld [tilespmem:s4+$0x30];
	_ =	sdelay $0x4  }
0x2b1: {  	v13 =	vmpcnt.ones.xlane vm14;
	vm15 =	vle.f32 v12, v11  }
0x2b2: {  	v11 =	vmpcnt.ones.xlane vm15  }
0x2b3: {  	(v2sf) =	vpush v13, $0x0  }
0x2b4: {  	(v2sf) =	vpush v11, $0x0;
	_ =	sdelay $0xd  }
0x2b5: {  	s9 =	spop (v2sf)  }
0x2b6: {  	s4 =	sadd.s32 s5, s9;
	s10 =	spop (v2sf)  }
0x2b7: {  	s5 =	sadd.s32 s4, s10  }
0x2b8: {  	s12 =	sadd.s32 $0xF, s5  }
0x2b9: {  	s13 =	sand.u32 $0xF, s12  }
0x2ba: {  	s28 =	sshra.s32 s12, $0x1F;
	p1 =	slt.s32 s12, $0x1;
	p0 =	sne.s32 s13, $0x0  }
0x2bb: {  	s7 =	sshrl.u32 s28, $0x1C;
	p0 =	por !p1, !p0  }
0x2bc: {  	s6 =	sadd.s32 s7, s12;
	s7 =	simm.s32 $0x1;
	p0 =	por !p0, !p0  }
0x2bd: {  	s1 =	sadd.s32 $0x70, s1;
	s29 =	sshra.s32 s6, $0x4;
	s7 =	simm.s32 @!p0 $0x0  }
0x2be: {  	v11 =	vor.u32 s1, v0;
	s1 =	ssub.s32 s29, s7  }
0x2bf: {  	p0 =	slt.s32 s1, $0x1  }
.Ltmp12:
0x2c0: {  	_ = 	snop;
	(pc) =	sbr.rel @p0 .LBB2_24-.Ltmp12, $4  }
0x2c1: {  	[tilespmem:s4+$0xB000] =	vst.msk vm15, v12  }
0x2c2: {  	v12 =	vimm.f32 $+Inf;
	[tilespmem:s4+$0xC010] =	vst.msk vm15, v11  }
0x2c3: {  	v11 =	vimm.s32 $0x0;
	[tilespmem:s5+$0xB000] =	vst v12  }
0x2c4: {  	[tilespmem:s5+$0xC010] =	vst v11  }
0x2c5: {  	p2 =	sne.s32 s1, $0x1  }
.Ltmp13:
0x2c6: {  	_ = 	snop;
	(pc) =	sbr.rel @!p2 .LBB2_18-.Ltmp13, $4  }
0x2c7: {  	_ = 	snop  }
0x2c8: {  	s4 =	simm.s32 $0xB000  }
0x2c9: {  	s5 =	simm.s32 $0xC010;
	v13 =	vld [tilespmem:s4+$0x0]  }
0x2ca: {  	s1 =	sadd.s32 $0xFFFFFFFF, s1;
	p0 =	por $0x0, $0x0;
	p1 =	por $0x0, $0x0;
	v15 =	vld [tilespmem:s5+$0x0]  }
0x2cb: {  	p2 =	sne.s32 s1, $0x1  }
.Ltmp14:
0x2cc: {  	_ = 	snop;
	(pc) =	sbr.rel @!p2 .LBB2_20-.Ltmp14, $4  }
0x2cd: {  	_ = 	snop  }
0x2ce: {  	s4 =	simm.s32 $0xB010  }
0x2cf: {  	s29 =	simm.s32 $0xC020;
	(xrf1) =	vsort.dscd.msk.f32 $0xffff, v13, v15;
	v13 =	vld [tilespmem:s4+$0x0]  }
0x2d0: {  	s5 =	sadd.s32 $0xFFFFFFFF, s1;
	p0 =	por $0x1, $0x1;
	v15 =	vld [tilespmem:s29+$0x0]  }
0x2d1: {  	_ =	sdelay $0xb  }
0x2d2: {  	v16, v17, _ =	vpop (xrf1)  }
0x2d3: {  	vm0 =	vlt.f32 v16, v12  }
0x2d4: {  	(xrf1) =	vsort.dscd.msk.f32 $0xffff, v13, v15;
	v15 =	vsel vm0, v16, v12;
	v16 =	vsel vm0, v17, v11  }
0x2d5: {  	(xrf1) =	vsort.ascd.msk.f32 $0xffff, v15, v16;
	_ =	sdelay $0x6  }
0x2d6: {  	p2 =	sne.s32 s5, $0x1  }
.Ltmp15:
0x2d7: {  	_ = 	snop;
	(pc) =	sbr.rel @!p2 .LBB2_23-.Ltmp15, $4  }
0x2d8: {  	s1 =	simm.s32 $0xB020  }
0x2d9: {  	s4 =	simm.s32 $0xC030;
	v13 =	vld [tilespmem:s1+$0x0]  }
0x2da: {  	v15 =	vld [tilespmem:s4+$0x0]  }
0x2db: {  	s5 =	sadd.s32 $0xFFFFFFFF, s5;
	p1 =	por $0x1, $0x1  }
.LBB2_22:
0x2dc: {  	p2 =	sne.s32 s5, $0x1;
	v16, v17, _ =	vpop (xrf1)  }
0x2dd: {  	v18, v19, _ =	vpop (xrf1)  }
0x2de: {  	vm0 =	vlt.f32 v16, v18  }
0x2df: {  	(xrf1) =	vsort.dscd.msk.f32 $0xffff, v13, v15;
	v13 =	vsel vm0, v16, v18;
	v15 =	vsel vm0, v17, v19  }
0x2e0: {  	(xrf1) =	vsort.ascd.msk.f32 $0xffff, v13, v15;
	_ =	sdelay $0x7  }
.Ltmp16:
0x2e1: {  	(pc) =	sbr.rel @p2 .LBB2_22-.Ltmp16, $4  }
0x2e2: {  	s1 =	sadd.s32 $0x10, s1  }
0x2e3: {  	s4 =	sadd.s32 $0x10, s4;
	v13 =	vld [tilespmem:s1+$0x0]  }
0x2e4: {  	v15 =	vld [tilespmem:s4+$0x0]  }
0x2e5: {  	s5 =	sadd.s32 $0xFFFFFFFF, s5  }
.LBB2_23:
0x2e6: {  	v16, v17, _ =	vpop @p0 (xrf1)  }
0x2e7: {  	v18, v19, _ =	vpop @p1 (xrf1)  }
0x2e8: {  	v18 =	vpsel p1, v18, v12  }
0x2e9: {  	v19 =	vpsel p1, v19, v11;
	vm0 =	vlt.f32 @p0 v16, v18  }
0x2ea: {  	(xrf1) =	vsort.dscd.msk.f32 $0xffff, v13, v15;
	v13 =	vsel @p0 vm0, v16, v18;
	v15 =	vsel @p0 vm0, v17, v19  }
0x2eb: {  	(xrf1) =	vsort.ascd.msk.f32 @p0 $0xffff, v13, v15;
	_ =	sdelay $0xc  }
0x2ec: {  	v13, v15, _ =	vpop (xrf1)  }
0x2ed: {  	v16, v17, _ =	vpop @p0 (xrf1)  }
0x2ee: {  	v12 =	vpsel p0, v16, v12  }
0x2ef: {  	v11 =	vpsel p0, v17, v11;
	vm15 =	vlt.f32 v13, v12  }
0x2f0: {  	v12 =	vsel vm15, v13, v12;
	v11 =	vsel vm15, v15, v11  }
0x2f1: {  	(xrf1) =	vsort.ascd.msk.f32 $0xffff, v12, v11;
	_ =	sdelay $0xd  }
0x2f2: {  	v12, v11, _ =	vpop (xrf1)  }
.LBB2_24:
0x2f3: {  	_ =	sdelay $0x3  }
0x2f4: {  	s1 =	simm.s32 $0x0;
	v13 =	vld.idx.msk [tilespmem:v11+s21+$0x0], $0xffff  }
0x2f5: {  	v12 =	vld.idx.msk [tilespmem:v11+s1+$0x0], $0xffff;
	_ =	sdelay $0x1  }
0x2f6: {  	v15 =	vld.idx.msk [tilespmem:v11+s22+$0x0], $0xffff;
	_ =	sdelay $0x2  }
0x2f7: {  	v17 =	vsub.f32 v8, v13;
	v16 =	vsub.f32 v7, v12  }
0x2f8: {  	[tilespmem:s0+$0xD030] =	vst v7  }
0x2f9: {  	[tilespmem:s0+$0xF030] =	vst v8;
	v18 =	vsub.f32 v9, v15;
	v17 =	vmul.f32 v17, v17;
	v16 =	vmul.f32 v16, v16  }
0x2fa: {  	[tilespmem:s0+$0x11030] =	vst v9  }
0x2fb: {  	[tilespmem:s0+$0x1B030] =	vst v11;
	v8 =	vmul.f32 v18, v18;
	v7 =	vadd.f32 v17, v16  }
0x2fc: {  	(xrf0) =	vmax.scan.msk.f32 $0xffff, v14;
	[tilespmem:s0+$0x15030] =	vst v13  }
0x2fd: {  	[tilespmem:s0+$0x17030] =	vst v15;
	v7 =	vadd.f32 v8, v7  }
0x2fe: {  	[tilespmem:s0+$0x13030] =	vst v12  }
0x2ff: {  	s4 =	simm.s32 $0x9040;
	[tilespmem:s0+$0x19030] =	vst v7  }
0x300: {  	v8 =	vld [tilespmem:s4+$0xFFFFFFC0];
	_ =	sdelay $0x1  }
0x301: {  	v7, _, _ =	vpop (xrf0)  }
0x302: {  	v7 =	vbroadcast v7, $0xF;
	_ =	sdelay $0x1  }
0x303: {  	vm0 =	vle.f32 v8, v7  }
0x304: {  	[tilespmem:s1+$0xB000] =	vst.msk vm0, v8;
	v8 =	vor.u32 s1, v0;
	v9 =	vmpcnt.ones.xlane vm0  }
0x305: {  	[tilespmem:s1+$0xC010] =	vst.msk vm0, v8  }
0x306: {  	v8 =	vld [tilespmem:s4+$0xFFFFFFD0];
	(v2sf) =	vpush v9, $0x0;
	_ =	sdelay $0x4  }
0x307: {  	vm9 =	vle.f32 v8, v7  }
0x308: {  	v9 =	vmpcnt.ones.xlane vm9;
	_ =	sdelay $0x1  }
0x309: {  	(v2sf) =	vpush v9, $0x0;
	_ =	sdelay $0x6  }
0x30a: {  	s5 =	spop (v2sf)  }
0x30b: {  	s6 =	simm.s32 $0x10;
	s5 =	sadd.s32 $0x0, s5  }
0x30c: {  	[tilespmem:s5+$0xB000] =	vst.msk vm9, v8;
	v8 =	vor.u32 s6, v0  }
0x30d: {  	[tilespmem:s5+$0xC010] =	vst.msk vm9, v8  }
0x30e: {  	v8 =	vld [tilespmem:s4+$0xFFFFFFE0];
	_ =	sdelay $0x3  }
0x30f: {  	s12 =	spop (v2sf)  }
0x310: {  	s13 =	simm.s32 $0x20;
	s5 =	sadd.s32 s5, s12;
	vm10 =	vle.f32 v8, v7  }
0x311: {  	[tilespmem:s5+$0xB000] =	vst.msk vm10, v8;
	v8 =	vor.u32 s13, v0;
	v9 =	vmpcnt.ones.xlane vm10  }
0x312: {  	[tilespmem:s5+$0xC010] =	vst.msk vm10, v8  }
0x313: {  	v8 =	vld [tilespmem:s4+$0xFFFFFFF0];
	(v2sf) =	vpush v9, $0x0;
	_ =	sdelay $0x4  }
0x314: {  	vm11 =	vle.f32 v8, v7  }
0x315: {  	v9 =	vmpcnt.ones.xlane vm11;
	_ =	sdelay $0x1  }
0x316: {  	(v2sf) =	vpush v9, $0x0;
	_ =	sdelay $0x6  }
0x317: {  	s28 =	spop (v2sf)  }
0x318: {  	s29 =	simm.s32 $0x30;
	s5 =	sadd.s32 s5, s28  }
0x319: {  	[tilespmem:s5+$0xB000] =	vst.msk vm11, v8;
	v8 =	vor.u32 s29, v0  }
0x31a: {  	[tilespmem:s5+$0xC010] =	vst.msk vm11, v8  }
0x31b: {  	v8 =	vld [tilespmem:s4+$0x0];
	_ =	sdelay $0x3  }
0x31c: {  	s7 =	spop (v2sf)  }
0x31d: {  	s8 =	simm.s32 $0x40;
	s5 =	sadd.s32 s5, s7;
	vm12 =	vle.f32 v8, v7  }
0x31e: {  	[tilespmem:s5+$0xB000] =	vst.msk vm12, v8;
	v8 =	vor.u32 s8, v0;
	v9 =	vmpcnt.ones.xlane vm12  }
0x31f: {  	[tilespmem:s5+$0xC010] =	vst.msk vm12, v8  }
0x320: {  	v8 =	vld [tilespmem:s4+$0x10];
	(v2sf) =	vpush v9, $0x0;
	_ =	sdelay $0x4  }
0x321: {  	vm13 =	vle.f32 v8, v7  }
0x322: {  	v9 =	vmpcnt.ones.xlane vm13;
	_ =	sdelay $0x1  }
0x323: {  	(v2sf) =	vpush v9, $0x0;
	_ =	sdelay $0x6  }
0x324: {  	s9 =	spop (v2sf)  }
0x325: {  	s10 =	simm.s32 $0x50;
	s5 =	sadd.s32 s5, s9  }
0x326: {  	[tilespmem:s5+$0xB000] =	vst.msk vm13, v8;
	v8 =	vor.u32 s10, v0  }
0x327: {  	[tilespmem:s5+$0xC010] =	vst.msk vm13, v8  }
0x328: {  	v8 =	vld [tilespmem:s4+$0x20];
	_ =	sdelay $0x3  }
0x329: {  	s12 =	spop (v2sf)  }
0x32a: {  	s13 =	simm.s32 $0x60;
	s5 =	sadd.s32 s5, s12;
	vm14 =	vle.f32 v8, v7  }
0x32b: {  	[tilespmem:s5+$0xB000] =	vst.msk vm14, v8;
	v8 =	vor.u32 s13, v0;
	v9 =	vmpcnt.ones.xlane vm14  }
0x32c: {  	[tilespmem:s5+$0xC010] =	vst.msk vm14, v8  }
0x32d: {  	v8 =	vld [tilespmem:s4+$0x30];
	(v2sf) =	vpush v9, $0x0;
	_ =	sdelay $0x4  }
0x32e: {  	vm15 =	vle.f32 v8, v7  }
0x32f: {  	v9 =	vmpcnt.ones.xlane vm15;
	_ =	sdelay $0x1  }
0x330: {  	(v2sf) =	vpush v9, $0x0;
	_ =	sdelay $0x6  }
0x331: {  	s28 =	spop (v2sf)  }
0x332: {  	s29 =	simm.s32 $0x70;
	s6 =	sadd.s32 s5, s28  }
0x333: {  	[tilespmem:s6+$0xB000] =	vst.msk vm15, v8;
	v8 =	vor.u32 s29, v0  }
0x334: {  	s4 =	simm.s32 $0x90C0;
	[tilespmem:s6+$0xC010] =	vst.msk vm15, v8  }
0x335: {  	v8 =	vld [tilespmem:s4+$0xFFFFFFC0];
	_ =	sdelay $0x3  }
0x336: {  	s5 =	simm.s32 $0x8;
	s7 =	spop (v2sf)  }
.LBB2_25:
0x337: {  	s5 =	sadd.s32 $0x8, s5;
	vm0 =	vle.f32 v8, v7;
	s6 =	sadd.s32 s6, s7;
	s1 =	sadd.s32 $0x80, s1  }
0x338: {  	p0 =	slt.u32 s5, $0xF8;
	[tilespmem:s6+$0xB000] =	vst.msk vm0, v8;
	v8 =	vor.u32 s1, v0;
	v9 =	vmpcnt.ones.xlane vm0  }
0x339: {  	[tilespmem:s6+$0xC010] =	vst.msk vm0, v8  }
0x33a: {  	v8 =	vld [tilespmem:s4+$0xFFFFFFD0];
	(v2sf) =	vpush v9, $0x0;
	_ =	sdelay $0x4  }
0x33b: {  	vm0 =	vle.f32 v8, v7  }
0x33c: {  	v9 =	vmpcnt.ones.xlane vm0;
	_ =	sdelay $0x1  }
0x33d: {  	(v2sf) =	vpush v9, $0x0;
	_ =	sdelay $0x6  }
0x33e: {  	s7 =	spop (v2sf)  }
0x33f: {  	s6 =	sadd.s32 s6, s7;
	s7 =	sadd.s32 $0x10, s1  }
0x340: {  	[tilespmem:s6+$0xB000] =	vst.msk vm0, v8;
	v8 =	vor.u32 s7, v0  }
0x341: {  	[tilespmem:s6+$0xC010] =	vst.msk vm0, v8  }
0x342: {  	v8 =	vld [tilespmem:s4+$0xFFFFFFE0];
	_ =	sdelay $0x3  }
0x343: {  	s7 =	spop (v2sf)  }
0x344: {  	s6 =	sadd.s32 s6, s7;
	s7 =	sadd.s32 $0x20, s1;
	vm0 =	vle.f32 v8, v7  }
0x345: {  	[tilespmem:s6+$0xB000] =	vst.msk vm0, v8;
	v8 =	vor.u32 s7, v0;
	v9 =	vmpcnt.ones.xlane vm0  }
0x346: {  	[tilespmem:s6+$0xC010] =	vst.msk vm0, v8  }
0x347: {  	v8 =	vld [tilespmem:s4+$0xFFFFFFF0];
	(v2sf) =	vpush v9, $0x0;
	_ =	sdelay $0x4  }
0x348: {  	vm0 =	vle.f32 v8, v7  }
0x349: {  	v9 =	vmpcnt.ones.xlane vm0;
	_ =	sdelay $0x1  }
0x34a: {  	(v2sf) =	vpush v9, $0x0;
	_ =	sdelay $0x6  }
0x34b: {  	s7 =	spop (v2sf)  }
0x34c: {  	s6 =	sadd.s32 s6, s7;
	s7 =	sadd.s32 $0x30, s1  }
0x34d: {  	[tilespmem:s6+$0xB000] =	vst.msk vm0, v8;
	v8 =	vor.u32 s7, v0  }
0x34e: {  	[tilespmem:s6+$0xC010] =	vst.msk vm0, v8  }
0x34f: {  	v8 =	vld [tilespmem:s4+$0x0];
	_ =	sdelay $0x3  }
0x350: {  	s7 =	spop (v2sf)  }
0x351: {  	s6 =	sadd.s32 s6, s7;
	s7 =	sadd.s32 $0x40, s1;
	vm0 =	vle.f32 v8, v7  }
0x352: {  	[tilespmem:s6+$0xB000] =	vst.msk vm0, v8;
	v8 =	vor.u32 s7, v0;
	v9 =	vmpcnt.ones.xlane vm0  }
0x353: {  	[tilespmem:s6+$0xC010] =	vst.msk vm0, v8  }
0x354: {  	v8 =	vld [tilespmem:s4+$0x10];
	(v2sf) =	vpush v9, $0x0;
	_ =	sdelay $0x4  }
0x355: {  	vm0 =	vle.f32 v8, v7  }
0x356: {  	v9 =	vmpcnt.ones.xlane vm0;
	_ =	sdelay $0x1  }
0x357: {  	(v2sf) =	vpush v9, $0x0;
	_ =	sdelay $0x6  }
0x358: {  	s7 =	spop (v2sf)  }
0x359: {  	s6 =	sadd.s32 s6, s7;
	s7 =	sadd.s32 $0x50, s1  }
0x35a: {  	[tilespmem:s6+$0xB000] =	vst.msk vm0, v8;
	v8 =	vor.u32 s7, v0  }
0x35b: {  	[tilespmem:s6+$0xC010] =	vst.msk vm0, v8  }
0x35c: {  	v8 =	vld [tilespmem:s4+$0x20];
	_ =	sdelay $0x3  }
0x35d: {  	s7 =	spop (v2sf)  }
0x35e: {  	s6 =	sadd.s32 s6, s7;
	s7 =	sadd.s32 $0x60, s1;
	vm0 =	vle.f32 v8, v7  }
0x35f: {  	[tilespmem:s6+$0xB000] =	vst.msk vm0, v8;
	v8 =	vor.u32 s7, v0;
	v9 =	vmpcnt.ones.xlane vm0  }
0x360: {  	[tilespmem:s6+$0xC010] =	vst.msk vm0, v8  }
0x361: {  	v8 =	vld [tilespmem:s4+$0x30];
	(v2sf) =	vpush v9, $0x0;
	_ =	sdelay $0x4  }
0x362: {  	vm0 =	vle.f32 v8, v7  }
0x363: {  	v9 =	vmpcnt.ones.xlane vm0;
	_ =	sdelay $0x1  }
0x364: {  	(v2sf) =	vpush v9, $0x0;
	_ =	sdelay $0x6  }
0x365: {  	s7 =	spop (v2sf)  }
0x366: {  	s6 =	sadd.s32 s6, s7;
	s7 =	sadd.s32 $0x70, s1  }
0x367: {  	[tilespmem:s6+$0xB000] =	vst.msk vm0, v8;
	v8 =	vor.u32 s7, v0  }
0x368: {  	s4 =	sadd.s32 $0x80, s4;
	[tilespmem:s6+$0xC010] =	vst.msk vm0, v8  }
.Ltmp17:
0x369: {  	v8 =	vld [tilespmem:s4+$0xFFFFFFC0];
	(pc) =	sbr.rel @p0 .LBB2_25-.Ltmp17, $2  }
0x36a: {  	_ =	sdelay $0x2  }
0x36b: {  	s7 =	spop (v2sf)  }
0x36c: {  	vm0 =	vle.f32 v8, v7;
	s5 =	sadd.s32 s6, s7;
	s1 =	sadd.s32 $0x80, s1  }
0x36d: {  	[tilespmem:s5+$0xB000] =	vst.msk vm0, v8;
	v8 =	vor.u32 s1, v0;
	v9 =	vmpcnt.ones.xlane vm0  }
0x36e: {  	[tilespmem:s5+$0xC010] =	vst.msk vm0, v8  }
0x36f: {  	v8 =	vld [tilespmem:s4+$0xFFFFFFD0];
	(v2sf) =	vpush v9, $0x0;
	_ =	sdelay $0x4  }
0x370: {  	vm9 =	vle.f32 v8, v7  }
0x371: {  	v9 =	vmpcnt.ones.xlane vm9;
	_ =	sdelay $0x1  }
0x372: {  	(v2sf) =	vpush v9, $0x0;
	_ =	sdelay $0x6  }
0x373: {  	s28 =	spop (v2sf)  }
0x374: {  	s29 =	sadd.s32 $0x10, s1;
	s5 =	sadd.s32 s5, s28  }
0x375: {  	[tilespmem:s5+$0xB000] =	vst.msk vm9, v8;
	v8 =	vor.u32 s29, v0  }
0x376: {  	[tilespmem:s5+$0xC010] =	vst.msk vm9, v8  }
0x377: {  	v8 =	vld [tilespmem:s4+$0xFFFFFFE0];
	_ =	sdelay $0x3  }
0x378: {  	s7 =	spop (v2sf)  }
0x379: {  	s8 =	sadd.s32 $0x20, s1;
	s5 =	sadd.s32 s5, s7;
	vm10 =	vle.f32 v8, v7  }
0x37a: {  	[tilespmem:s5+$0xB000] =	vst.msk vm10, v8;
	v8 =	vor.u32 s8, v0;
	v9 =	vmpcnt.ones.xlane vm10  }
0x37b: {  	[tilespmem:s5+$0xC010] =	vst.msk vm10, v8  }
0x37c: {  	v8 =	vld [tilespmem:s4+$0xFFFFFFF0];
	(v2sf) =	vpush v9, $0x0;
	_ =	sdelay $0x4  }
0x37d: {  	vm11 =	vle.f32 v8, v7  }
0x37e: {  	v9 =	vmpcnt.ones.xlane vm11;
	_ =	sdelay $0x1  }
0x37f: {  	(v2sf) =	vpush v9, $0x0;
	_ =	sdelay $0x6  }
0x380: {  	s9 =	spop (v2sf)  }
0x381: {  	s10 =	sadd.s32 $0x30, s1;
	s5 =	sadd.s32 s5, s9  }
0x382: {  	[tilespmem:s5+$0xB000] =	vst.msk vm11, v8;
	v8 =	vor.u32 s10, v0  }
0x383: {  	[tilespmem:s5+$0xC010] =	vst.msk vm11, v8  }
0x384: {  	v8 =	vld [tilespmem:s4+$0x0];
	_ =	sdelay $0x3  }
0x385: {  	s12 =	spop (v2sf)  }
0x386: {  	s13 =	sadd.s32 $0x40, s1;
	s5 =	sadd.s32 s5, s12;
	vm12 =	vle.f32 v8, v7  }
0x387: {  	[tilespmem:s5+$0xB000] =	vst.msk vm12, v8;
	v8 =	vor.u32 s13, v0;
	v9 =	vmpcnt.ones.xlane vm12  }
0x388: {  	[tilespmem:s5+$0xC010] =	vst.msk vm12, v8  }
0x389: {  	v8 =	vld [tilespmem:s4+$0x10];
	(v2sf) =	vpush v9, $0x0;
	_ =	sdelay $0x4  }
0x38a: {  	vm13 =	vle.f32 v8, v7  }
0x38b: {  	v9 =	vmpcnt.ones.xlane vm13;
	_ =	sdelay $0x1  }
0x38c: {  	(v2sf) =	vpush v9, $0x0;
	_ =	sdelay $0x6  }
0x38d: {  	s28 =	spop (v2sf)  }
0x38e: {  	s29 =	sadd.s32 $0x50, s1;
	s5 =	sadd.s32 s5, s28  }
0x38f: {  	[tilespmem:s5+$0xB000] =	vst.msk vm13, v8;
	v8 =	vor.u32 s29, v0  }
0x390: {  	[tilespmem:s5+$0xC010] =	vst.msk vm13, v8  }
0x391: {  	v8 =	vld [tilespmem:s4+$0x20];
	_ =	sdelay $0x3  }
0x392: {  	s7 =	spop (v2sf)  }
0x393: {  	s8 =	sadd.s32 $0x60, s1;
	s5 =	sadd.s32 s5, s7;
	vm14 =	vle.f32 v8, v7  }
0x394: {  	[tilespmem:s5+$0xB000] =	vst.msk vm14, v8;
	v8 =	vor.u32 s8, v0  }
0x395: {  	[tilespmem:s5+$0xC010] =	vst.msk vm14, v8  }
0x396: {  	v8 =	vld [tilespmem:s4+$0x30];
	_ =	sdelay $0x4  }
0x397: {  	v9 =	vmpcnt.ones.xlane vm14;
	vm15 =	vle.f32 v8, v7  }
0x398: {  	v7 =	vmpcnt.ones.xlane vm15  }
0x399: {  	(v2sf) =	vpush v9, $0x0  }
0x39a: {  	(v2sf) =	vpush v7, $0x0;
	_ =	sdelay $0xd  }
0x39b: {  	s9 =	spop (v2sf)  }
0x39c: {  	s4 =	sadd.s32 s5, s9;
	s10 =	spop (v2sf)  }
0x39d: {  	s5 =	sadd.s32 s4, s10  }
0x39e: {  	s12 =	sadd.s32 $0xF, s5  }
0x39f: {  	s13 =	sand.u32 $0xF, s12  }
0x3a0: {  	s28 =	sshra.s32 s12, $0x1F;
	p1 =	slt.s32 s12, $0x1;
	p0 =	sne.s32 s13, $0x0  }
0x3a1: {  	s7 =	sshrl.u32 s28, $0x1C;
	p0 =	por !p1, !p0  }
0x3a2: {  	s6 =	sadd.s32 s7, s12;
	s7 =	simm.s32 $0x1;
	p0 =	por !p0, !p0  }
0x3a3: {  	s1 =	sadd.s32 $0x70, s1;
	s29 =	sshra.s32 s6, $0x4;
	s7 =	simm.s32 @!p0 $0x0  }
0x3a4: {  	v7 =	vor.u32 s1, v0;
	s1 =	ssub.s32 s29, s7  }
0x3a5: {  	p0 =	slt.s32 s1, $0x1  }
.Ltmp18:
0x3a6: {  	_ = 	snop;
	(pc) =	sbr.rel @p0 .LBB2_34-.Ltmp18, $4  }
0x3a7: {  	[tilespmem:s4+$0xB000] =	vst.msk vm15, v8  }
0x3a8: {  	v8 =	vimm.f32 $+Inf;
	[tilespmem:s4+$0xC010] =	vst.msk vm15, v7  }
0x3a9: {  	v7 =	vimm.s32 $0x0;
	[tilespmem:s5+$0xB000] =	vst v8  }
0x3aa: {  	[tilespmem:s5+$0xC010] =	vst v7  }
0x3ab: {  	p2 =	sne.s32 s1, $0x1  }
.Ltmp19:
0x3ac: {  	_ = 	snop;
	(pc) =	sbr.rel @!p2 .LBB2_28-.Ltmp19, $4  }
0x3ad: {  	_ = 	snop  }
0x3ae: {  	s4 =	simm.s32 $0xB000  }
0x3af: {  	s5 =	simm.s32 $0xC010;
	v9 =	vld [tilespmem:s4+$0x0]  }
0x3b0: {  	s1 =	sadd.s32 $0xFFFFFFFF, s1;
	p0 =	por $0x0, $0x0;
	p1 =	por $0x0, $0x0;
	v11 =	vld [tilespmem:s5+$0x0]  }
0x3b1: {  	p2 =	sne.s32 s1, $0x1  }
.Ltmp20:
0x3b2: {  	_ = 	snop;
	(pc) =	sbr.rel @!p2 .LBB2_30-.Ltmp20, $4  }
0x3b3: {  	_ = 	snop  }
0x3b4: {  	s4 =	simm.s32 $0xB010  }
0x3b5: {  	s29 =	simm.s32 $0xC020;
	(xrf1) =	vsort.dscd.msk.f32 $0xffff, v9, v11;
	v9 =	vld [tilespmem:s4+$0x0]  }
0x3b6: {  	s5 =	sadd.s32 $0xFFFFFFFF, s1;
	p0 =	por $0x1, $0x1;
	v11 =	vld [tilespmem:s29+$0x0]  }
0x3b7: {  	_ =	sdelay $0xb  }
0x3b8: {  	v12, v13, _ =	vpop (xrf1)  }
0x3b9: {  	vm0 =	vlt.f32 v12, v8  }
0x3ba: {  	(xrf1) =	vsort.dscd.msk.f32 $0xffff, v9, v11;
	v11 =	vsel vm0, v12, v8;
	v63 =	vsel vm0, v13, v7  }
0x3bb: {  	(xrf1) =	vsort.ascd.msk.f32 $0xffff, v11, v63;
	_ =	sdelay $0x6  }
0x3bc: {  	p2 =	sne.s32 s5, $0x1  }
.Ltmp21:
0x3bd: {  	_ = 	snop;
	(pc) =	sbr.rel @!p2 .LBB2_33-.Ltmp21, $4  }
0x3be: {  	s1 =	simm.s32 $0xB020  }
0x3bf: {  	s4 =	simm.s32 $0xC030;
	v9 =	vld [tilespmem:s1+$0x0]  }
0x3c0: {  	v11 =	vld [tilespmem:s4+$0x0]  }
0x3c1: {  	s5 =	sadd.s32 $0xFFFFFFFF, s5;
	p1 =	por $0x1, $0x1  }
.LBB2_32:
0x3c2: {  	p2 =	sne.s32 s5, $0x1;
	v12, v13, _ =	vpop (xrf1)  }
0x3c3: {  	v14, v15, _ =	vpop (xrf1)  }
0x3c4: {  	vm0 =	vlt.f32 v12, v14  }
0x3c5: {  	(xrf1) =	vsort.dscd.msk.f32 $0xffff, v9, v11;
	v9 =	vsel vm0, v12, v14;
	v11 =	vsel vm0, v13, v15  }
0x3c6: {  	(xrf1) =	vsort.ascd.msk.f32 $0xffff, v9, v11;
	_ =	sdelay $0x7  }
.Ltmp22:
0x3c7: {  	(pc) =	sbr.rel @p2 .LBB2_32-.Ltmp22, $4  }
0x3c8: {  	s1 =	sadd.s32 $0x10, s1  }
0x3c9: {  	s4 =	sadd.s32 $0x10, s4;
	v9 =	vld [tilespmem:s1+$0x0]  }
0x3ca: {  	v11 =	vld [tilespmem:s4+$0x0]  }
0x3cb: {  	s5 =	sadd.s32 $0xFFFFFFFF, s5  }
.LBB2_33:
0x3cc: {  	v12, v13, _ =	vpop @p0 (xrf1)  }
0x3cd: {  	v14, v15, _ =	vpop @p1 (xrf1)  }
0x3ce: {  	v14 =	vpsel p1, v14, v8  }
0x3cf: {  	v15 =	vpsel p1, v15, v7;
	vm0 =	vlt.f32 @p0 v12, v14  }
0x3d0: {  	(xrf1) =	vsort.dscd.msk.f32 $0xffff, v9, v11;
	v9 =	vsel @p0 vm0, v12, v14;
	v11 =	vsel @p0 vm0, v13, v15  }
0x3d1: {  	(xrf1) =	vsort.ascd.msk.f32 @p0 $0xffff, v9, v11;
	_ =	sdelay $0xc  }
0x3d2: {  	v9, v11, _ =	vpop (xrf1)  }
0x3d3: {  	v12, v13, _ =	vpop @p0 (xrf1)  }
0x3d4: {  	v8 =	vpsel p0, v12, v8  }
0x3d5: {  	v7 =	vpsel p0, v13, v7;
	vm15 =	vlt.f32 v9, v8  }
0x3d6: {  	v8 =	vsel vm15, v9, v8;
	v7 =	vsel vm15, v11, v7  }
0x3d7: {  	(xrf1) =	vsort.ascd.msk.f32 $0xffff, v8, v7;
	_ =	sdelay $0xd  }
0x3d8: {  	v8, v7, _ =	vpop (xrf1)  }
.LBB2_34:
0x3d9: {  	_ =	sdelay $0x3  }
0x3da: {  	s1 =	simm.s32 $0x0;
	v9 =	vld.idx.msk [tilespmem:v7+s21+$0x0], $0xffff  }
0x3db: {  	v8 =	vld.idx.msk [tilespmem:v7+s1+$0x0], $0xffff;
	_ =	sdelay $0x1  }
0x3dc: {  	v11 =	vld.idx.msk [tilespmem:v7+s22+$0x0], $0xffff;
	_ =	sdelay $0x2  }
0x3dd: {  	v13 =	vsub.f32 v5, v9;
	v12 =	vsub.f32 v4, v8  }
0x3de: {  	[tilespmem:s0+$0xD040] =	vst v4  }
0x3df: {  	[tilespmem:s0+$0xF040] =	vst v5;
	v14 =	vsub.f32 v6, v11;
	v13 =	vmul.f32 v13, v13;
	v12 =	vmul.f32 v12, v12  }
0x3e0: {  	[tilespmem:s0+$0x11040] =	vst v6  }
0x3e1: {  	[tilespmem:s0+$0x1B040] =	vst v7;
	v5 =	vmul.f32 v14, v14;
	v4 =	vadd.f32 v13, v12  }
0x3e2: {  	(xrf0) =	vmax.scan.msk.f32 $0xffff, v10;
	[tilespmem:s0+$0x15040] =	vst v9  }
0x3e3: {  	[tilespmem:s0+$0x17040] =	vst v11;
	v4 =	vadd.f32 v5, v4  }
0x3e4: {  	[tilespmem:s0+$0x13040] =	vst v8  }
0x3e5: {  	s4 =	simm.s32 $0xA040;
	[tilespmem:s0+$0x19040] =	vst v4  }
0x3e6: {  	v5 =	vld [tilespmem:s4+$0xFFFFFFC0];
	_ =	sdelay $0x1  }
0x3e7: {  	v4, _, _ =	vpop (xrf0)  }
0x3e8: {  	v4 =	vbroadcast v4, $0xF;
	_ =	sdelay $0x1  }
0x3e9: {  	vm0 =	vle.f32 v5, v4  }
0x3ea: {  	[tilespmem:s1+$0xB000] =	vst.msk vm0, v5;
	v5 =	vor.u32 s1, v0;
	v6 =	vmpcnt.ones.xlane vm0  }
0x3eb: {  	[tilespmem:s1+$0xC010] =	vst.msk vm0, v5  }
0x3ec: {  	v5 =	vld [tilespmem:s4+$0xFFFFFFD0];
	(v2sf) =	vpush v6, $0x0;
	_ =	sdelay $0x4  }
0x3ed: {  	vm9 =	vle.f32 v5, v4  }
0x3ee: {  	v6 =	vmpcnt.ones.xlane vm9;
	_ =	sdelay $0x1  }
0x3ef: {  	(v2sf) =	vpush v6, $0x0;
	_ =	sdelay $0x6  }
0x3f0: {  	s5 =	spop (v2sf)  }
0x3f1: {  	s6 =	simm.s32 $0x10;
	s5 =	sadd.s32 $0x0, s5  }
0x3f2: {  	[tilespmem:s5+$0xB000] =	vst.msk vm9, v5;
	v5 =	vor.u32 s6, v0  }
0x3f3: {  	[tilespmem:s5+$0xC010] =	vst.msk vm9, v5  }
0x3f4: {  	v5 =	vld [tilespmem:s4+$0xFFFFFFE0];
	_ =	sdelay $0x3  }
0x3f5: {  	s12 =	spop (v2sf)  }
0x3f6: {  	s13 =	simm.s32 $0x20;
	s5 =	sadd.s32 s5, s12;
	vm10 =	vle.f32 v5, v4  }
0x3f7: {  	[tilespmem:s5+$0xB000] =	vst.msk vm10, v5;
	v5 =	vor.u32 s13, v0;
	v6 =	vmpcnt.ones.xlane vm10  }
0x3f8: {  	[tilespmem:s5+$0xC010] =	vst.msk vm10, v5  }
0x3f9: {  	v5 =	vld [tilespmem:s4+$0xFFFFFFF0];
	(v2sf) =	vpush v6, $0x0;
	_ =	sdelay $0x4  }
0x3fa: {  	vm11 =	vle.f32 v5, v4  }
0x3fb: {  	v6 =	vmpcnt.ones.xlane vm11;
	_ =	sdelay $0x1  }
0x3fc: {  	(v2sf) =	vpush v6, $0x0;
	_ =	sdelay $0x6  }
0x3fd: {  	s28 =	spop (v2sf)  }
0x3fe: {  	s29 =	simm.s32 $0x30;
	s5 =	sadd.s32 s5, s28  }
0x3ff: {  	[tilespmem:s5+$0xB000] =	vst.msk vm11, v5;
	v5 =	vor.u32 s29, v0  }
0x400: {  	[tilespmem:s5+$0xC010] =	vst.msk vm11, v5  }
0x401: {  	v5 =	vld [tilespmem:s4+$0x0];
	_ =	sdelay $0x3  }
0x402: {  	s7 =	spop (v2sf)  }
0x403: {  	s8 =	simm.s32 $0x40;
	s5 =	sadd.s32 s5, s7;
	vm12 =	vle.f32 v5, v4  }
0x404: {  	[tilespmem:s5+$0xB000] =	vst.msk vm12, v5;
	v5 =	vor.u32 s8, v0;
	v6 =	vmpcnt.ones.xlane vm12  }
0x405: {  	[tilespmem:s5+$0xC010] =	vst.msk vm12, v5  }
0x406: {  	v5 =	vld [tilespmem:s4+$0x10];
	(v2sf) =	vpush v6, $0x0;
	_ =	sdelay $0x4  }
0x407: {  	vm13 =	vle.f32 v5, v4  }
0x408: {  	v6 =	vmpcnt.ones.xlane vm13;
	_ =	sdelay $0x1  }
0x409: {  	(v2sf) =	vpush v6, $0x0;
	_ =	sdelay $0x6  }
0x40a: {  	s9 =	spop (v2sf)  }
0x40b: {  	s10 =	simm.s32 $0x50;
	s5 =	sadd.s32 s5, s9  }
0x40c: {  	[tilespmem:s5+$0xB000] =	vst.msk vm13, v5;
	v5 =	vor.u32 s10, v0  }
0x40d: {  	[tilespmem:s5+$0xC010] =	vst.msk vm13, v5  }
0x40e: {  	v5 =	vld [tilespmem:s4+$0x20];
	_ =	sdelay $0x3  }
0x40f: {  	s12 =	spop (v2sf)  }
0x410: {  	s13 =	simm.s32 $0x60;
	s5 =	sadd.s32 s5, s12;
	vm14 =	vle.f32 v5, v4  }
0x411: {  	[tilespmem:s5+$0xB000] =	vst.msk vm14, v5;
	v5 =	vor.u32 s13, v0;
	v6 =	vmpcnt.ones.xlane vm14  }
0x412: {  	[tilespmem:s5+$0xC010] =	vst.msk vm14, v5  }
0x413: {  	v5 =	vld [tilespmem:s4+$0x30];
	(v2sf) =	vpush v6, $0x0;
	_ =	sdelay $0x4  }
0x414: {  	vm15 =	vle.f32 v5, v4  }
0x415: {  	v6 =	vmpcnt.ones.xlane vm15;
	_ =	sdelay $0x1  }
0x416: {  	(v2sf) =	vpush v6, $0x0;
	_ =	sdelay $0x6  }
0x417: {  	s28 =	spop (v2sf)  }
0x418: {  	s29 =	simm.s32 $0x70;
	s6 =	sadd.s32 s5, s28  }
0x419: {  	[tilespmem:s6+$0xB000] =	vst.msk vm15, v5;
	v5 =	vor.u32 s29, v0  }
0x41a: {  	s4 =	simm.s32 $0xA0C0;
	[tilespmem:s6+$0xC010] =	vst.msk vm15, v5  }
0x41b: {  	v5 =	vld [tilespmem:s4+$0xFFFFFFC0];
	_ =	sdelay $0x3  }
0x41c: {  	s5 =	simm.s32 $0x8;
	s7 =	spop (v2sf)  }
.LBB2_35:
0x41d: {  	s5 =	sadd.s32 $0x8, s5;
	vm0 =	vle.f32 v5, v4;
	s6 =	sadd.s32 s6, s7;
	s1 =	sadd.s32 $0x80, s1  }
0x41e: {  	p0 =	slt.u32 s5, $0xF8;
	[tilespmem:s6+$0xB000] =	vst.msk vm0, v5;
	v5 =	vor.u32 s1, v0;
	v6 =	vmpcnt.ones.xlane vm0  }
0x41f: {  	[tilespmem:s6+$0xC010] =	vst.msk vm0, v5  }
0x420: {  	v5 =	vld [tilespmem:s4+$0xFFFFFFD0];
	(v2sf) =	vpush v6, $0x0;
	_ =	sdelay $0x4  }
0x421: {  	vm0 =	vle.f32 v5, v4  }
0x422: {  	v6 =	vmpcnt.ones.xlane vm0;
	_ =	sdelay $0x1  }
0x423: {  	(v2sf) =	vpush v6, $0x0;
	_ =	sdelay $0x6  }
0x424: {  	s7 =	spop (v2sf)  }
0x425: {  	s6 =	sadd.s32 s6, s7;
	s7 =	sadd.s32 $0x10, s1  }
0x426: {  	[tilespmem:s6+$0xB000] =	vst.msk vm0, v5;
	v5 =	vor.u32 s7, v0  }
0x427: {  	[tilespmem:s6+$0xC010] =	vst.msk vm0, v5  }
0x428: {  	v5 =	vld [tilespmem:s4+$0xFFFFFFE0];
	_ =	sdelay $0x3  }
0x429: {  	s7 =	spop (v2sf)  }
0x42a: {  	s6 =	sadd.s32 s6, s7;
	s7 =	sadd.s32 $0x20, s1;
	vm0 =	vle.f32 v5, v4  }
0x42b: {  	[tilespmem:s6+$0xB000] =	vst.msk vm0, v5;
	v5 =	vor.u32 s7, v0;
	v6 =	vmpcnt.ones.xlane vm0  }
0x42c: {  	[tilespmem:s6+$0xC010] =	vst.msk vm0, v5  }
0x42d: {  	v5 =	vld [tilespmem:s4+$0xFFFFFFF0];
	(v2sf) =	vpush v6, $0x0;
	_ =	sdelay $0x4  }
0x42e: {  	vm0 =	vle.f32 v5, v4  }
0x42f: {  	v6 =	vmpcnt.ones.xlane vm0;
	_ =	sdelay $0x1  }
0x430: {  	(v2sf) =	vpush v6, $0x0;
	_ =	sdelay $0x6  }
0x431: {  	s7 =	spop (v2sf)  }
0x432: {  	s6 =	sadd.s32 s6, s7;
	s7 =	sadd.s32 $0x30, s1  }
0x433: {  	[tilespmem:s6+$0xB000] =	vst.msk vm0, v5;
	v5 =	vor.u32 s7, v0  }
0x434: {  	[tilespmem:s6+$0xC010] =	vst.msk vm0, v5  }
0x435: {  	v5 =	vld [tilespmem:s4+$0x0];
	_ =	sdelay $0x3  }
0x436: {  	s7 =	spop (v2sf)  }
0x437: {  	s6 =	sadd.s32 s6, s7;
	s7 =	sadd.s32 $0x40, s1;
	vm0 =	vle.f32 v5, v4  }
0x438: {  	[tilespmem:s6+$0xB000] =	vst.msk vm0, v5;
	v5 =	vor.u32 s7, v0;
	v6 =	vmpcnt.ones.xlane vm0  }
0x439: {  	[tilespmem:s6+$0xC010] =	vst.msk vm0, v5  }
0x43a: {  	v5 =	vld [tilespmem:s4+$0x10];
	(v2sf) =	vpush v6, $0x0;
	_ =	sdelay $0x4  }
0x43b: {  	vm0 =	vle.f32 v5, v4  }
0x43c: {  	v6 =	vmpcnt.ones.xlane vm0;
	_ =	sdelay $0x1  }
0x43d: {  	(v2sf) =	vpush v6, $0x0;
	_ =	sdelay $0x6  }
0x43e: {  	s7 =	spop (v2sf)  }
0x43f: {  	s6 =	sadd.s32 s6, s7;
	s7 =	sadd.s32 $0x50, s1  }
0x440: {  	[tilespmem:s6+$0xB000] =	vst.msk vm0, v5;
	v5 =	vor.u32 s7, v0  }
0x441: {  	[tilespmem:s6+$0xC010] =	vst.msk vm0, v5  }
0x442: {  	v5 =	vld [tilespmem:s4+$0x20];
	_ =	sdelay $0x3  }
0x443: {  	s7 =	spop (v2sf)  }
0x444: {  	s6 =	sadd.s32 s6, s7;
	s7 =	sadd.s32 $0x60, s1;
	vm0 =	vle.f32 v5, v4  }
0x445: {  	[tilespmem:s6+$0xB000] =	vst.msk vm0, v5;
	v5 =	vor.u32 s7, v0;
	v6 =	vmpcnt.ones.xlane vm0  }
0x446: {  	[tilespmem:s6+$0xC010] =	vst.msk vm0, v5  }
0x447: {  	v5 =	vld [tilespmem:s4+$0x30];
	(v2sf) =	vpush v6, $0x0;
	_ =	sdelay $0x4  }
0x448: {  	vm0 =	vle.f32 v5, v4  }
0x449: {  	v6 =	vmpcnt.ones.xlane vm0;
	_ =	sdelay $0x1  }
0x44a: {  	(v2sf) =	vpush v6, $0x0;
	_ =	sdelay $0x6  }
0x44b: {  	s7 =	spop (v2sf)  }
0x44c: {  	s6 =	sadd.s32 s6, s7;
	s7 =	sadd.s32 $0x70, s1  }
0x44d: {  	[tilespmem:s6+$0xB000] =	vst.msk vm0, v5;
	v5 =	vor.u32 s7, v0  }
0x44e: {  	s4 =	sadd.s32 $0x80, s4;
	[tilespmem:s6+$0xC010] =	vst.msk vm0, v5  }
.Ltmp23:
0x44f: {  	v5 =	vld [tilespmem:s4+$0xFFFFFFC0];
	(pc) =	sbr.rel @p0 .LBB2_35-.Ltmp23, $2  }
0x450: {  	_ =	sdelay $0x2  }
0x451: {  	s7 =	spop (v2sf)  }
0x452: {  	vm0 =	vle.f32 v5, v4;
	s5 =	sadd.s32 s6, s7;
	s1 =	sadd.s32 $0x80, s1  }
0x453: {  	[tilespmem:s5+$0xB000] =	vst.msk vm0, v5;
	v5 =	vor.u32 s1, v0;
	v6 =	vmpcnt.ones.xlane vm0  }
0x454: {  	[tilespmem:s5+$0xC010] =	vst.msk vm0, v5  }
0x455: {  	v5 =	vld [tilespmem:s4+$0xFFFFFFD0];
	(v2sf) =	vpush v6, $0x0;
	_ =	sdelay $0x4  }
0x456: {  	vm9 =	vle.f32 v5, v4  }
0x457: {  	v6 =	vmpcnt.ones.xlane vm9;
	_ =	sdelay $0x1  }
0x458: {  	(v2sf) =	vpush v6, $0x0;
	_ =	sdelay $0x6  }
0x459: {  	s28 =	spop (v2sf)  }
0x45a: {  	s29 =	sadd.s32 $0x10, s1;
	s5 =	sadd.s32 s5, s28  }
0x45b: {  	[tilespmem:s5+$0xB000] =	vst.msk vm9, v5;
	v5 =	vor.u32 s29, v0  }
0x45c: {  	[tilespmem:s5+$0xC010] =	vst.msk vm9, v5  }
0x45d: {  	v5 =	vld [tilespmem:s4+$0xFFFFFFE0];
	_ =	sdelay $0x3  }
0x45e: {  	s7 =	spop (v2sf)  }
0x45f: {  	s8 =	sadd.s32 $0x20, s1;
	s5 =	sadd.s32 s5, s7;
	vm10 =	vle.f32 v5, v4  }
0x460: {  	[tilespmem:s5+$0xB000] =	vst.msk vm10, v5;
	v5 =	vor.u32 s8, v0;
	v6 =	vmpcnt.ones.xlane vm10  }
0x461: {  	[tilespmem:s5+$0xC010] =	vst.msk vm10, v5  }
0x462: {  	v5 =	vld [tilespmem:s4+$0xFFFFFFF0];
	(v2sf) =	vpush v6, $0x0;
	_ =	sdelay $0x4  }
0x463: {  	vm11 =	vle.f32 v5, v4  }
0x464: {  	v6 =	vmpcnt.ones.xlane vm11;
	_ =	sdelay $0x1  }
0x465: {  	(v2sf) =	vpush v6, $0x0;
	_ =	sdelay $0x6  }
0x466: {  	s9 =	spop (v2sf)  }
0x467: {  	s10 =	sadd.s32 $0x30, s1;
	s5 =	sadd.s32 s5, s9  }
0x468: {  	[tilespmem:s5+$0xB000] =	vst.msk vm11, v5;
	v5 =	vor.u32 s10, v0  }
0x469: {  	[tilespmem:s5+$0xC010] =	vst.msk vm11, v5  }
0x46a: {  	v5 =	vld [tilespmem:s4+$0x0];
	_ =	sdelay $0x3  }
0x46b: {  	s12 =	spop (v2sf)  }
0x46c: {  	s13 =	sadd.s32 $0x40, s1;
	s5 =	sadd.s32 s5, s12;
	vm12 =	vle.f32 v5, v4  }
0x46d: {  	[tilespmem:s5+$0xB000] =	vst.msk vm12, v5;
	v5 =	vor.u32 s13, v0;
	v6 =	vmpcnt.ones.xlane vm12  }
0x46e: {  	[tilespmem:s5+$0xC010] =	vst.msk vm12, v5  }
0x46f: {  	v5 =	vld [tilespmem:s4+$0x10];
	(v2sf) =	vpush v6, $0x0;
	_ =	sdelay $0x4  }
0x470: {  	vm13 =	vle.f32 v5, v4  }
0x471: {  	v6 =	vmpcnt.ones.xlane vm13;
	_ =	sdelay $0x1  }
0x472: {  	(v2sf) =	vpush v6, $0x0;
	_ =	sdelay $0x6  }
0x473: {  	s28 =	spop (v2sf)  }
0x474: {  	s29 =	sadd.s32 $0x50, s1;
	s5 =	sadd.s32 s5, s28  }
0x475: {  	[tilespmem:s5+$0xB000] =	vst.msk vm13, v5;
	v5 =	vor.u32 s29, v0  }
0x476: {  	[tilespmem:s5+$0xC010] =	vst.msk vm13, v5  }
0x477: {  	v5 =	vld [tilespmem:s4+$0x20];
	_ =	sdelay $0x3  }
0x478: {  	s7 =	spop (v2sf)  }
0x479: {  	s8 =	sadd.s32 $0x60, s1;
	s5 =	sadd.s32 s5, s7;
	vm14 =	vle.f32 v5, v4  }
0x47a: {  	[tilespmem:s5+$0xB000] =	vst.msk vm14, v5;
	v5 =	vor.u32 s8, v0  }
0x47b: {  	[tilespmem:s5+$0xC010] =	vst.msk vm14, v5  }
0x47c: {  	v5 =	vld [tilespmem:s4+$0x30];
	_ =	sdelay $0x4  }
0x47d: {  	v6 =	vmpcnt.ones.xlane vm14;
	vm15 =	vle.f32 v5, v4  }
0x47e: {  	v4 =	vmpcnt.ones.xlane vm15  }
0x47f: {  	(v2sf) =	vpush v6, $0x0  }
0x480: {  	(v2sf) =	vpush v4, $0x0;
	_ =	sdelay $0xd  }
0x481: {  	s9 =	spop (v2sf)  }
0x482: {  	s4 =	sadd.s32 s5, s9;
	s10 =	spop (v2sf)  }
0x483: {  	s5 =	sadd.s32 s4, s10  }
0x484: {  	s12 =	sadd.s32 $0xF, s5  }
0x485: {  	s13 =	sand.u32 $0xF, s12  }
0x486: {  	s28 =	sshra.s32 s12, $0x1F;
	p1 =	slt.s32 s12, $0x1;
	p0 =	sne.s32 s13, $0x0  }
0x487: {  	s7 =	sshrl.u32 s28, $0x1C;
	p0 =	por !p1, !p0  }
0x488: {  	s6 =	sadd.s32 s7, s12;
	s7 =	simm.s32 $0x1;
	p0 =	por !p0, !p0  }
0x489: {  	s1 =	sadd.s32 $0x70, s1;
	s29 =	sshra.s32 s6, $0x4;
	s7 =	simm.s32 @!p0 $0x0  }
0x48a: {  	v4 =	vor.u32 s1, v0;
	s1 =	ssub.s32 s29, s7  }
0x48b: {  	p0 =	slt.s32 s1, $0x1  }
.Ltmp24:
0x48c: {  	_ = 	snop;
	(pc) =	sbr.rel @p0 .LBB2_44-.Ltmp24, $4  }
0x48d: {  	[tilespmem:s4+$0xB000] =	vst.msk vm15, v5  }
0x48e: {  	v5 =	vimm.f32 $+Inf;
	[tilespmem:s4+$0xC010] =	vst.msk vm15, v4  }
0x48f: {  	v4 =	vimm.s32 $0x0;
	[tilespmem:s5+$0xB000] =	vst v5  }
0x490: {  	[tilespmem:s5+$0xC010] =	vst v4  }
0x491: {  	p2 =	sne.s32 s1, $0x1  }
.Ltmp25:
0x492: {  	_ = 	snop;
	(pc) =	sbr.rel @!p2 .LBB2_38-.Ltmp25, $4  }
0x493: {  	_ = 	snop  }
0x494: {  	s4 =	simm.s32 $0xB000  }
0x495: {  	s5 =	simm.s32 $0xC010;
	v6 =	vld [tilespmem:s4+$0x0]  }
0x496: {  	s1 =	sadd.s32 $0xFFFFFFFF, s1;
	p0 =	por $0x0, $0x0;
	p1 =	por $0x0, $0x0;
	v7 =	vld [tilespmem:s5+$0x0]  }
0x497: {  	_ =	sdelay $0x3  }
0x498: {  	(xrf1) =	vsort.dscd.msk.f32 $0xffff, v6, v7;
	_ =	sdelay $0x7  }
0x499: {  	p2 =	sne.s32 s1, $0x1  }
.Ltmp26:
0x49a: {  	_ = 	snop;
	(pc) =	sbr.rel @!p2 .LBB2_40-.Ltmp26, $4  }
0x49b: {  	_ = 	snop  }
0x49c: {  	s4 =	simm.s32 $0xB010  }
0x49d: {  	s29 =	simm.s32 $0xC020;
	v6 =	vld [tilespmem:s4+$0x0]  }
0x49e: {  	s5 =	sadd.s32 $0xFFFFFFFF, s1;
	p0 =	por $0x1, $0x1;
	v7 =	vld [tilespmem:s29+$0x0]  }
0x49f: {  	_ =	sdelay $0x1  }
0x4a0: {  	v8, v9, _ =	vpop (xrf1)  }
0x4a1: {  	vm0 =	vlt.f32 v8, v5  }
0x4a2: {  	(xrf1) =	vsort.dscd.msk.f32 $0xffff, v6, v7;
	v7 =	vsel vm0, v8, v5;
	v8 =	vsel vm0, v9, v4  }
0x4a3: {  	(xrf1) =	vsort.ascd.msk.f32 $0xffff, v7, v8;
	_ =	sdelay $0x6  }
0x4a4: {  	p2 =	sne.s32 s5, $0x1  }
.Ltmp27:
0x4a5: {  	_ = 	snop;
	(pc) =	sbr.rel @!p2 .LBB2_43-.Ltmp27, $4  }
0x4a6: {  	s1 =	simm.s32 $0xB020  }
0x4a7: {  	s4 =	simm.s32 $0xC030;
	v6 =	vld [tilespmem:s1+$0x0]  }
0x4a8: {  	v7 =	vld [tilespmem:s4+$0x0]  }
0x4a9: {  	s5 =	sadd.s32 $0xFFFFFFFF, s5;
	p1 =	por $0x1, $0x1  }
.LBB2_42:
0x4aa: {  	p2 =	sne.s32 s5, $0x1;
	v8, v9, _ =	vpop (xrf1)  }
0x4ab: {  	v10, v11, _ =	vpop (xrf1)  }
0x4ac: {  	vm0 =	vlt.f32 v8, v10  }
0x4ad: {  	(xrf1) =	vsort.dscd.msk.f32 $0xffff, v6, v7;
	v6 =	vsel vm0, v8, v10;
	v7 =	vsel vm0, v9, v11  }
0x4ae: {  	(xrf1) =	vsort.ascd.msk.f32 $0xffff, v6, v7;
	_ =	sdelay $0x7  }
.Ltmp28:
0x4af: {  	(pc) =	sbr.rel @p2 .LBB2_42-.Ltmp28, $4  }
0x4b0: {  	s1 =	sadd.s32 $0x10, s1  }
0x4b1: {  	s4 =	sadd.s32 $0x10, s4;
	v6 =	vld [tilespmem:s1+$0x0]  }
0x4b2: {  	v7 =	vld [tilespmem:s4+$0x0]  }
0x4b3: {  	s5 =	sadd.s32 $0xFFFFFFFF, s5  }
.Ltmp29:
0x4b4: {  	_ = 	snop;
	(pc) =	sbr.rel .LBB2_43-.Ltmp29, $1  }
0x4b5: {  	_ =	sdelay $0x3  }
.LBB2_8:
.Ltmp30:
0x4b6: {  	(pc) =	sbr.rel .LBB2_13-.Ltmp30, $2  }
0x4b7: {  	_ =	sdelay $0x2  }
0x4b8: {  	_ = 	snop  }
.LBB2_18:
.Ltmp31:
0x4b9: {  	(pc) =	sbr.rel .LBB2_23-.Ltmp31, $2  }
0x4ba: {  	_ =	sdelay $0x2  }
0x4bb: {  	_ = 	snop  }
.LBB2_28:
.Ltmp32:
0x4bc: {  	(pc) =	sbr.rel .LBB2_33-.Ltmp32, $2  }
0x4bd: {  	_ =	sdelay $0x2  }
0x4be: {  	_ = 	snop  }
.LBB2_10:
.Ltmp33:
0x4bf: {  	(pc) =	sbr.rel .LBB2_13-.Ltmp33, $2  }
0x4c0: {  	_ =	sdelay $0x2  }
0x4c1: {  	_ = 	snop  }
.LBB2_20:
.Ltmp34:
0x4c2: {  	(pc) =	sbr.rel .LBB2_23-.Ltmp34, $2  }
0x4c3: {  	_ =	sdelay $0x2  }
0x4c4: {  	_ = 	snop  }
.LBB2_30:
.Ltmp35:
0x4c5: {  	(pc) =	sbr.rel .LBB2_33-.Ltmp35, $2  }
0x4c6: {  	_ =	sdelay $0x2  }
0x4c7: {  	_ = 	snop  }
.LBB2_40:
.Ltmp36:
0x4c8: {  	(pc) =	sbr.rel .LBB2_43-.Ltmp36, $2  }
0x4c9: {  	_ =	sdelay $0x2  }
0x4ca: {  	_ = 	snop  }
.LBB2_46:
0x4cb: {  	_ =	sfence.sel $0x180000  }
0x4cc: {  	[bflag:$0x0] =	sbarrier.arrive $0xFFFF  }
0x4cd: {  	_ =	strace $0x90000047  }
0x4ce: {  	s0 =	stileid.u32;
	[bflag:$0x2] =	sbarrier.arrive $0xFFFF  }
0x4cf: {  	p0 =	sne.s32 s0, $0x0;
	s0 =	rddreg [dreg:$0x3]  }
0x4d0: {  	s0 =	sadd.s32 @!p0 $0x100000, s0  }
0x4d1: {  	[sflag:s0] =	ssyncadd.tile.s32 @!p0 $0x1;
	_ =	shalt  }
.Lfunc_end2:
_tile_overlayer_lowered:
.L_overlay_start_2:
0x4d2: {  	(tag) =	ssettag $0x2  }
0x4d3: {  	s0 =	rddreg [dreg:$0x0];
	s2 =	stileid.u32  }
0x4d4: {  	s1 =	rddreg [dreg:$0x1];
	p0 =	sne.s32 s2, $0x0  }
0x4d5: {  	s3 =	rddreg [dreg:$0x2];
	[bflag:$0x3] =	sbarrier.arrive $0xFFFF;
	s2 =	simm.s32 @!p0 $0x1C01  }
0x4d6: {  	[timem:s3], [sflag:s2] =	dma.local @!p0 [hbm:s0], s1  }
0x4d7: {  	s0 =	simm.s32 @!p0 $0x1  }
0x4d8: {  	_ =	swait.ge @!p0 [sflag:s0], s1  }
0x4d9: {  	s1 =	ssub.s32 @!p0 $0x0, s1;
	[sflag:s0] =	ssyncset.done @!p0 $0x0  }
0x4da: {  	[sflag:s0] =	ssyncadd.s32 @!p0 s1  }
0x4db: {  	[bflag:$0x3] =	sbarrier.arrive $0xFFFF  }
0x4dc: {  	_ =	shalt  }

// kernel: sparse-core-data-format-call.cloned.1.call-start
scs
called_computation_lowered:
.L_overlay_start_0:
0x0: {  	s2 =	sld [smem:$0x3FD9]  }
0x1: {  	s3 =	sld [smem:$0x3FFE];
	_ =	sdelay $0x1  }
0x2: {  	s1 =	srdreg.scid  }
0x3: {  	s0 =	sand.u32 $0x1, s1  }
0x4: {  	s15 =	sshll.u32 s0, $0xA;
	s2 =	sadd.s32 s3, s2  }
0x5: {  	s2 =	sadd.s32 s2, s15  }
0x6: {  	[smem:$0x3FBD] =	sst s2  }
0x7: {  	_ = 	snop  }
0x8: {  	s2 =	sld [smem:$0x3FD0];
	_ =	sdelay $0x2  }
0x9: {  	s16 =	simm.s32 $0xA;
	s4 =	simm.s32 $0x10  }
0xa: {  	[smem:s4], [sflag:s16] =	dma.local [hbm:s2], $0x1  }
0xb: {  	_ =	swait.eq [sflag:s16], $0x1  }
0xc: {  	[sflag:s16] =	ssyncset.done $0x0  }
0xd: {  	[sflag:s16] =	ssyncadd.s32 $0xFFFFFFFF  }
0xe: {  	s17 =	sld [smem:$0x10];
	(tm) =	ssettm $0x1  }
0xf: {  	s18 =	sld [smem:$0x3FFB];
	_ =	sdelay $0x3  }
0x10: {  	_ =	strace s18  }
0x11: {  	s3 =	sld [smem:$0x3FFC];
	_ =	sdelay $0x3  }
0x12: {  	_ =	strace s3  }
0x13: {  	s3 =	sld [smem:$0x3FFD];
	_ =	sdelay $0x3  }
0x14: {  	_ =	strace s3  }
0x15: {  	_ =	strace $0x8FFFFFFF  }
0x16: {  	s19 =	sld [smem:$0x3FDB];
	_ =	sdelay $0x1  }
0x17: {  	s20 =	simm.s32 $_scs_section_size  }
0x18: {  	s5 =	simm.s32 $_size__tile_overlayer_lowered;
	s6 =	simm.s32 $_tile_overlayer_lowered  }
0x19: {  	s23 =	simm.s32 $0x1BFF;
	s22 =	sshll.u32 s6, $0x1;
	s3 =	sadd.s32 s20, s19  }
0x1a: {  	s7 =	simm.s32 $0x0;
	s21 =	sshll.u32 s5, $0x1;
	s5 =	sadd.s32 s22, s3  }
0x1b: {  	[timem:s7], [sflag:s23] =	dma.local [hbm:s5], s21  }
0x1c: {  	_ =	swait.ge [sflag:s23], s21  }
0x1d: {  	s4 =	ssub.s32 $0x0, s21;
	[sflag:s23] =	ssyncset.done $0x0  }
0x1e: {  	[sflag:s23] =	ssyncadd.s32 s4;
	_ =	sdelay $0x1  }
0x1f: {  	s24 =	simm.s32 $0x1B8B  }
0x20: {  	_ =	swait.ge [sflag:s24], $0x1  }
0x21: {  	[sflag:s24] =	ssyncset.done $0x0  }
0x22: {  	s26 =	simm.s32 $0x1B8E;
	s25 =	sld [smem:$0x3FFE];
	[sflag:s24] =	ssyncadd.s32 $0xFFFFFFFF  }
0x23: {  	s27 =	simm.s32 $execute0_lowered;
	[smem:$0x3FD2] =	sst s26  }
0x24: {  	s5 =	sshll.u32 s27, $0x1;
	_ =	strace $0x80000049;
	[dreg:$0x1] =	wrdreg $0xFFFFFFFF  }
0x25: {  	s28 =	simm.s32 $_size_execute0_lowered;
	s3 =	sadd.s32 s3, s5;
	[dreg:$0x0] =	wrdreg $0x0  }
0x26: {  	s5 =	sshll.u32 s28, $0x1;
	[dreg:$0x2] =	wrdreg s3  }
0x27: {  	[dreg:$0x3] =	wrdreg s5  }
0x28: {  	[dreg:$0x4] =	wrdreg $0xC0  }
0x29: {  	_ =	task [dreg:s7], $0x5FFFF  }
0x2a: {  	[dreg:$0x1] =	wrdreg $0xFFFFFFFF  }
0x2b: {  	[dreg:$0x0] =	wrdreg $0x60  }
0x2c: {  	[dreg:$0x2] =	wrdreg s25  }
0x2d: {  	[dreg:$0x3] =	wrdreg s17  }
0x2e: {  	[dreg:$0x4] =	wrdreg $0x9  }
0x2f: {  	_ =	task.clear_ibuf [dreg:s7], $0x5FFFF;
	_ =	strace $0x90000049  }
0x30: {  	s29 =	simm.s32 $0x9;
	_ =	strace $0x8000004B  }
0x31: {  	_ =	swait.ge [sflag:s29], $0x1  }
0x32: {  	[sflag:s29] =	ssyncadd.s32 $0xFFFFFFFF  }
0x33: {  	_ =	strace $0x9000004B  }
0x34: {  	_ =	sfence  }
0x35: {  	s30 =	sld [smem:$0x0];
	_ =	sdelay $0x2  }
0x36: {  	s31 =	sshll.u32 s1, $0xD;
	s1 =	sshrl.u32 s1, $0x2  }
0x37: {  	s3 =	sand.u32 $0x4000, s31;
	s1 =	sadd.s32 s1, s30  }
0x38: {  	s0 =	sor.u32 s3, s0;
	s1 =	sshll.u32 s1, $0x11  }
0x39: {  	s0 =	sor.u32 s1, s0  }
0x3a: {  	s0 =	sadd.s32 $0x8F2B, s0  }
0x3b: {  	[sflag:s0] =	ssyncadd.remote.s32 $0x1  }
0x3c: {  	_ =	sfence.sel $0xFFFF  }
0x3d: {  	[dreg:$0x0] =	wrdreg $0xFFFFFFFF;
	(pc) =	sbr.abs _section_cstart, $3  }
0x3e: {  	[dreg:$0x1] =	wrdreg $0xFFFFFFFF  }
0x3f: {  	_ =	task.clear_ibuf [dreg:s7], $0x2FFFF;
	_ =	strace $0x9FFFFFFF  }
0x40: {  	(tm) =	ssettm $0x7FFFFFFF  }
0x41: {  	_ =	shalt  }
tec
execute0_lowered:
.L_overlay_start_1:
0x0: {  	(tag) =	ssettag $0x1  }
0x1: {  	s0 =	stileid.u32;
	s8 =	rddreg [dreg:$0x0]  }
0x2: {  	s1 =	srdreg.scid;
	s4 =	rddreg [dreg:$0x1]  }
0x3: {  	s31 =	simm.s32 $0x2;
	s16 =	simm.s32 $0x0;
	s10 =	simm.s32 $0x10000  }
0x4: {  	s15 =	simm.s32 $0x0;
	s2 =	sshll.u32 s0, $0x6;
	s1 =	sshll.u32 s1, $0xA  }
0x5: {  	s17 =	simm.s32 $0x0;
	s3 =	sshll.u32 s0, $0x1;
	s2 =	sor.u32 s2, s1  }
0x6: {  	s11 =	simm.s32 $0x0;
	s1 =	sand.u32 $0x2, s3;
	s2 =	sand.u32 $0x780, s2  }
0x7: {  	s14 =	simm.s32 $0x0;
	s3 =	ssub.s32 $0x4, s1;
	s5 =	ssub.s32 $0x1000, s2  }
0x8: {  	s13 =	smov.u32 s1;
	s6 =	sshrl.u32 s3, $0x2;
	s7 =	sand.u32 $0x780, s5  }
0x9: {  	s3 =	sshrl.u32 s3, $0x1;
	p0 =	sne.s32 s7, $0x0;
	s7 =	simm.s32 $0x1  }
0xa: {  	s9 =	sand.u32 $0x1, s3;
	s5 =	sshrl.u32 s5, $0xB;
	s7 =	simm.s32 @!p0 $0x0  }
.Ltmp0:
0xb: {  	s6 =	sadd.s32 s6, s9;
	s7 =	sadd.s32 s7, s5;
	(pc) =	sbr.rel .LBB1_1-.Ltmp0, $4  }
0xc: {  	s12 =	smov.u32 s2;
	s3 =	rddreg [dreg:$0x2];
	s7 =	smul.u32 s7, s6  }
0xd: {  	_ =	strace $0x8000004A;
	p0 =	por $0x0, $0x0;
	s5 =	simm.s32 $0x1  }
0xe: {  	[sflag:s5] =	ssyncpa.u1 $0x0;
	s6 =	sadd.s32 $0x1C00, s8;
	s7 =	sshll.u32 s7, $0x4  }
0xf: {  	s8 =	sadd.s32 $0x101C00, s8;
	[sflag:s31] =	ssyncpa.u1 $0x0;
	s9 =	sor.u32 $0x1, s7  }
.LBB1_7:
0x10: {  	s18 =	sadd.s32 $0x1, s11  }
0x11: {  	s15 =	sadd.s32 $0x800, s12;
	s19 =	smov.u32 s12;
	p2 =	sgt.s32 s18, $0xF  }
0x12: {  	s19 =	smov.u32 @p2 s15  }
0x13: {  	s21 =	smov.u32 s13;
	s15 =	sadd.s32 $0x4, s13;
	p3 =	sgt.s32 s19, $0xFFF  }
0x14: {  	s21 =	smov.u32 @p3 s15  }
0x15: {  	s18 =	simm.s32 @p2 $0x0;
	p2 =	sgt.s32 s21, $0x3  }
0x16: {  	p1 =	slt.u32 s14, $0x2;
	s21 =	smov.u32 @p2 s1;
	p2 =	sne.s32 s14, s9  }
.Ltmp1:
0x17: {  	s20 =	simm.s32 @!p1 $0x2;
	(pc) =	sbr.rel @!p2 .LBB1_8-.Ltmp1, $4  }
0x18: {  	s16 =	smov.u32 s11;
	s17 =	smov.u32 s13;
	_ =	swait.ge @!p1 [sflag:s20], $0x4000  }
0x19: {  	p0 =	por !p0, !p0;
	[sflag:s20] =	ssyncset.done @!p1 $0x0;
	s11 =	smov.u32 s18  }
0x1a: {  	s19 =	smov.u32 @p3 s2;
	s15 =	smov.u32 s12;
	[sflag:s20] =	ssyncadd.s32 @!p1 $0xFFFFC000  }
0x1b: {  	s12 =	smov.u32 s19;
	s14 =	sadd.s32 $0x1, s14;
	s13 =	smov.u32 s21  }
.LBB1_1:
0x1c: {  	p1 =	sge.u32 s14, s7  }
0x1d: {  	s18 =	sxor.u32 @!p1 $0xFFFFFFFF, s14;
	s19 =	sshll.u32 @!p1 s13, $0x14  }
0x1e: {  	s20 =	sshll.u32 @!p1 s12, $0x8;
	s22 =	sshll.u32 @!p1 s11, $0x4;
	s23 =	simm.s32 @!p1 $0x40  }
0x1f: {  	s24 =	simm.s32 @!p1 $0x800;
	s18 =	sshll.u32 @!p1 s18, $0xE;
	s21 =	sadd.s32 @!p1 s19, s20  }
0x20: {  	s22 =	sand.u32 @!p1 $0xF0, s22;
	s19 =	sadd.s32 @!p1 s19, s8;
	s21 =	sadd.s32 @!p1 s6, s21  }
0x21: {  	s18 =	sand.u32 @!p1 $0x4000, s18;
	s19 =	sadd.s32 @!p1 s20, s19;
	s21 =	sadd.s32 @!p1 s22, s21  }
0x22: {  	[tilespmem:s18], [sflag:$0x1] =	stream.strided.gather @!p1 [hbm4b:s21+s23], $0x2000, s24, s23, $0x38;
	[tilespmem:$0x10100] =	vst v63  }
0x23: {  	s31 =	sadd.s32 $0xFFFFFFFF, s14;
	s19 =	sadd.s32 @!p1 s22, s19;
	s18 =	sor.u32 @!p1 $0x2000, s18  }
0x24: {  	[tilespmem:s18], [sflag:$0x1] =	stream.strided.gather @!p1 [hbm4b:s19+s23], $0x2000, s24, s23, $0x38;
	[tilespmem:$0x10100] =	vst v63  }
0x25: {  	p1 =	sge.u32 s31, s7  }
.Ltmp2:
0x26: {  	_ = 	snop;
	(pc) =	sbr.rel @p1 .LBB1_7-.Ltmp2, $1  }
0x27: {  	_ =	sdelay $0x3  }
0x28: {  	s18 =	simm.s32 $0x1;
	s20 =	sand.u32 $0x1, s14  }
0x29: {  	_ =	swait.ge [sflag:s5], $0x4000;
	s18 =	simm.s32 @!p0 $0x0;
	s20 =	smul.u32 $0x10200, s20  }
0x2a: {  	p2 =	por $0x1, $0x1;
	[sflag:s5] =	ssyncset.done $0x0;
	s19 =	smul.u32 $0x10200, s18  }
0x2b: {  	s21 =	sshll.u32 s18, $0x10;
	[sflag:s5] =	ssyncadd.s32 $0xFFFFC000;
	s30 =	sshrl.u32 s20, $0x2  }
0x2c: {  	s31 =	sshrl.u32 s21, $0x2;
	s21 =	simm.s32 $0x0;
	s19 =	sshrl.u32 s19, $0x2  }
0x2d: {  	s18 =	sor.u32 $0x8000, s30;
	s20 =	sadd.s32 $0x20, s31;
	s19 =	sor.u32 $0x8000, s19  }
.LBB1_3:
0x2e: {  	s22 =	sshll.u32 s21, $0xD  }
0x2f: {  	s22 =	sand.u32 $0x3FFFE000, s22  }
0x30: {  	s24 =	sadd.s32 s22, s20  }
0x31: {  	s31 =	smul.u32 $0x8100, s21;
	v3 =	vld [tilespmem:s24+$0x10]  }
0x32: {  	v1 =	vld [tilespmem:s24+$0xFFFFFFF0]  }
0x33: {  	s21 =	sshra.s32 s31, $0x2;
	v0 =	vld [tilespmem:s24+$0x0]  }
0x34: {  	s21 =	sadd.s32 s21, s19;
	v2 =	vld [tilespmem:s24+$0xFFFFFFE0]  }
0x35: {  	s22 =	sadd.s32 $0x0, s21  }
0x36: {  	p1 =	por p2, p2;
	s23 =	simm.s32 $0x4;
	s24 =	sadd.s32 $0x40, s24;
	[tilespmem:s22+$0x1830 ss:$0x81] =	vst.msk $0xffff, v3  }
.LBB1_4:
0x37: {  	v3 =	vld [tilespmem:s24+$0x10];
	p2 =	sne.s32 s23, $0x1FC;
	[tilespmem:s22+$0x810 ss:$0x81] =	vst.msk $0xffff, v1;
	s25 =	smov.u32 s23;
	s23 =	sadd.s32 $0x4, s23  }
.Ltmp3:
0x38: {  	v1 =	vld [tilespmem:s24+$0xFFFFFFF0];
	[tilespmem:s22+$0x1020 ss:$0x81] =	vst.msk $0xffff, v0;
	(pc) =	sbr.rel @p2 .LBB1_4-.Ltmp3, $4  }
0x39: {  	v0 =	vld [tilespmem:s24+$0x0];
	[tilespmem:s22+$0x0 ss:$0x81] =	vst.msk $0xffff, v2  }
0x3a: {  	s22 =	sshra.s32 s25, $0x2;
	v2 =	vld [tilespmem:s24+$0xFFFFFFE0]  }
0x3b: {  	s22 =	sadd.s32 s22, s21  }
0x3c: {  	s24 =	sadd.s32 $0x40, s24;
	[tilespmem:s22+$0x1830 ss:$0x81] =	vst.msk $0xffff, v3  }
.Ltmp4:
0x3d: {  	(pc) =	sbr.rel @p1 .LBB1_3-.Ltmp4, $4  }
0x3e: {  	_ = 	snop  }
0x3f: {  	[tilespmem:s22+$0x810 ss:$0x81] =	vst.msk $0xffff, v1  }
0x40: {  	[tilespmem:s22+$0x1020 ss:$0x81] =	vst.msk $0xffff, v0  }
0x41: {  	s21 =	simm.s32 $0x1;
	p2 =	por $0x0, $0x0;
	[tilespmem:s22+$0x0 ss:$0x81] =	vst.msk $0xffff, v2  }
0x42: {  	s19 =	sshll.u32 s16, $0xC;
	s20 =	sand.u32 $0x78, s15  }
0x43: {  	s21 =	sshll.u32 s15, $0x3;
	s30 =	sshll.u32 s16, $0x7;
	s17 =	sshll.u32 s17, $0x13  }
0x44: {  	s31 =	sand.u32 $0x7, s15;
	s19 =	sand.u32 $0x8000, s19;
	s22 =	sand.u32 $0xFC00, s21  }
0x45: {  	s21 =	sand.u32 $0xC00, s21;
	s16 =	sand.u32 $0x380, s30;
	s19 =	sadd.s32 s22, s19  }
.Ltmp5:
0x46: {  	s20 =	sor.u32 s20, s21;
	s19 =	sshrl.u32 s19, $0x3;
	(pc) =	sbr.rel .LBB1_7-.Ltmp5, $4  }
0x47: {  	s17 =	sadd.s32 s4, s17;
	s16 =	sor.u32 s16, s20;
	s19 =	sand.u32 $0x1E00, s19  }
0x48: {  	s15 =	sshll.u32 s31, $0x12;
	s16 =	sshrl.u32 s16, $0x3;
	s17 =	sadd.s32 s19, s17  }
0x49: {  	s15 =	sor.u32 $0x80, s15;
	s16 =	sadd.s32 s16, s17  }
0x4a: {  	[hbm4b:s16+s15] =	stream.strided.scatter [tilespmem:s18], [sflag:$0x2], $0x4000, s10, s15, $0x20;
	[tilespmem:$0x10100] =	vst v63  }
.LBB1_8:
0x4b: {  	_ =	sfence.sel $0x180000  }
0x4c: {  	s1 =	simm.s32 $0x1;
	[bflag:$0x0] =	sbarrier.arrive $0xFFFF  }
0x4d: {  	s31 =	simm.s32 $0x2;
	[sflag:s1] =	ssyncpa.u1 $0x1  }
0x4e: {  	[sflag:s31] =	ssyncpa.u1 $0x1  }
0x4f: {  	p0 =	sne.s32 s0, $0x0;
	_ =	strace $0x9000004A  }
0x50: {  	s0 =	sadd.s32 @!p0 $0x100000, s3;
	[bflag:$0x2] =	sbarrier.arrive $0xFFFF  }
0x51: {  	[sflag:s0] =	ssyncadd.tile.s32 @!p0 $0x1;
	_ =	shalt  }
.Lfunc_end1:
_tile_overlayer_lowered:
.L_overlay_start_2:
0x52: {  	(tag) =	ssettag $0x2  }
0x53: {  	s0 =	rddreg [dreg:$0x0];
	s2 =	stileid.u32  }
0x54: {  	s1 =	rddreg [dreg:$0x1];
	p0 =	sne.s32 s2, $0x0  }
0x55: {  	s3 =	rddreg [dreg:$0x2];
	[bflag:$0x3] =	sbarrier.arrive $0xFFFF;
	s2 =	simm.s32 @!p0 $0x1C01  }
0x56: {  	[timem:s3], [sflag:s2] =	dma.local @!p0 [hbm:s0], s1  }
0x57: {  	s0 =	simm.s32 @!p0 $0x1  }
0x58: {  	_ =	swait.ge @!p0 [sflag:s0], s1  }
0x59: {  	s1 =	ssub.s32 @!p0 $0x0, s1;
	[sflag:s0] =	ssyncset.done @!p0 $0x0  }
0x5a: {  	[sflag:s0] =	ssyncadd.s32 @!p0 s1  }
0x5b: {  	[bflag:$0x3] =	sbarrier.arrive $0xFFFF  }
0x5c: {  	_ =	shalt  }

</sc_bundles>
